<compile_context>
chip_gen: v7x
topology: tpu7x:2x2x1
jax: 0.10.2.dev20260603
libtpu: 0.0.44.dev20260713+nightly
codegen_flags: <defaults>
</compile_context>

<pallas_src>
import functools

import jax
import jax.numpy as jnp
from jax import lax
from jax.experimental import pallas as pl
from jax.experimental.pallas import tpu as pltpu
from jax.experimental.pallas import tpu_sc as plsc

N = 10000
D = 128
NPAD = 10240
E = 320000
M = 2 * E
NC = 2
NS = 16
NW = NC * NS
K = 120
T = 56
CHUNKS = 3 * T
MSG_PER_W = K * CHUNKS
M_PAD = MSG_PER_W * NW
RPT = NPAD // NS

BR = 2000
GRID = N // BR

_P = jax.lax.Precision.HIGHEST



def _mm_x_body(x_ref, w_ref, b_ref, out_ref):
    out_ref[...] = lax.dot_general(x_ref[...], w_ref[...],
                                   (((1,), (1,)), ((), ())),
                                   precision=_P) + b_ref[...]


def _mm_h_body(o_ref, p_ref, w_ref, b_ref, out_ref):
    h = jnp.maximum(o_ref[...] + p_ref[0] + p_ref[1], 0.0)
    out_ref[...] = lax.dot_general(h, w_ref[...], (((1,), (1,)), ((), ())),
                                   precision=_P) + b_ref[...]


def _fin_body(o_ref, p_ref, out_ref):
    out_ref[...] = o_ref[...] + p_ref[0] + p_ref[1]


_row_spec = pl.BlockSpec((BR, D), lambda i: (i, 0))
_pair_spec = pl.BlockSpec((2, BR, D), lambda i: (0, i, 0))
_w_spec = pl.BlockSpec((D, D), lambda i: (0, 0))
_b_spec = pl.BlockSpec((1, D), lambda i: (0, 0))
_out1 = jax.ShapeDtypeStruct((N, D), jnp.float32)

_mm_x = pl.pallas_call(
    _mm_x_body, grid=(GRID,),
    in_specs=[_row_spec, _w_spec, _b_spec],
    out_specs=_row_spec, out_shape=_out1)

_mm_h = pl.pallas_call(
    _mm_h_body, grid=(GRID,),
    in_specs=[_row_spec, _pair_spec, _w_spec, _b_spec],
    out_specs=_row_spec, out_shape=_out1)

_fin = pl.pallas_call(
    _fin_body, grid=(GRID,),
    in_specs=[_row_spec, _pair_spec],
    out_specs=_row_spec, out_shape=_out1)



_mesh = plsc.VectorSubcoreMesh(core_axis_name="c", subcore_axis_name="s")


@functools.partial(
    pl.kernel, mesh=_mesh,
    out_type=jax.ShapeDtypeStruct((NC, NPAD, D), jnp.float32),
    scratch_types=[
        pltpu.VMEM((3, 3, 2, K), jnp.int32),
        pltpu.VMEM((K, D), jnp.float32),
        pltpu.VMEM((K, D), jnp.float32),
        pltpu.VMEM((K, D), jnp.float32),
        pltpu.VMEM_SHARED((NPAD, D), jnp.float32),
        pltpu.SemaphoreType.DMA,
        pltpu.SemaphoreType.DMA,
        pltpu.SemaphoreType.DMA,
        pltpu.SemaphoreType.DMA,
        pltpu.SemaphoreType.DMA,
    ])
def _sc_scatter(nbr_hbm, idx_hbm, zeros_hbm, out_hbm,
                bulk, rows0, rows1, rows2, acc, gsem0, gsem1, gsem2, ssem,
                isem):
    c = lax.axis_index("c")
    s = lax.axis_index("s")
    wid = s * NC + c
    r0 = s * RPT
    my_idx = idx_hbm.at[wid]
    rows = (rows0, rows1, rows2)
    gsems = (gsem0, gsem1, gsem2)
    pltpu.sync_copy(zeros_hbm.at[pl.ds(r0, RPT)], acc.at[pl.ds(r0, RPT)])
    plsc.subcore_barrier()

    pltpu.sync_copy(my_idx.at[0], bulk.at[0])
    pltpu.async_copy(nbr_hbm.at[bulk.at[0].at[0].at[0]], rows0, gsem0)
    pltpu.async_copy(nbr_hbm.at[bulk.at[0].at[1].at[0]], rows1, gsem1)
    pltpu.async_copy(my_idx.at[1], bulk.at[1], isem)

    def body(t, carry):
        cur = bulk.at[t % 3]
        nx1 = bulk.at[(t + 1) % 3]
        more = t + 1 < T

        pltpu.make_async_copy(nbr_hbm.at[cur.at[0].at[0]], rows0, gsem0).wait()

        @pl.when(t > 0)
        def _():
            pltpu.make_async_copy(rows2, acc.at[cur.at[0].at[1]], ssem).wait()

        @pl.when(more)
        def _():
            pltpu.make_async_copy(my_idx.at[t + 1], nx1, isem).wait()

        @pl.when(t + 2 < T)
        def _():
            pltpu.async_copy(my_idx.at[t + 2], bulk.at[(t + 2) % 3], isem)

        pltpu.async_copy(rows0, acc.at[cur.at[0].at[1]], ssem, add=True)
        pltpu.async_copy(nbr_hbm.at[cur.at[2].at[0]], rows2, gsem2)

        pltpu.make_async_copy(nbr_hbm.at[cur.at[1].at[0]], rows1, gsem1).wait()
        pltpu.make_async_copy(rows0, acc.at[cur.at[1].at[1]], ssem).wait()
        pltpu.async_copy(rows1, acc.at[cur.at[1].at[1]], ssem, add=True)

        @pl.when(more)
        def _():
            pltpu.async_copy(nbr_hbm.at[nx1.at[0].at[0]], rows0, gsem0)

        pltpu.make_async_copy(nbr_hbm.at[cur.at[2].at[0]], rows2, gsem2).wait()
        pltpu.make_async_copy(rows1, acc.at[cur.at[2].at[1]], ssem).wait()
        pltpu.async_copy(rows2, acc.at[cur.at[2].at[1]], ssem, add=True)

        @pl.when(more)
        def _():
            pltpu.async_copy(nbr_hbm.at[nx1.at[1].at[0]], rows1, gsem1)

        return carry

    lax.fori_loop(0, T, body, 0)
    pltpu.make_async_copy(rows2, acc.at[bulk.at[(T - 1) % 3].at[2].at[1]],
                          ssem).wait()
    plsc.subcore_barrier()
    pltpu.sync_copy(acc.at[pl.ds(r0, RPT)], out_hbm.at[c].at[pl.ds(r0, RPT)])



def kernel(features, edges, W0s, b0s, W1s, b1s):
    src = edges[:, 0].astype(jnp.int32)
    dst = edges[:, 1].astype(jnp.int32)
    npad_msg = M_PAD - M
    pad_g = jnp.arange(npad_msg, dtype=jnp.int32) % N
    pad_s = N + jnp.arange(npad_msg, dtype=jnp.int32) % (NPAD - N)
    gidx = jnp.concatenate([dst, src, pad_g]).reshape(NW, T, 3, 1, K)
    sidx = jnp.concatenate([src, dst, pad_s]).reshape(NW, T, 3, 1, K)
    idx = jnp.concatenate([gidx, sidx], axis=3)
    zeros = jnp.zeros((NPAD, D), jnp.float32)
    b0r = b0s.reshape(4, 1, D)
    b1r = b1s.reshape(4, 1, D)

    nbr = _mm_x(features, W1s[0], b1r[0])
    p = _sc_scatter(nbr, idx, zeros)
    out = _mm_x(features, W0s[0], b0r[0])
    for k in (1, 2, 3):
        nbr = _mm_h(out, p, W1s[k], b1r[k])
        p2 = _sc_scatter(nbr, idx, zeros)
        out = _mm_h(out, p, W0s[k], b0r[k])
        p = p2
    return _fin(out, p)

# --- scband reference (transcript-rebuilt; emitter-appended) ---
"""Pipeline reference for scband-features2-features-51256139710520 (READ-ONLY COPY).

The authoritative reference and input builder live on the scoring server;
editing this copy changes nothing except your own understanding.
"""

import jax, jax.numpy as jnp
import numpy as np

N_NODES = 10000
N_EDGES = 320000
D = 128
N_LAYERS = 4  # gconv_first + 2 hidden + gconv_last


def setup_inputs(seed: int = 0) -> dict:
    key = jax.random.key(seed)
    k_feat, k_edge, k_w0, k_b0, k_w1, k_b1 = jax.random.split(key, 6)
    features = jax.random.normal(k_feat, (N_NODES, D), dtype=jnp.float32)
    edges = jax.random.randint(k_edge, (N_EDGES, 2), 0, N_NODES, dtype=jnp.int64)
    scale = 1.0 / np.sqrt(D)
    W0s = jax.random.normal(k_w0, (N_LAYERS, D, D), dtype=jnp.float32) * scale
    b0s = jax.random.normal(k_b0, (N_LAYERS, D), dtype=jnp.float32) * scale
    W1s = jax.random.normal(k_w1, (N_LAYERS, D, D), dtype=jnp.float32) * scale
    b1s = jax.random.normal(k_b1, (N_LAYERS, D), dtype=jnp.float32) * scale
    return {"features": features, "edges": edges, "W0s": W0s, "b0s": b0s, "W1s": W1s, "b1s": b1s}


def _graph_conv(x, edges, W0, b0, W1, b1):
    # out = w0(x) + gather_scatter(w1(x), edges)  (pytorch3d-style GraphConv,
    # undirected: neighbor messages flow in both directions along each edge)
    out = x @ W0.T + b0
    nbr = x @ W1.T + b1
    src = edges[:, 0]
    dst = edges[:, 1]
    agg = jnp.zeros_like(out)
    agg = agg.at[src].add(nbr[dst])
    agg = agg.at[dst].add(nbr[src])
    return out + agg


def reference(features, edges, W0s, b0s, W1s, b1s):
    # gconv_first -> bn(Id) -> relu
    x = jax.nn.relu(_graph_conv(features, edges, W0s[0], b0s[0], W1s[0], b1s[0]))
    # two hidden gconv blocks -> bn(Id) -> relu
    x = jax.nn.relu(_graph_conv(x, edges, W0s[1], b0s[1], W1s[1], b1s[1]))
    x = jax.nn.relu(_graph_conv(x, edges, W0s[2], b0s[2], W1s[2], b1s[2]))
    # gconv_last, no activation
    x = _graph_conv(x, edges, W0s[3], b0s[3], W1s[3], b1s[3])
    return x

if __name__ == "__main__":
    import jax
    _d = setup_inputs()
    print(jax.jit(kernel)(*tuple(_d.values())))

</pallas_src>

<mosaic_0001>
#map = affine_map<(d0, d1) -> (0, 0)>
#map1 = affine_map<(d0, d1) -> (0, 0, 0, 0, 0)>
#map2 = affine_map<(d0, d1) -> (0, 0, 0)>
module attributes {stable_mosaic.version = 14 : i64} {
  func.func @_sc_scatter(%arg0: i32, %arg1: i32, %arg2: memref<10000x128xf32, #tpu.memory_space<hbm>>, %arg3: memref<32x56x3x2x120xi32, #tpu.memory_space<hbm>>, %arg4: memref<10240x128xf32, #tpu.memory_space<hbm>>, %arg5: memref<2x10240x128xf32, #tpu.memory_space<hbm>>, %arg6: memref<3x3x2x120xi32, #tpu.memory_space<vmem>>, %arg7: memref<120x128xf32, #tpu.memory_space<vmem>>, %arg8: memref<120x128xf32, #tpu.memory_space<vmem>>, %arg9: memref<120x128xf32, #tpu.memory_space<vmem>>, %arg10: memref<10240x128xf32, #tpu.memory_space<vmem_shared>>, %arg11: memref<!tpu.dma_semaphore, #tpu.memory_space<semaphore_mem>>, %arg12: memref<!tpu.dma_semaphore, #tpu.memory_space<semaphore_mem>>, %arg13: memref<!tpu.dma_semaphore, #tpu.memory_space<semaphore_mem>>, %arg14: memref<!tpu.dma_semaphore, #tpu.memory_space<semaphore_mem>>, %arg15: memref<!tpu.dma_semaphore, #tpu.memory_space<semaphore_mem>>) attributes {dimension_semantics = [#tpu.dimension_semantics<core_parallel>, #tpu.dimension_semantics<subcore_parallel>], iteration_bounds = array<i64: 2, 16>, scalar_prefetch = 0 : i64, scratch_operands = 10 : i64, tpu.core_type = #tpu.core_type<sc_vector_subcore>, window_params = [{transform_indices = #map}, {transform_indices = #map1}, {transform_indices = #map}, {transform_indices = #map2}]} {
    %mul3A = arith.constant 2 : i32
    %mul3A_0 = arith.muli %arg1, %mul3A : i32
    %add3A = arith.addi %mul3A_0, %arg0 : i32
    %mul3A_1 = arith.constant 640 : i32
    %mul3A_2 = arith.muli %arg1, %mul3A_1 : i32
    "tpu.region"() ({
      %run_scoped3A_96 = tpu.sem_alloc : memref<!tpu.dma_semaphore, #tpu.memory_space<semaphore_mem>>
      %dma_start3A_97 = arith.constant 0 : i32
      %dma_start3A_98 = tpu.memref_slice %arg10[%mul3A_2, %dma_start3A_97] : memref<10240x128xf32, #tpu.memory_space<vmem_shared>> -> memref<640x128xf32, #tpu.memory_space<vmem_shared>>
      %dma_start3A_99 = arith.constant 0 : i32
      %dma_start3A_100 = tpu.memref_slice %arg4[%mul3A_2, %dma_start3A_99] : memref<10240x128xf32, #tpu.memory_space<hbm>> -> memref<640x128xf32, #tpu.memory_space<hbm>>
      tpu.enqueue_dma source(%dma_start3A_100 : memref<640x128xf32, #tpu.memory_space<hbm>>) target(%dma_start3A_98 : memref<640x128xf32, #tpu.memory_space<vmem_shared>>) target_semaphore(%run_scoped3A_96 : memref<!tpu.dma_semaphore, #tpu.memory_space<semaphore_mem>>)
      %dma_wait3A_101 = arith.constant 0 : i32
      %dma_wait3A_102 = tpu.memref_slice %arg10[%mul3A_2, %dma_wait3A_101] : memref<10240x128xf32, #tpu.memory_space<vmem_shared>> -> memref<640x128xf32, #tpu.memory_space<vmem_shared>>
      %dma_wait3A_103 = arith.constant 0 : i32
      %dma_wait3A_104 = tpu.memref_slice %arg4[%mul3A_2, %dma_wait3A_103] : memref<10240x128xf32, #tpu.memory_space<hbm>> -> memref<640x128xf32, #tpu.memory_space<hbm>>
      tpu.wait_dma2 semaphore(%run_scoped3A_96 : memref<!tpu.dma_semaphore, #tpu.memory_space<semaphore_mem>>) src(%dma_wait3A_104 : memref<640x128xf32, #tpu.memory_space<hbm>>) dst(%dma_wait3A_102 : memref<640x128xf32, #tpu.memory_space<vmem_shared>>)
      tpu.yield
    }) : () -> ()
    %barrier3A = arith.constant 0 : index
    tpu.barrier barrier_id(%barrier3A)
    %run_scoped3A = arith.constant 0 : i32
    %run_scoped3A_3 = arith.constant 0 : i32
    "tpu.region"() ({
      %run_scoped3A_96 = tpu.sem_alloc : memref<!tpu.dma_semaphore, #tpu.memory_space<semaphore_mem>>
      %dma_start3A_97 = arith.constant 0 : i32
      %dma_start3A_98 = arith.constant 0 : i32
      %dma_start3A_99 = arith.constant 0 : i32
      %dma_start3A_100 = tpu.memref_slice %arg6[%run_scoped3A_3, %dma_start3A_97, %dma_start3A_98, %dma_start3A_99] : memref<3x3x2x120xi32, #tpu.memory_space<vmem>> -> memref<1x3x2x120xi32, #tpu.memory_space<vmem>>
      %dma_start3A_101 = tpu.memref_squeeze %dma_start3A_100 : memref<1x3x2x120xi32, #tpu.memory_space<vmem>> -> memref<3x2x120xi32, #tpu.memory_space<vmem>>
      %dma_start3A_102 = arith.constant 0 : i32
      %dma_start3A_103 = arith.constant 0 : i32
      %dma_start3A_104 = arith.constant 0 : i32
      %dma_start3A_105 = arith.constant 0 : i32
      %dma_start3A_106 = tpu.memref_slice %arg3[%add3A, %dma_start3A_102, %dma_start3A_103, %dma_start3A_104, %dma_start3A_105] : memref<32x56x3x2x120xi32, #tpu.memory_space<hbm>> -> memref<1x56x3x2x120xi32, #tpu.memory_space<hbm>>
      %dma_start3A_107 = tpu.memref_squeeze %dma_start3A_106 : memref<1x56x3x2x120xi32, #tpu.memory_space<hbm>> -> memref<56x3x2x120xi32, #tpu.memory_space<hbm>>
      %dma_start3A_108 = arith.constant 0 : i32
      %dma_start3A_109 = arith.constant 0 : i32
      %dma_start3A_110 = arith.constant 0 : i32
      %dma_start3A_111 = tpu.memref_slice %dma_start3A_107[%run_scoped3A, %dma_start3A_108, %dma_start3A_109, %dma_start3A_110] : memref<56x3x2x120xi32, #tpu.memory_space<hbm>> -> memref<1x3x2x120xi32, #tpu.memory_space<hbm>>
      %dma_start3A_112 = tpu.memref_squeeze %dma_start3A_111 : memref<1x3x2x120xi32, #tpu.memory_space<hbm>> -> memref<3x2x120xi32, #tpu.memory_space<hbm>>
      %dma_start3A_113 = arith.constant 0 : i32
      %dma_start3A_114 = arith.constant 0 : i32
      %dma_start3A_115 = arith.constant 0 : i32
      %dma_start3A_116 = tpu.memref_slice %arg6[%run_scoped3A_3, %dma_start3A_113, %dma_start3A_114, %dma_start3A_115] : memref<3x3x2x120xi32, #tpu.memory_space<vmem>> -> memref<1x3x2x120xi32, #tpu.memory_space<vmem>>
      %dma_start3A_117 = tpu.memref_squeeze %dma_start3A_116 : memref<1x3x2x120xi32, #tpu.memory_space<vmem>> -> memref<3x2x120xi32, #tpu.memory_space<vmem>>
      %dma_start3A_118 = arith.constant 0 : i32
      %dma_start3A_119 = arith.constant 0 : i32
      %dma_start3A_120 = arith.constant 0 : i32
      %dma_start3A_121 = arith.constant 0 : i32
      %dma_start3A_122 = tpu.memref_slice %arg3[%add3A, %dma_start3A_118, %dma_start3A_119, %dma_start3A_120, %dma_start3A_121] : memref<32x56x3x2x120xi32, #tpu.memory_space<hbm>> -> memref<1x56x3x2x120xi32, #tpu.memory_space<hbm>>
      %dma_start3A_123 = tpu.memref_squeeze %dma_start3A_122 : memref<1x56x3x2x120xi32, #tpu.memory_space<hbm>> -> memref<56x3x2x120xi32, #tpu.memory_space<hbm>>
      %dma_start3A_124 = arith.constant 0 : i32
      %dma_start3A_125 = arith.constant 0 : i32
      %dma_start3A_126 = arith.constant 0 : i32
      %dma_start3A_127 = tpu.memref_slice %dma_start3A_123[%run_scoped3A, %dma_start3A_124, %dma_start3A_125, %dma_start3A_126] : memref<56x3x2x120xi32, #tpu.memory_space<hbm>> -> memref<1x3x2x120xi32, #tpu.memory_space<hbm>>
      %dma_start3A_128 = tpu.memref_squeeze %dma_start3A_127 : memref<1x3x2x120xi32, #tpu.memory_space<hbm>> -> memref<3x2x120xi32, #tpu.memory_space<hbm>>
      tpu.enqueue_dma source(%dma_start3A_128 : memref<3x2x120xi32, #tpu.memory_space<hbm>>) target(%dma_start3A_117 : memref<3x2x120xi32, #tpu.memory_space<vmem>>) target_semaphore(%run_scoped3A_96 : memref<!tpu.dma_semaphore, #tpu.memory_space<semaphore_mem>>)
      %dma_wait3A_129 = arith.constant 0 : i32
      %dma_wait3A_130 = arith.constant 0 : i32
      %dma_wait3A_131 = arith.constant 0 : i32
      %dma_wait3A_132 = tpu.memref_slice %arg6[%run_scoped3A_3, %dma_wait3A_129, %dma_wait3A_130, %dma_wait3A_131] : memref<3x3x2x120xi32, #tpu.memory_space<vmem>> -> memref<1x3x2x120xi32, #tpu.memory_space<vmem>>
      %dma_wait3A_133 = tpu.memref_squeeze %dma_wait3A_132 : memref<1x3x2x120xi32, #tpu.memory_space<vmem>> -> memref<3x2x120xi32, #tpu.memory_space<vmem>>
      %dma_wait3A_134 = arith.constant 0 : i32
      %dma_wait3A_135 = arith.constant 0 : i32
      %dma_wait3A_136 = arith.constant 0 : i32
      %dma_wait3A_137 = arith.constant 0 : i32
      %dma_wait3A_138 = tpu.memref_slice %arg3[%add3A, %dma_wait3A_134, %dma_wait3A_135, %dma_wait3A_136, %dma_wait3A_137] : memref<32x56x3x2x120xi32, #tpu.memory_space<hbm>> -> memref<1x56x3x2x120xi32, #tpu.memory_space<hbm>>
      %dma_wait3A_139 = tpu.memref_squeeze %dma_wait3A_138 : memref<1x56x3x2x120xi32, #tpu.memory_space<hbm>> -> memref<56x3x2x120xi32, #tpu.memory_space<hbm>>
      %dma_wait3A_140 = arith.constant 0 : i32
      %dma_wait3A_141 = arith.constant 0 : i32
      %dma_wait3A_142 = arith.constant 0 : i32
      %dma_wait3A_143 = tpu.memref_slice %dma_wait3A_139[%run_scoped3A, %dma_wait3A_140, %dma_wait3A_141, %dma_wait3A_142] : memref<56x3x2x120xi32, #tpu.memory_space<hbm>> -> memref<1x3x2x120xi32, #tpu.memory_space<hbm>>
      %dma_wait3A_144 = tpu.memref_squeeze %dma_wait3A_143 : memref<1x3x2x120xi32, #tpu.memory_space<hbm>> -> memref<3x2x120xi32, #tpu.memory_space<hbm>>
      %dma_wait3A_145 = arith.constant 0 : i32
      %dma_wait3A_146 = arith.constant 0 : i32
      %dma_wait3A_147 = arith.constant 0 : i32
      %dma_wait3A_148 = tpu.memref_slice %arg6[%run_scoped3A_3, %dma_wait3A_145, %dma_wait3A_146, %dma_wait3A_147] : memref<3x3x2x120xi32, #tpu.memory_space<vmem>> -> memref<1x3x2x120xi32, #tpu.memory_space<vmem>>
      %dma_wait3A_149 = tpu.memref_squeeze %dma_wait3A_148 : memref<1x3x2x120xi32, #tpu.memory_space<vmem>> -> memref<3x2x120xi32, #tpu.memory_space<vmem>>
      %dma_wait3A_150 = arith.constant 0 : i32
      %dma_wait3A_151 = arith.constant 0 : i32
      %dma_wait3A_152 = arith.constant 0 : i32
      %dma_wait3A_153 = arith.constant 0 : i32
      %dma_wait3A_154 = tpu.memref_slice %arg3[%add3A, %dma_wait3A_150, %dma_wait3A_151, %dma_wait3A_152, %dma_wait3A_153] : memref<32x56x3x2x120xi32, #tpu.memory_space<hbm>> -> memref<1x56x3x2x120xi32, #tpu.memory_space<hbm>>
      %dma_wait3A_155 = tpu.memref_squeeze %dma_wait3A_154 : memref<1x56x3x2x120xi32, #tpu.memory_space<hbm>> -> memref<56x3x2x120xi32, #tpu.memory_space<hbm>>
      %dma_wait3A_156 = arith.constant 0 : i32
      %dma_wait3A_157 = arith.constant 0 : i32
      %dma_wait3A_158 = arith.constant 0 : i32
      %dma_wait3A_159 = tpu.memref_slice %dma_wait3A_155[%run_scoped3A, %dma_wait3A_156, %dma_wait3A_157, %dma_wait3A_158] : memref<56x3x2x120xi32, #tpu.memory_space<hbm>> -> memref<1x3x2x120xi32, #tpu.memory_space<hbm>>
      %dma_wait3A_160 = tpu.memref_squeeze %dma_wait3A_159 : memref<1x3x2x120xi32, #tpu.memory_space<hbm>> -> memref<3x2x120xi32, #tpu.memory_space<hbm>>
      tpu.wait_dma2 semaphore(%run_scoped3A_96 : memref<!tpu.dma_semaphore, #tpu.memory_space<semaphore_mem>>) src(%dma_wait3A_160 : memref<3x2x120xi32, #tpu.memory_space<hbm>>) dst(%dma_wait3A_149 : memref<3x2x120xi32, #tpu.memory_space<vmem>>)
      tpu.yield
    }) : () -> ()
    %dma_start3A = arith.constant 0 : i32
    %dma_start3A_4 = arith.constant 0 : i32
    %dma_start3A_5 = arith.constant 0 : i32
    %dma_start3A_6 = arith.constant 0 : i32
    %dma_start3A_7 = arith.constant 0 : i32
    %dma_start3A_8 = arith.constant 0 : i32
    %dma_start3A_9 = tpu.memref_slice %arg6[%dma_start3A, %dma_start3A_6, %dma_start3A_7, %dma_start3A_8] : memref<3x3x2x120xi32, #tpu.memory_space<vmem>> -> memref<1x3x2x120xi32, #tpu.memory_space<vmem>>
    %dma_start3A_10 = tpu.memref_squeeze %dma_start3A_9 : memref<1x3x2x120xi32, #tpu.memory_space<vmem>> -> memref<3x2x120xi32, #tpu.memory_space<vmem>>
    %dma_start3A_11 = arith.constant 0 : i32
    %dma_start3A_12 = arith.constant 0 : i32
    %dma_start3A_13 = tpu.memref_slice %dma_start3A_10[%dma_start3A_4, %dma_start3A_11, %dma_start3A_12] : memref<3x2x120xi32, #tpu.memory_space<vmem>> -> memref<1x2x120xi32, #tpu.memory_space<vmem>>
    %dma_start3A_14 = tpu.memref_squeeze %dma_start3A_13 : memref<1x2x120xi32, #tpu.memory_space<vmem>> -> memref<2x120xi32, #tpu.memory_space<vmem>>
    %dma_start3A_15 = arith.constant 0 : i32
    %dma_start3A_16 = tpu.memref_slice %dma_start3A_14[%dma_start3A_5, %dma_start3A_15] : memref<2x120xi32, #tpu.memory_space<vmem>> -> memref<1x120xi32, #tpu.memory_space<vmem>>
    %dma_start3A_17 = tpu.memref_squeeze %dma_start3A_16 : memref<1x120xi32, #tpu.memory_space<vmem>> -> memref<120xi32, #tpu.memory_space<vmem>>
    %dma_start3A_18 = arith.constant 0 : i32
    %dma_start3A_19 = arith.constant 0 : i32
    %dma_start3A_20 = tpu.memref_slice %arg2[%dma_start3A_18, %dma_start3A_19] : memref<10000x128xf32, #tpu.memory_space<hbm>> -> memref<10000x128xf32, #tpu.memory_space<hbm>>
    tpu.enqueue_indirect_dma source(%dma_start3A_20 : memref<10000x128xf32, #tpu.memory_space<hbm>>) target(%arg7 : memref<120x128xf32, #tpu.memory_space<vmem>>) offsets(%dma_start3A_17 : memref<120xi32, #tpu.memory_space<vmem>>) semaphore(%arg11 : memref<!tpu.dma_semaphore, #tpu.memory_space<semaphore_mem>>)
    %dma_start3A_21 = arith.constant 0 : i32
    %dma_start3A_22 = arith.constant 1 : i32
    %dma_start3A_23 = arith.constant 0 : i32
    %dma_start3A_24 = arith.constant 0 : i32
    %dma_start3A_25 = arith.constant 0 : i32
    %dma_start3A_26 = arith.constant 0 : i32
    %dma_start3A_27 = tpu.memref_slice %arg6[%dma_start3A_21, %dma_start3A_24, %dma_start3A_25, %dma_start3A_26] : memref<3x3x2x120xi32, #tpu.memory_space<vmem>> -> memref<1x3x2x120xi32, #tpu.memory_space<vmem>>
    %dma_start3A_28 = tpu.memref_squeeze %dma_start3A_27 : memref<1x3x2x120xi32, #tpu.memory_space<vmem>> -> memref<3x2x120xi32, #tpu.memory_space<vmem>>
    %dma_start3A_29 = arith.constant 0 : i32
    %dma_start3A_30 = arith.constant 0 : i32
    %dma_start3A_31 = tpu.memref_slice %dma_start3A_28[%dma_start3A_22, %dma_start3A_29, %dma_start3A_30] : memref<3x2x120xi32, #tpu.memory_space<vmem>> -> memref<1x2x120xi32, #tpu.memory_space<vmem>>
    %dma_start3A_32 = tpu.memref_squeeze %dma_start3A_31 : memref<1x2x120xi32, #tpu.memory_space<vmem>> -> memref<2x120xi32, #tpu.memory_space<vmem>>
    %dma_start3A_33 = arith.constant 0 : i32
    %dma_start3A_34 = tpu.memref_slice %dma_start3A_32[%dma_start3A_23, %dma_start3A_33] : memref<2x120xi32, #tpu.memory_space<vmem>> -> memref<1x120xi32, #tpu.memory_space<vmem>>
    %dma_start3A_35 = tpu.memref_squeeze %dma_start3A_34 : memref<1x120xi32, #tpu.memory_space<vmem>> -> memref<120xi32, #tpu.memory_space<vmem>>
    %dma_start3A_36 = arith.constant 0 : i32
    %dma_start3A_37 = arith.constant 0 : i32
    %dma_start3A_38 = tpu.memref_slice %arg2[%dma_start3A_36, %dma_start3A_37] : memref<10000x128xf32, #tpu.memory_space<hbm>> -> memref<10000x128xf32, #tpu.memory_space<hbm>>
    tpu.enqueue_indirect_dma source(%dma_start3A_38 : memref<10000x128xf32, #tpu.memory_space<hbm>>) target(%arg8 : memref<120x128xf32, #tpu.memory_space<vmem>>) offsets(%dma_start3A_35 : memref<120xi32, #tpu.memory_space<vmem>>) semaphore(%arg12 : memref<!tpu.dma_semaphore, #tpu.memory_space<semaphore_mem>>)
    %dma_start3A_39 = arith.constant 1 : i32
    %dma_start3A_40 = arith.constant 1 : i32
    %dma_start3A_41 = arith.constant 0 : i32
    %dma_start3A_42 = arith.constant 0 : i32
    %dma_start3A_43 = arith.constant 0 : i32
    %dma_start3A_44 = tpu.memref_slice %arg6[%dma_start3A_40, %dma_start3A_41, %dma_start3A_42, %dma_start3A_43] : memref<3x3x2x120xi32, #tpu.memory_space<vmem>> -> memref<1x3x2x120xi32, #tpu.memory_space<vmem>>
    %dma_start3A_45 = tpu.memref_squeeze %dma_start3A_44 : memref<1x3x2x120xi32, #tpu.memory_space<vmem>> -> memref<3x2x120xi32, #tpu.memory_space<vmem>>
    %dma_start3A_46 = arith.constant 0 : i32
    %dma_start3A_47 = arith.constant 0 : i32
    %dma_start3A_48 = arith.constant 0 : i32
    %dma_start3A_49 = arith.constant 0 : i32
    %dma_start3A_50 = tpu.memref_slice %arg3[%add3A, %dma_start3A_46, %dma_start3A_47, %dma_start3A_48, %dma_start3A_49] : memref<32x56x3x2x120xi32, #tpu.memory_space<hbm>> -> memref<1x56x3x2x120xi32, #tpu.memory_space<hbm>>
    %dma_start3A_51 = tpu.memref_squeeze %dma_start3A_50 : memref<1x56x3x2x120xi32, #tpu.memory_space<hbm>> -> memref<56x3x2x120xi32, #tpu.memory_space<hbm>>
    %dma_start3A_52 = arith.constant 0 : i32
    %dma_start3A_53 = arith.constant 0 : i32
    %dma_start3A_54 = arith.constant 0 : i32
    %dma_start3A_55 = tpu.memref_slice %dma_start3A_51[%dma_start3A_39, %dma_start3A_52, %dma_start3A_53, %dma_start3A_54] : memref<56x3x2x120xi32, #tpu.memory_space<hbm>> -> memref<1x3x2x120xi32, #tpu.memory_space<hbm>>
    %dma_start3A_56 = tpu.memref_squeeze %dma_start3A_55 : memref<1x3x2x120xi32, #tpu.memory_space<hbm>> -> memref<3x2x120xi32, #tpu.memory_space<hbm>>
    %dma_start3A_57 = arith.constant 0 : i32
    %dma_start3A_58 = arith.constant 0 : i32
    %dma_start3A_59 = arith.constant 0 : i32
    %dma_start3A_60 = tpu.memref_slice %arg6[%dma_start3A_40, %dma_start3A_57, %dma_start3A_58, %dma_start3A_59] : memref<3x3x2x120xi32, #tpu.memory_space<vmem>> -> memref<1x3x2x120xi32, #tpu.memory_space<vmem>>
    %dma_start3A_61 = tpu.memref_squeeze %dma_start3A_60 : memref<1x3x2x120xi32, #tpu.memory_space<vmem>> -> memref<3x2x120xi32, #tpu.memory_space<vmem>>
    %dma_start3A_62 = arith.constant 0 : i32
    %dma_start3A_63 = arith.constant 0 : i32
    %dma_start3A_64 = arith.constant 0 : i32
    %dma_start3A_65 = arith.constant 0 : i32
    %dma_start3A_66 = tpu.memref_slice %arg3[%add3A, %dma_start3A_62, %dma_start3A_63, %dma_start3A_64, %dma_start3A_65] : memref<32x56x3x2x120xi32, #tpu.memory_space<hbm>> -> memref<1x56x3x2x120xi32, #tpu.memory_space<hbm>>
    %dma_start3A_67 = tpu.memref_squeeze %dma_start3A_66 : memref<1x56x3x2x120xi32, #tpu.memory_space<hbm>> -> memref<56x3x2x120xi32, #tpu.memory_space<hbm>>
    %dma_start3A_68 = arith.constant 0 : i32
    %dma_start3A_69 = arith.constant 0 : i32
    %dma_start3A_70 = arith.constant 0 : i32
    %dma_start3A_71 = tpu.memref_slice %dma_start3A_67[%dma_start3A_39, %dma_start3A_68, %dma_start3A_69, %dma_start3A_70] : memref<56x3x2x120xi32, #tpu.memory_space<hbm>> -> memref<1x3x2x120xi32, #tpu.memory_space<hbm>>
    %dma_start3A_72 = tpu.memref_squeeze %dma_start3A_71 : memref<1x3x2x120xi32, #tpu.memory_space<hbm>> -> memref<3x2x120xi32, #tpu.memory_space<hbm>>
    tpu.enqueue_dma source(%dma_start3A_72 : memref<3x2x120xi32, #tpu.memory_space<hbm>>) target(%dma_start3A_61 : memref<3x2x120xi32, #tpu.memory_space<vmem>>) target_semaphore(%arg15 : memref<!tpu.dma_semaphore, #tpu.memory_space<semaphore_mem>>)
    %scan3A = arith.constant 0 : i32
    %scan3A_73 = arith.constant 0 : i32
    %scan3A_74 = arith.constant 56 : i32
    %scan3A_75 = arith.addi %scan3A_73, %scan3A_74 : i32
    %scan3A_76 = arith.constant 1 : i32
    scf.for %scan3A_96 = %scan3A_73 to %scan3A_75 step %scan3A_76  : i32 {
      %jit3A = arith.constant 3 : i32
      %eq3A = arith.constant 0 : i32
      %eq3A_97 = arith.cmpi eq, %jit3A, %eq3A : i32
      %jit3A_98 = arith.constant 1 : i32
      %select_n3A = arith.select %eq3A_97, %jit3A_98, %jit3A : i32
      %rem3A = arith.remsi %scan3A_96, %select_n3A : i32
      %ne3A = arith.constant 0 : i32
      %ne3A_99 = arith.cmpi ne, %rem3A, %ne3A : i32
      %lt3A = arith.constant 0 : i32
      %lt3A_100 = arith.cmpi slt, %rem3A, %lt3A : i32
      %lt3A_101 = arith.constant 0 : i32
      %lt3A_102 = arith.cmpi slt, %select_n3A, %lt3A_101 : i32
      %ne3A_103 = arith.xori %lt3A_100, %lt3A_102 : i1
      %and3A = arith.andi %ne3A_103, %ne3A_99 : i1
      %add3A_104 = arith.addi %rem3A, %select_n3A : i32
      %select_n3A_105 = arith.select %and3A, %add3A_104, %rem3A : i32
      %add3A_106 = arith.constant 1 : i32
      %add3A_107 = arith.addi %scan3A_96, %add3A_106 : i32
      %jit3A_108 = arith.constant 3 : i32
      %eq3A_109 = arith.constant 0 : i32
      %eq3A_110 = arith.cmpi eq, %jit3A_108, %eq3A_109 : i32
      %jit3A_111 = arith.constant 1 : i32
      %select_n3A_112 = arith.select %eq3A_110, %jit3A_111, %jit3A_108 : i32
      %rem3A_113 = arith.remsi %add3A_107, %select_n3A_112 : i32
      %ne3A_114 = arith.constant 0 : i32
      %ne3A_115 = arith.cmpi ne, %rem3A_113, %ne3A_114 : i32
      %lt3A_116 = arith.constant 0 : i32
      %lt3A_117 = arith.cmpi slt, %rem3A_113, %lt3A_116 : i32
      %lt3A_118 = arith.constant 0 : i32
      %lt3A_119 = arith.cmpi slt, %select_n3A_112, %lt3A_118 : i32
      %ne3A_120 = arith.xori %lt3A_117, %lt3A_119 : i1
      %and3A_121 = arith.andi %ne3A_120, %ne3A_115 : i1
      %add3A_122 = arith.addi %rem3A_113, %select_n3A_112 : i32
      %select_n3A_123 = arith.select %and3A_121, %add3A_122, %rem3A_113 : i32
      %add3A_124 = arith.constant 1 : i32
      %add3A_125 = arith.addi %scan3A_96, %add3A_124 : i32
      %lt3A_126 = arith.constant 56 : i32
      %lt3A_127 = arith.cmpi slt, %add3A_125, %lt3A_126 : i32
      %dma_wait3A_128 = arith.constant 0 : i32
      %dma_wait3A_129 = arith.constant 0 : i32
      %dma_wait3A_130 = arith.constant 0 : i32
      %dma_wait3A_131 = arith.constant 0 : i32
      %dma_wait3A_132 = arith.constant 0 : i32
      %dma_wait3A_133 = tpu.memref_slice %arg6[%select_n3A_105, %dma_wait3A_130, %dma_wait3A_131, %dma_wait3A_132] : memref<3x3x2x120xi32, #tpu.memory_space<vmem>> -> memref<1x3x2x120xi32, #tpu.memory_space<vmem>>
      %dma_wait3A_134 = tpu.memref_squeeze %dma_wait3A_133 : memref<1x3x2x120xi32, #tpu.memory_space<vmem>> -> memref<3x2x120xi32, #tpu.memory_space<vmem>>
      %dma_wait3A_135 = arith.constant 0 : i32
      %dma_wait3A_136 = arith.constant 0 : i32
      %dma_wait3A_137 = tpu.memref_slice %dma_wait3A_134[%dma_wait3A_128, %dma_wait3A_135, %dma_wait3A_136] : memref<3x2x120xi32, #tpu.memory_space<vmem>> -> memref<1x2x120xi32, #tpu.memory_space<vmem>>
      %dma_wait3A_138 = tpu.memref_squeeze %dma_wait3A_137 : memref<1x2x120xi32, #tpu.memory_space<vmem>> -> memref<2x120xi32, #tpu.memory_space<vmem>>
      %dma_wait3A_139 = arith.constant 0 : i32
      %dma_wait3A_140 = tpu.memref_slice %dma_wait3A_138[%dma_wait3A_129, %dma_wait3A_139] : memref<2x120xi32, #tpu.memory_space<vmem>> -> memref<1x120xi32, #tpu.memory_space<vmem>>
      %dma_wait3A_141 = tpu.memref_squeeze %dma_wait3A_140 : memref<1x120xi32, #tpu.memory_space<vmem>> -> memref<120xi32, #tpu.memory_space<vmem>>
      %dma_wait3A_142 = arith.constant 0 : i32
      %dma_wait3A_143 = arith.constant 0 : i32
      %dma_wait3A_144 = tpu.memref_slice %arg2[%dma_wait3A_142, %dma_wait3A_143] : memref<10000x128xf32, #tpu.memory_space<hbm>> -> memref<10000x128xf32, #tpu.memory_space<hbm>>
      tpu.wait_indirect_dma semaphore(%arg11 : memref<!tpu.dma_semaphore, #tpu.memory_space<semaphore_mem>>) src(%dma_wait3A_144 : memref<10000x128xf32, #tpu.memory_space<hbm>>) dst(%arg7 : memref<120x128xf32, #tpu.memory_space<vmem>>)
      %gt3A = arith.constant 0 : i32
      %gt3A_145 = arith.cmpi sgt, %scan3A_96, %gt3A : i32
      %convert_element_type3A = arith.extui %gt3A_145 : i1 to i32
      %cond3A = arith.constant 0 : i32
      %cond3A_146 = arith.cmpi ne, %convert_element_type3A, %cond3A : i32
      scf.if %cond3A_146 {
        %dma_wait3A_299 = arith.constant 0 : i32
        %dma_wait3A_300 = arith.constant 1 : i32
        %dma_wait3A_301 = arith.constant 0 : i32
        %dma_wait3A_302 = arith.constant 0 : i32
        %dma_wait3A_303 = arith.constant 0 : i32
        %dma_wait3A_304 = tpu.memref_slice %arg6[%select_n3A_105, %dma_wait3A_301, %dma_wait3A_302, %dma_wait3A_303] : memref<3x3x2x120xi32, #tpu.memory_space<vmem>> -> memref<1x3x2x120xi32, #tpu.memory_space<vmem>>
        %dma_wait3A_305 = tpu.memref_squeeze %dma_wait3A_304 : memref<1x3x2x120xi32, #tpu.memory_space<vmem>> -> memref<3x2x120xi32, #tpu.memory_space<vmem>>
        %dma_wait3A_306 = arith.constant 0 : i32
        %dma_wait3A_307 = arith.constant 0 : i32
        %dma_wait3A_308 = tpu.memref_slice %dma_wait3A_305[%dma_wait3A_299, %dma_wait3A_306, %dma_wait3A_307] : memref<3x2x120xi32, #tpu.memory_space<vmem>> -> memref<1x2x120xi32, #tpu.memory_space<vmem>>
        %dma_wait3A_309 = tpu.memref_squeeze %dma_wait3A_308 : memref<1x2x120xi32, #tpu.memory_space<vmem>> -> memref<2x120xi32, #tpu.memory_space<vmem>>
        %dma_wait3A_310 = arith.constant 0 : i32
        %dma_wait3A_311 = tpu.memref_slice %dma_wait3A_309[%dma_wait3A_300, %dma_wait3A_310] : memref<2x120xi32, #tpu.memory_space<vmem>> -> memref<1x120xi32, #tpu.memory_space<vmem>>
        %dma_wait3A_312 = tpu.memref_squeeze %dma_wait3A_311 : memref<1x120xi32, #tpu.memory_space<vmem>> -> memref<120xi32, #tpu.memory_space<vmem>>
        %dma_wait3A_313 = arith.constant 0 : i32
        %dma_wait3A_314 = arith.constant 0 : i32
        %dma_wait3A_315 = tpu.memref_slice %arg10[%dma_wait3A_313, %dma_wait3A_314] : memref<10240x128xf32, #tpu.memory_space<vmem_shared>> -> memref<10240x128xf32, #tpu.memory_space<vmem_shared>>
        tpu.wait_indirect_dma semaphore(%arg14 : memref<!tpu.dma_semaphore, #tpu.memory_space<semaphore_mem>>) src(%arg9 : memref<120x128xf32, #tpu.memory_space<vmem>>) dst(%dma_wait3A_315 : memref<10240x128xf32, #tpu.memory_space<vmem_shared>>)
      } else {
      }
      %convert_element_type3A_147 = arith.extui %lt3A_127 : i1 to i32
      %cond3A_148 = arith.constant 0 : i32
      %cond3A_149 = arith.cmpi ne, %convert_element_type3A_147, %cond3A_148 : i32
      scf.if %cond3A_149 {
        %add3A_299 = arith.constant 1 : i32
        %add3A_300 = arith.addi %scan3A_96, %add3A_299 : i32
        %dma_wait3A_301 = arith.constant 0 : i32
        %dma_wait3A_302 = arith.constant 0 : i32
        %dma_wait3A_303 = arith.constant 0 : i32
        %dma_wait3A_304 = tpu.memref_slice %arg6[%select_n3A_123, %dma_wait3A_301, %dma_wait3A_302, %dma_wait3A_303] : memref<3x3x2x120xi32, #tpu.memory_space<vmem>> -> memref<1x3x2x120xi32, #tpu.memory_space<vmem>>
        %dma_wait3A_305 = tpu.memref_squeeze %dma_wait3A_304 : memref<1x3x2x120xi32, #tpu.memory_space<vmem>> -> memref<3x2x120xi32, #tpu.memory_space<vmem>>
        %dma_wait3A_306 = arith.constant 0 : i32
        %dma_wait3A_307 = arith.constant 0 : i32
        %dma_wait3A_308 = arith.constant 0 : i32
        %dma_wait3A_309 = arith.constant 0 : i32
        %dma_wait3A_310 = tpu.memref_slice %arg3[%add3A, %dma_wait3A_306, %dma_wait3A_307, %dma_wait3A_308, %dma_wait3A_309] : memref<32x56x3x2x120xi32, #tpu.memory_space<hbm>> -> memref<1x56x3x2x120xi32, #tpu.memory_space<hbm>>
        %dma_wait3A_311 = tpu.memref_squeeze %dma_wait3A_310 : memref<1x56x3x2x120xi32, #tpu.memory_space<hbm>> -> memref<56x3x2x120xi32, #tpu.memory_space<hbm>>
        %dma_wait3A_312 = arith.constant 0 : i32
        %dma_wait3A_313 = arith.constant 0 : i32
        %dma_wait3A_314 = arith.constant 0 : i32
        %dma_wait3A_315 = tpu.memref_slice %dma_wait3A_311[%add3A_300, %dma_wait3A_312, %dma_wait3A_313, %dma_wait3A_314] : memref<56x3x2x120xi32, #tpu.memory_space<hbm>> -> memref<1x3x2x120xi32, #tpu.memory_space<hbm>>
        %dma_wait3A_316 = tpu.memref_squeeze %dma_wait3A_315 : memref<1x3x2x120xi32, #tpu.memory_space<hbm>> -> memref<3x2x120xi32, #tpu.memory_space<hbm>>
        %dma_wait3A_317 = arith.constant 0 : i32
        %dma_wait3A_318 = arith.constant 0 : i32
        %dma_wait3A_319 = arith.constant 0 : i32
        %dma_wait3A_320 = tpu.memref_slice %arg6[%select_n3A_123, %dma_wait3A_317, %dma_wait3A_318, %dma_wait3A_319] : memref<3x3x2x120xi32, #tpu.memory_space<vmem>> -> memref<1x3x2x120xi32, #tpu.memory_space<vmem>>
        %dma_wait3A_321 = tpu.memref_squeeze %dma_wait3A_320 : memref<1x3x2x120xi32, #tpu.memory_space<vmem>> -> memref<3x2x120xi32, #tpu.memory_space<vmem>>
        %dma_wait3A_322 = arith.constant 0 : i32
        %dma_wait3A_323 = arith.constant 0 : i32
        %dma_wait3A_324 = arith.constant 0 : i32
        %dma_wait3A_325 = arith.constant 0 : i32
        %dma_wait3A_326 = tpu.memref_slice %arg3[%add3A, %dma_wait3A_322, %dma_wait3A_323, %dma_wait3A_324, %dma_wait3A_325] : memref<32x56x3x2x120xi32, #tpu.memory_space<hbm>> -> memref<1x56x3x2x120xi32, #tpu.memory_space<hbm>>
        %dma_wait3A_327 = tpu.memref_squeeze %dma_wait3A_326 : memref<1x56x3x2x120xi32, #tpu.memory_space<hbm>> -> memref<56x3x2x120xi32, #tpu.memory_space<hbm>>
        %dma_wait3A_328 = arith.constant 0 : i32
        %dma_wait3A_329 = arith.constant 0 : i32
        %dma_wait3A_330 = arith.constant 0 : i32
        %dma_wait3A_331 = tpu.memref_slice %dma_wait3A_327[%add3A_300, %dma_wait3A_328, %dma_wait3A_329, %dma_wait3A_330] : memref<56x3x2x120xi32, #tpu.memory_space<hbm>> -> memref<1x3x2x120xi32, #tpu.memory_space<hbm>>
        %dma_wait3A_332 = tpu.memref_squeeze %dma_wait3A_331 : memref<1x3x2x120xi32, #tpu.memory_space<hbm>> -> memref<3x2x120xi32, #tpu.memory_space<hbm>>
        tpu.wait_dma2 semaphore(%arg15 : memref<!tpu.dma_semaphore, #tpu.memory_space<semaphore_mem>>) src(%dma_wait3A_332 : memref<3x2x120xi32, #tpu.memory_space<hbm>>) dst(%dma_wait3A_321 : memref<3x2x120xi32, #tpu.memory_space<vmem>>)
      } else {
      }
      %add3A_150 = arith.constant 2 : i32
      %add3A_151 = arith.addi %scan3A_96, %add3A_150 : i32
      %lt3A_152 = arith.constant 56 : i32
      %lt3A_153 = arith.cmpi slt, %add3A_151, %lt3A_152 : i32
      %convert_element_type3A_154 = arith.extui %lt3A_153 : i1 to i32
      %cond3A_155 = arith.constant 0 : i32
      %cond3A_156 = arith.cmpi ne, %convert_element_type3A_154, %cond3A_155 : i32
      scf.if %cond3A_156 {
        %add3A_299 = arith.constant 2 : i32
        %add3A_300 = arith.addi %scan3A_96, %add3A_299 : i32
        %add3A_301 = arith.constant 2 : i32
        %add3A_302 = arith.addi %scan3A_96, %add3A_301 : i32
        %jit3A_303 = arith.constant 3 : i32
        %eq3A_304 = arith.constant 0 : i32
        %eq3A_305 = arith.cmpi eq, %jit3A_303, %eq3A_304 : i32
        %jit3A_306 = arith.constant 1 : i32
        %select_n3A_307 = arith.select %eq3A_305, %jit3A_306, %jit3A_303 : i32
        %rem3A_308 = arith.remsi %add3A_302, %select_n3A_307 : i32
        %ne3A_309 = arith.constant 0 : i32
        %ne3A_310 = arith.cmpi ne, %rem3A_308, %ne3A_309 : i32
        %lt3A_311 = arith.constant 0 : i32
        %lt3A_312 = arith.cmpi slt, %rem3A_308, %lt3A_311 : i32
        %lt3A_313 = arith.constant 0 : i32
        %lt3A_314 = arith.cmpi slt, %select_n3A_307, %lt3A_313 : i32
        %ne3A_315 = arith.xori %lt3A_312, %lt3A_314 : i1
        %and3A_316 = arith.andi %ne3A_315, %ne3A_310 : i1
        %add3A_317 = arith.addi %rem3A_308, %select_n3A_307 : i32
        %select_n3A_318 = arith.select %and3A_316, %add3A_317, %rem3A_308 : i32
        %dma_start3A_319 = arith.constant 0 : i32
        %dma_start3A_320 = arith.constant 0 : i32
        %dma_start3A_321 = arith.constant 0 : i32
        %dma_start3A_322 = tpu.memref_slice %arg6[%select_n3A_318, %dma_start3A_319, %dma_start3A_320, %dma_start3A_321] : memref<3x3x2x120xi32, #tpu.memory_space<vmem>> -> memref<1x3x2x120xi32, #tpu.memory_space<vmem>>
        %dma_start3A_323 = tpu.memref_squeeze %dma_start3A_322 : memref<1x3x2x120xi32, #tpu.memory_space<vmem>> -> memref<3x2x120xi32, #tpu.memory_space<vmem>>
        %dma_start3A_324 = arith.constant 0 : i32
        %dma_start3A_325 = arith.constant 0 : i32
        %dma_start3A_326 = arith.constant 0 : i32
        %dma_start3A_327 = arith.constant 0 : i32
        %dma_start3A_328 = tpu.memref_slice %arg3[%add3A, %dma_start3A_324, %dma_start3A_325, %dma_start3A_326, %dma_start3A_327] : memref<32x56x3x2x120xi32, #tpu.memory_space<hbm>> -> memref<1x56x3x2x120xi32, #tpu.memory_space<hbm>>
        %dma_start3A_329 = tpu.memref_squeeze %dma_start3A_328 : memref<1x56x3x2x120xi32, #tpu.memory_space<hbm>> -> memref<56x3x2x120xi32, #tpu.memory_space<hbm>>
        %dma_start3A_330 = arith.constant 0 : i32
        %dma_start3A_331 = arith.constant 0 : i32
        %dma_start3A_332 = arith.constant 0 : i32
        %dma_start3A_333 = tpu.memref_slice %dma_start3A_329[%add3A_300, %dma_start3A_330, %dma_start3A_331, %dma_start3A_332] : memref<56x3x2x120xi32, #tpu.memory_space<hbm>> -> memref<1x3x2x120xi32, #tpu.memory_space<hbm>>
        %dma_start3A_334 = tpu.memref_squeeze %dma_start3A_333 : memref<1x3x2x120xi32, #tpu.memory_space<hbm>> -> memref<3x2x120xi32, #tpu.memory_space<hbm>>
        %dma_start3A_335 = arith.constant 0 : i32
        %dma_start3A_336 = arith.constant 0 : i32
        %dma_start3A_337 = arith.constant 0 : i32
        %dma_start3A_338 = tpu.memref_slice %arg6[%select_n3A_318, %dma_start3A_335, %dma_start3A_336, %dma_start3A_337] : memref<3x3x2x120xi32, #tpu.memory_space<vmem>> -> memref<1x3x2x120xi32, #tpu.memory_space<vmem>>
        %dma_start3A_339 = tpu.memref_squeeze %dma_start3A_338 : memref<1x3x2x120xi32, #tpu.memory_space<vmem>> -> memref<3x2x120xi32, #tpu.memory_space<vmem>>
        %dma_start3A_340 = arith.constant 0 : i32
        %dma_start3A_341 = arith.constant 0 : i32
        %dma_start3A_342 = arith.constant 0 : i32
        %dma_start3A_343 = arith.constant 0 : i32
        %dma_start3A_344 = tpu.memref_slice %arg3[%add3A, %dma_start3A_340, %dma_start3A_341, %dma_start3A_342, %dma_start3A_343] : memref<32x56x3x2x120xi32, #tpu.memory_space<hbm>> -> memref<1x56x3x2x120xi32, #tpu.memory_space<hbm>>
        %dma_start3A_345 = tpu.memref_squeeze %dma_start3A_344 : memref<1x56x3x2x120xi32, #tpu.memory_space<hbm>> -> memref<56x3x2x120xi32, #tpu.memory_space<hbm>>
        %dma_start3A_346 = arith.constant 0 : i32
        %dma_start3A_347 = arith.constant 0 : i32
        %dma_start3A_348 = arith.constant 0 : i32
        %dma_start3A_349 = tpu.memref_slice %dma_start3A_345[%add3A_300, %dma_start3A_346, %dma_start3A_347, %dma_start3A_348] : memref<56x3x2x120xi32, #tpu.memory_space<hbm>> -> memref<1x3x2x120xi32, #tpu.memory_space<hbm>>
        %dma_start3A_350 = tpu.memref_squeeze %dma_start3A_349 : memref<1x3x2x120xi32, #tpu.memory_space<hbm>> -> memref<3x2x120xi32, #tpu.memory_space<hbm>>
        tpu.enqueue_dma source(%dma_start3A_350 : memref<3x2x120xi32, #tpu.memory_space<hbm>>) target(%dma_start3A_339 : memref<3x2x120xi32, #tpu.memory_space<vmem>>) target_semaphore(%arg15 : memref<!tpu.dma_semaphore, #tpu.memory_space<semaphore_mem>>)
      } else {
      }
      %dma_start3A_157 = arith.constant 0 : i32
      %dma_start3A_158 = arith.constant 1 : i32
      %dma_start3A_159 = arith.constant 0 : i32
      %dma_start3A_160 = arith.constant 0 : i32
      %dma_start3A_161 = arith.constant 0 : i32
      %dma_start3A_162 = tpu.memref_slice %arg6[%select_n3A_105, %dma_start3A_159, %dma_start3A_160, %dma_start3A_161] : memref<3x3x2x120xi32, #tpu.memory_space<vmem>> -> memref<1x3x2x120xi32, #tpu.memory_space<vmem>>
      %dma_start3A_163 = tpu.memref_squeeze %dma_start3A_162 : memref<1x3x2x120xi32, #tpu.memory_space<vmem>> -> memref<3x2x120xi32, #tpu.memory_space<vmem>>
      %dma_start3A_164 = arith.constant 0 : i32
      %dma_start3A_165 = arith.constant 0 : i32
      %dma_start3A_166 = tpu.memref_slice %dma_start3A_163[%dma_start3A_157, %dma_start3A_164, %dma_start3A_165] : memref<3x2x120xi32, #tpu.memory_space<vmem>> -> memref<1x2x120xi32, #tpu.memory_space<vmem>>
      %dma_start3A_167 = tpu.memref_squeeze %dma_start3A_166 : memref<1x2x120xi32, #tpu.memory_space<vmem>> -> memref<2x120xi32, #tpu.memory_space<vmem>>
      %dma_start3A_168 = arith.constant 0 : i32
      %dma_start3A_169 = tpu.memref_slice %dma_start3A_167[%dma_start3A_158, %dma_start3A_168] : memref<2x120xi32, #tpu.memory_space<vmem>> -> memref<1x120xi32, #tpu.memory_space<vmem>>
      %dma_start3A_170 = tpu.memref_squeeze %dma_start3A_169 : memref<1x120xi32, #tpu.memory_space<vmem>> -> memref<120xi32, #tpu.memory_space<vmem>>
      %dma_start3A_171 = arith.constant 0 : i32
      %dma_start3A_172 = arith.constant 0 : i32
      %dma_start3A_173 = tpu.memref_slice %arg10[%dma_start3A_171, %dma_start3A_172] : memref<10240x128xf32, #tpu.memory_space<vmem_shared>> -> memref<10240x128xf32, #tpu.memory_space<vmem_shared>>
      tpu.enqueue_indirect_dma source(%arg7 : memref<120x128xf32, #tpu.memory_space<vmem>>) target(%dma_start3A_173 : memref<10240x128xf32, #tpu.memory_space<vmem_shared>>) offsets(%dma_start3A_170 : memref<120xi32, #tpu.memory_space<vmem>>) semaphore(%arg14 : memref<!tpu.dma_semaphore, #tpu.memory_space<semaphore_mem>>) {add = true}
      %dma_start3A_174 = arith.constant 2 : i32
      %dma_start3A_175 = arith.constant 0 : i32
      %dma_start3A_176 = arith.constant 0 : i32
      %dma_start3A_177 = arith.constant 0 : i32
      %dma_start3A_178 = arith.constant 0 : i32
      %dma_start3A_179 = tpu.memref_slice %arg6[%select_n3A_105, %dma_start3A_176, %dma_start3A_177, %dma_start3A_178] : memref<3x3x2x120xi32, #tpu.memory_space<vmem>> -> memref<1x3x2x120xi32, #tpu.memory_space<vmem>>
      %dma_start3A_180 = tpu.memref_squeeze %dma_start3A_179 : memref<1x3x2x120xi32, #tpu.memory_space<vmem>> -> memref<3x2x120xi32, #tpu.memory_space<vmem>>
      %dma_start3A_181 = arith.constant 0 : i32
      %dma_start3A_182 = arith.constant 0 : i32
      %dma_start3A_183 = tpu.memref_slice %dma_start3A_180[%dma_start3A_174, %dma_start3A_181, %dma_start3A_182] : memref<3x2x120xi32, #tpu.memory_space<vmem>> -> memref<1x2x120xi32, #tpu.memory_space<vmem>>
      %dma_start3A_184 = tpu.memref_squeeze %dma_start3A_183 : memref<1x2x120xi32, #tpu.memory_space<vmem>> -> memref<2x120xi32, #tpu.memory_space<vmem>>
      %dma_start3A_185 = arith.constant 0 : i32
      %dma_start3A_186 = tpu.memref_slice %dma_start3A_184[%dma_start3A_175, %dma_start3A_185] : memref<2x120xi32, #tpu.memory_space<vmem>> -> memref<1x120xi32, #tpu.memory_space<vmem>>
      %dma_start3A_187 = tpu.memref_squeeze %dma_start3A_186 : memref<1x120xi32, #tpu.memory_space<vmem>> -> memref<120xi32, #tpu.memory_space<vmem>>
      %dma_start3A_188 = arith.constant 0 : i32
      %dma_start3A_189 = arith.constant 0 : i32
      %dma_start3A_190 = tpu.memref_slice %arg2[%dma_start3A_188, %dma_start3A_189] : memref<10000x128xf32, #tpu.memory_space<hbm>> -> memref<10000x128xf32, #tpu.memory_space<hbm>>
      tpu.enqueue_indirect_dma source(%dma_start3A_190 : memref<10000x128xf32, #tpu.memory_space<hbm>>) target(%arg9 : memref<120x128xf32, #tpu.memory_space<vmem>>) offsets(%dma_start3A_187 : memref<120xi32, #tpu.memory_space<vmem>>) semaphore(%arg13 : memref<!tpu.dma_semaphore, #tpu.memory_space<semaphore_mem>>)
      %dma_wait3A_191 = arith.constant 1 : i32
      %dma_wait3A_192 = arith.constant 0 : i32
      %dma_wait3A_193 = arith.constant 0 : i32
      %dma_wait3A_194 = arith.constant 0 : i32
      %dma_wait3A_195 = arith.constant 0 : i32
      %dma_wait3A_196 = tpu.memref_slice %arg6[%select_n3A_105, %dma_wait3A_193, %dma_wait3A_194, %dma_wait3A_195] : memref<3x3x2x120xi32, #tpu.memory_space<vmem>> -> memref<1x3x2x120xi32, #tpu.memory_space<vmem>>
      %dma_wait3A_197 = tpu.memref_squeeze %dma_wait3A_196 : memref<1x3x2x120xi32, #tpu.memory_space<vmem>> -> memref<3x2x120xi32, #tpu.memory_space<vmem>>
      %dma_wait3A_198 = arith.constant 0 : i32
      %dma_wait3A_199 = arith.constant 0 : i32
      %dma_wait3A_200 = tpu.memref_slice %dma_wait3A_197[%dma_wait3A_191, %dma_wait3A_198, %dma_wait3A_199] : memref<3x2x120xi32, #tpu.memory_space<vmem>> -> memref<1x2x120xi32, #tpu.memory_space<vmem>>
      %dma_wait3A_201 = tpu.memref_squeeze %dma_wait3A_200 : memref<1x2x120xi32, #tpu.memory_space<vmem>> -> memref<2x120xi32, #tpu.memory_space<vmem>>
      %dma_wait3A_202 = arith.constant 0 : i32
      %dma_wait3A_203 = tpu.memref_slice %dma_wait3A_201[%dma_wait3A_192, %dma_wait3A_202] : memref<2x120xi32, #tpu.memory_space<vmem>> -> memref<1x120xi32, #tpu.memory_space<vmem>>
      %dma_wait3A_204 = tpu.memref_squeeze %dma_wait3A_203 : memref<1x120xi32, #tpu.memory_space<vmem>> -> memref<120xi32, #tpu.memory_space<vmem>>
      %dma_wait3A_205 = arith.constant 0 : i32
      %dma_wait3A_206 = arith.constant 0 : i32
      %dma_wait3A_207 = tpu.memref_slice %arg2[%dma_wait3A_205, %dma_wait3A_206] : memref<10000x128xf32, #tpu.memory_space<hbm>> -> memref<10000x128xf32, #tpu.memory_space<hbm>>
      tpu.wait_indirect_dma semaphore(%arg12 : memref<!tpu.dma_semaphore, #tpu.memory_space<semaphore_mem>>) src(%dma_wait3A_207 : memref<10000x128xf32, #tpu.memory_space<hbm>>) dst(%arg8 : memref<120x128xf32, #tpu.memory_space<vmem>>)
      %dma_wait3A_208 = arith.constant 1 : i32
      %dma_wait3A_209 = arith.constant 1 : i32
      %dma_wait3A_210 = arith.constant 0 : i32
      %dma_wait3A_211 = arith.constant 0 : i32
      %dma_wait3A_212 = arith.constant 0 : i32
      %dma_wait3A_213 = tpu.memref_slice %arg6[%select_n3A_105, %dma_wait3A_210, %dma_wait3A_211, %dma_wait3A_212] : memref<3x3x2x120xi32, #tpu.memory_space<vmem>> -> memref<1x3x2x120xi32, #tpu.memory_space<vmem>>
      %dma_wait3A_214 = tpu.memref_squeeze %dma_wait3A_213 : memref<1x3x2x120xi32, #tpu.memory_space<vmem>> -> memref<3x2x120xi32, #tpu.memory_space<vmem>>
      %dma_wait3A_215 = arith.constant 0 : i32
      %dma_wait3A_216 = arith.constant 0 : i32
      %dma_wait3A_217 = tpu.memref_slice %dma_wait3A_214[%dma_wait3A_208, %dma_wait3A_215, %dma_wait3A_216] : memref<3x2x120xi32, #tpu.memory_space<vmem>> -> memref<1x2x120xi32, #tpu.memory_space<vmem>>
      %dma_wait3A_218 = tpu.memref_squeeze %dma_wait3A_217 : memref<1x2x120xi32, #tpu.memory_space<vmem>> -> memref<2x120xi32, #tpu.memory_space<vmem>>
      %dma_wait3A_219 = arith.constant 0 : i32
      %dma_wait3A_220 = tpu.memref_slice %dma_wait3A_218[%dma_wait3A_209, %dma_wait3A_219] : memref<2x120xi32, #tpu.memory_space<vmem>> -> memref<1x120xi32, #tpu.memory_space<vmem>>
      %dma_wait3A_221 = tpu.memref_squeeze %dma_wait3A_220 : memref<1x120xi32, #tpu.memory_space<vmem>> -> memref<120xi32, #tpu.memory_space<vmem>>
      %dma_wait3A_222 = arith.constant 0 : i32
      %dma_wait3A_223 = arith.constant 0 : i32
      %dma_wait3A_224 = tpu.memref_slice %arg10[%dma_wait3A_222, %dma_wait3A_223] : memref<10240x128xf32, #tpu.memory_space<vmem_shared>> -> memref<10240x128xf32, #tpu.memory_space<vmem_shared>>
      tpu.wait_indirect_dma semaphore(%arg14 : memref<!tpu.dma_semaphore, #tpu.memory_space<semaphore_mem>>) src(%arg7 : memref<120x128xf32, #tpu.memory_space<vmem>>) dst(%dma_wait3A_224 : memref<10240x128xf32, #tpu.memory_space<vmem_shared>>)
      %dma_start3A_225 = arith.constant 1 : i32
      %dma_start3A_226 = arith.constant 1 : i32
      %dma_start3A_227 = arith.constant 0 : i32
      %dma_start3A_228 = arith.constant 0 : i32
      %dma_start3A_229 = arith.constant 0 : i32
      %dma_start3A_230 = tpu.memref_slice %arg6[%select_n3A_105, %dma_start3A_227, %dma_start3A_228, %dma_start3A_229] : memref<3x3x2x120xi32, #tpu.memory_space<vmem>> -> memref<1x3x2x120xi32, #tpu.memory_space<vmem>>
      %dma_start3A_231 = tpu.memref_squeeze %dma_start3A_230 : memref<1x3x2x120xi32, #tpu.memory_space<vmem>> -> memref<3x2x120xi32, #tpu.memory_space<vmem>>
      %dma_start3A_232 = arith.constant 0 : i32
      %dma_start3A_233 = arith.constant 0 : i32
      %dma_start3A_234 = tpu.memref_slice %dma_start3A_231[%dma_start3A_225, %dma_start3A_232, %dma_start3A_233] : memref<3x2x120xi32, #tpu.memory_space<vmem>> -> memref<1x2x120xi32, #tpu.memory_space<vmem>>
      %dma_start3A_235 = tpu.memref_squeeze %dma_start3A_234 : memref<1x2x120xi32, #tpu.memory_space<vmem>> -> memref<2x120xi32, #tpu.memory_space<vmem>>
      %dma_start3A_236 = arith.constant 0 : i32
      %dma_start3A_237 = tpu.memref_slice %dma_start3A_235[%dma_start3A_226, %dma_start3A_236] : memref<2x120xi32, #tpu.memory_space<vmem>> -> memref<1x120xi32, #tpu.memory_space<vmem>>
      %dma_start3A_238 = tpu.memref_squeeze %dma_start3A_237 : memref<1x120xi32, #tpu.memory_space<vmem>> -> memref<120xi32, #tpu.memory_space<vmem>>
      %dma_start3A_239 = arith.constant 0 : i32
      %dma_start3A_240 = arith.constant 0 : i32
      %dma_start3A_241 = tpu.memref_slice %arg10[%dma_start3A_239, %dma_start3A_240] : memref<10240x128xf32, #tpu.memory_space<vmem_shared>> -> memref<10240x128xf32, #tpu.memory_space<vmem_shared>>
      tpu.enqueue_indirect_dma source(%arg8 : memref<120x128xf32, #tpu.memory_space<vmem>>) target(%dma_start3A_241 : memref<10240x128xf32, #tpu.memory_space<vmem_shared>>) offsets(%dma_start3A_238 : memref<120xi32, #tpu.memory_space<vmem>>) semaphore(%arg14 : memref<!tpu.dma_semaphore, #tpu.memory_space<semaphore_mem>>) {add = true}
      %convert_element_type3A_242 = arith.extui %lt3A_127 : i1 to i32
      %cond3A_243 = arith.constant 0 : i32
      %cond3A_244 = arith.cmpi ne, %convert_element_type3A_242, %cond3A_243 : i32
      scf.if %cond3A_244 {
        %dma_start3A_299 = arith.constant 0 : i32
        %dma_start3A_300 = arith.constant 0 : i32
        %dma_start3A_301 = arith.constant 0 : i32
        %dma_start3A_302 = arith.constant 0 : i32
        %dma_start3A_303 = arith.constant 0 : i32
        %dma_start3A_304 = tpu.memref_slice %arg6[%select_n3A_123, %dma_start3A_301, %dma_start3A_302, %dma_start3A_303] : memref<3x3x2x120xi32, #tpu.memory_space<vmem>> -> memref<1x3x2x120xi32, #tpu.memory_space<vmem>>
        %dma_start3A_305 = tpu.memref_squeeze %dma_start3A_304 : memref<1x3x2x120xi32, #tpu.memory_space<vmem>> -> memref<3x2x120xi32, #tpu.memory_space<vmem>>
        %dma_start3A_306 = arith.constant 0 : i32
        %dma_start3A_307 = arith.constant 0 : i32
        %dma_start3A_308 = tpu.memref_slice %dma_start3A_305[%dma_start3A_299, %dma_start3A_306, %dma_start3A_307] : memref<3x2x120xi32, #tpu.memory_space<vmem>> -> memref<1x2x120xi32, #tpu.memory_space<vmem>>
        %dma_start3A_309 = tpu.memref_squeeze %dma_start3A_308 : memref<1x2x120xi32, #tpu.memory_space<vmem>> -> memref<2x120xi32, #tpu.memory_space<vmem>>
        %dma_start3A_310 = arith.constant 0 : i32
        %dma_start3A_311 = tpu.memref_slice %dma_start3A_309[%dma_start3A_300, %dma_start3A_310] : memref<2x120xi32, #tpu.memory_space<vmem>> -> memref<1x120xi32, #tpu.memory_space<vmem>>
        %dma_start3A_312 = tpu.memref_squeeze %dma_start3A_311 : memref<1x120xi32, #tpu.memory_space<vmem>> -> memref<120xi32, #tpu.memory_space<vmem>>
        %dma_start3A_313 = arith.constant 0 : i32
        %dma_start3A_314 = arith.constant 0 : i32
        %dma_start3A_315 = tpu.memref_slice %arg2[%dma_start3A_313, %dma_start3A_314] : memref<10000x128xf32, #tpu.memory_space<hbm>> -> memref<10000x128xf32, #tpu.memory_space<hbm>>
        tpu.enqueue_indirect_dma source(%dma_start3A_315 : memref<10000x128xf32, #tpu.memory_space<hbm>>) target(%arg7 : memref<120x128xf32, #tpu.memory_space<vmem>>) offsets(%dma_start3A_312 : memref<120xi32, #tpu.memory_space<vmem>>) semaphore(%arg11 : memref<!tpu.dma_semaphore, #tpu.memory_space<semaphore_mem>>)
      } else {
      }
      %dma_wait3A_245 = arith.constant 2 : i32
      %dma_wait3A_246 = arith.constant 0 : i32
      %dma_wait3A_247 = arith.constant 0 : i32
      %dma_wait3A_248 = arith.constant 0 : i32
      %dma_wait3A_249 = arith.constant 0 : i32
      %dma_wait3A_250 = tpu.memref_slice %arg6[%select_n3A_105, %dma_wait3A_247, %dma_wait3A_248, %dma_wait3A_249] : memref<3x3x2x120xi32, #tpu.memory_space<vmem>> -> memref<1x3x2x120xi32, #tpu.memory_space<vmem>>
      %dma_wait3A_251 = tpu.memref_squeeze %dma_wait3A_250 : memref<1x3x2x120xi32, #tpu.memory_space<vmem>> -> memref<3x2x120xi32, #tpu.memory_space<vmem>>
      %dma_wait3A_252 = arith.constant 0 : i32
      %dma_wait3A_253 = arith.constant 0 : i32
      %dma_wait3A_254 = tpu.memref_slice %dma_wait3A_251[%dma_wait3A_245, %dma_wait3A_252, %dma_wait3A_253] : memref<3x2x120xi32, #tpu.memory_space<vmem>> -> memref<1x2x120xi32, #tpu.memory_space<vmem>>
      %dma_wait3A_255 = tpu.memref_squeeze %dma_wait3A_254 : memref<1x2x120xi32, #tpu.memory_space<vmem>> -> memref<2x120xi32, #tpu.memory_space<vmem>>
      %dma_wait3A_256 = arith.constant 0 : i32
      %dma_wait3A_257 = tpu.memref_slice %dma_wait3A_255[%dma_wait3A_246, %dma_wait3A_256] : memref<2x120xi32, #tpu.memory_space<vmem>> -> memref<1x120xi32, #tpu.memory_space<vmem>>
      %dma_wait3A_258 = tpu.memref_squeeze %dma_wait3A_257 : memref<1x120xi32, #tpu.memory_space<vmem>> -> memref<120xi32, #tpu.memory_space<vmem>>
      %dma_wait3A_259 = arith.constant 0 : i32
      %dma_wait3A_260 = arith.constant 0 : i32
      %dma_wait3A_261 = tpu.memref_slice %arg2[%dma_wait3A_259, %dma_wait3A_260] : memref<10000x128xf32, #tpu.memory_space<hbm>> -> memref<10000x128xf32, #tpu.memory_space<hbm>>
      tpu.wait_indirect_dma semaphore(%arg13 : memref<!tpu.dma_semaphore, #tpu.memory_space<semaphore_mem>>) src(%dma_wait3A_261 : memref<10000x128xf32, #tpu.memory_space<hbm>>) dst(%arg9 : memref<120x128xf32, #tpu.memory_space<vmem>>)
      %dma_wait3A_262 = arith.constant 2 : i32
      %dma_wait3A_263 = arith.constant 1 : i32
      %dma_wait3A_264 = arith.constant 0 : i32
      %dma_wait3A_265 = arith.constant 0 : i32
      %dma_wait3A_266 = arith.constant 0 : i32
      %dma_wait3A_267 = tpu.memref_slice %arg6[%select_n3A_105, %dma_wait3A_264, %dma_wait3A_265, %dma_wait3A_266] : memref<3x3x2x120xi32, #tpu.memory_space<vmem>> -> memref<1x3x2x120xi32, #tpu.memory_space<vmem>>
      %dma_wait3A_268 = tpu.memref_squeeze %dma_wait3A_267 : memref<1x3x2x120xi32, #tpu.memory_space<vmem>> -> memref<3x2x120xi32, #tpu.memory_space<vmem>>
      %dma_wait3A_269 = arith.constant 0 : i32
      %dma_wait3A_270 = arith.constant 0 : i32
      %dma_wait3A_271 = tpu.memref_slice %dma_wait3A_268[%dma_wait3A_262, %dma_wait3A_269, %dma_wait3A_270] : memref<3x2x120xi32, #tpu.memory_space<vmem>> -> memref<1x2x120xi32, #tpu.memory_space<vmem>>
      %dma_wait3A_272 = tpu.memref_squeeze %dma_wait3A_271 : memref<1x2x120xi32, #tpu.memory_space<vmem>> -> memref<2x120xi32, #tpu.memory_space<vmem>>
      %dma_wait3A_273 = arith.constant 0 : i32
      %dma_wait3A_274 = tpu.memref_slice %dma_wait3A_272[%dma_wait3A_263, %dma_wait3A_273] : memref<2x120xi32, #tpu.memory_space<vmem>> -> memref<1x120xi32, #tpu.memory_space<vmem>>
      %dma_wait3A_275 = tpu.memref_squeeze %dma_wait3A_274 : memref<1x120xi32, #tpu.memory_space<vmem>> -> memref<120xi32, #tpu.memory_space<vmem>>
      %dma_wait3A_276 = arith.constant 0 : i32
      %dma_wait3A_277 = arith.constant 0 : i32
      %dma_wait3A_278 = tpu.memref_slice %arg10[%dma_wait3A_276, %dma_wait3A_277] : memref<10240x128xf32, #tpu.memory_space<vmem_shared>> -> memref<10240x128xf32, #tpu.memory_space<vmem_shared>>
      tpu.wait_indirect_dma semaphore(%arg14 : memref<!tpu.dma_semaphore, #tpu.memory_space<semaphore_mem>>) src(%arg8 : memref<120x128xf32, #tpu.memory_space<vmem>>) dst(%dma_wait3A_278 : memref<10240x128xf32, #tpu.memory_space<vmem_shared>>)
      %dma_start3A_279 = arith.constant 2 : i32
      %dma_start3A_280 = arith.constant 1 : i32
      %dma_start3A_281 = arith.constant 0 : i32
      %dma_start3A_282 = arith.constant 0 : i32
      %dma_start3A_283 = arith.constant 0 : i32
      %dma_start3A_284 = tpu.memref_slice %arg6[%select_n3A_105, %dma_start3A_281, %dma_start3A_282, %dma_start3A_283] : memref<3x3x2x120xi32, #tpu.memory_space<vmem>> -> memref<1x3x2x120xi32, #tpu.memory_space<vmem>>
      %dma_start3A_285 = tpu.memref_squeeze %dma_start3A_284 : memref<1x3x2x120xi32, #tpu.memory_space<vmem>> -> memref<3x2x120xi32, #tpu.memory_space<vmem>>
      %dma_start3A_286 = arith.constant 0 : i32
      %dma_start3A_287 = arith.constant 0 : i32
      %dma_start3A_288 = tpu.memref_slice %dma_start3A_285[%dma_start3A_279, %dma_start3A_286, %dma_start3A_287] : memref<3x2x120xi32, #tpu.memory_space<vmem>> -> memref<1x2x120xi32, #tpu.memory_space<vmem>>
      %dma_start3A_289 = tpu.memref_squeeze %dma_start3A_288 : memref<1x2x120xi32, #tpu.memory_space<vmem>> -> memref<2x120xi32, #tpu.memory_space<vmem>>
      %dma_start3A_290 = arith.constant 0 : i32
      %dma_start3A_291 = tpu.memref_slice %dma_start3A_289[%dma_start3A_280, %dma_start3A_290] : memref<2x120xi32, #tpu.memory_space<vmem>> -> memref<1x120xi32, #tpu.memory_space<vmem>>
      %dma_start3A_292 = tpu.memref_squeeze %dma_start3A_291 : memref<1x120xi32, #tpu.memory_space<vmem>> -> memref<120xi32, #tpu.memory_space<vmem>>
      %dma_start3A_293 = arith.constant 0 : i32
      %dma_start3A_294 = arith.constant 0 : i32
      %dma_start3A_295 = tpu.memref_slice %arg10[%dma_start3A_293, %dma_start3A_294] : memref<10240x128xf32, #tpu.memory_space<vmem_shared>> -> memref<10240x128xf32, #tpu.memory_space<vmem_shared>>
      tpu.enqueue_indirect_dma source(%arg9 : memref<120x128xf32, #tpu.memory_space<vmem>>) target(%dma_start3A_295 : memref<10240x128xf32, #tpu.memory_space<vmem_shared>>) offsets(%dma_start3A_292 : memref<120xi32, #tpu.memory_space<vmem>>) semaphore(%arg14 : memref<!tpu.dma_semaphore, #tpu.memory_space<semaphore_mem>>) {add = true}
      %convert_element_type3A_296 = arith.extui %lt3A_127 : i1 to i32
      %cond3A_297 = arith.constant 0 : i32
      %cond3A_298 = arith.cmpi ne, %convert_element_type3A_296, %cond3A_297 : i32
      scf.if %cond3A_298 {
        %dma_start3A_299 = arith.constant 1 : i32
        %dma_start3A_300 = arith.constant 0 : i32
        %dma_start3A_301 = arith.constant 0 : i32
        %dma_start3A_302 = arith.constant 0 : i32
        %dma_start3A_303 = arith.constant 0 : i32
        %dma_start3A_304 = tpu.memref_slice %arg6[%select_n3A_123, %dma_start3A_301, %dma_start3A_302, %dma_start3A_303] : memref<3x3x2x120xi32, #tpu.memory_space<vmem>> -> memref<1x3x2x120xi32, #tpu.memory_space<vmem>>
        %dma_start3A_305 = tpu.memref_squeeze %dma_start3A_304 : memref<1x3x2x120xi32, #tpu.memory_space<vmem>> -> memref<3x2x120xi32, #tpu.memory_space<vmem>>
        %dma_start3A_306 = arith.constant 0 : i32
        %dma_start3A_307 = arith.constant 0 : i32
        %dma_start3A_308 = tpu.memref_slice %dma_start3A_305[%dma_start3A_299, %dma_start3A_306, %dma_start3A_307] : memref<3x2x120xi32, #tpu.memory_space<vmem>> -> memref<1x2x120xi32, #tpu.memory_space<vmem>>
        %dma_start3A_309 = tpu.memref_squeeze %dma_start3A_308 : memref<1x2x120xi32, #tpu.memory_space<vmem>> -> memref<2x120xi32, #tpu.memory_space<vmem>>
        %dma_start3A_310 = arith.constant 0 : i32
        %dma_start3A_311 = tpu.memref_slice %dma_start3A_309[%dma_start3A_300, %dma_start3A_310] : memref<2x120xi32, #tpu.memory_space<vmem>> -> memref<1x120xi32, #tpu.memory_space<vmem>>
        %dma_start3A_312 = tpu.memref_squeeze %dma_start3A_311 : memref<1x120xi32, #tpu.memory_space<vmem>> -> memref<120xi32, #tpu.memory_space<vmem>>
        %dma_start3A_313 = arith.constant 0 : i32
        %dma_start3A_314 = arith.constant 0 : i32
        %dma_start3A_315 = tpu.memref_slice %arg2[%dma_start3A_313, %dma_start3A_314] : memref<10000x128xf32, #tpu.memory_space<hbm>> -> memref<10000x128xf32, #tpu.memory_space<hbm>>
        tpu.enqueue_indirect_dma source(%dma_start3A_315 : memref<10000x128xf32, #tpu.memory_space<hbm>>) target(%arg8 : memref<120x128xf32, #tpu.memory_space<vmem>>) offsets(%dma_start3A_312 : memref<120xi32, #tpu.memory_space<vmem>>) semaphore(%arg12 : memref<!tpu.dma_semaphore, #tpu.memory_space<semaphore_mem>>)
      } else {
      }
    }
    %scan3A_77 = arith.constant 56 : i32
    %dma_wait3A = arith.constant 1 : i32
    %dma_wait3A_78 = arith.constant 2 : i32
    %dma_wait3A_79 = arith.constant 1 : i32
    %dma_wait3A_80 = arith.constant 0 : i32
    %dma_wait3A_81 = arith.constant 0 : i32
    %dma_wait3A_82 = arith.constant 0 : i32
    %dma_wait3A_83 = tpu.memref_slice %arg6[%dma_wait3A, %dma_wait3A_80, %dma_wait3A_81, %dma_wait3A_82] : memref<3x3x2x120xi32, #tpu.memory_space<vmem>> -> memref<1x3x2x120xi32, #tpu.memory_space<vmem>>
    %dma_wait3A_84 = tpu.memref_squeeze %dma_wait3A_83 : memref<1x3x2x120xi32, #tpu.memory_space<vmem>> -> memref<3x2x120xi32, #tpu.memory_space<vmem>>
    %dma_wait3A_85 = arith.constant 0 : i32
    %dma_wait3A_86 = arith.constant 0 : i32
    %dma_wait3A_87 = tpu.memref_slice %dma_wait3A_84[%dma_wait3A_78, %dma_wait3A_85, %dma_wait3A_86] : memref<3x2x120xi32, #tpu.memory_space<vmem>> -> memref<1x2x120xi32, #tpu.memory_space<vmem>>
    %dma_wait3A_88 = tpu.memref_squeeze %dma_wait3A_87 : memref<1x2x120xi32, #tpu.memory_space<vmem>> -> memref<2x120xi32, #tpu.memory_space<vmem>>
    %dma_wait3A_89 = arith.constant 0 : i32
    %dma_wait3A_90 = tpu.memref_slice %dma_wait3A_88[%dma_wait3A_79, %dma_wait3A_89] : memref<2x120xi32, #tpu.memory_space<vmem>> -> memref<1x120xi32, #tpu.memory_space<vmem>>
    %dma_wait3A_91 = tpu.memref_squeeze %dma_wait3A_90 : memref<1x120xi32, #tpu.memory_space<vmem>> -> memref<120xi32, #tpu.memory_space<vmem>>
    %dma_wait3A_92 = arith.constant 0 : i32
    %dma_wait3A_93 = arith.constant 0 : i32
    %dma_wait3A_94 = tpu.memref_slice %arg10[%dma_wait3A_92, %dma_wait3A_93] : memref<10240x128xf32, #tpu.memory_space<vmem_shared>> -> memref<10240x128xf32, #tpu.memory_space<vmem_shared>>
    tpu.wait_indirect_dma semaphore(%arg14 : memref<!tpu.dma_semaphore, #tpu.memory_space<semaphore_mem>>) src(%arg9 : memref<120x128xf32, #tpu.memory_space<vmem>>) dst(%dma_wait3A_94 : memref<10240x128xf32, #tpu.memory_space<vmem_shared>>)
    %barrier3A_95 = arith.constant 0 : index
    tpu.barrier barrier_id(%barrier3A_95)
    "tpu.region"() ({
      %run_scoped3A_96 = tpu.sem_alloc : memref<!tpu.dma_semaphore, #tpu.memory_space<semaphore_mem>>
      %dma_start3A_97 = arith.constant 0 : i32
      %dma_start3A_98 = arith.constant 0 : i32
      %dma_start3A_99 = tpu.memref_slice %arg5[%arg0, %dma_start3A_97, %dma_start3A_98] : memref<2x10240x128xf32, #tpu.memory_space<hbm>> -> memref<1x10240x128xf32, #tpu.memory_space<hbm>>
      %dma_start3A_100 = tpu.memref_squeeze %dma_start3A_99 : memref<1x10240x128xf32, #tpu.memory_space<hbm>> -> memref<10240x128xf32, #tpu.memory_space<hbm>>
      %dma_start3A_101 = arith.constant 0 : i32
      %dma_start3A_102 = tpu.memref_slice %dma_start3A_100[%mul3A_2, %dma_start3A_101] : memref<10240x128xf32, #tpu.memory_space<hbm>> -> memref<640x128xf32, #tpu.memory_space<hbm>>
      %dma_start3A_103 = arith.constant 0 : i32
      %dma_start3A_104 = tpu.memref_slice %arg10[%mul3A_2, %dma_start3A_103] : memref<10240x128xf32, #tpu.memory_space<vmem_shared>> -> memref<640x128xf32, #tpu.memory_space<vmem_shared>>
      tpu.enqueue_dma source(%dma_start3A_104 : memref<640x128xf32, #tpu.memory_space<vmem_shared>>) target(%dma_start3A_102 : memref<640x128xf32, #tpu.memory_space<hbm>>) target_semaphore(%run_scoped3A_96 : memref<!tpu.dma_semaphore, #tpu.memory_space<semaphore_mem>>)
      %dma_wait3A_105 = arith.constant 0 : i32
      %dma_wait3A_106 = arith.constant 0 : i32
      %dma_wait3A_107 = tpu.memref_slice %arg5[%arg0, %dma_wait3A_105, %dma_wait3A_106] : memref<2x10240x128xf32, #tpu.memory_space<hbm>> -> memref<1x10240x128xf32, #tpu.memory_space<hbm>>
      %dma_wait3A_108 = tpu.memref_squeeze %dma_wait3A_107 : memref<1x10240x128xf32, #tpu.memory_space<hbm>> -> memref<10240x128xf32, #tpu.memory_space<hbm>>
      %dma_wait3A_109 = arith.constant 0 : i32
      %dma_wait3A_110 = tpu.memref_slice %dma_wait3A_108[%mul3A_2, %dma_wait3A_109] : memref<10240x128xf32, #tpu.memory_space<hbm>> -> memref<640x128xf32, #tpu.memory_space<hbm>>
      %dma_wait3A_111 = arith.constant 0 : i32
      %dma_wait3A_112 = tpu.memref_slice %arg10[%mul3A_2, %dma_wait3A_111] : memref<10240x128xf32, #tpu.memory_space<vmem_shared>> -> memref<640x128xf32, #tpu.memory_space<vmem_shared>>
      tpu.wait_dma2 semaphore(%run_scoped3A_96 : memref<!tpu.dma_semaphore, #tpu.memory_space<semaphore_mem>>) src(%dma_wait3A_112 : memref<640x128xf32, #tpu.memory_space<vmem_shared>>) dst(%dma_wait3A_110 : memref<640x128xf32, #tpu.memory_space<hbm>>)
      tpu.yield
    }) : () -> ()
    return
  }
}

#map = affine_map<(d0, d1) -> (0, 0)>
#map1 = affine_map<(d0, d1) -> (0, 0, 0, 0, 0)>
#map2 = affine_map<(d0, d1) -> (0, 0, 0)>
module attributes {stable_mosaic.version = 14 : i64} {
  func.func @_sc_scatter(%arg0: i32, %arg1: i32, %arg2: memref<10000x128xf32, #tpu.memory_space<hbm>>, %arg3: memref<32x56x3x2x120xi32, #tpu.memory_space<hbm>>, %arg4: memref<10240x128xf32, #tpu.memory_space<hbm>>, %arg5: memref<2x10240x128xf32, #tpu.memory_space<hbm>>, %arg6: memref<3x3x2x120xi32, #tpu.memory_space<vmem>>, %arg7: memref<120x128xf32, #tpu.memory_space<vmem>>, %arg8: memref<120x128xf32, #tpu.memory_space<vmem>>, %arg9: memref<120x128xf32, #tpu.memory_space<vmem>>, %arg10: memref<10240x128xf32, #tpu.memory_space<vmem_shared>>, %arg11: memref<!tpu.dma_semaphore, #tpu.memory_space<semaphore_mem>>, %arg12: memref<!tpu.dma_semaphore, #tpu.memory_space<semaphore_mem>>, %arg13: memref<!tpu.dma_semaphore, #tpu.memory_space<semaphore_mem>>, %arg14: memref<!tpu.dma_semaphore, #tpu.memory_space<semaphore_mem>>, %arg15: memref<!tpu.dma_semaphore, #tpu.memory_space<semaphore_mem>>) attributes {dimension_semantics = [#tpu.dimension_semantics<core_parallel>, #tpu.dimension_semantics<subcore_parallel>], iteration_bounds = array<i64: 2, 16>, scalar_prefetch = 0 : i64, scratch_operands = 10 : i64, tpu.core_type = #tpu.core_type<sc_vector_subcore>, window_params = [{transform_indices = #map}, {transform_indices = #map1}, {transform_indices = #map}, {transform_indices = #map2}]} {
    %mul3A = arith.constant 2 : i32
    %mul3A_0 = arith.muli %arg1, %mul3A : i32
    %add3A = arith.addi %mul3A_0, %arg0 : i32
    %mul3A_1 = arith.constant 640 : i32
    %mul3A_2 = arith.muli %arg1, %mul3A_1 : i32
    "tpu.region"() ({
      %run_scoped3A_96 = tpu.sem_alloc : memref<!tpu.dma_semaphore, #tpu.memory_space<semaphore_mem>>
      %dma_start3A_97 = arith.constant 0 : i32
      %dma_start3A_98 = tpu.memref_slice %arg10[%mul3A_2, %dma_start3A_97] : memref<10240x128xf32, #tpu.memory_space<vmem_shared>> -> memref<640x128xf32, #tpu.memory_space<vmem_shared>>
      %dma_start3A_99 = arith.constant 0 : i32
      %dma_start3A_100 = tpu.memref_slice %arg4[%mul3A_2, %dma_start3A_99] : memref<10240x128xf32, #tpu.memory_space<hbm>> -> memref<640x128xf32, #tpu.memory_space<hbm>>
      tpu.enqueue_dma source(%dma_start3A_100 : memref<640x128xf32, #tpu.memory_space<hbm>>) target(%dma_start3A_98 : memref<640x128xf32, #tpu.memory_space<vmem_shared>>) target_semaphore(%run_scoped3A_96 : memref<!tpu.dma_semaphore, #tpu.memory_space<semaphore_mem>>)
      %dma_wait3A_101 = arith.constant 0 : i32
      %dma_wait3A_102 = tpu.memref_slice %arg10[%mul3A_2, %dma_wait3A_101] : memref<10240x128xf32, #tpu.memory_space<vmem_shared>> -> memref<640x128xf32, #tpu.memory_space<vmem_shared>>
      %dma_wait3A_103 = arith.constant 0 : i32
      %dma_wait3A_104 = tpu.memref_slice %arg4[%mul3A_2, %dma_wait3A_103] : memref<10240x128xf32, #tpu.memory_space<hbm>> -> memref<640x128xf32, #tpu.memory_space<hbm>>
      tpu.wait_dma2 semaphore(%run_scoped3A_96 : memref<!tpu.dma_semaphore, #tpu.memory_space<semaphore_mem>>) src(%dma_wait3A_104 : memref<640x128xf32, #tpu.memory_space<hbm>>) dst(%dma_wait3A_102 : memref<640x128xf32, #tpu.memory_space<vmem_shared>>)
      tpu.yield
    }) : () -> ()
    %barrier3A = arith.constant 0 : index
    tpu.barrier barrier_id(%barrier3A)
    %run_scoped3A = arith.constant 0 : i32
    %run_scoped3A_3 = arith.constant 0 : i32
    "tpu.region"() ({
      %run_scoped3A_96 = tpu.sem_alloc : memref<!tpu.dma_semaphore, #tpu.memory_space<semaphore_mem>>
      %dma_start3A_97 = arith.constant 0 : i32
      %dma_start3A_98 = arith.constant 0 : i32
      %dma_start3A_99 = arith.constant 0 : i32
      %dma_start3A_100 = tpu.memref_slice %arg6[%run_scoped3A_3, %dma_start3A_97, %dma_start3A_98, %dma_start3A_99] : memref<3x3x2x120xi32, #tpu.memory_space<vmem>> -> memref<1x3x2x120xi32, #tpu.memory_space<vmem>>
      %dma_start3A_101 = tpu.memref_squeeze %dma_start3A_100 : memref<1x3x2x120xi32, #tpu.memory_space<vmem>> -> memref<3x2x120xi32, #tpu.memory_space<vmem>>
      %dma_start3A_102 = arith.constant 0 : i32
      %dma_start3A_103 = arith.constant 0 : i32
      %dma_start3A_104 = arith.constant 0 : i32
      %dma_start3A_105 = arith.constant 0 : i32
      %dma_start3A_106 = tpu.memref_slice %arg3[%add3A, %dma_start3A_102, %dma_start3A_103, %dma_start3A_104, %dma_start3A_105] : memref<32x56x3x2x120xi32, #tpu.memory_space<hbm>> -> memref<1x56x3x2x120xi32, #tpu.memory_space<hbm>>
      %dma_start3A_107 = tpu.memref_squeeze %dma_start3A_106 : memref<1x56x3x2x120xi32, #tpu.memory_space<hbm>> -> memref<56x3x2x120xi32, #tpu.memory_space<hbm>>
      %dma_start3A_108 = arith.constant 0 : i32
      %dma_start3A_109 = arith.constant 0 : i32
      %dma_start3A_110 = arith.constant 0 : i32
      %dma_start3A_111 = tpu.memref_slice %dma_start3A_107[%run_scoped3A, %dma_start3A_108, %dma_start3A_109, %dma_start3A_110] : memref<56x3x2x120xi32, #tpu.memory_space<hbm>> -> memref<1x3x2x120xi32, #tpu.memory_space<hbm>>
      %dma_start3A_112 = tpu.memref_squeeze %dma_start3A_111 : memref<1x3x2x120xi32, #tpu.memory_space<hbm>> -> memref<3x2x120xi32, #tpu.memory_space<hbm>>
      %dma_start3A_113 = arith.constant 0 : i32
      %dma_start3A_114 = arith.constant 0 : i32
      %dma_start3A_115 = arith.constant 0 : i32
      %dma_start3A_116 = tpu.memref_slice %arg6[%run_scoped3A_3, %dma_start3A_113, %dma_start3A_114, %dma_start3A_115] : memref<3x3x2x120xi32, #tpu.memory_space<vmem>> -> memref<1x3x2x120xi32, #tpu.memory_space<vmem>>
      %dma_start3A_117 = tpu.memref_squeeze %dma_start3A_116 : memref<1x3x2x120xi32, #tpu.memory_space<vmem>> -> memref<3x2x120xi32, #tpu.memory_space<vmem>>
      %dma_start3A_118 = arith.constant 0 : i32
      %dma_start3A_119 = arith.constant 0 : i32
      %dma_start3A_120 = arith.constant 0 : i32
      %dma_start3A_121 = arith.constant 0 : i32
      %dma_start3A_122 = tpu.memref_slice %arg3[%add3A, %dma_start3A_118, %dma_start3A_119, %dma_start3A_120, %dma_start3A_121] : memref<32x56x3x2x120xi32, #tpu.memory_space<hbm>> -> memref<1x56x3x2x120xi32, #tpu.memory_space<hbm>>
      %dma_start3A_123 = tpu.memref_squeeze %dma_start3A_122 : memref<1x56x3x2x120xi32, #tpu.memory_space<hbm>> -> memref<56x3x2x120xi32, #tpu.memory_space<hbm>>
      %dma_start3A_124 = arith.constant 0 : i32
      %dma_start3A_125 = arith.constant 0 : i32
      %dma_start3A_126 = arith.constant 0 : i32
      %dma_start3A_127 = tpu.memref_slice %dma_start3A_123[%run_scoped3A, %dma_start3A_124, %dma_start3A_125, %dma_start3A_126] : memref<56x3x2x120xi32, #tpu.memory_space<hbm>> -> memref<1x3x2x120xi32, #tpu.memory_space<hbm>>
      %dma_start3A_128 = tpu.memref_squeeze %dma_start3A_127 : memref<1x3x2x120xi32, #tpu.memory_space<hbm>> -> memref<3x2x120xi32, #tpu.memory_space<hbm>>
      tpu.enqueue_dma source(%dma_start3A_128 : memref<3x2x120xi32, #tpu.memory_space<hbm>>) target(%dma_start3A_117 : memref<3x2x120xi32, #tpu.memory_space<vmem>>) target_semaphore(%run_scoped3A_96 : memref<!tpu.dma_semaphore, #tpu.memory_space<semaphore_mem>>)
      %dma_wait3A_129 = arith.constant 0 : i32
      %dma_wait3A_130 = arith.constant 0 : i32
      %dma_wait3A_131 = arith.constant 0 : i32
      %dma_wait3A_132 = tpu.memref_slice %arg6[%run_scoped3A_3, %dma_wait3A_129, %dma_wait3A_130, %dma_wait3A_131] : memref<3x3x2x120xi32, #tpu.memory_space<vmem>> -> memref<1x3x2x120xi32, #tpu.memory_space<vmem>>
      %dma_wait3A_133 = tpu.memref_squeeze %dma_wait3A_132 : memref<1x3x2x120xi32, #tpu.memory_space<vmem>> -> memref<3x2x120xi32, #tpu.memory_space<vmem>>
      %dma_wait3A_134 = arith.constant 0 : i32
      %dma_wait3A_135 = arith.constant 0 : i32
      %dma_wait3A_136 = arith.constant 0 : i32
      %dma_wait3A_137 = arith.constant 0 : i32
      %dma_wait3A_138 = tpu.memref_slice %arg3[%add3A, %dma_wait3A_134, %dma_wait3A_135, %dma_wait3A_136, %dma_wait3A_137] : memref<32x56x3x2x120xi32, #tpu.memory_space<hbm>> -> memref<1x56x3x2x120xi32, #tpu.memory_space<hbm>>
      %dma_wait3A_139 = tpu.memref_squeeze %dma_wait3A_138 : memref<1x56x3x2x120xi32, #tpu.memory_space<hbm>> -> memref<56x3x2x120xi32, #tpu.memory_space<hbm>>
      %dma_wait3A_140 = arith.constant 0 : i32
      %dma_wait3A_141 = arith.constant 0 : i32
      %dma_wait3A_142 = arith.constant 0 : i32
      %dma_wait3A_143 = tpu.memref_slice %dma_wait3A_139[%run_scoped3A, %dma_wait3A_140, %dma_wait3A_141, %dma_wait3A_142] : memref<56x3x2x120xi32, #tpu.memory_space<hbm>> -> memref<1x3x2x120xi32, #tpu.memory_space<hbm>>
      %dma_wait3A_144 = tpu.memref_squeeze %dma_wait3A_143 : memref<1x3x2x120xi32, #tpu.memory_space<hbm>> -> memref<3x2x120xi32, #tpu.memory_space<hbm>>
      %dma_wait3A_145 = arith.constant 0 : i32
      %dma_wait3A_146 = arith.constant 0 : i32
      %dma_wait3A_147 = arith.constant 0 : i32
      %dma_wait3A_148 = tpu.memref_slice %arg6[%run_scoped3A_3, %dma_wait3A_145, %dma_wait3A_146, %dma_wait3A_147] : memref<3x3x2x120xi32, #tpu.memory_space<vmem>> -> memref<1x3x2x120xi32, #tpu.memory_space<vmem>>
      %dma_wait3A_149 = tpu.memref_squeeze %dma_wait3A_148 : memref<1x3x2x120xi32, #tpu.memory_space<vmem>> -> memref<3x2x120xi32, #tpu.memory_space<vmem>>
      %dma_wait3A_150 = arith.constant 0 : i32
      %dma_wait3A_151 = arith.constant 0 : i32
      %dma_wait3A_152 = arith.constant 0 : i32
      %dma_wait3A_153 = arith.constant 0 : i32
      %dma_wait3A_154 = tpu.memref_slice %arg3[%add3A, %dma_wait3A_150, %dma_wait3A_151, %dma_wait3A_152, %dma_wait3A_153] : memref<32x56x3x2x120xi32, #tpu.memory_space<hbm>> -> memref<1x56x3x2x120xi32, #tpu.memory_space<hbm>>
      %dma_wait3A_155 = tpu.memref_squeeze %dma_wait3A_154 : memref<1x56x3x2x120xi32, #tpu.memory_space<hbm>> -> memref<56x3x2x120xi32, #tpu.memory_space<hbm>>
      %dma_wait3A_156 = arith.constant 0 : i32
      %dma_wait3A_157 = arith.constant 0 : i32
      %dma_wait3A_158 = arith.constant 0 : i32
      %dma_wait3A_159 = tpu.memref_slice %dma_wait3A_155[%run_scoped3A, %dma_wait3A_156, %dma_wait3A_157, %dma_wait3A_158] : memref<56x3x2x120xi32, #tpu.memory_space<hbm>> -> memref<1x3x2x120xi32, #tpu.memory_space<hbm>>
      %dma_wait3A_160 = tpu.memref_squeeze %dma_wait3A_159 : memref<1x3x2x120xi32, #tpu.memory_space<hbm>> -> memref<3x2x120xi32, #tpu.memory_space<hbm>>
      tpu.wait_dma2 semaphore(%run_scoped3A_96 : memref<!tpu.dma_semaphore, #tpu.memory_space<semaphore_mem>>) src(%dma_wait3A_160 : memref<3x2x120xi32, #tpu.memory_space<hbm>>) dst(%dma_wait3A_149 : memref<3x2x120xi32, #tpu.memory_space<vmem>>)
      tpu.yield
    }) : () -> ()
    %dma_start3A = arith.constant 0 : i32
    %dma_start3A_4 = arith.constant 0 : i32
    %dma_start3A_5 = arith.constant 0 : i32
    %dma_start3A_6 = arith.constant 0 : i32
    %dma_start3A_7 = arith.constant 0 : i32
    %dma_start3A_8 = arith.constant 0 : i32
    %dma_start3A_9 = tpu.memref_slice %arg6[%dma_start3A, %dma_start3A_6, %dma_start3A_7, %dma_start3A_8] : memref<3x3x2x120xi32, #tpu.memory_space<vmem>> -> memref<1x3x2x120xi32, #tpu.memory_space<vmem>>
    %dma_start3A_10 = tpu.memref_squeeze %dma_start3A_9 : memref<1x3x2x120xi32, #tpu.memory_space<vmem>> -> memref<3x2x120xi32, #tpu.memory_space<vmem>>
    %dma_start3A_11 = arith.constant 0 : i32
    %dma_start3A_12 = arith.constant 0 : i32
    %dma_start3A_13 = tpu.memref_slice %dma_start3A_10[%dma_start3A_4, %dma_start3A_11, %dma_start3A_12] : memref<3x2x120xi32, #tpu.memory_space<vmem>> -> memref<1x2x120xi32, #tpu.memory_space<vmem>>
    %dma_start3A_14 = tpu.memref_squeeze %dma_start3A_13 : memref<1x2x120xi32, #tpu.memory_space<vmem>> -> memref<2x120xi32, #tpu.memory_space<vmem>>
    %dma_start3A_15 = arith.constant 0 : i32
    %dma_start3A_16 = tpu.memref_slice %dma_start3A_14[%dma_start3A_5, %dma_start3A_15] : memref<2x120xi32, #tpu.memory_space<vmem>> -> memref<1x120xi32, #tpu.memory_space<vmem>>
    %dma_start3A_17 = tpu.memref_squeeze %dma_start3A_16 : memref<1x120xi32, #tpu.memory_space<vmem>> -> memref<120xi32, #tpu.memory_space<vmem>>
    %dma_start3A_18 = arith.constant 0 : i32
    %dma_start3A_19 = arith.constant 0 : i32
    %dma_start3A_20 = tpu.memref_slice %arg2[%dma_start3A_18, %dma_start3A_19] : memref<10000x128xf32, #tpu.memory_space<hbm>> -> memref<10000x128xf32, #tpu.memory_space<hbm>>
    tpu.enqueue_indirect_dma source(%dma_start3A_20 : memref<10000x128xf32, #tpu.memory_space<hbm>>) target(%arg7 : memref<120x128xf32, #tpu.memory_space<vmem>>) offsets(%dma_start3A_17 : memref<120xi32, #tpu.memory_space<vmem>>) semaphore(%arg11 : memref<!tpu.dma_semaphore, #tpu.memory_space<semaphore_mem>>)
    %dma_start3A_21 = arith.constant 0 : i32
    %dma_start3A_22 = arith.constant 1 : i32
    %dma_start3A_23 = arith.constant 0 : i32
    %dma_start3A_24 = arith.constant 0 : i32
    %dma_start3A_25 = arith.constant 0 : i32
    %dma_start3A_26 = arith.constant 0 : i32
    %dma_start3A_27 = tpu.memref_slice %arg6[%dma_start3A_21, %dma_start3A_24, %dma_start3A_25, %dma_start3A_26] : memref<3x3x2x120xi32, #tpu.memory_space<vmem>> -> memref<1x3x2x120xi32, #tpu.memory_space<vmem>>
    %dma_start3A_28 = tpu.memref_squeeze %dma_start3A_27 : memref<1x3x2x120xi32, #tpu.memory_space<vmem>> -> memref<3x2x120xi32, #tpu.memory_space<vmem>>
    %dma_start3A_29 = arith.constant 0 : i32
    %dma_start3A_30 = arith.constant 0 : i32
    %dma_start3A_31 = tpu.memref_slice %dma_start3A_28[%dma_start3A_22, %dma_start3A_29, %dma_start3A_30] : memref<3x2x120xi32, #tpu.memory_space<vmem>> -> memref<1x2x120xi32, #tpu.memory_space<vmem>>
    %dma_start3A_32 = tpu.memref_squeeze %dma_start3A_31 : memref<1x2x120xi32, #tpu.memory_space<vmem>> -> memref<2x120xi32, #tpu.memory_space<vmem>>
    %dma_start3A_33 = arith.constant 0 : i32
    %dma_start3A_34 = tpu.memref_slice %dma_start3A_32[%dma_start3A_23, %dma_start3A_33] : memref<2x120xi32, #tpu.memory_space<vmem>> -> memref<1x120xi32, #tpu.memory_space<vmem>>
    %dma_start3A_35 = tpu.memref_squeeze %dma_start3A_34 : memref<1x120xi32, #tpu.memory_space<vmem>> -> memref<120xi32, #tpu.memory_space<vmem>>
    %dma_start3A_36 = arith.constant 0 : i32
    %dma_start3A_37 = arith.constant 0 : i32
    %dma_start3A_38 = tpu.memref_slice %arg2[%dma_start3A_36, %dma_start3A_37] : memref<10000x128xf32, #tpu.memory_space<hbm>> -> memref<10000x128xf32, #tpu.memory_space<hbm>>
    tpu.enqueue_indirect_dma source(%dma_start3A_38 : memref<10000x128xf32, #tpu.memory_space<hbm>>) target(%arg8 : memref<120x128xf32, #tpu.memory_space<vmem>>) offsets(%dma_start3A_35 : memref<120xi32, #tpu.memory_space<vmem>>) semaphore(%arg12 : memref<!tpu.dma_semaphore, #tpu.memory_space<semaphore_mem>>)
    %dma_start3A_39 = arith.constant 1 : i32
    %dma_start3A_40 = arith.constant 1 : i32
    %dma_start3A_41 = arith.constant 0 : i32
    %dma_start3A_42 = arith.constant 0 : i32
    %dma_start3A_43 = arith.constant 0 : i32
    %dma_start3A_44 = tpu.memref_slice %arg6[%dma_start3A_40, %dma_start3A_41, %dma_start3A_42, %dma_start3A_43] : memref<3x3x2x120xi32, #tpu.memory_space<vmem>> -> memref<1x3x2x120xi32, #tpu.memory_space<vmem>>
    %dma_start3A_45 = tpu.memref_squeeze %dma_start3A_44 : memref<1x3x2x120xi32, #tpu.memory_space<vmem>> -> memref<3x2x120xi32, #tpu.memory_space<vmem>>
    %dma_start3A_46 = arith.constant 0 : i32
    %dma_start3A_47 = arith.constant 0 : i32
    %dma_start3A_48 = arith.constant 0 : i32
    %dma_start3A_49 = arith.constant 0 : i32
    %dma_start3A_50 = tpu.memref_slice %arg3[%add3A, %dma_start3A_46, %dma_start3A_47, %dma_start3A_48, %dma_start3A_49] : memref<32x56x3x2x120xi32, #tpu.memory_space<hbm>> -> memref<1x56x3x2x120xi32, #tpu.memory_space<hbm>>
    %dma_start3A_51 = tpu.memref_squeeze %dma_start3A_50 : memref<1x56x3x2x120xi32, #tpu.memory_space<hbm>> -> memref<56x3x2x120xi32, #tpu.memory_space<hbm>>
    %dma_start3A_52 = arith.constant 0 : i32
    %dma_start3A_53 = arith.constant 0 : i32
    %dma_start3A_54 = arith.constant 0 : i32
    %dma_start3A_55 = tpu.memref_slice %dma_start3A_51[%dma_start3A_39, %dma_start3A_52, %dma_start3A_53, %dma_start3A_54] : memref<56x3x2x120xi32, #tpu.memory_space<hbm>> -> memref<1x3x2x120xi32, #tpu.memory_space<hbm>>
    %dma_start3A_56 = tpu.memref_squeeze %dma_start3A_55 : memref<1x3x2x120xi32, #tpu.memory_space<hbm>> -> memref<3x2x120xi32, #tpu.memory_space<hbm>>
    %dma_start3A_57 = arith.constant 0 : i32
    %dma_start3A_58 = arith.constant 0 : i32
    %dma_start3A_59 = arith.constant 0 : i32
    %dma_start3A_60 = tpu.memref_slice %arg6[%dma_start3A_40, %dma_start3A_57, %dma_start3A_58, %dma_start3A_59] : memref<3x3x2x120xi32, #tpu.memory_space<vmem>> -> memref<1x3x2x120xi32, #tpu.memory_space<vmem>>
    %dma_start3A_61 = tpu.memref_squeeze %dma_start3A_60 : memref<1x3x2x120xi32, #tpu.memory_space<vmem>> -> memref<3x2x120xi32, #tpu.memory_space<vmem>>
    %dma_start3A_62 = arith.constant 0 : i32
    %dma_start3A_63 = arith.constant 0 : i32
    %dma_start3A_64 = arith.constant 0 : i32
    %dma_start3A_65 = arith.constant 0 : i32
    %dma_start3A_66 = tpu.memref_slice %arg3[%add3A, %dma_start3A_62, %dma_start3A_63, %dma_start3A_64, %dma_start3A_65] : memref<32x56x3x2x120xi32, #tpu.memory_space<hbm>> -> memref<1x56x3x2x120xi32, #tpu.memory_space<hbm>>
    %dma_start3A_67 = tpu.memref_squeeze %dma_start3A_66 : memref<1x56x3x2x120xi32, #tpu.memory_space<hbm>> -> memref<56x3x2x120xi32, #tpu.memory_space<hbm>>
    %dma_start3A_68 = arith.constant 0 : i32
    %dma_start3A_69 = arith.constant 0 : i32
    %dma_start3A_70 = arith.constant 0 : i32
    %dma_start3A_71 = tpu.memref_slice %dma_start3A_67[%dma_start3A_39, %dma_start3A_68, %dma_start3A_69, %dma_start3A_70] : memref<56x3x2x120xi32, #tpu.memory_space<hbm>> -> memref<1x3x2x120xi32, #tpu.memory_space<hbm>>
    %dma_start3A_72 = tpu.memref_squeeze %dma_start3A_71 : memref<1x3x2x120xi32, #tpu.memory_space<hbm>> -> memref<3x2x120xi32, #tpu.memory_space<hbm>>
    tpu.enqueue_dma source(%dma_start3A_72 : memref<3x2x120xi32, #tpu.memory_space<hbm>>) target(%dma_start3A_61 : memref<3x2x120xi32, #tpu.memory_space<vmem>>) target_semaphore(%arg15 : memref<!tpu.dma_semaphore, #tpu.memory_space<semaphore_mem>>)
    %scan3A = arith.constant 0 : i32
    %scan3A_73 = arith.constant 0 : i32
    %scan3A_74 = arith.constant 56 : i32
    %scan3A_75 = arith.addi %scan3A_73, %scan3A_74 : i32
    %scan3A_76 = arith.constant 1 : i32
    scf.for %scan3A_96 = %scan3A_73 to %scan3A_75 step %scan3A_76  : i32 {
      %jit3A = arith.constant 3 : i32
      %eq3A = arith.constant 0 : i32
      %eq3A_97 = arith.cmpi eq, %jit3A, %eq3A : i32
      %jit3A_98 = arith.constant 1 : i32
      %select_n3A = arith.select %eq3A_97, %jit3A_98, %jit3A : i32
      %rem3A = arith.remsi %scan3A_96, %select_n3A : i32
      %ne3A = arith.constant 0 : i32
      %ne3A_99 = arith.cmpi ne, %rem3A, %ne3A : i32
      %lt3A = arith.constant 0 : i32
      %lt3A_100 = arith.cmpi slt, %rem3A, %lt3A : i32
      %lt3A_101 = arith.constant 0 : i32
      %lt3A_102 = arith.cmpi slt, %select_n3A, %lt3A_101 : i32
      %ne3A_103 = arith.xori %lt3A_100, %lt3A_102 : i1
      %and3A = arith.andi %ne3A_103, %ne3A_99 : i1
      %add3A_104 = arith.addi %rem3A, %select_n3A : i32
      %select_n3A_105 = arith.select %and3A, %add3A_104, %rem3A : i32
      %add3A_106 = arith.constant 1 : i32
      %add3A_107 = arith.addi %scan3A_96, %add3A_106 : i32
      %jit3A_108 = arith.constant 3 : i32
      %eq3A_109 = arith.constant 0 : i32
      %eq3A_110 = arith.cmpi eq, %jit3A_108, %eq3A_109 : i32
      %jit3A_111 = arith.constant 1 : i32
      %select_n3A_112 = arith.select %eq3A_110, %jit3A_111, %jit3A_108 : i32
      %rem3A_113 = arith.remsi %add3A_107, %select_n3A_112 : i32
      %ne3A_114 = arith.constant 0 : i32
      %ne3A_115 = arith.cmpi ne, %rem3A_113, %ne3A_114 : i32
      %lt3A_116 = arith.constant 0 : i32
      %lt3A_117 = arith.cmpi slt, %rem3A_113, %lt3A_116 : i32
      %lt3A_118 = arith.constant 0 : i32
      %lt3A_119 = arith.cmpi slt, %select_n3A_112, %lt3A_118 : i32
      %ne3A_120 = arith.xori %lt3A_117, %lt3A_119 : i1
      %and3A_121 = arith.andi %ne3A_120, %ne3A_115 : i1
      %add3A_122 = arith.addi %rem3A_113, %select_n3A_112 : i32
      %select_n3A_123 = arith.select %and3A_121, %add3A_122, %rem3A_113 : i32
      %add3A_124 = arith.constant 1 : i32
      %add3A_125 = arith.addi %scan3A_96, %add3A_124 : i32
      %lt3A_126 = arith.constant 56 : i32
      %lt3A_127 = arith.cmpi slt, %add3A_125, %lt3A_126 : i32
      %dma_wait3A_128 = arith.constant 0 : i32
      %dma_wait3A_129 = arith.constant 0 : i32
      %dma_wait3A_130 = arith.constant 0 : i32
      %dma_wait3A_131 = arith.constant 0 : i32
      %dma_wait3A_132 = arith.constant 0 : i32
      %dma_wait3A_133 = tpu.memref_slice %arg6[%select_n3A_105, %dma_wait3A_130, %dma_wait3A_131, %dma_wait3A_132] : memref<3x3x2x120xi32, #tpu.memory_space<vmem>> -> memref<1x3x2x120xi32, #tpu.memory_space<vmem>>
      %dma_wait3A_134 = tpu.memref_squeeze %dma_wait3A_133 : memref<1x3x2x120xi32, #tpu.memory_space<vmem>> -> memref<3x2x120xi32, #tpu.memory_space<vmem>>
      %dma_wait3A_135 = arith.constant 0 : i32
      %dma_wait3A_136 = arith.constant 0 : i32
      %dma_wait3A_137 = tpu.memref_slice %dma_wait3A_134[%dma_wait3A_128, %dma_wait3A_135, %dma_wait3A_136] : memref<3x2x120xi32, #tpu.memory_space<vmem>> -> memref<1x2x120xi32, #tpu.memory_space<vmem>>
      %dma_wait3A_138 = tpu.memref_squeeze %dma_wait3A_137 : memref<1x2x120xi32, #tpu.memory_space<vmem>> -> memref<2x120xi32, #tpu.memory_space<vmem>>
      %dma_wait3A_139 = arith.constant 0 : i32
      %dma_wait3A_140 = tpu.memref_slice %dma_wait3A_138[%dma_wait3A_129, %dma_wait3A_139] : memref<2x120xi32, #tpu.memory_space<vmem>> -> memref<1x120xi32, #tpu.memory_space<vmem>>
      %dma_wait3A_141 = tpu.memref_squeeze %dma_wait3A_140 : memref<1x120xi32, #tpu.memory_space<vmem>> -> memref<120xi32, #tpu.memory_space<vmem>>
      %dma_wait3A_142 = arith.constant 0 : i32
      %dma_wait3A_143 = arith.constant 0 : i32
      %dma_wait3A_144 = tpu.memref_slice %arg2[%dma_wait3A_142, %dma_wait3A_143] : memref<10000x128xf32, #tpu.memory_space<hbm>> -> memref<10000x128xf32, #tpu.memory_space<hbm>>
      tpu.wait_indirect_dma semaphore(%arg11 : memref<!tpu.dma_semaphore, #tpu.memory_space<semaphore_mem>>) src(%dma_wait3A_144 : memref<10000x128xf32, #tpu.memory_space<hbm>>) dst(%arg7 : memref<120x128xf32, #tpu.memory_space<vmem>>)
      %gt3A = arith.constant 0 : i32
      %gt3A_145 = arith.cmpi sgt, %scan3A_96, %gt3A : i32
      %convert_element_type3A = arith.extui %gt3A_145 : i1 to i32
      %cond3A = arith.constant 0 : i32
      %cond3A_146 = arith.cmpi ne, %convert_element_type3A, %cond3A : i32
      scf.if %cond3A_146 {
        %dma_wait3A_299 = arith.constant 0 : i32
        %dma_wait3A_300 = arith.constant 1 : i32
        %dma_wait3A_301 = arith.constant 0 : i32
        %dma_wait3A_302 = arith.constant 0 : i32
        %dma_wait3A_303 = arith.constant 0 : i32
        %dma_wait3A_304 = tpu.memref_slice %arg6[%select_n3A_105, %dma_wait3A_301, %dma_wait3A_302, %dma_wait3A_303] : memref<3x3x2x120xi32, #tpu.memory_space<vmem>> -> memref<1x3x2x120xi32, #tpu.memory_space<vmem>>
        %dma_wait3A_305 = tpu.memref_squeeze %dma_wait3A_304 : memref<1x3x2x120xi32, #tpu.memory_space<vmem>> -> memref<3x2x120xi32, #tpu.memory_space<vmem>>
        %dma_wait3A_306 = arith.constant 0 : i32
        %dma_wait3A_307 = arith.constant 0 : i32
        %dma_wait3A_308 = tpu.memref_slice %dma_wait3A_305[%dma_wait3A_299, %dma_wait3A_306, %dma_wait3A_307] : memref<3x2x120xi32, #tpu.memory_space<vmem>> -> memref<1x2x120xi32, #tpu.memory_space<vmem>>
        %dma_wait3A_309 = tpu.memref_squeeze %dma_wait3A_308 : memref<1x2x120xi32, #tpu.memory_space<vmem>> -> memref<2x120xi32, #tpu.memory_space<vmem>>
        %dma_wait3A_310 = arith.constant 0 : i32
        %dma_wait3A_311 = tpu.memref_slice %dma_wait3A_309[%dma_wait3A_300, %dma_wait3A_310] : memref<2x120xi32, #tpu.memory_space<vmem>> -> memref<1x120xi32, #tpu.memory_space<vmem>>
        %dma_wait3A_312 = tpu.memref_squeeze %dma_wait3A_311 : memref<1x120xi32, #tpu.memory_space<vmem>> -> memref<120xi32, #tpu.memory_space<vmem>>
        %dma_wait3A_313 = arith.constant 0 : i32
        %dma_wait3A_314 = arith.constant 0 : i32
        %dma_wait3A_315 = tpu.memref_slice %arg10[%dma_wait3A_313, %dma_wait3A_314] : memref<10240x128xf32, #tpu.memory_space<vmem_shared>> -> memref<10240x128xf32, #tpu.memory_space<vmem_shared>>
        tpu.wait_indirect_dma semaphore(%arg14 : memref<!tpu.dma_semaphore, #tpu.memory_space<semaphore_mem>>) src(%arg9 : memref<120x128xf32, #tpu.memory_space<vmem>>) dst(%dma_wait3A_315 : memref<10240x128xf32, #tpu.memory_space<vmem_shared>>)
      } else {
      }
      %convert_element_type3A_147 = arith.extui %lt3A_127 : i1 to i32
      %cond3A_148 = arith.constant 0 : i32
      %cond3A_149 = arith.cmpi ne, %convert_element_type3A_147, %cond3A_148 : i32
      scf.if %cond3A_149 {
        %add3A_299 = arith.constant 1 : i32
        %add3A_300 = arith.addi %scan3A_96, %add3A_299 : i32
        %dma_wait3A_301 = arith.constant 0 : i32
        %dma_wait3A_302 = arith.constant 0 : i32
        %dma_wait3A_303 = arith.constant 0 : i32
        %dma_wait3A_304 = tpu.memref_slice %arg6[%select_n3A_123, %dma_wait3A_301, %dma_wait3A_302, %dma_wait3A_303] : memref<3x3x2x120xi32, #tpu.memory_space<vmem>> -> memref<1x3x2x120xi32, #tpu.memory_space<vmem>>
        %dma_wait3A_305 = tpu.memref_squeeze %dma_wait3A_304 : memref<1x3x2x120xi32, #tpu.memory_space<vmem>> -> memref<3x2x120xi32, #tpu.memory_space<vmem>>
        %dma_wait3A_306 = arith.constant 0 : i32
        %dma_wait3A_307 = arith.constant 0 : i32
        %dma_wait3A_308 = arith.constant 0 : i32
        %dma_wait3A_309 = arith.constant 0 : i32
        %dma_wait3A_310 = tpu.memref_slice %arg3[%add3A, %dma_wait3A_306, %dma_wait3A_307, %dma_wait3A_308, %dma_wait3A_309] : memref<32x56x3x2x120xi32, #tpu.memory_space<hbm>> -> memref<1x56x3x2x120xi32, #tpu.memory_space<hbm>>
        %dma_wait3A_311 = tpu.memref_squeeze %dma_wait3A_310 : memref<1x56x3x2x120xi32, #tpu.memory_space<hbm>> -> memref<56x3x2x120xi32, #tpu.memory_space<hbm>>
        %dma_wait3A_312 = arith.constant 0 : i32
        %dma_wait3A_313 = arith.constant 0 : i32
        %dma_wait3A_314 = arith.constant 0 : i32
        %dma_wait3A_315 = tpu.memref_slice %dma_wait3A_311[%add3A_300, %dma_wait3A_312, %dma_wait3A_313, %dma_wait3A_314] : memref<56x3x2x120xi32, #tpu.memory_space<hbm>> -> memref<1x3x2x120xi32, #tpu.memory_space<hbm>>
        %dma_wait3A_316 = tpu.memref_squeeze %dma_wait3A_315 : memref<1x3x2x120xi32, #tpu.memory_space<hbm>> -> memref<3x2x120xi32, #tpu.memory_space<hbm>>
        %dma_wait3A_317 = arith.constant 0 : i32
        %dma_wait3A_318 = arith.constant 0 : i32
        %dma_wait3A_319 = arith.constant 0 : i32
        %dma_wait3A_320 = tpu.memref_slice %arg6[%select_n3A_123, %dma_wait3A_317, %dma_wait3A_318, %dma_wait3A_319] : memref<3x3x2x120xi32, #tpu.memory_space<vmem>> -> memref<1x3x2x120xi32, #tpu.memory_space<vmem>>
        %dma_wait3A_321 = tpu.memref_squeeze %dma_wait3A_320 : memref<1x3x2x120xi32, #tpu.memory_space<vmem>> -> memref<3x2x120xi32, #tpu.memory_space<vmem>>
        %dma_wait3A_322 = arith.constant 0 : i32
        %dma_wait3A_323 = arith.constant 0 : i32
        %dma_wait3A_324 = arith.constant 0 : i32
        %dma_wait3A_325 = arith.constant 0 : i32
        %dma_wait3A_326 = tpu.memref_slice %arg3[%add3A, %dma_wait3A_322, %dma_wait3A_323, %dma_wait3A_324, %dma_wait3A_325] : memref<32x56x3x2x120xi32, #tpu.memory_space<hbm>> -> memref<1x56x3x2x120xi32, #tpu.memory_space<hbm>>
        %dma_wait3A_327 = tpu.memref_squeeze %dma_wait3A_326 : memref<1x56x3x2x120xi32, #tpu.memory_space<hbm>> -> memref<56x3x2x120xi32, #tpu.memory_space<hbm>>
        %dma_wait3A_328 = arith.constant 0 : i32
        %dma_wait3A_329 = arith.constant 0 : i32
        %dma_wait3A_330 = arith.constant 0 : i32
        %dma_wait3A_331 = tpu.memref_slice %dma_wait3A_327[%add3A_300, %dma_wait3A_328, %dma_wait3A_329, %dma_wait3A_330] : memref<56x3x2x120xi32, #tpu.memory_space<hbm>> -> memref<1x3x2x120xi32, #tpu.memory_space<hbm>>
        %dma_wait3A_332 = tpu.memref_squeeze %dma_wait3A_331 : memref<1x3x2x120xi32, #tpu.memory_space<hbm>> -> memref<3x2x120xi32, #tpu.memory_space<hbm>>
        tpu.wait_dma2 semaphore(%arg15 : memref<!tpu.dma_semaphore, #tpu.memory_space<semaphore_mem>>) src(%dma_wait3A_332 : memref<3x2x120xi32, #tpu.memory_space<hbm>>) dst(%dma_wait3A_321 : memref<3x2x120xi32, #tpu.memory_space<vmem>>)
      } else {
      }
      %add3A_150 = arith.constant 2 : i32
      %add3A_151 = arith.addi %scan3A_96, %add3A_150 : i32
      %lt3A_152 = arith.constant 56 : i32
      %lt3A_153 = arith.cmpi slt, %add3A_151, %lt3A_152 : i32
      %convert_element_type3A_154 = arith.extui %lt3A_153 : i1 to i32
      %cond3A_155 = arith.constant 0 : i32
      %cond3A_156 = arith.cmpi ne, %convert_element_type3A_154, %cond3A_155 : i32
      scf.if %cond3A_156 {
        %add3A_299 = arith.constant 2 : i32
        %add3A_300 = arith.addi %scan3A_96, %add3A_299 : i32
        %add3A_301 = arith.constant 2 : i32
        %add3A_302 = arith.addi %scan3A_96, %add3A_301 : i32
        %jit3A_303 = arith.constant 3 : i32
        %eq3A_304 = arith.constant 0 : i32
        %eq3A_305 = arith.cmpi eq, %jit3A_303, %eq3A_304 : i32
        %jit3A_306 = arith.constant 1 : i32
        %select_n3A_307 = arith.select %eq3A_305, %jit3A_306, %jit3A_303 : i32
        %rem3A_308 = arith.remsi %add3A_302, %select_n3A_307 : i32
        %ne3A_309 = arith.constant 0 : i32
        %ne3A_310 = arith.cmpi ne, %rem3A_308, %ne3A_309 : i32
        %lt3A_311 = arith.constant 0 : i32
        %lt3A_312 = arith.cmpi slt, %rem3A_308, %lt3A_311 : i32
        %lt3A_313 = arith.constant 0 : i32
        %lt3A_314 = arith.cmpi slt, %select_n3A_307, %lt3A_313 : i32
        %ne3A_315 = arith.xori %lt3A_312, %lt3A_314 : i1
        %and3A_316 = arith.andi %ne3A_315, %ne3A_310 : i1
        %add3A_317 = arith.addi %rem3A_308, %select_n3A_307 : i32
        %select_n3A_318 = arith.select %and3A_316, %add3A_317, %rem3A_308 : i32
        %dma_start3A_319 = arith.constant 0 : i32
        %dma_start3A_320 = arith.constant 0 : i32
        %dma_start3A_321 = arith.constant 0 : i32
        %dma_start3A_322 = tpu.memref_slice %arg6[%select_n3A_318, %dma_start3A_319, %dma_start3A_320, %dma_start3A_321] : memref<3x3x2x120xi32, #tpu.memory_space<vmem>> -> memref<1x3x2x120xi32, #tpu.memory_space<vmem>>
        %dma_start3A_323 = tpu.memref_squeeze %dma_start3A_322 : memref<1x3x2x120xi32, #tpu.memory_space<vmem>> -> memref<3x2x120xi32, #tpu.memory_space<vmem>>
        %dma_start3A_324 = arith.constant 0 : i32
        %dma_start3A_325 = arith.constant 0 : i32
        %dma_start3A_326 = arith.constant 0 : i32
        %dma_start3A_327 = arith.constant 0 : i32
        %dma_start3A_328 = tpu.memref_slice %arg3[%add3A, %dma_start3A_324, %dma_start3A_325, %dma_start3A_326, %dma_start3A_327] : memref<32x56x3x2x120xi32, #tpu.memory_space<hbm>> -> memref<1x56x3x2x120xi32, #tpu.memory_space<hbm>>
        %dma_start3A_329 = tpu.memref_squeeze %dma_start3A_328 : memref<1x56x3x2x120xi32, #tpu.memory_space<hbm>> -> memref<56x3x2x120xi32, #tpu.memory_space<hbm>>
        %dma_start3A_330 = arith.constant 0 : i32
        %dma_start3A_331 = arith.constant 0 : i32
        %dma_start3A_332 = arith.constant 0 : i32
        %dma_start3A_333 = tpu.memref_slice %dma_start3A_329[%add3A_300, %dma_start3A_330, %dma_start3A_331, %dma_start3A_332] : memref<56x3x2x120xi32, #tpu.memory_space<hbm>> -> memref<1x3x2x120xi32, #tpu.memory_space<hbm>>
        %dma_start3A_334 = tpu.memref_squeeze %dma_start3A_333 : memref<1x3x2x120xi32, #tpu.memory_space<hbm>> -> memref<3x2x120xi32, #tpu.memory_space<hbm>>
        %dma_start3A_335 = arith.constant 0 : i32
        %dma_start3A_336 = arith.constant 0 : i32
        %dma_start3A_337 = arith.constant 0 : i32
        %dma_start3A_338 = tpu.memref_slice %arg6[%select_n3A_318, %dma_start3A_335, %dma_start3A_336, %dma_start3A_337] : memref<3x3x2x120xi32, #tpu.memory_space<vmem>> -> memref<1x3x2x120xi32, #tpu.memory_space<vmem>>
        %dma_start3A_339 = tpu.memref_squeeze %dma_start3A_338 : memref<1x3x2x120xi32, #tpu.memory_space<vmem>> -> memref<3x2x120xi32, #tpu.memory_space<vmem>>
        %dma_start3A_340 = arith.constant 0 : i32
        %dma_start3A_341 = arith.constant 0 : i32
        %dma_start3A_342 = arith.constant 0 : i32
        %dma_start3A_343 = arith.constant 0 : i32
        %dma_start3A_344 = tpu.memref_slice %arg3[%add3A, %dma_start3A_340, %dma_start3A_341, %dma_start3A_342, %dma_start3A_343] : memref<32x56x3x2x120xi32, #tpu.memory_space<hbm>> -> memref<1x56x3x2x120xi32, #tpu.memory_space<hbm>>
        %dma_start3A_345 = tpu.memref_squeeze %dma_start3A_344 : memref<1x56x3x2x120xi32, #tpu.memory_space<hbm>> -> memref<56x3x2x120xi32, #tpu.memory_space<hbm>>
        %dma_start3A_346 = arith.constant 0 : i32
        %dma_start3A_347 = arith.constant 0 : i32
        %dma_start3A_348 = arith.constant 0 : i32
        %dma_start3A_349 = tpu.memref_slice %dma_start3A_345[%add3A_300, %dma_start3A_346, %dma_start3A_347, %dma_start3A_348] : memref<56x3x2x120xi32, #tpu.memory_space<hbm>> -> memref<1x3x2x120xi32, #tpu.memory_space<hbm>>
        %dma_start3A_350 = tpu.memref_squeeze %dma_start3A_349 : memref<1x3x2x120xi32, #tpu.memory_space<hbm>> -> memref<3x2x120xi32, #tpu.memory_space<hbm>>
        tpu.enqueue_dma source(%dma_start3A_350 : memref<3x2x120xi32, #tpu.memory_space<hbm>>) target(%dma_start3A_339 : memref<3x2x120xi32, #tpu.memory_space<vmem>>) target_semaphore(%arg15 : memref<!tpu.dma_semaphore, #tpu.memory_space<semaphore_mem>>)
      } else {
      }
      %dma_start3A_157 = arith.constant 0 : i32
      %dma_start3A_158 = arith.constant 1 : i32
      %dma_start3A_159 = arith.constant 0 : i32
      %dma_start3A_160 = arith.constant 0 : i32
      %dma_start3A_161 = arith.constant 0 : i32
      %dma_start3A_162 = tpu.memref_slice %arg6[%select_n3A_105, %dma_start3A_159, %dma_start3A_160, %dma_start3A_161] : memref<3x3x2x120xi32, #tpu.memory_space<vmem>> -> memref<1x3x2x120xi32, #tpu.memory_space<vmem>>
      %dma_start3A_163 = tpu.memref_squeeze %dma_start3A_162 : memref<1x3x2x120xi32, #tpu.memory_space<vmem>> -> memref<3x2x120xi32, #tpu.memory_space<vmem>>
      %dma_start3A_164 = arith.constant 0 : i32
      %dma_start3A_165 = arith.constant 0 : i32
      %dma_start3A_166 = tpu.memref_slice %dma_start3A_163[%dma_start3A_157, %dma_start3A_164, %dma_start3A_165] : memref<3x2x120xi32, #tpu.memory_space<vmem>> -> memref<1x2x120xi32, #tpu.memory_space<vmem>>
      %dma_start3A_167 = tpu.memref_squeeze %dma_start3A_166 : memref<1x2x120xi32, #tpu.memory_space<vmem>> -> memref<2x120xi32, #tpu.memory_space<vmem>>
      %dma_start3A_168 = arith.constant 0 : i32
      %dma_start3A_169 = tpu.memref_slice %dma_start3A_167[%dma_start3A_158, %dma_start3A_168] : memref<2x120xi32, #tpu.memory_space<vmem>> -> memref<1x120xi32, #tpu.memory_space<vmem>>
      %dma_start3A_170 = tpu.memref_squeeze %dma_start3A_169 : memref<1x120xi32, #tpu.memory_space<vmem>> -> memref<120xi32, #tpu.memory_space<vmem>>
      %dma_start3A_171 = arith.constant 0 : i32
      %dma_start3A_172 = arith.constant 0 : i32
      %dma_start3A_173 = tpu.memref_slice %arg10[%dma_start3A_171, %dma_start3A_172] : memref<10240x128xf32, #tpu.memory_space<vmem_shared>> -> memref<10240x128xf32, #tpu.memory_space<vmem_shared>>
      tpu.enqueue_indirect_dma source(%arg7 : memref<120x128xf32, #tpu.memory_space<vmem>>) target(%dma_start3A_173 : memref<10240x128xf32, #tpu.memory_space<vmem_shared>>) offsets(%dma_start3A_170 : memref<120xi32, #tpu.memory_space<vmem>>) semaphore(%arg14 : memref<!tpu.dma_semaphore, #tpu.memory_space<semaphore_mem>>) {add = true}
      %dma_start3A_174 = arith.constant 2 : i32
      %dma_start3A_175 = arith.constant 0 : i32
      %dma_start3A_176 = arith.constant 0 : i32
      %dma_start3A_177 = arith.constant 0 : i32
      %dma_start3A_178 = arith.constant 0 : i32
      %dma_start3A_179 = tpu.memref_slice %arg6[%select_n3A_105, %dma_start3A_176, %dma_start3A_177, %dma_start3A_178] : memref<3x3x2x120xi32, #tpu.memory_space<vmem>> -> memref<1x3x2x120xi32, #tpu.memory_space<vmem>>
      %dma_start3A_180 = tpu.memref_squeeze %dma_start3A_179 : memref<1x3x2x120xi32, #tpu.memory_space<vmem>> -> memref<3x2x120xi32, #tpu.memory_space<vmem>>
      %dma_start3A_181 = arith.constant 0 : i32
      %dma_start3A_182 = arith.constant 0 : i32
      %dma_start3A_183 = tpu.memref_slice %dma_start3A_180[%dma_start3A_174, %dma_start3A_181, %dma_start3A_182] : memref<3x2x120xi32, #tpu.memory_space<vmem>> -> memref<1x2x120xi32, #tpu.memory_space<vmem>>
      %dma_start3A_184 = tpu.memref_squeeze %dma_start3A_183 : memref<1x2x120xi32, #tpu.memory_space<vmem>> -> memref<2x120xi32, #tpu.memory_space<vmem>>
      %dma_start3A_185 = arith.constant 0 : i32
      %dma_start3A_186 = tpu.memref_slice %dma_start3A_184[%dma_start3A_175, %dma_start3A_185] : memref<2x120xi32, #tpu.memory_space<vmem>> -> memref<1x120xi32, #tpu.memory_space<vmem>>
      %dma_start3A_187 = tpu.memref_squeeze %dma_start3A_186 : memref<1x120xi32, #tpu.memory_space<vmem>> -> memref<120xi32, #tpu.memory_space<vmem>>
      %dma_start3A_188 = arith.constant 0 : i32
      %dma_start3A_189 = arith.constant 0 : i32
      %dma_start3A_190 = tpu.memref_slice %arg2[%dma_start3A_188, %dma_start3A_189] : memref<10000x128xf32, #tpu.memory_space<hbm>> -> memref<10000x128xf32, #tpu.memory_space<hbm>>
      tpu.enqueue_indirect_dma source(%dma_start3A_190 : memref<10000x128xf32, #tpu.memory_space<hbm>>) target(%arg9 : memref<120x128xf32, #tpu.memory_space<vmem>>) offsets(%dma_start3A_187 : memref<120xi32, #tpu.memory_space<vmem>>) semaphore(%arg13 : memref<!tpu.dma_semaphore, #tpu.memory_space<semaphore_mem>>)
      %dma_wait3A_191 = arith.constant 1 : i32
      %dma_wait3A_192 = arith.constant 0 : i32
      %dma_wait3A_193 = arith.constant 0 : i32
      %dma_wait3A_194 = arith.constant 0 : i32
      %dma_wait3A_195 = arith.constant 0 : i32
      %dma_wait3A_196 = tpu.memref_slice %arg6[%select_n3A_105, %dma_wait3A_193, %dma_wait3A_194, %dma_wait3A_195] : memref<3x3x2x120xi32, #tpu.memory_space<vmem>> -> memref<1x3x2x120xi32, #tpu.memory_space<vmem>>
      %dma_wait3A_197 = tpu.memref_squeeze %dma_wait3A_196 : memref<1x3x2x120xi32, #tpu.memory_space<vmem>> -> memref<3x2x120xi32, #tpu.memory_space<vmem>>
      %dma_wait3A_198 = arith.constant 0 : i32
      %dma_wait3A_199 = arith.constant 0 : i32
      %dma_wait3A_200 = tpu.memref_slice %dma_wait3A_197[%dma_wait3A_191, %dma_wait3A_198, %dma_wait3A_199] : memref<3x2x120xi32, #tpu.memory_space<vmem>> -> memref<1x2x120xi32, #tpu.memory_space<vmem>>
      %dma_wait3A_201 = tpu.memref_squeeze %dma_wait3A_200 : memref<1x2x120xi32, #tpu.memory_space<vmem>> -> memref<2x120xi32, #tpu.memory_space<vmem>>
      %dma_wait3A_202 = arith.constant 0 : i32
      %dma_wait3A_203 = tpu.memref_slice %dma_wait3A_201[%dma_wait3A_192, %dma_wait3A_202] : memref<2x120xi32, #tpu.memory_space<vmem>> -> memref<1x120xi32, #tpu.memory_space<vmem>>
      %dma_wait3A_204 = tpu.memref_squeeze %dma_wait3A_203 : memref<1x120xi32, #tpu.memory_space<vmem>> -> memref<120xi32, #tpu.memory_space<vmem>>
      %dma_wait3A_205 = arith.constant 0 : i32
      %dma_wait3A_206 = arith.constant 0 : i32
      %dma_wait3A_207 = tpu.memref_slice %arg2[%dma_wait3A_205, %dma_wait3A_206] : memref<10000x128xf32, #tpu.memory_space<hbm>> -> memref<10000x128xf32, #tpu.memory_space<hbm>>
      tpu.wait_indirect_dma semaphore(%arg12 : memref<!tpu.dma_semaphore, #tpu.memory_space<semaphore_mem>>) src(%dma_wait3A_207 : memref<10000x128xf32, #tpu.memory_space<hbm>>) dst(%arg8 : memref<120x128xf32, #tpu.memory_space<vmem>>)
      %dma_wait3A_208 = arith.constant 1 : i32
      %dma_wait3A_209 = arith.constant 1 : i32
      %dma_wait3A_210 = arith.constant 0 : i32
      %dma_wait3A_211 = arith.constant 0 : i32
      %dma_wait3A_212 = arith.constant 0 : i32
      %dma_wait3A_213 = tpu.memref_slice %arg6[%select_n3A_105, %dma_wait3A_210, %dma_wait3A_211, %dma_wait3A_212] : memref<3x3x2x120xi32, #tpu.memory_space<vmem>> -> memref<1x3x2x120xi32, #tpu.memory_space<vmem>>
      %dma_wait3A_214 = tpu.memref_squeeze %dma_wait3A_213 : memref<1x3x2x120xi32, #tpu.memory_space<vmem>> -> memref<3x2x120xi32, #tpu.memory_space<vmem>>
      %dma_wait3A_215 = arith.constant 0 : i32
      %dma_wait3A_216 = arith.constant 0 : i32
      %dma_wait3A_217 = tpu.memref_slice %dma_wait3A_214[%dma_wait3A_208, %dma_wait3A_215, %dma_wait3A_216] : memref<3x2x120xi32, #tpu.memory_space<vmem>> -> memref<1x2x120xi32, #tpu.memory_space<vmem>>
      %dma_wait3A_218 = tpu.memref_squeeze %dma_wait3A_217 : memref<1x2x120xi32, #tpu.memory_space<vmem>> -> memref<2x120xi32, #tpu.memory_space<vmem>>
      %dma_wait3A_219 = arith.constant 0 : i32
      %dma_wait3A_220 = tpu.memref_slice %dma_wait3A_218[%dma_wait3A_209, %dma_wait3A_219] : memref<2x120xi32, #tpu.memory_space<vmem>> -> memref<1x120xi32, #tpu.memory_space<vmem>>
      %dma_wait3A_221 = tpu.memref_squeeze %dma_wait3A_220 : memref<1x120xi32, #tpu.memory_space<vmem>> -> memref<120xi32, #tpu.memory_space<vmem>>
      %dma_wait3A_222 = arith.constant 0 : i32
      %dma_wait3A_223 = arith.constant 0 : i32
      %dma_wait3A_224 = tpu.memref_slice %arg10[%dma_wait3A_222, %dma_wait3A_223] : memref<10240x128xf32, #tpu.memory_space<vmem_shared>> -> memref<10240x128xf32, #tpu.memory_space<vmem_shared>>
      tpu.wait_indirect_dma semaphore(%arg14 : memref<!tpu.dma_semaphore, #tpu.memory_space<semaphore_mem>>) src(%arg7 : memref<120x128xf32, #tpu.memory_space<vmem>>) dst(%dma_wait3A_224 : memref<10240x128xf32, #tpu.memory_space<vmem_shared>>)
      %dma_start3A_225 = arith.constant 1 : i32
      %dma_start3A_226 = arith.constant 1 : i32
      %dma_start3A_227 = arith.constant 0 : i32
      %dma_start3A_228 = arith.constant 0 : i32
      %dma_start3A_229 = arith.constant 0 : i32
      %dma_start3A_230 = tpu.memref_slice %arg6[%select_n3A_105, %dma_start3A_227, %dma_start3A_228, %dma_start3A_229] : memref<3x3x2x120xi32, #tpu.memory_space<vmem>> -> memref<1x3x2x120xi32, #tpu.memory_space<vmem>>
      %dma_start3A_231 = tpu.memref_squeeze %dma_start3A_230 : memref<1x3x2x120xi32, #tpu.memory_space<vmem>> -> memref<3x2x120xi32, #tpu.memory_space<vmem>>
      %dma_start3A_232 = arith.constant 0 : i32
      %dma_start3A_233 = arith.constant 0 : i32
      %dma_start3A_234 = tpu.memref_slice %dma_start3A_231[%dma_start3A_225, %dma_start3A_232, %dma_start3A_233] : memref<3x2x120xi32, #tpu.memory_space<vmem>> -> memref<1x2x120xi32, #tpu.memory_space<vmem>>
      %dma_start3A_235 = tpu.memref_squeeze %dma_start3A_234 : memref<1x2x120xi32, #tpu.memory_space<vmem>> -> memref<2x120xi32, #tpu.memory_space<vmem>>
      %dma_start3A_236 = arith.constant 0 : i32
      %dma_start3A_237 = tpu.memref_slice %dma_start3A_235[%dma_start3A_226, %dma_start3A_236] : memref<2x120xi32, #tpu.memory_space<vmem>> -> memref<1x120xi32, #tpu.memory_space<vmem>>
      %dma_start3A_238 = tpu.memref_squeeze %dma_start3A_237 : memref<1x120xi32, #tpu.memory_space<vmem>> -> memref<120xi32, #tpu.memory_space<vmem>>
      %dma_start3A_239 = arith.constant 0 : i32
      %dma_start3A_240 = arith.constant 0 : i32
      %dma_start3A_241 = tpu.memref_slice %arg10[%dma_start3A_239, %dma_start3A_240] : memref<10240x128xf32, #tpu.memory_space<vmem_shared>> -> memref<10240x128xf32, #tpu.memory_space<vmem_shared>>
      tpu.enqueue_indirect_dma source(%arg8 : memref<120x128xf32, #tpu.memory_space<vmem>>) target(%dma_start3A_241 : memref<10240x128xf32, #tpu.memory_space<vmem_shared>>) offsets(%dma_start3A_238 : memref<120xi32, #tpu.memory_space<vmem>>) semaphore(%arg14 : memref<!tpu.dma_semaphore, #tpu.memory_space<semaphore_mem>>) {add = true}
      %convert_element_type3A_242 = arith.extui %lt3A_127 : i1 to i32
      %cond3A_243 = arith.constant 0 : i32
      %cond3A_244 = arith.cmpi ne, %convert_element_type3A_242, %cond3A_243 : i32
      scf.if %cond3A_244 {
        %dma_start3A_299 = arith.constant 0 : i32
        %dma_start3A_300 = arith.constant 0 : i32
        %dma_start3A_301 = arith.constant 0 : i32
        %dma_start3A_302 = arith.constant 0 : i32
        %dma_start3A_303 = arith.constant 0 : i32
        %dma_start3A_304 = tpu.memref_slice %arg6[%select_n3A_123, %dma_start3A_301, %dma_start3A_302, %dma_start3A_303] : memref<3x3x2x120xi32, #tpu.memory_space<vmem>> -> memref<1x3x2x120xi32, #tpu.memory_space<vmem>>
        %dma_start3A_305 = tpu.memref_squeeze %dma_start3A_304 : memref<1x3x2x120xi32, #tpu.memory_space<vmem>> -> memref<3x2x120xi32, #tpu.memory_space<vmem>>
        %dma_start3A_306 = arith.constant 0 : i32
        %dma_start3A_307 = arith.constant 0 : i32
        %dma_start3A_308 = tpu.memref_slice %dma_start3A_305[%dma_start3A_299, %dma_start3A_306, %dma_start3A_307] : memref<3x2x120xi32, #tpu.memory_space<vmem>> -> memref<1x2x120xi32, #tpu.memory_space<vmem>>
        %dma_start3A_309 = tpu.memref_squeeze %dma_start3A_308 : memref<1x2x120xi32, #tpu.memory_space<vmem>> -> memref<2x120xi32, #tpu.memory_space<vmem>>
        %dma_start3A_310 = arith.constant 0 : i32
        %dma_start3A_311 = tpu.memref_slice %dma_start3A_309[%dma_start3A_300, %dma_start3A_310] : memref<2x120xi32, #tpu.memory_space<vmem>> -> memref<1x120xi32, #tpu.memory_space<vmem>>
        %dma_start3A_312 = tpu.memref_squeeze %dma_start3A_311 : memref<1x120xi32, #tpu.memory_space<vmem>> -> memref<120xi32, #tpu.memory_space<vmem>>
        %dma_start3A_313 = arith.constant 0 : i32
        %dma_start3A_314 = arith.constant 0 : i32
        %dma_start3A_315 = tpu.memref_slice %arg2[%dma_start3A_313, %dma_start3A_314] : memref<10000x128xf32, #tpu.memory_space<hbm>> -> memref<10000x128xf32, #tpu.memory_space<hbm>>
        tpu.enqueue_indirect_dma source(%dma_start3A_315 : memref<10000x128xf32, #tpu.memory_space<hbm>>) target(%arg7 : memref<120x128xf32, #tpu.memory_space<vmem>>) offsets(%dma_start3A_312 : memref<120xi32, #tpu.memory_space<vmem>>) semaphore(%arg11 : memref<!tpu.dma_semaphore, #tpu.memory_space<semaphore_mem>>)
      } else {
      }
      %dma_wait3A_245 = arith.constant 2 : i32
      %dma_wait3A_246 = arith.constant 0 : i32
      %dma_wait3A_247 = arith.constant 0 : i32
      %dma_wait3A_248 = arith.constant 0 : i32
      %dma_wait3A_249 = arith.constant 0 : i32
      %dma_wait3A_250 = tpu.memref_slice %arg6[%select_n3A_105, %dma_wait3A_247, %dma_wait3A_248, %dma_wait3A_249] : memref<3x3x2x120xi32, #tpu.memory_space<vmem>> -> memref<1x3x2x120xi32, #tpu.memory_space<vmem>>
      %dma_wait3A_251 = tpu.memref_squeeze %dma_wait3A_250 : memref<1x3x2x120xi32, #tpu.memory_space<vmem>> -> memref<3x2x120xi32, #tpu.memory_space<vmem>>
      %dma_wait3A_252 = arith.constant 0 : i32
      %dma_wait3A_253 = arith.constant 0 : i32
      %dma_wait3A_254 = tpu.memref_slice %dma_wait3A_251[%dma_wait3A_245, %dma_wait3A_252, %dma_wait3A_253] : memref<3x2x120xi32, #tpu.memory_space<vmem>> -> memref<1x2x120xi32, #tpu.memory_space<vmem>>
      %dma_wait3A_255 = tpu.memref_squeeze %dma_wait3A_254 : memref<1x2x120xi32, #tpu.memory_space<vmem>> -> memref<2x120xi32, #tpu.memory_space<vmem>>
      %dma_wait3A_256 = arith.constant 0 : i32
      %dma_wait3A_257 = tpu.memref_slice %dma_wait3A_255[%dma_wait3A_246, %dma_wait3A_256] : memref<2x120xi32, #tpu.memory_space<vmem>> -> memref<1x120xi32, #tpu.memory_space<vmem>>
      %dma_wait3A_258 = tpu.memref_squeeze %dma_wait3A_257 : memref<1x120xi32, #tpu.memory_space<vmem>> -> memref<120xi32, #tpu.memory_space<vmem>>
      %dma_wait3A_259 = arith.constant 0 : i32
      %dma_wait3A_260 = arith.constant 0 : i32
      %dma_wait3A_261 = tpu.memref_slice %arg2[%dma_wait3A_259, %dma_wait3A_260] : memref<10000x128xf32, #tpu.memory_space<hbm>> -> memref<10000x128xf32, #tpu.memory_space<hbm>>
      tpu.wait_indirect_dma semaphore(%arg13 : memref<!tpu.dma_semaphore, #tpu.memory_space<semaphore_mem>>) src(%dma_wait3A_261 : memref<10000x128xf32, #tpu.memory_space<hbm>>) dst(%arg9 : memref<120x128xf32, #tpu.memory_space<vmem>>)
      %dma_wait3A_262 = arith.constant 2 : i32
      %dma_wait3A_263 = arith.constant 1 : i32
      %dma_wait3A_264 = arith.constant 0 : i32
      %dma_wait3A_265 = arith.constant 0 : i32
      %dma_wait3A_266 = arith.constant 0 : i32
      %dma_wait3A_267 = tpu.memref_slice %arg6[%select_n3A_105, %dma_wait3A_264, %dma_wait3A_265, %dma_wait3A_266] : memref<3x3x2x120xi32, #tpu.memory_space<vmem>> -> memref<1x3x2x120xi32, #tpu.memory_space<vmem>>
      %dma_wait3A_268 = tpu.memref_squeeze %dma_wait3A_267 : memref<1x3x2x120xi32, #tpu.memory_space<vmem>> -> memref<3x2x120xi32, #tpu.memory_space<vmem>>
      %dma_wait3A_269 = arith.constant 0 : i32
      %dma_wait3A_270 = arith.constant 0 : i32
      %dma_wait3A_271 = tpu.memref_slice %dma_wait3A_268[%dma_wait3A_262, %dma_wait3A_269, %dma_wait3A_270] : memref<3x2x120xi32, #tpu.memory_space<vmem>> -> memref<1x2x120xi32, #tpu.memory_space<vmem>>
      %dma_wait3A_272 = tpu.memref_squeeze %dma_wait3A_271 : memref<1x2x120xi32, #tpu.memory_space<vmem>> -> memref<2x120xi32, #tpu.memory_space<vmem>>
      %dma_wait3A_273 = arith.constant 0 : i32
      %dma_wait3A_274 = tpu.memref_slice %dma_wait3A_272[%dma_wait3A_263, %dma_wait3A_273] : memref<2x120xi32, #tpu.memory_space<vmem>> -> memref<1x120xi32, #tpu.memory_space<vmem>>
      %dma_wait3A_275 = tpu.memref_squeeze %dma_wait3A_274 : memref<1x120xi32, #tpu.memory_space<vmem>> -> memref<120xi32, #tpu.memory_space<vmem>>
      %dma_wait3A_276 = arith.constant 0 : i32
      %dma_wait3A_277 = arith.constant 0 : i32
      %dma_wait3A_278 = tpu.memref_slice %arg10[%dma_wait3A_276, %dma_wait3A_277] : memref<10240x128xf32, #tpu.memory_space<vmem_shared>> -> memref<10240x128xf32, #tpu.memory_space<vmem_shared>>
      tpu.wait_indirect_dma semaphore(%arg14 : memref<!tpu.dma_semaphore, #tpu.memory_space<semaphore_mem>>) src(%arg8 : memref<120x128xf32, #tpu.memory_space<vmem>>) dst(%dma_wait3A_278 : memref<10240x128xf32, #tpu.memory_space<vmem_shared>>)
      %dma_start3A_279 = arith.constant 2 : i32
      %dma_start3A_280 = arith.constant 1 : i32
      %dma_start3A_281 = arith.constant 0 : i32
      %dma_start3A_282 = arith.constant 0 : i32
      %dma_start3A_283 = arith.constant 0 : i32
      %dma_start3A_284 = tpu.memref_slice %arg6[%select_n3A_105, %dma_start3A_281, %dma_start3A_282, %dma_start3A_283] : memref<3x3x2x120xi32, #tpu.memory_space<vmem>> -> memref<1x3x2x120xi32, #tpu.memory_space<vmem>>
      %dma_start3A_285 = tpu.memref_squeeze %dma_start3A_284 : memref<1x3x2x120xi32, #tpu.memory_space<vmem>> -> memref<3x2x120xi32, #tpu.memory_space<vmem>>
      %dma_start3A_286 = arith.constant 0 : i32
      %dma_start3A_287 = arith.constant 0 : i32
      %dma_start3A_288 = tpu.memref_slice %dma_start3A_285[%dma_start3A_279, %dma_start3A_286, %dma_start3A_287] : memref<3x2x120xi32, #tpu.memory_space<vmem>> -> memref<1x2x120xi32, #tpu.memory_space<vmem>>
      %dma_start3A_289 = tpu.memref_squeeze %dma_start3A_288 : memref<1x2x120xi32, #tpu.memory_space<vmem>> -> memref<2x120xi32, #tpu.memory_space<vmem>>
      %dma_start3A_290 = arith.constant 0 : i32
      %dma_start3A_291 = tpu.memref_slice %dma_start3A_289[%dma_start3A_280, %dma_start3A_290] : memref<2x120xi32, #tpu.memory_space<vmem>> -> memref<1x120xi32, #tpu.memory_space<vmem>>
      %dma_start3A_292 = tpu.memref_squeeze %dma_start3A_291 : memref<1x120xi32, #tpu.memory_space<vmem>> -> memref<120xi32, #tpu.memory_space<vmem>>
      %dma_start3A_293 = arith.constant 0 : i32
      %dma_start3A_294 = arith.constant 0 : i32
      %dma_start3A_295 = tpu.memref_slice %arg10[%dma_start3A_293, %dma_start3A_294] : memref<10240x128xf32, #tpu.memory_space<vmem_shared>> -> memref<10240x128xf32, #tpu.memory_space<vmem_shared>>
      tpu.enqueue_indirect_dma source(%arg9 : memref<120x128xf32, #tpu.memory_space<vmem>>) target(%dma_start3A_295 : memref<10240x128xf32, #tpu.memory_space<vmem_shared>>) offsets(%dma_start3A_292 : memref<120xi32, #tpu.memory_space<vmem>>) semaphore(%arg14 : memref<!tpu.dma_semaphore, #tpu.memory_space<semaphore_mem>>) {add = true}
      %convert_element_type3A_296 = arith.extui %lt3A_127 : i1 to i32
      %cond3A_297 = arith.constant 0 : i32
      %cond3A_298 = arith.cmpi ne, %convert_element_type3A_296, %cond3A_297 : i32
      scf.if %cond3A_298 {
        %dma_start3A_299 = arith.constant 1 : i32
        %dma_start3A_300 = arith.constant 0 : i32
        %dma_start3A_301 = arith.constant 0 : i32
        %dma_start3A_302 = arith.constant 0 : i32
        %dma_start3A_303 = arith.constant 0 : i32
        %dma_start3A_304 = tpu.memref_slice %arg6[%select_n3A_123, %dma_start3A_301, %dma_start3A_302, %dma_start3A_303] : memref<3x3x2x120xi32, #tpu.memory_space<vmem>> -> memref<1x3x2x120xi32, #tpu.memory_space<vmem>>
        %dma_start3A_305 = tpu.memref_squeeze %dma_start3A_304 : memref<1x3x2x120xi32, #tpu.memory_space<vmem>> -> memref<3x2x120xi32, #tpu.memory_space<vmem>>
        %dma_start3A_306 = arith.constant 0 : i32
        %dma_start3A_307 = arith.constant 0 : i32
        %dma_start3A_308 = tpu.memref_slice %dma_start3A_305[%dma_start3A_299, %dma_start3A_306, %dma_start3A_307] : memref<3x2x120xi32, #tpu.memory_space<vmem>> -> memref<1x2x120xi32, #tpu.memory_space<vmem>>
        %dma_start3A_309 = tpu.memref_squeeze %dma_start3A_308 : memref<1x2x120xi32, #tpu.memory_space<vmem>> -> memref<2x120xi32, #tpu.memory_space<vmem>>
        %dma_start3A_310 = arith.constant 0 : i32
        %dma_start3A_311 = tpu.memref_slice %dma_start3A_309[%dma_start3A_300, %dma_start3A_310] : memref<2x120xi32, #tpu.memory_space<vmem>> -> memref<1x120xi32, #tpu.memory_space<vmem>>
        %dma_start3A_312 = tpu.memref_squeeze %dma_start3A_311 : memref<1x120xi32, #tpu.memory_space<vmem>> -> memref<120xi32, #tpu.memory_space<vmem>>
        %dma_start3A_313 = arith.constant 0 : i32
        %dma_start3A_314 = arith.constant 0 : i32
        %dma_start3A_315 = tpu.memref_slice %arg2[%dma_start3A_313, %dma_start3A_314] : memref<10000x128xf32, #tpu.memory_space<hbm>> -> memref<10000x128xf32, #tpu.memory_space<hbm>>
        tpu.enqueue_indirect_dma source(%dma_start3A_315 : memref<10000x128xf32, #tpu.memory_space<hbm>>) target(%arg8 : memref<120x128xf32, #tpu.memory_space<vmem>>) offsets(%dma_start3A_312 : memref<120xi32, #tpu.memory_space<vmem>>) semaphore(%arg12 : memref<!tpu.dma_semaphore, #tpu.memory_space<semaphore_mem>>)
      } else {
      }
    }
    %scan3A_77 = arith.constant 56 : i32
    %dma_wait3A = arith.constant 1 : i32
    %dma_wait3A_78 = arith.constant 2 : i32
    %dma_wait3A_79 = arith.constant 1 : i32
    %dma_wait3A_80 = arith.constant 0 : i32
    %dma_wait3A_81 = arith.constant 0 : i32
    %dma_wait3A_82 = arith.constant 0 : i32
    %dma_wait3A_83 = tpu.memref_slice %arg6[%dma_wait3A, %dma_wait3A_80, %dma_wait3A_81, %dma_wait3A_82] : memref<3x3x2x120xi32, #tpu.memory_space<vmem>> -> memref<1x3x2x120xi32, #tpu.memory_space<vmem>>
    %dma_wait3A_84 = tpu.memref_squeeze %dma_wait3A_83 : memref<1x3x2x120xi32, #tpu.memory_space<vmem>> -> memref<3x2x120xi32, #tpu.memory_space<vmem>>
    %dma_wait3A_85 = arith.constant 0 : i32
    %dma_wait3A_86 = arith.constant 0 : i32
    %dma_wait3A_87 = tpu.memref_slice %dma_wait3A_84[%dma_wait3A_78, %dma_wait3A_85, %dma_wait3A_86] : memref<3x2x120xi32, #tpu.memory_space<vmem>> -> memref<1x2x120xi32, #tpu.memory_space<vmem>>
    %dma_wait3A_88 = tpu.memref_squeeze %dma_wait3A_87 : memref<1x2x120xi32, #tpu.memory_space<vmem>> -> memref<2x120xi32, #tpu.memory_space<vmem>>
    %dma_wait3A_89 = arith.constant 0 : i32
    %dma_wait3A_90 = tpu.memref_slice %dma_wait3A_88[%dma_wait3A_79, %dma_wait3A_89] : memref<2x120xi32, #tpu.memory_space<vmem>> -> memref<1x120xi32, #tpu.memory_space<vmem>>
    %dma_wait3A_91 = tpu.memref_squeeze %dma_wait3A_90 : memref<1x120xi32, #tpu.memory_space<vmem>> -> memref<120xi32, #tpu.memory_space<vmem>>
    %dma_wait3A_92 = arith.constant 0 : i32
    %dma_wait3A_93 = arith.constant 0 : i32
    %dma_wait3A_94 = tpu.memref_slice %arg10[%dma_wait3A_92, %dma_wait3A_93] : memref<10240x128xf32, #tpu.memory_space<vmem_shared>> -> memref<10240x128xf32, #tpu.memory_space<vmem_shared>>
    tpu.wait_indirect_dma semaphore(%arg14 : memref<!tpu.dma_semaphore, #tpu.memory_space<semaphore_mem>>) src(%arg9 : memref<120x128xf32, #tpu.memory_space<vmem>>) dst(%dma_wait3A_94 : memref<10240x128xf32, #tpu.memory_space<vmem_shared>>)
    %barrier3A_95 = arith.constant 0 : index
    tpu.barrier barrier_id(%barrier3A_95)
    "tpu.region"() ({
      %run_scoped3A_96 = tpu.sem_alloc : memref<!tpu.dma_semaphore, #tpu.memory_space<semaphore_mem>>
      %dma_start3A_97 = arith.constant 0 : i32
      %dma_start3A_98 = arith.constant 0 : i32
      %dma_start3A_99 = tpu.memref_slice %arg5[%arg0, %dma_start3A_97, %dma_start3A_98] : memref<2x10240x128xf32, #tpu.memory_space<hbm>> -> memref<1x10240x128xf32, #tpu.memory_space<hbm>>
      %dma_start3A_100 = tpu.memref_squeeze %dma_start3A_99 : memref<1x10240x128xf32, #tpu.memory_space<hbm>> -> memref<10240x128xf32, #tpu.memory_space<hbm>>
      %dma_start3A_101 = arith.constant 0 : i32
      %dma_start3A_102 = tpu.memref_slice %dma_start3A_100[%mul3A_2, %dma_start3A_101] : memref<10240x128xf32, #tpu.memory_space<hbm>> -> memref<640x128xf32, #tpu.memory_space<hbm>>
      %dma_start3A_103 = arith.constant 0 : i32
      %dma_start3A_104 = tpu.memref_slice %arg10[%mul3A_2, %dma_start3A_103] : memref<10240x128xf32, #tpu.memory_space<vmem_shared>> -> memref<640x128xf32, #tpu.memory_space<vmem_shared>>
      tpu.enqueue_dma source(%dma_start3A_104 : memref<640x128xf32, #tpu.memory_space<vmem_shared>>) target(%dma_start3A_102 : memref<640x128xf32, #tpu.memory_space<hbm>>) target_semaphore(%run_scoped3A_96 : memref<!tpu.dma_semaphore, #tpu.memory_space<semaphore_mem>>)
      %dma_wait3A_105 = arith.constant 0 : i32
      %dma_wait3A_106 = arith.constant 0 : i32
      %dma_wait3A_107 = tpu.memref_slice %arg5[%arg0, %dma_wait3A_105, %dma_wait3A_106] : memref<2x10240x128xf32, #tpu.memory_space<hbm>> -> memref<1x10240x128xf32, #tpu.memory_space<hbm>>
      %dma_wait3A_108 = tpu.memref_squeeze %dma_wait3A_107 : memref<1x10240x128xf32, #tpu.memory_space<hbm>> -> memref<10240x128xf32, #tpu.memory_space<hbm>>
      %dma_wait3A_109 = arith.constant 0 : i32
      %dma_wait3A_110 = tpu.memref_slice %dma_wait3A_108[%mul3A_2, %dma_wait3A_109] : memref<10240x128xf32, #tpu.memory_space<hbm>> -> memref<640x128xf32, #tpu.memory_space<hbm>>
      %dma_wait3A_111 = arith.constant 0 : i32
      %dma_wait3A_112 = tpu.memref_slice %arg10[%mul3A_2, %dma_wait3A_111] : memref<10240x128xf32, #tpu.memory_space<vmem_shared>> -> memref<640x128xf32, #tpu.memory_space<vmem_shared>>
      tpu.wait_dma2 semaphore(%run_scoped3A_96 : memref<!tpu.dma_semaphore, #tpu.memory_space<semaphore_mem>>) src(%dma_wait3A_112 : memref<640x128xf32, #tpu.memory_space<vmem_shared>>) dst(%dma_wait3A_110 : memref<640x128xf32, #tpu.memory_space<hbm>>)
      tpu.yield
    }) : () -> ()
    return
  }
}

#map = affine_map<(d0, d1) -> (0, 0)>
#map1 = affine_map<(d0, d1) -> (0, 0, 0, 0, 0)>
#map2 = affine_map<(d0, d1) -> (0, 0, 0)>
module attributes {stable_mosaic.version = 14 : i64} {
  func.func @_sc_scatter(%arg0: i32, %arg1: i32, %arg2: memref<10000x128xf32, #tpu.memory_space<hbm>>, %arg3: memref<32x56x3x2x120xi32, #tpu.memory_space<hbm>>, %arg4: memref<10240x128xf32, #tpu.memory_space<hbm>>, %arg5: memref<2x10240x128xf32, #tpu.memory_space<hbm>>, %arg6: memref<3x3x2x120xi32, #tpu.memory_space<vmem>>, %arg7: memref<120x128xf32, #tpu.memory_space<vmem>>, %arg8: memref<120x128xf32, #tpu.memory_space<vmem>>, %arg9: memref<120x128xf32, #tpu.memory_space<vmem>>, %arg10: memref<10240x128xf32, #tpu.memory_space<vmem_shared>>, %arg11: memref<!tpu.dma_semaphore, #tpu.memory_space<semaphore_mem>>, %arg12: memref<!tpu.dma_semaphore, #tpu.memory_space<semaphore_mem>>, %arg13: memref<!tpu.dma_semaphore, #tpu.memory_space<semaphore_mem>>, %arg14: memref<!tpu.dma_semaphore, #tpu.memory_space<semaphore_mem>>, %arg15: memref<!tpu.dma_semaphore, #tpu.memory_space<semaphore_mem>>) attributes {dimension_semantics = [#tpu.dimension_semantics<core_parallel>, #tpu.dimension_semantics<subcore_parallel>], iteration_bounds = array<i64: 2, 16>, scalar_prefetch = 0 : i64, scratch_operands = 10 : i64, tpu.core_type = #tpu.core_type<sc_vector_subcore>, window_params = [{transform_indices = #map}, {transform_indices = #map1}, {transform_indices = #map}, {transform_indices = #map2}]} {
    %mul3A = arith.constant 2 : i32
    %mul3A_0 = arith.muli %arg1, %mul3A : i32
    %add3A = arith.addi %mul3A_0, %arg0 : i32
    %mul3A_1 = arith.constant 640 : i32
    %mul3A_2 = arith.muli %arg1, %mul3A_1 : i32
    "tpu.region"() ({
      %run_scoped3A_96 = tpu.sem_alloc : memref<!tpu.dma_semaphore, #tpu.memory_space<semaphore_mem>>
      %dma_start3A_97 = arith.constant 0 : i32
      %dma_start3A_98 = tpu.memref_slice %arg10[%mul3A_2, %dma_start3A_97] : memref<10240x128xf32, #tpu.memory_space<vmem_shared>> -> memref<640x128xf32, #tpu.memory_space<vmem_shared>>
      %dma_start3A_99 = arith.constant 0 : i32
      %dma_start3A_100 = tpu.memref_slice %arg4[%mul3A_2, %dma_start3A_99] : memref<10240x128xf32, #tpu.memory_space<hbm>> -> memref<640x128xf32, #tpu.memory_space<hbm>>
      tpu.enqueue_dma source(%dma_start3A_100 : memref<640x128xf32, #tpu.memory_space<hbm>>) target(%dma_start3A_98 : memref<640x128xf32, #tpu.memory_space<vmem_shared>>) target_semaphore(%run_scoped3A_96 : memref<!tpu.dma_semaphore, #tpu.memory_space<semaphore_mem>>)
      %dma_wait3A_101 = arith.constant 0 : i32
      %dma_wait3A_102 = tpu.memref_slice %arg10[%mul3A_2, %dma_wait3A_101] : memref<10240x128xf32, #tpu.memory_space<vmem_shared>> -> memref<640x128xf32, #tpu.memory_space<vmem_shared>>
      %dma_wait3A_103 = arith.constant 0 : i32
      %dma_wait3A_104 = tpu.memref_slice %arg4[%mul3A_2, %dma_wait3A_103] : memref<10240x128xf32, #tpu.memory_space<hbm>> -> memref<640x128xf32, #tpu.memory_space<hbm>>
      tpu.wait_dma2 semaphore(%run_scoped3A_96 : memref<!tpu.dma_semaphore, #tpu.memory_space<semaphore_mem>>) src(%dma_wait3A_104 : memref<640x128xf32, #tpu.memory_space<hbm>>) dst(%dma_wait3A_102 : memref<640x128xf32, #tpu.memory_space<vmem_shared>>)
      tpu.yield
    }) : () -> ()
    %barrier3A = arith.constant 0 : index
    tpu.barrier barrier_id(%barrier3A)
    %run_scoped3A = arith.constant 0 : i32
    %run_scoped3A_3 = arith.constant 0 : i32
    "tpu.region"() ({
      %run_scoped3A_96 = tpu.sem_alloc : memref<!tpu.dma_semaphore, #tpu.memory_space<semaphore_mem>>
      %dma_start3A_97 = arith.constant 0 : i32
      %dma_start3A_98 = arith.constant 0 : i32
      %dma_start3A_99 = arith.constant 0 : i32
      %dma_start3A_100 = tpu.memref_slice %arg6[%run_scoped3A_3, %dma_start3A_97, %dma_start3A_98, %dma_start3A_99] : memref<3x3x2x120xi32, #tpu.memory_space<vmem>> -> memref<1x3x2x120xi32, #tpu.memory_space<vmem>>
      %dma_start3A_101 = tpu.memref_squeeze %dma_start3A_100 : memref<1x3x2x120xi32, #tpu.memory_space<vmem>> -> memref<3x2x120xi32, #tpu.memory_space<vmem>>
      %dma_start3A_102 = arith.constant 0 : i32
      %dma_start3A_103 = arith.constant 0 : i32
      %dma_start3A_104 = arith.constant 0 : i32
      %dma_start3A_105 = arith.constant 0 : i32
      %dma_start3A_106 = tpu.memref_slice %arg3[%add3A, %dma_start3A_102, %dma_start3A_103, %dma_start3A_104, %dma_start3A_105] : memref<32x56x3x2x120xi32, #tpu.memory_space<hbm>> -> memref<1x56x3x2x120xi32, #tpu.memory_space<hbm>>
      %dma_start3A_107 = tpu.memref_squeeze %dma_start3A_106 : memref<1x56x3x2x120xi32, #tpu.memory_space<hbm>> -> memref<56x3x2x120xi32, #tpu.memory_space<hbm>>
      %dma_start3A_108 = arith.constant 0 : i32
      %dma_start3A_109 = arith.constant 0 : i32
      %dma_start3A_110 = arith.constant 0 : i32
      %dma_start3A_111 = tpu.memref_slice %dma_start3A_107[%run_scoped3A, %dma_start3A_108, %dma_start3A_109, %dma_start3A_110] : memref<56x3x2x120xi32, #tpu.memory_space<hbm>> -> memref<1x3x2x120xi32, #tpu.memory_space<hbm>>
      %dma_start3A_112 = tpu.memref_squeeze %dma_start3A_111 : memref<1x3x2x120xi32, #tpu.memory_space<hbm>> -> memref<3x2x120xi32, #tpu.memory_space<hbm>>
      %dma_start3A_113 = arith.constant 0 : i32
      %dma_start3A_114 = arith.constant 0 : i32
      %dma_start3A_115 = arith.constant 0 : i32
      %dma_start3A_116 = tpu.memref_slice %arg6[%run_scoped3A_3, %dma_start3A_113, %dma_start3A_114, %dma_start3A_115] : memref<3x3x2x120xi32, #tpu.memory_space<vmem>> -> memref<1x3x2x120xi32, #tpu.memory_space<vmem>>
      %dma_start3A_117 = tpu.memref_squeeze %dma_start3A_116 : memref<1x3x2x120xi32, #tpu.memory_space<vmem>> -> memref<3x2x120xi32, #tpu.memory_space<vmem>>
      %dma_start3A_118 = arith.constant 0 : i32
      %dma_start3A_119 = arith.constant 0 : i32
      %dma_start3A_120 = arith.constant 0 : i32
      %dma_start3A_121 = arith.constant 0 : i32
      %dma_start3A_122 = tpu.memref_slice %arg3[%add3A, %dma_start3A_118, %dma_start3A_119, %dma_start3A_120, %dma_start3A_121] : memref<32x56x3x2x120xi32, #tpu.memory_space<hbm>> -> memref<1x56x3x2x120xi32, #tpu.memory_space<hbm>>
      %dma_start3A_123 = tpu.memref_squeeze %dma_start3A_122 : memref<1x56x3x2x120xi32, #tpu.memory_space<hbm>> -> memref<56x3x2x120xi32, #tpu.memory_space<hbm>>
      %dma_start3A_124 = arith.constant 0 : i32
      %dma_start3A_125 = arith.constant 0 : i32
      %dma_start3A_126 = arith.constant 0 : i32
      %dma_start3A_127 = tpu.memref_slice %dma_start3A_123[%run_scoped3A, %dma_start3A_124, %dma_start3A_125, %dma_start3A_126] : memref<56x3x2x120xi32, #tpu.memory_space<hbm>> -> memref<1x3x2x120xi32, #tpu.memory_space<hbm>>
      %dma_start3A_128 = tpu.memref_squeeze %dma_start3A_127 : memref<1x3x2x120xi32, #tpu.memory_space<hbm>> -> memref<3x2x120xi32, #tpu.memory_space<hbm>>
      tpu.enqueue_dma source(%dma_start3A_128 : memref<3x2x120xi32, #tpu.memory_space<hbm>>) target(%dma_start3A_117 : memref<3x2x120xi32, #tpu.memory_space<vmem>>) target_semaphore(%run_scoped3A_96 : memref<!tpu.dma_semaphore, #tpu.memory_space<semaphore_mem>>)
      %dma_wait3A_129 = arith.constant 0 : i32
      %dma_wait3A_130 = arith.constant 0 : i32
      %dma_wait3A_131 = arith.constant 0 : i32
      %dma_wait3A_132 = tpu.memref_slice %arg6[%run_scoped3A_3, %dma_wait3A_129, %dma_wait3A_130, %dma_wait3A_131] : memref<3x3x2x120xi32, #tpu.memory_space<vmem>> -> memref<1x3x2x120xi32, #tpu.memory_space<vmem>>
      %dma_wait3A_133 = tpu.memref_squeeze %dma_wait3A_132 : memref<1x3x2x120xi32, #tpu.memory_space<vmem>> -> memref<3x2x120xi32, #tpu.memory_space<vmem>>
      %dma_wait3A_134 = arith.constant 0 : i32
      %dma_wait3A_135 = arith.constant 0 : i32
      %dma_wait3A_136 = arith.constant 0 : i32
      %dma_wait3A_137 = arith.constant 0 : i32
      %dma_wait3A_138 = tpu.memref_slice %arg3[%add3A, %dma_wait3A_134, %dma_wait3A_135, %dma_wait3A_136, %dma_wait3A_137] : memref<32x56x3x2x120xi32, #tpu.memory_space<hbm>> -> memref<1x56x3x2x120xi32, #tpu.memory_space<hbm>>
      %dma_wait3A_139 = tpu.memref_squeeze %dma_wait3A_138 : memref<1x56x3x2x120xi32, #tpu.memory_space<hbm>> -> memref<56x3x2x120xi32, #tpu.memory_space<hbm>>
      %dma_wait3A_140 = arith.constant 0 : i32
      %dma_wait3A_141 = arith.constant 0 : i32
      %dma_wait3A_142 = arith.constant 0 : i32
      %dma_wait3A_143 = tpu.memref_slice %dma_wait3A_139[%run_scoped3A, %dma_wait3A_140, %dma_wait3A_141, %dma_wait3A_142] : memref<56x3x2x120xi32, #tpu.memory_space<hbm>> -> memref<1x3x2x120xi32, #tpu.memory_space<hbm>>
      %dma_wait3A_144 = tpu.memref_squeeze %dma_wait3A_143 : memref<1x3x2x120xi32, #tpu.memory_space<hbm>> -> memref<3x2x120xi32, #tpu.memory_space<hbm>>
      %dma_wait3A_145 = arith.constant 0 : i32
      %dma_wait3A_146 = arith.constant 0 : i32
      %dma_wait3A_147 = arith.constant 0 : i32
      %dma_wait3A_148 = tpu.memref_slice %arg6[%run_scoped3A_3, %dma_wait3A_145, %dma_wait3A_146, %dma_wait3A_147] : memref<3x3x2x120xi32, #tpu.memory_space<vmem>> -> memref<1x3x2x120xi32, #tpu.memory_space<vmem>>
      %dma_wait3A_149 = tpu.memref_squeeze %dma_wait3A_148 : memref<1x3x2x120xi32, #tpu.memory_space<vmem>> -> memref<3x2x120xi32, #tpu.memory_space<vmem>>
      %dma_wait3A_150 = arith.constant 0 : i32
      %dma_wait3A_151 = arith.constant 0 : i32
      %dma_wait3A_152 = arith.constant 0 : i32
      %dma_wait3A_153 = arith.constant 0 : i32
      %dma_wait3A_154 = tpu.memref_slice %arg3[%add3A, %dma_wait3A_150, %dma_wait3A_151, %dma_wait3A_152, %dma_wait3A_153] : memref<32x56x3x2x120xi32, #tpu.memory_space<hbm>> -> memref<1x56x3x2x120xi32, #tpu.memory_space<hbm>>
      %dma_wait3A_155 = tpu.memref_squeeze %dma_wait3A_154 : memref<1x56x3x2x120xi32, #tpu.memory_space<hbm>> -> memref<56x3x2x120xi32, #tpu.memory_space<hbm>>
      %dma_wait3A_156 = arith.constant 0 : i32
      %dma_wait3A_157 = arith.constant 0 : i32
      %dma_wait3A_158 = arith.constant 0 : i32
      %dma_wait3A_159 = tpu.memref_slice %dma_wait3A_155[%run_scoped3A, %dma_wait3A_156, %dma_wait3A_157, %dma_wait3A_158] : memref<56x3x2x120xi32, #tpu.memory_space<hbm>> -> memref<1x3x2x120xi32, #tpu.memory_space<hbm>>
      %dma_wait3A_160 = tpu.memref_squeeze %dma_wait3A_159 : memref<1x3x2x120xi32, #tpu.memory_space<hbm>> -> memref<3x2x120xi32, #tpu.memory_space<hbm>>
      tpu.wait_dma2 semaphore(%run_scoped3A_96 : memref<!tpu.dma_semaphore, #tpu.memory_space<semaphore_mem>>) src(%dma_wait3A_160 : memref<3x2x120xi32, #tpu.memory_space<hbm>>) dst(%dma_wait3A_149 : memref<3x2x120xi32, #tpu.memory_space<vmem>>)
      tpu.yield
    }) : () -> ()
    %dma_start3A = arith.constant 0 : i32
    %dma_start3A_4 = arith.constant 0 : i32
    %dma_start3A_5 = arith.constant 0 : i32
    %dma_start3A_6 = arith.constant 0 : i32
    %dma_start3A_7 = arith.constant 0 : i32
    %dma_start3A_8 = arith.constant 0 : i32
    %dma_start3A_9 = tpu.memref_slice %arg6[%dma_start3A, %dma_start3A_6, %dma_start3A_7, %dma_start3A_8] : memref<3x3x2x120xi32, #tpu.memory_space<vmem>> -> memref<1x3x2x120xi32, #tpu.memory_space<vmem>>
    %dma_start3A_10 = tpu.memref_squeeze %dma_start3A_9 : memref<1x3x2x120xi32, #tpu.memory_space<vmem>> -> memref<3x2x120xi32, #tpu.memory_space<vmem>>
    %dma_start3A_11 = arith.constant 0 : i32
    %dma_start3A_12 = arith.constant 0 : i32
    %dma_start3A_13 = tpu.memref_slice %dma_start3A_10[%dma_start3A_4, %dma_start3A_11, %dma_start3A_12] : memref<3x2x120xi32, #tpu.memory_space<vmem>> -> memref<1x2x120xi32, #tpu.memory_space<vmem>>
    %dma_start3A_14 = tpu.memref_squeeze %dma_start3A_13 : memref<1x2x120xi32, #tpu.memory_space<vmem>> -> memref<2x120xi32, #tpu.memory_space<vmem>>
    %dma_start3A_15 = arith.constant 0 : i32
    %dma_start3A_16 = tpu.memref_slice %dma_start3A_14[%dma_start3A_5, %dma_start3A_15] : memref<2x120xi32, #tpu.memory_space<vmem>> -> memref<1x120xi32, #tpu.memory_space<vmem>>
    %dma_start3A_17 = tpu.memref_squeeze %dma_start3A_16 : memref<1x120xi32, #tpu.memory_space<vmem>> -> memref<120xi32, #tpu.memory_space<vmem>>
    %dma_start3A_18 = arith.constant 0 : i32
    %dma_start3A_19 = arith.constant 0 : i32
    %dma_start3A_20 = tpu.memref_slice %arg2[%dma_start3A_18, %dma_start3A_19] : memref<10000x128xf32, #tpu.memory_space<hbm>> -> memref<10000x128xf32, #tpu.memory_space<hbm>>
    tpu.enqueue_indirect_dma source(%dma_start3A_20 : memref<10000x128xf32, #tpu.memory_space<hbm>>) target(%arg7 : memref<120x128xf32, #tpu.memory_space<vmem>>) offsets(%dma_start3A_17 : memref<120xi32, #tpu.memory_space<vmem>>) semaphore(%arg11 : memref<!tpu.dma_semaphore, #tpu.memory_space<semaphore_mem>>)
    %dma_start3A_21 = arith.constant 0 : i32
    %dma_start3A_22 = arith.constant 1 : i32
    %dma_start3A_23 = arith.constant 0 : i32
    %dma_start3A_24 = arith.constant 0 : i32
    %dma_start3A_25 = arith.constant 0 : i32
    %dma_start3A_26 = arith.constant 0 : i32
    %dma_start3A_27 = tpu.memref_slice %arg6[%dma_start3A_21, %dma_start3A_24, %dma_start3A_25, %dma_start3A_26] : memref<3x3x2x120xi32, #tpu.memory_space<vmem>> -> memref<1x3x2x120xi32, #tpu.memory_space<vmem>>
    %dma_start3A_28 = tpu.memref_squeeze %dma_start3A_27 : memref<1x3x2x120xi32, #tpu.memory_space<vmem>> -> memref<3x2x120xi32, #tpu.memory_space<vmem>>
    %dma_start3A_29 = arith.constant 0 : i32
    %dma_start3A_30 = arith.constant 0 : i32
    %dma_start3A_31 = tpu.memref_slice %dma_start3A_28[%dma_start3A_22, %dma_start3A_29, %dma_start3A_30] : memref<3x2x120xi32, #tpu.memory_space<vmem>> -> memref<1x2x120xi32, #tpu.memory_space<vmem>>
    %dma_start3A_32 = tpu.memref_squeeze %dma_start3A_31 : memref<1x2x120xi32, #tpu.memory_space<vmem>> -> memref<2x120xi32, #tpu.memory_space<vmem>>
    %dma_start3A_33 = arith.constant 0 : i32
    %dma_start3A_34 = tpu.memref_slice %dma_start3A_32[%dma_start3A_23, %dma_start3A_33] : memref<2x120xi32, #tpu.memory_space<vmem>> -> memref<1x120xi32, #tpu.memory_space<vmem>>
    %dma_start3A_35 = tpu.memref_squeeze %dma_start3A_34 : memref<1x120xi32, #tpu.memory_space<vmem>> -> memref<120xi32, #tpu.memory_space<vmem>>
    %dma_start3A_36 = arith.constant 0 : i32
    %dma_start3A_37 = arith.constant 0 : i32
    %dma_start3A_38 = tpu.memref_slice %arg2[%dma_start3A_36, %dma_start3A_37] : memref<10000x128xf32, #tpu.memory_space<hbm>> -> memref<10000x128xf32, #tpu.memory_space<hbm>>
    tpu.enqueue_indirect_dma source(%dma_start3A_38 : memref<10000x128xf32, #tpu.memory_space<hbm>>) target(%arg8 : memref<120x128xf32, #tpu.memory_space<vmem>>) offsets(%dma_start3A_35 : memref<120xi32, #tpu.memory_space<vmem>>) semaphore(%arg12 : memref<!tpu.dma_semaphore, #tpu.memory_space<semaphore_mem>>)
    %dma_start3A_39 = arith.constant 1 : i32
    %dma_start3A_40 = arith.constant 1 : i32
    %dma_start3A_41 = arith.constant 0 : i32
    %dma_start3A_42 = arith.constant 0 : i32
    %dma_start3A_43 = arith.constant 0 : i32
    %dma_start3A_44 = tpu.memref_slice %arg6[%dma_start3A_40, %dma_start3A_41, %dma_start3A_42, %dma_start3A_43] : memref<3x3x2x120xi32, #tpu.memory_space<vmem>> -> memref<1x3x2x120xi32, #tpu.memory_space<vmem>>
    %dma_start3A_45 = tpu.memref_squeeze %dma_start3A_44 : memref<1x3x2x120xi32, #tpu.memory_space<vmem>> -> memref<3x2x120xi32, #tpu.memory_space<vmem>>
    %dma_start3A_46 = arith.constant 0 : i32
    %dma_start3A_47 = arith.constant 0 : i32
    %dma_start3A_48 = arith.constant 0 : i32
    %dma_start3A_49 = arith.constant 0 : i32
    %dma_start3A_50 = tpu.memref_slice %arg3[%add3A, %dma_start3A_46, %dma_start3A_47, %dma_start3A_48, %dma_start3A_49] : memref<32x56x3x2x120xi32, #tpu.memory_space<hbm>> -> memref<1x56x3x2x120xi32, #tpu.memory_space<hbm>>
    %dma_start3A_51 = tpu.memref_squeeze %dma_start3A_50 : memref<1x56x3x2x120xi32, #tpu.memory_space<hbm>> -> memref<56x3x2x120xi32, #tpu.memory_space<hbm>>
    %dma_start3A_52 = arith.constant 0 : i32
    %dma_start3A_53 = arith.constant 0 : i32
    %dma_start3A_54 = arith.constant 0 : i32
    %dma_start3A_55 = tpu.memref_slice %dma_start3A_51[%dma_start3A_39, %dma_start3A_52, %dma_start3A_53, %dma_start3A_54] : memref<56x3x2x120xi32, #tpu.memory_space<hbm>> -> memref<1x3x2x120xi32, #tpu.memory_space<hbm>>
    %dma_start3A_56 = tpu.memref_squeeze %dma_start3A_55 : memref<1x3x2x120xi32, #tpu.memory_space<hbm>> -> memref<3x2x120xi32, #tpu.memory_space<hbm>>
    %dma_start3A_57 = arith.constant 0 : i32
    %dma_start3A_58 = arith.constant 0 : i32
    %dma_start3A_59 = arith.constant 0 : i32
    %dma_start3A_60 = tpu.memref_slice %arg6[%dma_start3A_40, %dma_start3A_57, %dma_start3A_58, %dma_start3A_59] : memref<3x3x2x120xi32, #tpu.memory_space<vmem>> -> memref<1x3x2x120xi32, #tpu.memory_space<vmem>>
    %dma_start3A_61 = tpu.memref_squeeze %dma_start3A_60 : memref<1x3x2x120xi32, #tpu.memory_space<vmem>> -> memref<3x2x120xi32, #tpu.memory_space<vmem>>
    %dma_start3A_62 = arith.constant 0 : i32
    %dma_start3A_63 = arith.constant 0 : i32
    %dma_start3A_64 = arith.constant 0 : i32
    %dma_start3A_65 = arith.constant 0 : i32
    %dma_start3A_66 = tpu.memref_slice %arg3[%add3A, %dma_start3A_62, %dma_start3A_63, %dma_start3A_64, %dma_start3A_65] : memref<32x56x3x2x120xi32, #tpu.memory_space<hbm>> -> memref<1x56x3x2x120xi32, #tpu.memory_space<hbm>>
    %dma_start3A_67 = tpu.memref_squeeze %dma_start3A_66 : memref<1x56x3x2x120xi32, #tpu.memory_space<hbm>> -> memref<56x3x2x120xi32, #tpu.memory_space<hbm>>
    %dma_start3A_68 = arith.constant 0 : i32
    %dma_start3A_69 = arith.constant 0 : i32
    %dma_start3A_70 = arith.constant 0 : i32
    %dma_start3A_71 = tpu.memref_slice %dma_start3A_67[%dma_start3A_39, %dma_start3A_68, %dma_start3A_69, %dma_start3A_70] : memref<56x3x2x120xi32, #tpu.memory_space<hbm>> -> memref<1x3x2x120xi32, #tpu.memory_space<hbm>>
    %dma_start3A_72 = tpu.memref_squeeze %dma_start3A_71 : memref<1x3x2x120xi32, #tpu.memory_space<hbm>> -> memref<3x2x120xi32, #tpu.memory_space<hbm>>
    tpu.enqueue_dma source(%dma_start3A_72 : memref<3x2x120xi32, #tpu.memory_space<hbm>>) target(%dma_start3A_61 : memref<3x2x120xi32, #tpu.memory_space<vmem>>) target_semaphore(%arg15 : memref<!tpu.dma_semaphore, #tpu.memory_space<semaphore_mem>>)
    %scan3A = arith.constant 0 : i32
    %scan3A_73 = arith.constant 0 : i32
    %scan3A_74 = arith.constant 56 : i32
    %scan3A_75 = arith.addi %scan3A_73, %scan3A_74 : i32
    %scan3A_76 = arith.constant 1 : i32
    scf.for %scan3A_96 = %scan3A_73 to %scan3A_75 step %scan3A_76  : i32 {
      %jit3A = arith.constant 3 : i32
      %eq3A = arith.constant 0 : i32
      %eq3A_97 = arith.cmpi eq, %jit3A, %eq3A : i32
      %jit3A_98 = arith.constant 1 : i32
      %select_n3A = arith.select %eq3A_97, %jit3A_98, %jit3A : i32
      %rem3A = arith.remsi %scan3A_96, %select_n3A : i32
      %ne3A = arith.constant 0 : i32
      %ne3A_99 = arith.cmpi ne, %rem3A, %ne3A : i32
      %lt3A = arith.constant 0 : i32
      %lt3A_100 = arith.cmpi slt, %rem3A, %lt3A : i32
      %lt3A_101 = arith.constant 0 : i32
      %lt3A_102 = arith.cmpi slt, %select_n3A, %lt3A_101 : i32
      %ne3A_103 = arith.xori %lt3A_100, %lt3A_102 : i1
      %and3A = arith.andi %ne3A_103, %ne3A_99 : i1
      %add3A_104 = arith.addi %rem3A, %select_n3A : i32
      %select_n3A_105 = arith.select %and3A, %add3A_104, %rem3A : i32
      %add3A_106 = arith.constant 1 : i32
      %add3A_107 = arith.addi %scan3A_96, %add3A_106 : i32
      %jit3A_108 = arith.constant 3 : i32
      %eq3A_109 = arith.constant 0 : i32
      %eq3A_110 = arith.cmpi eq, %jit3A_108, %eq3A_109 : i32
      %jit3A_111 = arith.constant 1 : i32
      %select_n3A_112 = arith.select %eq3A_110, %jit3A_111, %jit3A_108 : i32
      %rem3A_113 = arith.remsi %add3A_107, %select_n3A_112 : i32
      %ne3A_114 = arith.constant 0 : i32
      %ne3A_115 = arith.cmpi ne, %rem3A_113, %ne3A_114 : i32
      %lt3A_116 = arith.constant 0 : i32
      %lt3A_117 = arith.cmpi slt, %rem3A_113, %lt3A_116 : i32
      %lt3A_118 = arith.constant 0 : i32
      %lt3A_119 = arith.cmpi slt, %select_n3A_112, %lt3A_118 : i32
      %ne3A_120 = arith.xori %lt3A_117, %lt3A_119 : i1
      %and3A_121 = arith.andi %ne3A_120, %ne3A_115 : i1
      %add3A_122 = arith.addi %rem3A_113, %select_n3A_112 : i32
      %select_n3A_123 = arith.select %and3A_121, %add3A_122, %rem3A_113 : i32
      %add3A_124 = arith.constant 1 : i32
      %add3A_125 = arith.addi %scan3A_96, %add3A_124 : i32
      %lt3A_126 = arith.constant 56 : i32
      %lt3A_127 = arith.cmpi slt, %add3A_125, %lt3A_126 : i32
      %dma_wait3A_128 = arith.constant 0 : i32
      %dma_wait3A_129 = arith.constant 0 : i32
      %dma_wait3A_130 = arith.constant 0 : i32
      %dma_wait3A_131 = arith.constant 0 : i32
      %dma_wait3A_132 = arith.constant 0 : i32
      %dma_wait3A_133 = tpu.memref_slice %arg6[%select_n3A_105, %dma_wait3A_130, %dma_wait3A_131, %dma_wait3A_132] : memref<3x3x2x120xi32, #tpu.memory_space<vmem>> -> memref<1x3x2x120xi32, #tpu.memory_space<vmem>>
      %dma_wait3A_134 = tpu.memref_squeeze %dma_wait3A_133 : memref<1x3x2x120xi32, #tpu.memory_space<vmem>> -> memref<3x2x120xi32, #tpu.memory_space<vmem>>
      %dma_wait3A_135 = arith.constant 0 : i32
      %dma_wait3A_136 = arith.constant 0 : i32
      %dma_wait3A_137 = tpu.memref_slice %dma_wait3A_134[%dma_wait3A_128, %dma_wait3A_135, %dma_wait3A_136] : memref<3x2x120xi32, #tpu.memory_space<vmem>> -> memref<1x2x120xi32, #tpu.memory_space<vmem>>
      %dma_wait3A_138 = tpu.memref_squeeze %dma_wait3A_137 : memref<1x2x120xi32, #tpu.memory_space<vmem>> -> memref<2x120xi32, #tpu.memory_space<vmem>>
      %dma_wait3A_139 = arith.constant 0 : i32
      %dma_wait3A_140 = tpu.memref_slice %dma_wait3A_138[%dma_wait3A_129, %dma_wait3A_139] : memref<2x120xi32, #tpu.memory_space<vmem>> -> memref<1x120xi32, #tpu.memory_space<vmem>>
      %dma_wait3A_141 = tpu.memref_squeeze %dma_wait3A_140 : memref<1x120xi32, #tpu.memory_space<vmem>> -> memref<120xi32, #tpu.memory_space<vmem>>
      %dma_wait3A_142 = arith.constant 0 : i32
      %dma_wait3A_143 = arith.constant 0 : i32
      %dma_wait3A_144 = tpu.memref_slice %arg2[%dma_wait3A_142, %dma_wait3A_143] : memref<10000x128xf32, #tpu.memory_space<hbm>> -> memref<10000x128xf32, #tpu.memory_space<hbm>>
      tpu.wait_indirect_dma semaphore(%arg11 : memref<!tpu.dma_semaphore, #tpu.memory_space<semaphore_mem>>) src(%dma_wait3A_144 : memref<10000x128xf32, #tpu.memory_space<hbm>>) dst(%arg7 : memref<120x128xf32, #tpu.memory_space<vmem>>)
      %gt3A = arith.constant 0 : i32
      %gt3A_145 = arith.cmpi sgt, %scan3A_96, %gt3A : i32
      %convert_element_type3A = arith.extui %gt3A_145 : i1 to i32
      %cond3A = arith.constant 0 : i32
      %cond3A_146 = arith.cmpi ne, %convert_element_type3A, %cond3A : i32
      scf.if %cond3A_146 {
        %dma_wait3A_299 = arith.constant 0 : i32
        %dma_wait3A_300 = arith.constant 1 : i32
        %dma_wait3A_301 = arith.constant 0 : i32
        %dma_wait3A_302 = arith.constant 0 : i32
        %dma_wait3A_303 = arith.constant 0 : i32
        %dma_wait3A_304 = tpu.memref_slice %arg6[%select_n3A_105, %dma_wait3A_301, %dma_wait3A_302, %dma_wait3A_303] : memref<3x3x2x120xi32, #tpu.memory_space<vmem>> -> memref<1x3x2x120xi32, #tpu.memory_space<vmem>>
        %dma_wait3A_305 = tpu.memref_squeeze %dma_wait3A_304 : memref<1x3x2x120xi32, #tpu.memory_space<vmem>> -> memref<3x2x120xi32, #tpu.memory_space<vmem>>
        %dma_wait3A_306 = arith.constant 0 : i32
        %dma_wait3A_307 = arith.constant 0 : i32
        %dma_wait3A_308 = tpu.memref_slice %dma_wait3A_305[%dma_wait3A_299, %dma_wait3A_306, %dma_wait3A_307] : memref<3x2x120xi32, #tpu.memory_space<vmem>> -> memref<1x2x120xi32, #tpu.memory_space<vmem>>
        %dma_wait3A_309 = tpu.memref_squeeze %dma_wait3A_308 : memref<1x2x120xi32, #tpu.memory_space<vmem>> -> memref<2x120xi32, #tpu.memory_space<vmem>>
        %dma_wait3A_310 = arith.constant 0 : i32
        %dma_wait3A_311 = tpu.memref_slice %dma_wait3A_309[%dma_wait3A_300, %dma_wait3A_310] : memref<2x120xi32, #tpu.memory_space<vmem>> -> memref<1x120xi32, #tpu.memory_space<vmem>>
        %dma_wait3A_312 = tpu.memref_squeeze %dma_wait3A_311 : memref<1x120xi32, #tpu.memory_space<vmem>> -> memref<120xi32, #tpu.memory_space<vmem>>
        %dma_wait3A_313 = arith.constant 0 : i32
        %dma_wait3A_314 = arith.constant 0 : i32
        %dma_wait3A_315 = tpu.memref_slice %arg10[%dma_wait3A_313, %dma_wait3A_314] : memref<10240x128xf32, #tpu.memory_space<vmem_shared>> -> memref<10240x128xf32, #tpu.memory_space<vmem_shared>>
        tpu.wait_indirect_dma semaphore(%arg14 : memref<!tpu.dma_semaphore, #tpu.memory_space<semaphore_mem>>) src(%arg9 : memref<120x128xf32, #tpu.memory_space<vmem>>) dst(%dma_wait3A_315 : memref<10240x128xf32, #tpu.memory_space<vmem_shared>>)
      } else {
      }
      %convert_element_type3A_147 = arith.extui %lt3A_127 : i1 to i32
      %cond3A_148 = arith.constant 0 : i32
      %cond3A_149 = arith.cmpi ne, %convert_element_type3A_147, %cond3A_148 : i32
      scf.if %cond3A_149 {
        %add3A_299 = arith.constant 1 : i32
        %add3A_300 = arith.addi %scan3A_96, %add3A_299 : i32
        %dma_wait3A_301 = arith.constant 0 : i32
        %dma_wait3A_302 = arith.constant 0 : i32
        %dma_wait3A_303 = arith.constant 0 : i32
        %dma_wait3A_304 = tpu.memref_slice %arg6[%select_n3A_123, %dma_wait3A_301, %dma_wait3A_302, %dma_wait3A_303] : memref<3x3x2x120xi32, #tpu.memory_space<vmem>> -> memref<1x3x2x120xi32, #tpu.memory_space<vmem>>
        %dma_wait3A_305 = tpu.memref_squeeze %dma_wait3A_304 : memref<1x3x2x120xi32, #tpu.memory_space<vmem>> -> memref<3x2x120xi32, #tpu.memory_space<vmem>>
        %dma_wait3A_306 = arith.constant 0 : i32
        %dma_wait3A_307 = arith.constant 0 : i32
        %dma_wait3A_308 = arith.constant 0 : i32
        %dma_wait3A_309 = arith.constant 0 : i32
        %dma_wait3A_310 = tpu.memref_slice %arg3[%add3A, %dma_wait3A_306, %dma_wait3A_307, %dma_wait3A_308, %dma_wait3A_309] : memref<32x56x3x2x120xi32, #tpu.memory_space<hbm>> -> memref<1x56x3x2x120xi32, #tpu.memory_space<hbm>>
        %dma_wait3A_311 = tpu.memref_squeeze %dma_wait3A_310 : memref<1x56x3x2x120xi32, #tpu.memory_space<hbm>> -> memref<56x3x2x120xi32, #tpu.memory_space<hbm>>
        %dma_wait3A_312 = arith.constant 0 : i32
        %dma_wait3A_313 = arith.constant 0 : i32
        %dma_wait3A_314 = arith.constant 0 : i32
        %dma_wait3A_315 = tpu.memref_slice %dma_wait3A_311[%add3A_300, %dma_wait3A_312, %dma_wait3A_313, %dma_wait3A_314] : memref<56x3x2x120xi32, #tpu.memory_space<hbm>> -> memref<1x3x2x120xi32, #tpu.memory_space<hbm>>
        %dma_wait3A_316 = tpu.memref_squeeze %dma_wait3A_315 : memref<1x3x2x120xi32, #tpu.memory_space<hbm>> -> memref<3x2x120xi32, #tpu.memory_space<hbm>>
        %dma_wait3A_317 = arith.constant 0 : i32
        %dma_wait3A_318 = arith.constant 0 : i32
        %dma_wait3A_319 = arith.constant 0 : i32
        %dma_wait3A_320 = tpu.memref_slice %arg6[%select_n3A_123, %dma_wait3A_317, %dma_wait3A_318, %dma_wait3A_319] : memref<3x3x2x120xi32, #tpu.memory_space<vmem>> -> memref<1x3x2x120xi32, #tpu.memory_space<vmem>>
        %dma_wait3A_321 = tpu.memref_squeeze %dma_wait3A_320 : memref<1x3x2x120xi32, #tpu.memory_space<vmem>> -> memref<3x2x120xi32, #tpu.memory_space<vmem>>
        %dma_wait3A_322 = arith.constant 0 : i32
        %dma_wait3A_323 = arith.constant 0 : i32
        %dma_wait3A_324 = arith.constant 0 : i32
        %dma_wait3A_325 = arith.constant 0 : i32
        %dma_wait3A_326 = tpu.memref_slice %arg3[%add3A, %dma_wait3A_322, %dma_wait3A_323, %dma_wait3A_324, %dma_wait3A_325] : memref<32x56x3x2x120xi32, #tpu.memory_space<hbm>> -> memref<1x56x3x2x120xi32, #tpu.memory_space<hbm>>
        %dma_wait3A_327 = tpu.memref_squeeze %dma_wait3A_326 : memref<1x56x3x2x120xi32, #tpu.memory_space<hbm>> -> memref<56x3x2x120xi32, #tpu.memory_space<hbm>>
        %dma_wait3A_328 = arith.constant 0 : i32
        %dma_wait3A_329 = arith.constant 0 : i32
        %dma_wait3A_330 = arith.constant 0 : i32
        %dma_wait3A_331 = tpu.memref_slice %dma_wait3A_327[%add3A_300, %dma_wait3A_328, %dma_wait3A_329, %dma_wait3A_330] : memref<56x3x2x120xi32, #tpu.memory_space<hbm>> -> memref<1x3x2x120xi32, #tpu.memory_space<hbm>>
        %dma_wait3A_332 = tpu.memref_squeeze %dma_wait3A_331 : memref<1x3x2x120xi32, #tpu.memory_space<hbm>> -> memref<3x2x120xi32, #tpu.memory_space<hbm>>
        tpu.wait_dma2 semaphore(%arg15 : memref<!tpu.dma_semaphore, #tpu.memory_space<semaphore_mem>>) src(%dma_wait3A_332 : memref<3x2x120xi32, #tpu.memory_space<hbm>>) dst(%dma_wait3A_321 : memref<3x2x120xi32, #tpu.memory_space<vmem>>)
      } else {
      }
      %add3A_150 = arith.constant 2 : i32
      %add3A_151 = arith.addi %scan3A_96, %add3A_150 : i32
      %lt3A_152 = arith.constant 56 : i32
      %lt3A_153 = arith.cmpi slt, %add3A_151, %lt3A_152 : i32
      %convert_element_type3A_154 = arith.extui %lt3A_153 : i1 to i32
      %cond3A_155 = arith.constant 0 : i32
      %cond3A_156 = arith.cmpi ne, %convert_element_type3A_154, %cond3A_155 : i32
      scf.if %cond3A_156 {
        %add3A_299 = arith.constant 2 : i32
        %add3A_300 = arith.addi %scan3A_96, %add3A_299 : i32
        %add3A_301 = arith.constant 2 : i32
        %add3A_302 = arith.addi %scan3A_96, %add3A_301 : i32
        %jit3A_303 = arith.constant 3 : i32
        %eq3A_304 = arith.constant 0 : i32
        %eq3A_305 = arith.cmpi eq, %jit3A_303, %eq3A_304 : i32
        %jit3A_306 = arith.constant 1 : i32
        %select_n3A_307 = arith.select %eq3A_305, %jit3A_306, %jit3A_303 : i32
        %rem3A_308 = arith.remsi %add3A_302, %select_n3A_307 : i32
        %ne3A_309 = arith.constant 0 : i32
        %ne3A_310 = arith.cmpi ne, %rem3A_308, %ne3A_309 : i32
        %lt3A_311 = arith.constant 0 : i32
        %lt3A_312 = arith.cmpi slt, %rem3A_308, %lt3A_311 : i32
        %lt3A_313 = arith.constant 0 : i32
        %lt3A_314 = arith.cmpi slt, %select_n3A_307, %lt3A_313 : i32
        %ne3A_315 = arith.xori %lt3A_312, %lt3A_314 : i1
        %and3A_316 = arith.andi %ne3A_315, %ne3A_310 : i1
        %add3A_317 = arith.addi %rem3A_308, %select_n3A_307 : i32
        %select_n3A_318 = arith.select %and3A_316, %add3A_317, %rem3A_308 : i32
        %dma_start3A_319 = arith.constant 0 : i32
        %dma_start3A_320 = arith.constant 0 : i32
        %dma_start3A_321 = arith.constant 0 : i32
        %dma_start3A_322 = tpu.memref_slice %arg6[%select_n3A_318, %dma_start3A_319, %dma_start3A_320, %dma_start3A_321] : memref<3x3x2x120xi32, #tpu.memory_space<vmem>> -> memref<1x3x2x120xi32, #tpu.memory_space<vmem>>
        %dma_start3A_323 = tpu.memref_squeeze %dma_start3A_322 : memref<1x3x2x120xi32, #tpu.memory_space<vmem>> -> memref<3x2x120xi32, #tpu.memory_space<vmem>>
        %dma_start3A_324 = arith.constant 0 : i32
        %dma_start3A_325 = arith.constant 0 : i32
        %dma_start3A_326 = arith.constant 0 : i32
        %dma_start3A_327 = arith.constant 0 : i32
        %dma_start3A_328 = tpu.memref_slice %arg3[%add3A, %dma_start3A_324, %dma_start3A_325, %dma_start3A_326, %dma_start3A_327] : memref<32x56x3x2x120xi32, #tpu.memory_space<hbm>> -> memref<1x56x3x2x120xi32, #tpu.memory_space<hbm>>
        %dma_start3A_329 = tpu.memref_squeeze %dma_start3A_328 : memref<1x56x3x2x120xi32, #tpu.memory_space<hbm>> -> memref<56x3x2x120xi32, #tpu.memory_space<hbm>>
        %dma_start3A_330 = arith.constant 0 : i32
        %dma_start3A_331 = arith.constant 0 : i32
        %dma_start3A_332 = arith.constant 0 : i32
        %dma_start3A_333 = tpu.memref_slice %dma_start3A_329[%add3A_300, %dma_start3A_330, %dma_start3A_331, %dma_start3A_332] : memref<56x3x2x120xi32, #tpu.memory_space<hbm>> -> memref<1x3x2x120xi32, #tpu.memory_space<hbm>>
        %dma_start3A_334 = tpu.memref_squeeze %dma_start3A_333 : memref<1x3x2x120xi32, #tpu.memory_space<hbm>> -> memref<3x2x120xi32, #tpu.memory_space<hbm>>
        %dma_start3A_335 = arith.constant 0 : i32
        %dma_start3A_336 = arith.constant 0 : i32
        %dma_start3A_337 = arith.constant 0 : i32
        %dma_start3A_338 = tpu.memref_slice %arg6[%select_n3A_318, %dma_start3A_335, %dma_start3A_336, %dma_start3A_337] : memref<3x3x2x120xi32, #tpu.memory_space<vmem>> -> memref<1x3x2x120xi32, #tpu.memory_space<vmem>>
        %dma_start3A_339 = tpu.memref_squeeze %dma_start3A_338 : memref<1x3x2x120xi32, #tpu.memory_space<vmem>> -> memref<3x2x120xi32, #tpu.memory_space<vmem>>
        %dma_start3A_340 = arith.constant 0 : i32
        %dma_start3A_341 = arith.constant 0 : i32
        %dma_start3A_342 = arith.constant 0 : i32
        %dma_start3A_343 = arith.constant 0 : i32
        %dma_start3A_344 = tpu.memref_slice %arg3[%add3A, %dma_start3A_340, %dma_start3A_341, %dma_start3A_342, %dma_start3A_343] : memref<32x56x3x2x120xi32, #tpu.memory_space<hbm>> -> memref<1x56x3x2x120xi32, #tpu.memory_space<hbm>>
        %dma_start3A_345 = tpu.memref_squeeze %dma_start3A_344 : memref<1x56x3x2x120xi32, #tpu.memory_space<hbm>> -> memref<56x3x2x120xi32, #tpu.memory_space<hbm>>
        %dma_start3A_346 = arith.constant 0 : i32
        %dma_start3A_347 = arith.constant 0 : i32
        %dma_start3A_348 = arith.constant 0 : i32
        %dma_start3A_349 = tpu.memref_slice %dma_start3A_345[%add3A_300, %dma_start3A_346, %dma_start3A_347, %dma_start3A_348] : memref<56x3x2x120xi32, #tpu.memory_space<hbm>> -> memref<1x3x2x120xi32, #tpu.memory_space<hbm>>
        %dma_start3A_350 = tpu.memref_squeeze %dma_start3A_349 : memref<1x3x2x120xi32, #tpu.memory_space<hbm>> -> memref<3x2x120xi32, #tpu.memory_space<hbm>>
        tpu.enqueue_dma source(%dma_start3A_350 : memref<3x2x120xi32, #tpu.memory_space<hbm>>) target(%dma_start3A_339 : memref<3x2x120xi32, #tpu.memory_space<vmem>>) target_semaphore(%arg15 : memref<!tpu.dma_semaphore, #tpu.memory_space<semaphore_mem>>)
      } else {
      }
      %dma_start3A_157 = arith.constant 0 : i32
      %dma_start3A_158 = arith.constant 1 : i32
      %dma_start3A_159 = arith.constant 0 : i32
      %dma_start3A_160 = arith.constant 0 : i32
      %dma_start3A_161 = arith.constant 0 : i32
      %dma_start3A_162 = tpu.memref_slice %arg6[%select_n3A_105, %dma_start3A_159, %dma_start3A_160, %dma_start3A_161] : memref<3x3x2x120xi32, #tpu.memory_space<vmem>> -> memref<1x3x2x120xi32, #tpu.memory_space<vmem>>
      %dma_start3A_163 = tpu.memref_squeeze %dma_start3A_162 : memref<1x3x2x120xi32, #tpu.memory_space<vmem>> -> memref<3x2x120xi32, #tpu.memory_space<vmem>>
      %dma_start3A_164 = arith.constant 0 : i32
      %dma_start3A_165 = arith.constant 0 : i32
      %dma_start3A_166 = tpu.memref_slice %dma_start3A_163[%dma_start3A_157, %dma_start3A_164, %dma_start3A_165] : memref<3x2x120xi32, #tpu.memory_space<vmem>> -> memref<1x2x120xi32, #tpu.memory_space<vmem>>
      %dma_start3A_167 = tpu.memref_squeeze %dma_start3A_166 : memref<1x2x120xi32, #tpu.memory_space<vmem>> -> memref<2x120xi32, #tpu.memory_space<vmem>>
      %dma_start3A_168 = arith.constant 0 : i32
      %dma_start3A_169 = tpu.memref_slice %dma_start3A_167[%dma_start3A_158, %dma_start3A_168] : memref<2x120xi32, #tpu.memory_space<vmem>> -> memref<1x120xi32, #tpu.memory_space<vmem>>
      %dma_start3A_170 = tpu.memref_squeeze %dma_start3A_169 : memref<1x120xi32, #tpu.memory_space<vmem>> -> memref<120xi32, #tpu.memory_space<vmem>>
      %dma_start3A_171 = arith.constant 0 : i32
      %dma_start3A_172 = arith.constant 0 : i32
      %dma_start3A_173 = tpu.memref_slice %arg10[%dma_start3A_171, %dma_start3A_172] : memref<10240x128xf32, #tpu.memory_space<vmem_shared>> -> memref<10240x128xf32, #tpu.memory_space<vmem_shared>>
      tpu.enqueue_indirect_dma source(%arg7 : memref<120x128xf32, #tpu.memory_space<vmem>>) target(%dma_start3A_173 : memref<10240x128xf32, #tpu.memory_space<vmem_shared>>) offsets(%dma_start3A_170 : memref<120xi32, #tpu.memory_space<vmem>>) semaphore(%arg14 : memref<!tpu.dma_semaphore, #tpu.memory_space<semaphore_mem>>) {add = true}
      %dma_start3A_174 = arith.constant 2 : i32
      %dma_start3A_175 = arith.constant 0 : i32
      %dma_start3A_176 = arith.constant 0 : i32
      %dma_start3A_177 = arith.constant 0 : i32
      %dma_start3A_178 = arith.constant 0 : i32
      %dma_start3A_179 = tpu.memref_slice %arg6[%select_n3A_105, %dma_start3A_176, %dma_start3A_177, %dma_start3A_178] : memref<3x3x2x120xi32, #tpu.memory_space<vmem>> -> memref<1x3x2x120xi32, #tpu.memory_space<vmem>>
      %dma_start3A_180 = tpu.memref_squeeze %dma_start3A_179 : memref<1x3x2x120xi32, #tpu.memory_space<vmem>> -> memref<3x2x120xi32, #tpu.memory_space<vmem>>
      %dma_start3A_181 = arith.constant 0 : i32
      %dma_start3A_182 = arith.constant 0 : i32
      %dma_start3A_183 = tpu.memref_slice %dma_start3A_180[%dma_start3A_174, %dma_start3A_181, %dma_start3A_182] : memref<3x2x120xi32, #tpu.memory_space<vmem>> -> memref<1x2x120xi32, #tpu.memory_space<vmem>>
      %dma_start3A_184 = tpu.memref_squeeze %dma_start3A_183 : memref<1x2x120xi32, #tpu.memory_space<vmem>> -> memref<2x120xi32, #tpu.memory_space<vmem>>
      %dma_start3A_185 = arith.constant 0 : i32
      %dma_start3A_186 = tpu.memref_slice %dma_start3A_184[%dma_start3A_175, %dma_start3A_185] : memref<2x120xi32, #tpu.memory_space<vmem>> -> memref<1x120xi32, #tpu.memory_space<vmem>>
      %dma_start3A_187 = tpu.memref_squeeze %dma_start3A_186 : memref<1x120xi32, #tpu.memory_space<vmem>> -> memref<120xi32, #tpu.memory_space<vmem>>
      %dma_start3A_188 = arith.constant 0 : i32
      %dma_start3A_189 = arith.constant 0 : i32
      %dma_start3A_190 = tpu.memref_slice %arg2[%dma_start3A_188, %dma_start3A_189] : memref<10000x128xf32, #tpu.memory_space<hbm>> -> memref<10000x128xf32, #tpu.memory_space<hbm>>
      tpu.enqueue_indirect_dma source(%dma_start3A_190 : memref<10000x128xf32, #tpu.memory_space<hbm>>) target(%arg9 : memref<120x128xf32, #tpu.memory_space<vmem>>) offsets(%dma_start3A_187 : memref<120xi32, #tpu.memory_space<vmem>>) semaphore(%arg13 : memref<!tpu.dma_semaphore, #tpu.memory_space<semaphore_mem>>)
      %dma_wait3A_191 = arith.constant 1 : i32
      %dma_wait3A_192 = arith.constant 0 : i32
      %dma_wait3A_193 = arith.constant 0 : i32
      %dma_wait3A_194 = arith.constant 0 : i32
      %dma_wait3A_195 = arith.constant 0 : i32
      %dma_wait3A_196 = tpu.memref_slice %arg6[%select_n3A_105, %dma_wait3A_193, %dma_wait3A_194, %dma_wait3A_195] : memref<3x3x2x120xi32, #tpu.memory_space<vmem>> -> memref<1x3x2x120xi32, #tpu.memory_space<vmem>>
      %dma_wait3A_197 = tpu.memref_squeeze %dma_wait3A_196 : memref<1x3x2x120xi32, #tpu.memory_space<vmem>> -> memref<3x2x120xi32, #tpu.memory_space<vmem>>
      %dma_wait3A_198 = arith.constant 0 : i32
      %dma_wait3A_199 = arith.constant 0 : i32
      %dma_wait3A_200 = tpu.memref_slice %dma_wait3A_197[%dma_wait3A_191, %dma_wait3A_198, %dma_wait3A_199] : memref<3x2x120xi32, #tpu.memory_space<vmem>> -> memref<1x2x120xi32, #tpu.memory_space<vmem>>
      %dma_wait3A_201 = tpu.memref_squeeze %dma_wait3A_200 : memref<1x2x120xi32, #tpu.memory_space<vmem>> -> memref<2x120xi32, #tpu.memory_space<vmem>>
      %dma_wait3A_202 = arith.constant 0 : i32
      %dma_wait3A_203 = tpu.memref_slice %dma_wait3A_201[%dma_wait3A_192, %dma_wait3A_202] : memref<2x120xi32, #tpu.memory_space<vmem>> -> memref<1x120xi32, #tpu.memory_space<vmem>>
      %dma_wait3A_204 = tpu.memref_squeeze %dma_wait3A_203 : memref<1x120xi32, #tpu.memory_space<vmem>> -> memref<120xi32, #tpu.memory_space<vmem>>
      %dma_wait3A_205 = arith.constant 0 : i32
      %dma_wait3A_206 = arith.constant 0 : i32
      %dma_wait3A_207 = tpu.memref_slice %arg2[%dma_wait3A_205, %dma_wait3A_206] : memref<10000x128xf32, #tpu.memory_space<hbm>> -> memref<10000x128xf32, #tpu.memory_space<hbm>>
      tpu.wait_indirect_dma semaphore(%arg12 : memref<!tpu.dma_semaphore, #tpu.memory_space<semaphore_mem>>) src(%dma_wait3A_207 : memref<10000x128xf32, #tpu.memory_space<hbm>>) dst(%arg8 : memref<120x128xf32, #tpu.memory_space<vmem>>)
      %dma_wait3A_208 = arith.constant 1 : i32
      %dma_wait3A_209 = arith.constant 1 : i32
      %dma_wait3A_210 = arith.constant 0 : i32
      %dma_wait3A_211 = arith.constant 0 : i32
      %dma_wait3A_212 = arith.constant 0 : i32
      %dma_wait3A_213 = tpu.memref_slice %arg6[%select_n3A_105, %dma_wait3A_210, %dma_wait3A_211, %dma_wait3A_212] : memref<3x3x2x120xi32, #tpu.memory_space<vmem>> -> memref<1x3x2x120xi32, #tpu.memory_space<vmem>>
      %dma_wait3A_214 = tpu.memref_squeeze %dma_wait3A_213 : memref<1x3x2x120xi32, #tpu.memory_space<vmem>> -> memref<3x2x120xi32, #tpu.memory_space<vmem>>
      %dma_wait3A_215 = arith.constant 0 : i32
      %dma_wait3A_216 = arith.constant 0 : i32
      %dma_wait3A_217 = tpu.memref_slice %dma_wait3A_214[%dma_wait3A_208, %dma_wait3A_215, %dma_wait3A_216] : memref<3x2x120xi32, #tpu.memory_space<vmem>> -> memref<1x2x120xi32, #tpu.memory_space<vmem>>
      %dma_wait3A_218 = tpu.memref_squeeze %dma_wait3A_217 : memref<1x2x120xi32, #tpu.memory_space<vmem>> -> memref<2x120xi32, #tpu.memory_space<vmem>>
      %dma_wait3A_219 = arith.constant 0 : i32
      %dma_wait3A_220 = tpu.memref_slice %dma_wait3A_218[%dma_wait3A_209, %dma_wait3A_219] : memref<2x120xi32, #tpu.memory_space<vmem>> -> memref<1x120xi32, #tpu.memory_space<vmem>>
      %dma_wait3A_221 = tpu.memref_squeeze %dma_wait3A_220 : memref<1x120xi32, #tpu.memory_space<vmem>> -> memref<120xi32, #tpu.memory_space<vmem>>
      %dma_wait3A_222 = arith.constant 0 : i32
      %dma_wait3A_223 = arith.constant 0 : i32
      %dma_wait3A_224 = tpu.memref_slice %arg10[%dma_wait3A_222, %dma_wait3A_223] : memref<10240x128xf32, #tpu.memory_space<vmem_shared>> -> memref<10240x128xf32, #tpu.memory_space<vmem_shared>>
      tpu.wait_indirect_dma semaphore(%arg14 : memref<!tpu.dma_semaphore, #tpu.memory_space<semaphore_mem>>) src(%arg7 : memref<120x128xf32, #tpu.memory_space<vmem>>) dst(%dma_wait3A_224 : memref<10240x128xf32, #tpu.memory_space<vmem_shared>>)
      %dma_start3A_225 = arith.constant 1 : i32
      %dma_start3A_226 = arith.constant 1 : i32
      %dma_start3A_227 = arith.constant 0 : i32
      %dma_start3A_228 = arith.constant 0 : i32
      %dma_start3A_229 = arith.constant 0 : i32
      %dma_start3A_230 = tpu.memref_slice %arg6[%select_n3A_105, %dma_start3A_227, %dma_start3A_228, %dma_start3A_229] : memref<3x3x2x120xi32, #tpu.memory_space<vmem>> -> memref<1x3x2x120xi32, #tpu.memory_space<vmem>>
      %dma_start3A_231 = tpu.memref_squeeze %dma_start3A_230 : memref<1x3x2x120xi32, #tpu.memory_space<vmem>> -> memref<3x2x120xi32, #tpu.memory_space<vmem>>
      %dma_start3A_232 = arith.constant 0 : i32
      %dma_start3A_233 = arith.constant 0 : i32
      %dma_start3A_234 = tpu.memref_slice %dma_start3A_231[%dma_start3A_225, %dma_start3A_232, %dma_start3A_233] : memref<3x2x120xi32, #tpu.memory_space<vmem>> -> memref<1x2x120xi32, #tpu.memory_space<vmem>>
      %dma_start3A_235 = tpu.memref_squeeze %dma_start3A_234 : memref<1x2x120xi32, #tpu.memory_space<vmem>> -> memref<2x120xi32, #tpu.memory_space<vmem>>
      %dma_start3A_236 = arith.constant 0 : i32
      %dma_start3A_237 = tpu.memref_slice %dma_start3A_235[%dma_start3A_226, %dma_start3A_236] : memref<2x120xi32, #tpu.memory_space<vmem>> -> memref<1x120xi32, #tpu.memory_space<vmem>>
      %dma_start3A_238 = tpu.memref_squeeze %dma_start3A_237 : memref<1x120xi32, #tpu.memory_space<vmem>> -> memref<120xi32, #tpu.memory_space<vmem>>
      %dma_start3A_239 = arith.constant 0 : i32
      %dma_start3A_240 = arith.constant 0 : i32
      %dma_start3A_241 = tpu.memref_slice %arg10[%dma_start3A_239, %dma_start3A_240] : memref<10240x128xf32, #tpu.memory_space<vmem_shared>> -> memref<10240x128xf32, #tpu.memory_space<vmem_shared>>
      tpu.enqueue_indirect_dma source(%arg8 : memref<120x128xf32, #tpu.memory_space<vmem>>) target(%dma_start3A_241 : memref<10240x128xf32, #tpu.memory_space<vmem_shared>>) offsets(%dma_start3A_238 : memref<120xi32, #tpu.memory_space<vmem>>) semaphore(%arg14 : memref<!tpu.dma_semaphore, #tpu.memory_space<semaphore_mem>>) {add = true}
      %convert_element_type3A_242 = arith.extui %lt3A_127 : i1 to i32
      %cond3A_243 = arith.constant 0 : i32
      %cond3A_244 = arith.cmpi ne, %convert_element_type3A_242, %cond3A_243 : i32
      scf.if %cond3A_244 {
        %dma_start3A_299 = arith.constant 0 : i32
        %dma_start3A_300 = arith.constant 0 : i32
        %dma_start3A_301 = arith.constant 0 : i32
        %dma_start3A_302 = arith.constant 0 : i32
        %dma_start3A_303 = arith.constant 0 : i32
        %dma_start3A_304 = tpu.memref_slice %arg6[%select_n3A_123, %dma_start3A_301, %dma_start3A_302, %dma_start3A_303] : memref<3x3x2x120xi32, #tpu.memory_space<vmem>> -> memref<1x3x2x120xi32, #tpu.memory_space<vmem>>
        %dma_start3A_305 = tpu.memref_squeeze %dma_start3A_304 : memref<1x3x2x120xi32, #tpu.memory_space<vmem>> -> memref<3x2x120xi32, #tpu.memory_space<vmem>>
        %dma_start3A_306 = arith.constant 0 : i32
        %dma_start3A_307 = arith.constant 0 : i32
        %dma_start3A_308 = tpu.memref_slice %dma_start3A_305[%dma_start3A_299, %dma_start3A_306, %dma_start3A_307] : memref<3x2x120xi32, #tpu.memory_space<vmem>> -> memref<1x2x120xi32, #tpu.memory_space<vmem>>
        %dma_start3A_309 = tpu.memref_squeeze %dma_start3A_308 : memref<1x2x120xi32, #tpu.memory_space<vmem>> -> memref<2x120xi32, #tpu.memory_space<vmem>>
        %dma_start3A_310 = arith.constant 0 : i32
        %dma_start3A_311 = tpu.memref_slice %dma_start3A_309[%dma_start3A_300, %dma_start3A_310] : memref<2x120xi32, #tpu.memory_space<vmem>> -> memref<1x120xi32, #tpu.memory_space<vmem>>
        %dma_start3A_312 = tpu.memref_squeeze %dma_start3A_311 : memref<1x120xi32, #tpu.memory_space<vmem>> -> memref<120xi32, #tpu.memory_space<vmem>>
        %dma_start3A_313 = arith.constant 0 : i32
        %dma_start3A_314 = arith.constant 0 : i32
        %dma_start3A_315 = tpu.memref_slice %arg2[%dma_start3A_313, %dma_start3A_314] : memref<10000x128xf32, #tpu.memory_space<hbm>> -> memref<10000x128xf32, #tpu.memory_space<hbm>>
        tpu.enqueue_indirect_dma source(%dma_start3A_315 : memref<10000x128xf32, #tpu.memory_space<hbm>>) target(%arg7 : memref<120x128xf32, #tpu.memory_space<vmem>>) offsets(%dma_start3A_312 : memref<120xi32, #tpu.memory_space<vmem>>) semaphore(%arg11 : memref<!tpu.dma_semaphore, #tpu.memory_space<semaphore_mem>>)
      } else {
      }
      %dma_wait3A_245 = arith.constant 2 : i32
      %dma_wait3A_246 = arith.constant 0 : i32
      %dma_wait3A_247 = arith.constant 0 : i32
      %dma_wait3A_248 = arith.constant 0 : i32
      %dma_wait3A_249 = arith.constant 0 : i32
      %dma_wait3A_250 = tpu.memref_slice %arg6[%select_n3A_105, %dma_wait3A_247, %dma_wait3A_248, %dma_wait3A_249] : memref<3x3x2x120xi32, #tpu.memory_space<vmem>> -> memref<1x3x2x120xi32, #tpu.memory_space<vmem>>
      %dma_wait3A_251 = tpu.memref_squeeze %dma_wait3A_250 : memref<1x3x2x120xi32, #tpu.memory_space<vmem>> -> memref<3x2x120xi32, #tpu.memory_space<vmem>>
      %dma_wait3A_252 = arith.constant 0 : i32
      %dma_wait3A_253 = arith.constant 0 : i32
      %dma_wait3A_254 = tpu.memref_slice %dma_wait3A_251[%dma_wait3A_245, %dma_wait3A_252, %dma_wait3A_253] : memref<3x2x120xi32, #tpu.memory_space<vmem>> -> memref<1x2x120xi32, #tpu.memory_space<vmem>>
      %dma_wait3A_255 = tpu.memref_squeeze %dma_wait3A_254 : memref<1x2x120xi32, #tpu.memory_space<vmem>> -> memref<2x120xi32, #tpu.memory_space<vmem>>
      %dma_wait3A_256 = arith.constant 0 : i32
      %dma_wait3A_257 = tpu.memref_slice %dma_wait3A_255[%dma_wait3A_246, %dma_wait3A_256] : memref<2x120xi32, #tpu.memory_space<vmem>> -> memref<1x120xi32, #tpu.memory_space<vmem>>
      %dma_wait3A_258 = tpu.memref_squeeze %dma_wait3A_257 : memref<1x120xi32, #tpu.memory_space<vmem>> -> memref<120xi32, #tpu.memory_space<vmem>>
      %dma_wait3A_259 = arith.constant 0 : i32
      %dma_wait3A_260 = arith.constant 0 : i32
      %dma_wait3A_261 = tpu.memref_slice %arg2[%dma_wait3A_259, %dma_wait3A_260] : memref<10000x128xf32, #tpu.memory_space<hbm>> -> memref<10000x128xf32, #tpu.memory_space<hbm>>
      tpu.wait_indirect_dma semaphore(%arg13 : memref<!tpu.dma_semaphore, #tpu.memory_space<semaphore_mem>>) src(%dma_wait3A_261 : memref<10000x128xf32, #tpu.memory_space<hbm>>) dst(%arg9 : memref<120x128xf32, #tpu.memory_space<vmem>>)
      %dma_wait3A_262 = arith.constant 2 : i32
      %dma_wait3A_263 = arith.constant 1 : i32
      %dma_wait3A_264 = arith.constant 0 : i32
      %dma_wait3A_265 = arith.constant 0 : i32
      %dma_wait3A_266 = arith.constant 0 : i32
      %dma_wait3A_267 = tpu.memref_slice %arg6[%select_n3A_105, %dma_wait3A_264, %dma_wait3A_265, %dma_wait3A_266] : memref<3x3x2x120xi32, #tpu.memory_space<vmem>> -> memref<1x3x2x120xi32, #tpu.memory_space<vmem>>
      %dma_wait3A_268 = tpu.memref_squeeze %dma_wait3A_267 : memref<1x3x2x120xi32, #tpu.memory_space<vmem>> -> memref<3x2x120xi32, #tpu.memory_space<vmem>>
      %dma_wait3A_269 = arith.constant 0 : i32
      %dma_wait3A_270 = arith.constant 0 : i32
      %dma_wait3A_271 = tpu.memref_slice %dma_wait3A_268[%dma_wait3A_262, %dma_wait3A_269, %dma_wait3A_270] : memref<3x2x120xi32, #tpu.memory_space<vmem>> -> memref<1x2x120xi32, #tpu.memory_space<vmem>>
      %dma_wait3A_272 = tpu.memref_squeeze %dma_wait3A_271 : memref<1x2x120xi32, #tpu.memory_space<vmem>> -> memref<2x120xi32, #tpu.memory_space<vmem>>
      %dma_wait3A_273 = arith.constant 0 : i32
      %dma_wait3A_274 = tpu.memref_slice %dma_wait3A_272[%dma_wait3A_263, %dma_wait3A_273] : memref<2x120xi32, #tpu.memory_space<vmem>> -> memref<1x120xi32, #tpu.memory_space<vmem>>
      %dma_wait3A_275 = tpu.memref_squeeze %dma_wait3A_274 : memref<1x120xi32, #tpu.memory_space<vmem>> -> memref<120xi32, #tpu.memory_space<vmem>>
      %dma_wait3A_276 = arith.constant 0 : i32
      %dma_wait3A_277 = arith.constant 0 : i32
      %dma_wait3A_278 = tpu.memref_slice %arg10[%dma_wait3A_276, %dma_wait3A_277] : memref<10240x128xf32, #tpu.memory_space<vmem_shared>> -> memref<10240x128xf32, #tpu.memory_space<vmem_shared>>
      tpu.wait_indirect_dma semaphore(%arg14 : memref<!tpu.dma_semaphore, #tpu.memory_space<semaphore_mem>>) src(%arg8 : memref<120x128xf32, #tpu.memory_space<vmem>>) dst(%dma_wait3A_278 : memref<10240x128xf32, #tpu.memory_space<vmem_shared>>)
      %dma_start3A_279 = arith.constant 2 : i32
      %dma_start3A_280 = arith.constant 1 : i32
      %dma_start3A_281 = arith.constant 0 : i32
      %dma_start3A_282 = arith.constant 0 : i32
      %dma_start3A_283 = arith.constant 0 : i32
      %dma_start3A_284 = tpu.memref_slice %arg6[%select_n3A_105, %dma_start3A_281, %dma_start3A_282, %dma_start3A_283] : memref<3x3x2x120xi32, #tpu.memory_space<vmem>> -> memref<1x3x2x120xi32, #tpu.memory_space<vmem>>
      %dma_start3A_285 = tpu.memref_squeeze %dma_start3A_284 : memref<1x3x2x120xi32, #tpu.memory_space<vmem>> -> memref<3x2x120xi32, #tpu.memory_space<vmem>>
      %dma_start3A_286 = arith.constant 0 : i32
      %dma_start3A_287 = arith.constant 0 : i32
      %dma_start3A_288 = tpu.memref_slice %dma_start3A_285[%dma_start3A_279, %dma_start3A_286, %dma_start3A_287] : memref<3x2x120xi32, #tpu.memory_space<vmem>> -> memref<1x2x120xi32, #tpu.memory_space<vmem>>
      %dma_start3A_289 = tpu.memref_squeeze %dma_start3A_288 : memref<1x2x120xi32, #tpu.memory_space<vmem>> -> memref<2x120xi32, #tpu.memory_space<vmem>>
      %dma_start3A_290 = arith.constant 0 : i32
      %dma_start3A_291 = tpu.memref_slice %dma_start3A_289[%dma_start3A_280, %dma_start3A_290] : memref<2x120xi32, #tpu.memory_space<vmem>> -> memref<1x120xi32, #tpu.memory_space<vmem>>
      %dma_start3A_292 = tpu.memref_squeeze %dma_start3A_291 : memref<1x120xi32, #tpu.memory_space<vmem>> -> memref<120xi32, #tpu.memory_space<vmem>>
      %dma_start3A_293 = arith.constant 0 : i32
      %dma_start3A_294 = arith.constant 0 : i32
      %dma_start3A_295 = tpu.memref_slice %arg10[%dma_start3A_293, %dma_start3A_294] : memref<10240x128xf32, #tpu.memory_space<vmem_shared>> -> memref<10240x128xf32, #tpu.memory_space<vmem_shared>>
      tpu.enqueue_indirect_dma source(%arg9 : memref<120x128xf32, #tpu.memory_space<vmem>>) target(%dma_start3A_295 : memref<10240x128xf32, #tpu.memory_space<vmem_shared>>) offsets(%dma_start3A_292 : memref<120xi32, #tpu.memory_space<vmem>>) semaphore(%arg14 : memref<!tpu.dma_semaphore, #tpu.memory_space<semaphore_mem>>) {add = true}
      %convert_element_type3A_296 = arith.extui %lt3A_127 : i1 to i32
      %cond3A_297 = arith.constant 0 : i32
      %cond3A_298 = arith.cmpi ne, %convert_element_type3A_296, %cond3A_297 : i32
      scf.if %cond3A_298 {
        %dma_start3A_299 = arith.constant 1 : i32
        %dma_start3A_300 = arith.constant 0 : i32
        %dma_start3A_301 = arith.constant 0 : i32
        %dma_start3A_302 = arith.constant 0 : i32
        %dma_start3A_303 = arith.constant 0 : i32
        %dma_start3A_304 = tpu.memref_slice %arg6[%select_n3A_123, %dma_start3A_301, %dma_start3A_302, %dma_start3A_303] : memref<3x3x2x120xi32, #tpu.memory_space<vmem>> -> memref<1x3x2x120xi32, #tpu.memory_space<vmem>>
        %dma_start3A_305 = tpu.memref_squeeze %dma_start3A_304 : memref<1x3x2x120xi32, #tpu.memory_space<vmem>> -> memref<3x2x120xi32, #tpu.memory_space<vmem>>
        %dma_start3A_306 = arith.constant 0 : i32
        %dma_start3A_307 = arith.constant 0 : i32
        %dma_start3A_308 = tpu.memref_slice %dma_start3A_305[%dma_start3A_299, %dma_start3A_306, %dma_start3A_307] : memref<3x2x120xi32, #tpu.memory_space<vmem>> -> memref<1x2x120xi32, #tpu.memory_space<vmem>>
        %dma_start3A_309 = tpu.memref_squeeze %dma_start3A_308 : memref<1x2x120xi32, #tpu.memory_space<vmem>> -> memref<2x120xi32, #tpu.memory_space<vmem>>
        %dma_start3A_310 = arith.constant 0 : i32
        %dma_start3A_311 = tpu.memref_slice %dma_start3A_309[%dma_start3A_300, %dma_start3A_310] : memref<2x120xi32, #tpu.memory_space<vmem>> -> memref<1x120xi32, #tpu.memory_space<vmem>>
        %dma_start3A_312 = tpu.memref_squeeze %dma_start3A_311 : memref<1x120xi32, #tpu.memory_space<vmem>> -> memref<120xi32, #tpu.memory_space<vmem>>
        %dma_start3A_313 = arith.constant 0 : i32
        %dma_start3A_314 = arith.constant 0 : i32
        %dma_start3A_315 = tpu.memref_slice %arg2[%dma_start3A_313, %dma_start3A_314] : memref<10000x128xf32, #tpu.memory_space<hbm>> -> memref<10000x128xf32, #tpu.memory_space<hbm>>
        tpu.enqueue_indirect_dma source(%dma_start3A_315 : memref<10000x128xf32, #tpu.memory_space<hbm>>) target(%arg8 : memref<120x128xf32, #tpu.memory_space<vmem>>) offsets(%dma_start3A_312 : memref<120xi32, #tpu.memory_space<vmem>>) semaphore(%arg12 : memref<!tpu.dma_semaphore, #tpu.memory_space<semaphore_mem>>)
      } else {
      }
    }
    %scan3A_77 = arith.constant 56 : i32
    %dma_wait3A = arith.constant 1 : i32
    %dma_wait3A_78 = arith.constant 2 : i32
    %dma_wait3A_79 = arith.constant 1 : i32
    %dma_wait3A_80 = arith.constant 0 : i32
    %dma_wait3A_81 = arith.constant 0 : i32
    %dma_wait3A_82 = arith.constant 0 : i32
    %dma_wait3A_83 = tpu.memref_slice %arg6[%dma_wait3A, %dma_wait3A_80, %dma_wait3A_81, %dma_wait3A_82] : memref<3x3x2x120xi32, #tpu.memory_space<vmem>> -> memref<1x3x2x120xi32, #tpu.memory_space<vmem>>
    %dma_wait3A_84 = tpu.memref_squeeze %dma_wait3A_83 : memref<1x3x2x120xi32, #tpu.memory_space<vmem>> -> memref<3x2x120xi32, #tpu.memory_space<vmem>>
    %dma_wait3A_85 = arith.constant 0 : i32
    %dma_wait3A_86 = arith.constant 0 : i32
    %dma_wait3A_87 = tpu.memref_slice %dma_wait3A_84[%dma_wait3A_78, %dma_wait3A_85, %dma_wait3A_86] : memref<3x2x120xi32, #tpu.memory_space<vmem>> -> memref<1x2x120xi32, #tpu.memory_space<vmem>>
    %dma_wait3A_88 = tpu.memref_squeeze %dma_wait3A_87 : memref<1x2x120xi32, #tpu.memory_space<vmem>> -> memref<2x120xi32, #tpu.memory_space<vmem>>
    %dma_wait3A_89 = arith.constant 0 : i32
    %dma_wait3A_90 = tpu.memref_slice %dma_wait3A_88[%dma_wait3A_79, %dma_wait3A_89] : memref<2x120xi32, #tpu.memory_space<vmem>> -> memref<1x120xi32, #tpu.memory_space<vmem>>
    %dma_wait3A_91 = tpu.memref_squeeze %dma_wait3A_90 : memref<1x120xi32, #tpu.memory_space<vmem>> -> memref<120xi32, #tpu.memory_space<vmem>>
    %dma_wait3A_92 = arith.constant 0 : i32
    %dma_wait3A_93 = arith.constant 0 : i32
    %dma_wait3A_94 = tpu.memref_slice %arg10[%dma_wait3A_92, %dma_wait3A_93] : memref<10240x128xf32, #tpu.memory_space<vmem_shared>> -> memref<10240x128xf32, #tpu.memory_space<vmem_shared>>
    tpu.wait_indirect_dma semaphore(%arg14 : memref<!tpu.dma_semaphore, #tpu.memory_space<semaphore_mem>>) src(%arg9 : memref<120x128xf32, #tpu.memory_space<vmem>>) dst(%dma_wait3A_94 : memref<10240x128xf32, #tpu.memory_space<vmem_shared>>)
    %barrier3A_95 = arith.constant 0 : index
    tpu.barrier barrier_id(%barrier3A_95)
    "tpu.region"() ({
      %run_scoped3A_96 = tpu.sem_alloc : memref<!tpu.dma_semaphore, #tpu.memory_space<semaphore_mem>>
      %dma_start3A_97 = arith.constant 0 : i32
      %dma_start3A_98 = arith.constant 0 : i32
      %dma_start3A_99 = tpu.memref_slice %arg5[%arg0, %dma_start3A_97, %dma_start3A_98] : memref<2x10240x128xf32, #tpu.memory_space<hbm>> -> memref<1x10240x128xf32, #tpu.memory_space<hbm>>
      %dma_start3A_100 = tpu.memref_squeeze %dma_start3A_99 : memref<1x10240x128xf32, #tpu.memory_space<hbm>> -> memref<10240x128xf32, #tpu.memory_space<hbm>>
      %dma_start3A_101 = arith.constant 0 : i32
      %dma_start3A_102 = tpu.memref_slice %dma_start3A_100[%mul3A_2, %dma_start3A_101] : memref<10240x128xf32, #tpu.memory_space<hbm>> -> memref<640x128xf32, #tpu.memory_space<hbm>>
      %dma_start3A_103 = arith.constant 0 : i32
      %dma_start3A_104 = tpu.memref_slice %arg10[%mul3A_2, %dma_start3A_103] : memref<10240x128xf32, #tpu.memory_space<vmem_shared>> -> memref<640x128xf32, #tpu.memory_space<vmem_shared>>
      tpu.enqueue_dma source(%dma_start3A_104 : memref<640x128xf32, #tpu.memory_space<vmem_shared>>) target(%dma_start3A_102 : memref<640x128xf32, #tpu.memory_space<hbm>>) target_semaphore(%run_scoped3A_96 : memref<!tpu.dma_semaphore, #tpu.memory_space<semaphore_mem>>)
      %dma_wait3A_105 = arith.constant 0 : i32
      %dma_wait3A_106 = arith.constant 0 : i32
      %dma_wait3A_107 = tpu.memref_slice %arg5[%arg0, %dma_wait3A_105, %dma_wait3A_106] : memref<2x10240x128xf32, #tpu.memory_space<hbm>> -> memref<1x10240x128xf32, #tpu.memory_space<hbm>>
      %dma_wait3A_108 = tpu.memref_squeeze %dma_wait3A_107 : memref<1x10240x128xf32, #tpu.memory_space<hbm>> -> memref<10240x128xf32, #tpu.memory_space<hbm>>
      %dma_wait3A_109 = arith.constant 0 : i32
      %dma_wait3A_110 = tpu.memref_slice %dma_wait3A_108[%mul3A_2, %dma_wait3A_109] : memref<10240x128xf32, #tpu.memory_space<hbm>> -> memref<640x128xf32, #tpu.memory_space<hbm>>
      %dma_wait3A_111 = arith.constant 0 : i32
      %dma_wait3A_112 = tpu.memref_slice %arg10[%mul3A_2, %dma_wait3A_111] : memref<10240x128xf32, #tpu.memory_space<vmem_shared>> -> memref<640x128xf32, #tpu.memory_space<vmem_shared>>
      tpu.wait_dma2 semaphore(%run_scoped3A_96 : memref<!tpu.dma_semaphore, #tpu.memory_space<semaphore_mem>>) src(%dma_wait3A_112 : memref<640x128xf32, #tpu.memory_space<vmem_shared>>) dst(%dma_wait3A_110 : memref<640x128xf32, #tpu.memory_space<hbm>>)
      tpu.yield
    }) : () -> ()
    return
  }
}

#map = affine_map<(d0, d1) -> (0, 0)>
#map1 = affine_map<(d0, d1) -> (0, 0, 0, 0, 0)>
#map2 = affine_map<(d0, d1) -> (0, 0, 0)>
module attributes {stable_mosaic.version = 14 : i64} {
  func.func @_sc_scatter(%arg0: i32, %arg1: i32, %arg2: memref<10000x128xf32, #tpu.memory_space<hbm>>, %arg3: memref<32x56x3x2x120xi32, #tpu.memory_space<hbm>>, %arg4: memref<10240x128xf32, #tpu.memory_space<hbm>>, %arg5: memref<2x10240x128xf32, #tpu.memory_space<hbm>>, %arg6: memref<3x3x2x120xi32, #tpu.memory_space<vmem>>, %arg7: memref<120x128xf32, #tpu.memory_space<vmem>>, %arg8: memref<120x128xf32, #tpu.memory_space<vmem>>, %arg9: memref<120x128xf32, #tpu.memory_space<vmem>>, %arg10: memref<10240x128xf32, #tpu.memory_space<vmem_shared>>, %arg11: memref<!tpu.dma_semaphore, #tpu.memory_space<semaphore_mem>>, %arg12: memref<!tpu.dma_semaphore, #tpu.memory_space<semaphore_mem>>, %arg13: memref<!tpu.dma_semaphore, #tpu.memory_space<semaphore_mem>>, %arg14: memref<!tpu.dma_semaphore, #tpu.memory_space<semaphore_mem>>, %arg15: memref<!tpu.dma_semaphore, #tpu.memory_space<semaphore_mem>>) attributes {dimension_semantics = [#tpu.dimension_semantics<core_parallel>, #tpu.dimension_semantics<subcore_parallel>], iteration_bounds = array<i64: 2, 16>, scalar_prefetch = 0 : i64, scratch_operands = 10 : i64, tpu.core_type = #tpu.core_type<sc_vector_subcore>, window_params = [{transform_indices = #map}, {transform_indices = #map1}, {transform_indices = #map}, {transform_indices = #map2}]} {
    %mul3A = arith.constant 2 : i32
    %mul3A_0 = arith.muli %arg1, %mul3A : i32
    %add3A = arith.addi %mul3A_0, %arg0 : i32
    %mul3A_1 = arith.constant 640 : i32
    %mul3A_2 = arith.muli %arg1, %mul3A_1 : i32
    "tpu.region"() ({
      %run_scoped3A_96 = tpu.sem_alloc : memref<!tpu.dma_semaphore, #tpu.memory_space<semaphore_mem>>
      %dma_start3A_97 = arith.constant 0 : i32
      %dma_start3A_98 = tpu.memref_slice %arg10[%mul3A_2, %dma_start3A_97] : memref<10240x128xf32, #tpu.memory_space<vmem_shared>> -> memref<640x128xf32, #tpu.memory_space<vmem_shared>>
      %dma_start3A_99 = arith.constant 0 : i32
      %dma_start3A_100 = tpu.memref_slice %arg4[%mul3A_2, %dma_start3A_99] : memref<10240x128xf32, #tpu.memory_space<hbm>> -> memref<640x128xf32, #tpu.memory_space<hbm>>
      tpu.enqueue_dma source(%dma_start3A_100 : memref<640x128xf32, #tpu.memory_space<hbm>>) target(%dma_start3A_98 : memref<640x128xf32, #tpu.memory_space<vmem_shared>>) target_semaphore(%run_scoped3A_96 : memref<!tpu.dma_semaphore, #tpu.memory_space<semaphore_mem>>)
      %dma_wait3A_101 = arith.constant 0 : i32
      %dma_wait3A_102 = tpu.memref_slice %arg10[%mul3A_2, %dma_wait3A_101] : memref<10240x128xf32, #tpu.memory_space<vmem_shared>> -> memref<640x128xf32, #tpu.memory_space<vmem_shared>>
      %dma_wait3A_103 = arith.constant 0 : i32
      %dma_wait3A_104 = tpu.memref_slice %arg4[%mul3A_2, %dma_wait3A_103] : memref<10240x128xf32, #tpu.memory_space<hbm>> -> memref<640x128xf32, #tpu.memory_space<hbm>>
      tpu.wait_dma2 semaphore(%run_scoped3A_96 : memref<!tpu.dma_semaphore, #tpu.memory_space<semaphore_mem>>) src(%dma_wait3A_104 : memref<640x128xf32, #tpu.memory_space<hbm>>) dst(%dma_wait3A_102 : memref<640x128xf32, #tpu.memory_space<vmem_shared>>)
      tpu.yield
    }) : () -> ()
    %barrier3A = arith.constant 0 : index
    tpu.barrier barrier_id(%barrier3A)
    %run_scoped3A = arith.constant 0 : i32
    %run_scoped3A_3 = arith.constant 0 : i32
    "tpu.region"() ({
      %run_scoped3A_96 = tpu.sem_alloc : memref<!tpu.dma_semaphore, #tpu.memory_space<semaphore_mem>>
      %dma_start3A_97 = arith.constant 0 : i32
      %dma_start3A_98 = arith.constant 0 : i32
      %dma_start3A_99 = arith.constant 0 : i32
      %dma_start3A_100 = tpu.memref_slice %arg6[%run_scoped3A_3, %dma_start3A_97, %dma_start3A_98, %dma_start3A_99] : memref<3x3x2x120xi32, #tpu.memory_space<vmem>> -> memref<1x3x2x120xi32, #tpu.memory_space<vmem>>
      %dma_start3A_101 = tpu.memref_squeeze %dma_start3A_100 : memref<1x3x2x120xi32, #tpu.memory_space<vmem>> -> memref<3x2x120xi32, #tpu.memory_space<vmem>>
      %dma_start3A_102 = arith.constant 0 : i32
      %dma_start3A_103 = arith.constant 0 : i32
      %dma_start3A_104 = arith.constant 0 : i32
      %dma_start3A_105 = arith.constant 0 : i32
      %dma_start3A_106 = tpu.memref_slice %arg3[%add3A, %dma_start3A_102, %dma_start3A_103, %dma_start3A_104, %dma_start3A_105] : memref<32x56x3x2x120xi32, #tpu.memory_space<hbm>> -> memref<1x56x3x2x120xi32, #tpu.memory_space<hbm>>
      %dma_start3A_107 = tpu.memref_squeeze %dma_start3A_106 : memref<1x56x3x2x120xi32, #tpu.memory_space<hbm>> -> memref<56x3x2x120xi32, #tpu.memory_space<hbm>>
      %dma_start3A_108 = arith.constant 0 : i32
      %dma_start3A_109 = arith.constant 0 : i32
      %dma_start3A_110 = arith.constant 0 : i32
      %dma_start3A_111 = tpu.memref_slice %dma_start3A_107[%run_scoped3A, %dma_start3A_108, %dma_start3A_109, %dma_start3A_110] : memref<56x3x2x120xi32, #tpu.memory_space<hbm>> -> memref<1x3x2x120xi32, #tpu.memory_space<hbm>>
      %dma_start3A_112 = tpu.memref_squeeze %dma_start3A_111 : memref<1x3x2x120xi32, #tpu.memory_space<hbm>> -> memref<3x2x120xi32, #tpu.memory_space<hbm>>
      %dma_start3A_113 = arith.constant 0 : i32
      %dma_start3A_114 = arith.constant 0 : i32
      %dma_start3A_115 = arith.constant 0 : i32
      %dma_start3A_116 = tpu.memref_slice %arg6[%run_scoped3A_3, %dma_start3A_113, %dma_start3A_114, %dma_start3A_115] : memref<3x3x2x120xi32, #tpu.memory_space<vmem>> -> memref<1x3x2x120xi32, #tpu.memory_space<vmem>>
      %dma_start3A_117 = tpu.memref_squeeze %dma_start3A_116 : memref<1x3x2x120xi32, #tpu.memory_space<vmem>> -> memref<3x2x120xi32, #tpu.memory_space<vmem>>
      %dma_start3A_118 = arith.constant 0 : i32
      %dma_start3A_119 = arith.constant 0 : i32
      %dma_start3A_120 = arith.constant 0 : i32
      %dma_start3A_121 = arith.constant 0 : i32
      %dma_start3A_122 = tpu.memref_slice %arg3[%add3A, %dma_start3A_118, %dma_start3A_119, %dma_start3A_120, %dma_start3A_121] : memref<32x56x3x2x120xi32, #tpu.memory_space<hbm>> -> memref<1x56x3x2x120xi32, #tpu.memory_space<hbm>>
      %dma_start3A_123 = tpu.memref_squeeze %dma_start3A_122 : memref<1x56x3x2x120xi32, #tpu.memory_space<hbm>> -> memref<56x3x2x120xi32, #tpu.memory_space<hbm>>
      %dma_start3A_124 = arith.constant 0 : i32
      %dma_start3A_125 = arith.constant 0 : i32
      %dma_start3A_126 = arith.constant 0 : i32
      %dma_start3A_127 = tpu.memref_slice %dma_start3A_123[%run_scoped3A, %dma_start3A_124, %dma_start3A_125, %dma_start3A_126] : memref<56x3x2x120xi32, #tpu.memory_space<hbm>> -> memref<1x3x2x120xi32, #tpu.memory_space<hbm>>
      %dma_start3A_128 = tpu.memref_squeeze %dma_start3A_127 : memref<1x3x2x120xi32, #tpu.memory_space<hbm>> -> memref<3x2x120xi32, #tpu.memory_space<hbm>>
      tpu.enqueue_dma source(%dma_start3A_128 : memref<3x2x120xi32, #tpu.memory_space<hbm>>) target(%dma_start3A_117 : memref<3x2x120xi32, #tpu.memory_space<vmem>>) target_semaphore(%run_scoped3A_96 : memref<!tpu.dma_semaphore, #tpu.memory_space<semaphore_mem>>)
      %dma_wait3A_129 = arith.constant 0 : i32
      %dma_wait3A_130 = arith.constant 0 : i32
      %dma_wait3A_131 = arith.constant 0 : i32
      %dma_wait3A_132 = tpu.memref_slice %arg6[%run_scoped3A_3, %dma_wait3A_129, %dma_wait3A_130, %dma_wait3A_131] : memref<3x3x2x120xi32, #tpu.memory_space<vmem>> -> memref<1x3x2x120xi32, #tpu.memory_space<vmem>>
      %dma_wait3A_133 = tpu.memref_squeeze %dma_wait3A_132 : memref<1x3x2x120xi32, #tpu.memory_space<vmem>> -> memref<3x2x120xi32, #tpu.memory_space<vmem>>
      %dma_wait3A_134 = arith.constant 0 : i32
      %dma_wait3A_135 = arith.constant 0 : i32
      %dma_wait3A_136 = arith.constant 0 : i32
      %dma_wait3A_137 = arith.constant 0 : i32
      %dma_wait3A_138 = tpu.memref_slice %arg3[%add3A, %dma_wait3A_134, %dma_wait3A_135, %dma_wait3A_136, %dma_wait3A_137] : memref<32x56x3x2x120xi32, #tpu.memory_space<hbm>> -> memref<1x56x3x2x120xi32, #tpu.memory_space<hbm>>
      %dma_wait3A_139 = tpu.memref_squeeze %dma_wait3A_138 : memref<1x56x3x2x120xi32, #tpu.memory_space<hbm>> -> memref<56x3x2x120xi32, #tpu.memory_space<hbm>>
      %dma_wait3A_140 = arith.constant 0 : i32
      %dma_wait3A_141 = arith.constant 0 : i32
      %dma_wait3A_142 = arith.constant 0 : i32
      %dma_wait3A_143 = tpu.memref_slice %dma_wait3A_139[%run_scoped3A, %dma_wait3A_140, %dma_wait3A_141, %dma_wait3A_142] : memref<56x3x2x120xi32, #tpu.memory_space<hbm>> -> memref<1x3x2x120xi32, #tpu.memory_space<hbm>>
      %dma_wait3A_144 = tpu.memref_squeeze %dma_wait3A_143 : memref<1x3x2x120xi32, #tpu.memory_space<hbm>> -> memref<3x2x120xi32, #tpu.memory_space<hbm>>
      %dma_wait3A_145 = arith.constant 0 : i32
      %dma_wait3A_146 = arith.constant 0 : i32
      %dma_wait3A_147 = arith.constant 0 : i32
      %dma_wait3A_148 = tpu.memref_slice %arg6[%run_scoped3A_3, %dma_wait3A_145, %dma_wait3A_146, %dma_wait3A_147] : memref<3x3x2x120xi32, #tpu.memory_space<vmem>> -> memref<1x3x2x120xi32, #tpu.memory_space<vmem>>
      %dma_wait3A_149 = tpu.memref_squeeze %dma_wait3A_148 : memref<1x3x2x120xi32, #tpu.memory_space<vmem>> -> memref<3x2x120xi32, #tpu.memory_space<vmem>>
      %dma_wait3A_150 = arith.constant 0 : i32
      %dma_wait3A_151 = arith.constant 0 : i32
      %dma_wait3A_152 = arith.constant 0 : i32
      %dma_wait3A_153 = arith.constant 0 : i32
      %dma_wait3A_154 = tpu.memref_slice %arg3[%add3A, %dma_wait3A_150, %dma_wait3A_151, %dma_wait3A_152, %dma_wait3A_153] : memref<32x56x3x2x120xi32, #tpu.memory_space<hbm>> -> memref<1x56x3x2x120xi32, #tpu.memory_space<hbm>>
      %dma_wait3A_155 = tpu.memref_squeeze %dma_wait3A_154 : memref<1x56x3x2x120xi32, #tpu.memory_space<hbm>> -> memref<56x3x2x120xi32, #tpu.memory_space<hbm>>
      %dma_wait3A_156 = arith.constant 0 : i32
      %dma_wait3A_157 = arith.constant 0 : i32
      %dma_wait3A_158 = arith.constant 0 : i32
      %dma_wait3A_159 = tpu.memref_slice %dma_wait3A_155[%run_scoped3A, %dma_wait3A_156, %dma_wait3A_157, %dma_wait3A_158] : memref<56x3x2x120xi32, #tpu.memory_space<hbm>> -> memref<1x3x2x120xi32, #tpu.memory_space<hbm>>
      %dma_wait3A_160 = tpu.memref_squeeze %dma_wait3A_159 : memref<1x3x2x120xi32, #tpu.memory_space<hbm>> -> memref<3x2x120xi32, #tpu.memory_space<hbm>>
      tpu.wait_dma2 semaphore(%run_scoped3A_96 : memref<!tpu.dma_semaphore, #tpu.memory_space<semaphore_mem>>) src(%dma_wait3A_160 : memref<3x2x120xi32, #tpu.memory_space<hbm>>) dst(%dma_wait3A_149 : memref<3x2x120xi32, #tpu.memory_space<vmem>>)
      tpu.yield
    }) : () -> ()
    %dma_start3A = arith.constant 0 : i32
    %dma_start3A_4 = arith.constant 0 : i32
    %dma_start3A_5 = arith.constant 0 : i32
    %dma_start3A_6 = arith.constant 0 : i32
    %dma_start3A_7 = arith.constant 0 : i32
    %dma_start3A_8 = arith.constant 0 : i32
    %dma_start3A_9 = tpu.memref_slice %arg6[%dma_start3A, %dma_start3A_6, %dma_start3A_7, %dma_start3A_8] : memref<3x3x2x120xi32, #tpu.memory_space<vmem>> -> memref<1x3x2x120xi32, #tpu.memory_space<vmem>>
    %dma_start3A_10 = tpu.memref_squeeze %dma_start3A_9 : memref<1x3x2x120xi32, #tpu.memory_space<vmem>> -> memref<3x2x120xi32, #tpu.memory_space<vmem>>
    %dma_start3A_11 = arith.constant 0 : i32
    %dma_start3A_12 = arith.constant 0 : i32
    %dma_start3A_13 = tpu.memref_slice %dma_start3A_10[%dma_start3A_4, %dma_start3A_11, %dma_start3A_12] : memref<3x2x120xi32, #tpu.memory_space<vmem>> -> memref<1x2x120xi32, #tpu.memory_space<vmem>>
    %dma_start3A_14 = tpu.memref_squeeze %dma_start3A_13 : memref<1x2x120xi32, #tpu.memory_space<vmem>> -> memref<2x120xi32, #tpu.memory_space<vmem>>
    %dma_start3A_15 = arith.constant 0 : i32
    %dma_start3A_16 = tpu.memref_slice %dma_start3A_14[%dma_start3A_5, %dma_start3A_15] : memref<2x120xi32, #tpu.memory_space<vmem>> -> memref<1x120xi32, #tpu.memory_space<vmem>>
    %dma_start3A_17 = tpu.memref_squeeze %dma_start3A_16 : memref<1x120xi32, #tpu.memory_space<vmem>> -> memref<120xi32, #tpu.memory_space<vmem>>
    %dma_start3A_18 = arith.constant 0 : i32
    %dma_start3A_19 = arith.constant 0 : i32
    %dma_start3A_20 = tpu.memref_slice %arg2[%dma_start3A_18, %dma_start3A_19] : memref<10000x128xf32, #tpu.memory_space<hbm>> -> memref<10000x128xf32, #tpu.memory_space<hbm>>
    tpu.enqueue_indirect_dma source(%dma_start3A_20 : memref<10000x128xf32, #tpu.memory_space<hbm>>) target(%arg7 : memref<120x128xf32, #tpu.memory_space<vmem>>) offsets(%dma_start3A_17 : memref<120xi32, #tpu.memory_space<vmem>>) semaphore(%arg11 : memref<!tpu.dma_semaphore, #tpu.memory_space<semaphore_mem>>)
    %dma_start3A_21 = arith.constant 0 : i32
    %dma_start3A_22 = arith.constant 1 : i32
    %dma_start3A_23 = arith.constant 0 : i32
    %dma_start3A_24 = arith.constant 0 : i32
    %dma_start3A_25 = arith.constant 0 : i32
    %dma_start3A_26 = arith.constant 0 : i32
    %dma_start3A_27 = tpu.memref_slice %arg6[%dma_start3A_21, %dma_start3A_24, %dma_start3A_25, %dma_start3A_26] : memref<3x3x2x120xi32, #tpu.memory_space<vmem>> -> memref<1x3x2x120xi32, #tpu.memory_space<vmem>>
    %dma_start3A_28 = tpu.memref_squeeze %dma_start3A_27 : memref<1x3x2x120xi32, #tpu.memory_space<vmem>> -> memref<3x2x120xi32, #tpu.memory_space<vmem>>
    %dma_start3A_29 = arith.constant 0 : i32
    %dma_start3A_30 = arith.constant 0 : i32
    %dma_start3A_31 = tpu.memref_slice %dma_start3A_28[%dma_start3A_22, %dma_start3A_29, %dma_start3A_30] : memref<3x2x120xi32, #tpu.memory_space<vmem>> -> memref<1x2x120xi32, #tpu.memory_space<vmem>>
    %dma_start3A_32 = tpu.memref_squeeze %dma_start3A_31 : memref<1x2x120xi32, #tpu.memory_space<vmem>> -> memref<2x120xi32, #tpu.memory_space<vmem>>
    %dma_start3A_33 = arith.constant 0 : i32
    %dma_start3A_34 = tpu.memref_slice %dma_start3A_32[%dma_start3A_23, %dma_start3A_33] : memref<2x120xi32, #tpu.memory_space<vmem>> -> memref<1x120xi32, #tpu.memory_space<vmem>>
    %dma_start3A_35 = tpu.memref_squeeze %dma_start3A_34 : memref<1x120xi32, #tpu.memory_space<vmem>> -> memref<120xi32, #tpu.memory_space<vmem>>
    %dma_start3A_36 = arith.constant 0 : i32
    %dma_start3A_37 = arith.constant 0 : i32
    %dma_start3A_38 = tpu.memref_slice %arg2[%dma_start3A_36, %dma_start3A_37] : memref<10000x128xf32, #tpu.memory_space<hbm>> -> memref<10000x128xf32, #tpu.memory_space<hbm>>
    tpu.enqueue_indirect_dma source(%dma_start3A_38 : memref<10000x128xf32, #tpu.memory_space<hbm>>) target(%arg8 : memref<120x128xf32, #tpu.memory_space<vmem>>) offsets(%dma_start3A_35 : memref<120xi32, #tpu.memory_space<vmem>>) semaphore(%arg12 : memref<!tpu.dma_semaphore, #tpu.memory_space<semaphore_mem>>)
    %dma_start3A_39 = arith.constant 1 : i32
    %dma_start3A_40 = arith.constant 1 : i32
    %dma_start3A_41 = arith.constant 0 : i32
    %dma_start3A_42 = arith.constant 0 : i32
    %dma_start3A_43 = arith.constant 0 : i32
    %dma_start3A_44 = tpu.memref_slice %arg6[%dma_start3A_40, %dma_start3A_41, %dma_start3A_42, %dma_start3A_43] : memref<3x3x2x120xi32, #tpu.memory_space<vmem>> -> memref<1x3x2x120xi32, #tpu.memory_space<vmem>>
    %dma_start3A_45 = tpu.memref_squeeze %dma_start3A_44 : memref<1x3x2x120xi32, #tpu.memory_space<vmem>> -> memref<3x2x120xi32, #tpu.memory_space<vmem>>
    %dma_start3A_46 = arith.constant 0 : i32
    %dma_start3A_47 = arith.constant 0 : i32
    %dma_start3A_48 = arith.constant 0 : i32
    %dma_start3A_49 = arith.constant 0 : i32
    %dma_start3A_50 = tpu.memref_slice %arg3[%add3A, %dma_start3A_46, %dma_start3A_47, %dma_start3A_48, %dma_start3A_49] : memref<32x56x3x2x120xi32, #tpu.memory_space<hbm>> -> memref<1x56x3x2x120xi32, #tpu.memory_space<hbm>>
    %dma_start3A_51 = tpu.memref_squeeze %dma_start3A_50 : memref<1x56x3x2x120xi32, #tpu.memory_space<hbm>> -> memref<56x3x2x120xi32, #tpu.memory_space<hbm>>
    %dma_start3A_52 = arith.constant 0 : i32
    %dma_start3A_53 = arith.constant 0 : i32
    %dma_start3A_54 = arith.constant 0 : i32
    %dma_start3A_55 = tpu.memref_slice %dma_start3A_51[%dma_start3A_39, %dma_start3A_52, %dma_start3A_53, %dma_start3A_54] : memref<56x3x2x120xi32, #tpu.memory_space<hbm>> -> memref<1x3x2x120xi32, #tpu.memory_space<hbm>>
    %dma_start3A_56 = tpu.memref_squeeze %dma_start3A_55 : memref<1x3x2x120xi32, #tpu.memory_space<hbm>> -> memref<3x2x120xi32, #tpu.memory_space<hbm>>
    %dma_start3A_57 = arith.constant 0 : i32
    %dma_start3A_58 = arith.constant 0 : i32
    %dma_start3A_59 = arith.constant 0 : i32
    %dma_start3A_60 = tpu.memref_slice %arg6[%dma_start3A_40, %dma_start3A_57, %dma_start3A_58, %dma_start3A_59] : memref<3x3x2x120xi32, #tpu.memory_space<vmem>> -> memref<1x3x2x120xi32, #tpu.memory_space<vmem>>
    %dma_start3A_61 = tpu.memref_squeeze %dma_start3A_60 : memref<1x3x2x120xi32, #tpu.memory_space<vmem>> -> memref<3x2x120xi32, #tpu.memory_space<vmem>>
    %dma_start3A_62 = arith.constant 0 : i32
    %dma_start3A_63 = arith.constant 0 : i32
    %dma_start3A_64 = arith.constant 0 : i32
    %dma_start3A_65 = arith.constant 0 : i32
    %dma_start3A_66 = tpu.memref_slice %arg3[%add3A, %dma_start3A_62, %dma_start3A_63, %dma_start3A_64, %dma_start3A_65] : memref<32x56x3x2x120xi32, #tpu.memory_space<hbm>> -> memref<1x56x3x2x120xi32, #tpu.memory_space<hbm>>
    %dma_start3A_67 = tpu.memref_squeeze %dma_start3A_66 : memref<1x56x3x2x120xi32, #tpu.memory_space<hbm>> -> memref<56x3x2x120xi32, #tpu.memory_space<hbm>>
    %dma_start3A_68 = arith.constant 0 : i32
    %dma_start3A_69 = arith.constant 0 : i32
    %dma_start3A_70 = arith.constant 0 : i32
    %dma_start3A_71 = tpu.memref_slice %dma_start3A_67[%dma_start3A_39, %dma_start3A_68, %dma_start3A_69, %dma_start3A_70] : memref<56x3x2x120xi32, #tpu.memory_space<hbm>> -> memref<1x3x2x120xi32, #tpu.memory_space<hbm>>
    %dma_start3A_72 = tpu.memref_squeeze %dma_start3A_71 : memref<1x3x2x120xi32, #tpu.memory_space<hbm>> -> memref<3x2x120xi32, #tpu.memory_space<hbm>>
    tpu.enqueue_dma source(%dma_start3A_72 : memref<3x2x120xi32, #tpu.memory_space<hbm>>) target(%dma_start3A_61 : memref<3x2x120xi32, #tpu.memory_space<vmem>>) target_semaphore(%arg15 : memref<!tpu.dma_semaphore, #tpu.memory_space<semaphore_mem>>)
    %scan3A = arith.constant 0 : i32
    %scan3A_73 = arith.constant 0 : i32
    %scan3A_74 = arith.constant 56 : i32
    %scan3A_75 = arith.addi %scan3A_73, %scan3A_74 : i32
    %scan3A_76 = arith.constant 1 : i32
    scf.for %scan3A_96 = %scan3A_73 to %scan3A_75 step %scan3A_76  : i32 {
      %jit3A = arith.constant 3 : i32
      %eq3A = arith.constant 0 : i32
      %eq3A_97 = arith.cmpi eq, %jit3A, %eq3A : i32
      %jit3A_98 = arith.constant 1 : i32
      %select_n3A = arith.select %eq3A_97, %jit3A_98, %jit3A : i32
      %rem3A = arith.remsi %scan3A_96, %select_n3A : i32
      %ne3A = arith.constant 0 : i32
      %ne3A_99 = arith.cmpi ne, %rem3A, %ne3A : i32
      %lt3A = arith.constant 0 : i32
      %lt3A_100 = arith.cmpi slt, %rem3A, %lt3A : i32
      %lt3A_101 = arith.constant 0 : i32
      %lt3A_102 = arith.cmpi slt, %select_n3A, %lt3A_101 : i32
      %ne3A_103 = arith.xori %lt3A_100, %lt3A_102 : i1
      %and3A = arith.andi %ne3A_103, %ne3A_99 : i1
      %add3A_104 = arith.addi %rem3A, %select_n3A : i32
      %select_n3A_105 = arith.select %and3A, %add3A_104, %rem3A : i32
      %add3A_106 = arith.constant 1 : i32
      %add3A_107 = arith.addi %scan3A_96, %add3A_106 : i32
      %jit3A_108 = arith.constant 3 : i32
      %eq3A_109 = arith.constant 0 : i32
      %eq3A_110 = arith.cmpi eq, %jit3A_108, %eq3A_109 : i32
      %jit3A_111 = arith.constant 1 : i32
      %select_n3A_112 = arith.select %eq3A_110, %jit3A_111, %jit3A_108 : i32
      %rem3A_113 = arith.remsi %add3A_107, %select_n3A_112 : i32
      %ne3A_114 = arith.constant 0 : i32
      %ne3A_115 = arith.cmpi ne, %rem3A_113, %ne3A_114 : i32
      %lt3A_116 = arith.constant 0 : i32
      %lt3A_117 = arith.cmpi slt, %rem3A_113, %lt3A_116 : i32
      %lt3A_118 = arith.constant 0 : i32
      %lt3A_119 = arith.cmpi slt, %select_n3A_112, %lt3A_118 : i32
      %ne3A_120 = arith.xori %lt3A_117, %lt3A_119 : i1
      %and3A_121 = arith.andi %ne3A_120, %ne3A_115 : i1
      %add3A_122 = arith.addi %rem3A_113, %select_n3A_112 : i32
      %select_n3A_123 = arith.select %and3A_121, %add3A_122, %rem3A_113 : i32
      %add3A_124 = arith.constant 1 : i32
      %add3A_125 = arith.addi %scan3A_96, %add3A_124 : i32
      %lt3A_126 = arith.constant 56 : i32
      %lt3A_127 = arith.cmpi slt, %add3A_125, %lt3A_126 : i32
      %dma_wait3A_128 = arith.constant 0 : i32
      %dma_wait3A_129 = arith.constant 0 : i32
      %dma_wait3A_130 = arith.constant 0 : i32
      %dma_wait3A_131 = arith.constant 0 : i32
      %dma_wait3A_132 = arith.constant 0 : i32
      %dma_wait3A_133 = tpu.memref_slice %arg6[%select_n3A_105, %dma_wait3A_130, %dma_wait3A_131, %dma_wait3A_132] : memref<3x3x2x120xi32, #tpu.memory_space<vmem>> -> memref<1x3x2x120xi32, #tpu.memory_space<vmem>>
      %dma_wait3A_134 = tpu.memref_squeeze %dma_wait3A_133 : memref<1x3x2x120xi32, #tpu.memory_space<vmem>> -> memref<3x2x120xi32, #tpu.memory_space<vmem>>
      %dma_wait3A_135 = arith.constant 0 : i32
      %dma_wait3A_136 = arith.constant 0 : i32
      %dma_wait3A_137 = tpu.memref_slice %dma_wait3A_134[%dma_wait3A_128, %dma_wait3A_135, %dma_wait3A_136] : memref<3x2x120xi32, #tpu.memory_space<vmem>> -> memref<1x2x120xi32, #tpu.memory_space<vmem>>
      %dma_wait3A_138 = tpu.memref_squeeze %dma_wait3A_137 : memref<1x2x120xi32, #tpu.memory_space<vmem>> -> memref<2x120xi32, #tpu.memory_space<vmem>>
      %dma_wait3A_139 = arith.constant 0 : i32
      %dma_wait3A_140 = tpu.memref_slice %dma_wait3A_138[%dma_wait3A_129, %dma_wait3A_139] : memref<2x120xi32, #tpu.memory_space<vmem>> -> memref<1x120xi32, #tpu.memory_space<vmem>>
      %dma_wait3A_141 = tpu.memref_squeeze %dma_wait3A_140 : memref<1x120xi32, #tpu.memory_space<vmem>> -> memref<120xi32, #tpu.memory_space<vmem>>
      %dma_wait3A_142 = arith.constant 0 : i32
      %dma_wait3A_143 = arith.constant 0 : i32
      %dma_wait3A_144 = tpu.memref_slice %arg2[%dma_wait3A_142, %dma_wait3A_143] : memref<10000x128xf32, #tpu.memory_space<hbm>> -> memref<10000x128xf32, #tpu.memory_space<hbm>>
      tpu.wait_indirect_dma semaphore(%arg11 : memref<!tpu.dma_semaphore, #tpu.memory_space<semaphore_mem>>) src(%dma_wait3A_144 : memref<10000x128xf32, #tpu.memory_space<hbm>>) dst(%arg7 : memref<120x128xf32, #tpu.memory_space<vmem>>)
      %gt3A = arith.constant 0 : i32
      %gt3A_145 = arith.cmpi sgt, %scan3A_96, %gt3A : i32
      %convert_element_type3A = arith.extui %gt3A_145 : i1 to i32
      %cond3A = arith.constant 0 : i32
      %cond3A_146 = arith.cmpi ne, %convert_element_type3A, %cond3A : i32
      scf.if %cond3A_146 {
        %dma_wait3A_299 = arith.constant 0 : i32
        %dma_wait3A_300 = arith.constant 1 : i32
        %dma_wait3A_301 = arith.constant 0 : i32
        %dma_wait3A_302 = arith.constant 0 : i32
        %dma_wait3A_303 = arith.constant 0 : i32
        %dma_wait3A_304 = tpu.memref_slice %arg6[%select_n3A_105, %dma_wait3A_301, %dma_wait3A_302, %dma_wait3A_303] : memref<3x3x2x120xi32, #tpu.memory_space<vmem>> -> memref<1x3x2x120xi32, #tpu.memory_space<vmem>>
        %dma_wait3A_305 = tpu.memref_squeeze %dma_wait3A_304 : memref<1x3x2x120xi32, #tpu.memory_space<vmem>> -> memref<3x2x120xi32, #tpu.memory_space<vmem>>
        %dma_wait3A_306 = arith.constant 0 : i32
        %dma_wait3A_307 = arith.constant 0 : i32
        %dma_wait3A_308 = tpu.memref_slice %dma_wait3A_305[%dma_wait3A_299, %dma_wait3A_306, %dma_wait3A_307] : memref<3x2x120xi32, #tpu.memory_space<vmem>> -> memref<1x2x120xi32, #tpu.memory_space<vmem>>
        %dma_wait3A_309 = tpu.memref_squeeze %dma_wait3A_308 : memref<1x2x120xi32, #tpu.memory_space<vmem>> -> memref<2x120xi32, #tpu.memory_space<vmem>>
        %dma_wait3A_310 = arith.constant 0 : i32
        %dma_wait3A_311 = tpu.memref_slice %dma_wait3A_309[%dma_wait3A_300, %dma_wait3A_310] : memref<2x120xi32, #tpu.memory_space<vmem>> -> memref<1x120xi32, #tpu.memory_space<vmem>>
        %dma_wait3A_312 = tpu.memref_squeeze %dma_wait3A_311 : memref<1x120xi32, #tpu.memory_space<vmem>> -> memref<120xi32, #tpu.memory_space<vmem>>
        %dma_wait3A_313 = arith.constant 0 : i32
        %dma_wait3A_314 = arith.constant 0 : i32
        %dma_wait3A_315 = tpu.memref_slice %arg10[%dma_wait3A_313, %dma_wait3A_314] : memref<10240x128xf32, #tpu.memory_space<vmem_shared>> -> memref<10240x128xf32, #tpu.memory_space<vmem_shared>>
        tpu.wait_indirect_dma semaphore(%arg14 : memref<!tpu.dma_semaphore, #tpu.memory_space<semaphore_mem>>) src(%arg9 : memref<120x128xf32, #tpu.memory_space<vmem>>) dst(%dma_wait3A_315 : memref<10240x128xf32, #tpu.memory_space<vmem_shared>>)
      } else {
      }
      %convert_element_type3A_147 = arith.extui %lt3A_127 : i1 to i32
      %cond3A_148 = arith.constant 0 : i32
      %cond3A_149 = arith.cmpi ne, %convert_element_type3A_147, %cond3A_148 : i32
      scf.if %cond3A_149 {
        %add3A_299 = arith.constant 1 : i32
        %add3A_300 = arith.addi %scan3A_96, %add3A_299 : i32
        %dma_wait3A_301 = arith.constant 0 : i32
        %dma_wait3A_302 = arith.constant 0 : i32
        %dma_wait3A_303 = arith.constant 0 : i32
        %dma_wait3A_304 = tpu.memref_slice %arg6[%select_n3A_123, %dma_wait3A_301, %dma_wait3A_302, %dma_wait3A_303] : memref<3x3x2x120xi32, #tpu.memory_space<vmem>> -> memref<1x3x2x120xi32, #tpu.memory_space<vmem>>
        %dma_wait3A_305 = tpu.memref_squeeze %dma_wait3A_304 : memref<1x3x2x120xi32, #tpu.memory_space<vmem>> -> memref<3x2x120xi32, #tpu.memory_space<vmem>>
        %dma_wait3A_306 = arith.constant 0 : i32
        %dma_wait3A_307 = arith.constant 0 : i32
        %dma_wait3A_308 = arith.constant 0 : i32
        %dma_wait3A_309 = arith.constant 0 : i32
        %dma_wait3A_310 = tpu.memref_slice %arg3[%add3A, %dma_wait3A_306, %dma_wait3A_307, %dma_wait3A_308, %dma_wait3A_309] : memref<32x56x3x2x120xi32, #tpu.memory_space<hbm>> -> memref<1x56x3x2x120xi32, #tpu.memory_space<hbm>>
        %dma_wait3A_311 = tpu.memref_squeeze %dma_wait3A_310 : memref<1x56x3x2x120xi32, #tpu.memory_space<hbm>> -> memref<56x3x2x120xi32, #tpu.memory_space<hbm>>
        %dma_wait3A_312 = arith.constant 0 : i32
        %dma_wait3A_313 = arith.constant 0 : i32
        %dma_wait3A_314 = arith.constant 0 : i32
        %dma_wait3A_315 = tpu.memref_slice %dma_wait3A_311[%add3A_300, %dma_wait3A_312, %dma_wait3A_313, %dma_wait3A_314] : memref<56x3x2x120xi32, #tpu.memory_space<hbm>> -> memref<1x3x2x120xi32, #tpu.memory_space<hbm>>
        %dma_wait3A_316 = tpu.memref_squeeze %dma_wait3A_315 : memref<1x3x2x120xi32, #tpu.memory_space<hbm>> -> memref<3x2x120xi32, #tpu.memory_space<hbm>>
        %dma_wait3A_317 = arith.constant 0 : i32
        %dma_wait3A_318 = arith.constant 0 : i32
        %dma_wait3A_319 = arith.constant 0 : i32
        %dma_wait3A_320 = tpu.memref_slice %arg6[%select_n3A_123, %dma_wait3A_317, %dma_wait3A_318, %dma_wait3A_319] : memref<3x3x2x120xi32, #tpu.memory_space<vmem>> -> memref<1x3x2x120xi32, #tpu.memory_space<vmem>>
        %dma_wait3A_321 = tpu.memref_squeeze %dma_wait3A_320 : memref<1x3x2x120xi32, #tpu.memory_space<vmem>> -> memref<3x2x120xi32, #tpu.memory_space<vmem>>
        %dma_wait3A_322 = arith.constant 0 : i32
        %dma_wait3A_323 = arith.constant 0 : i32
        %dma_wait3A_324 = arith.constant 0 : i32
        %dma_wait3A_325 = arith.constant 0 : i32
        %dma_wait3A_326 = tpu.memref_slice %arg3[%add3A, %dma_wait3A_322, %dma_wait3A_323, %dma_wait3A_324, %dma_wait3A_325] : memref<32x56x3x2x120xi32, #tpu.memory_space<hbm>> -> memref<1x56x3x2x120xi32, #tpu.memory_space<hbm>>
        %dma_wait3A_327 = tpu.memref_squeeze %dma_wait3A_326 : memref<1x56x3x2x120xi32, #tpu.memory_space<hbm>> -> memref<56x3x2x120xi32, #tpu.memory_space<hbm>>
        %dma_wait3A_328 = arith.constant 0 : i32
        %dma_wait3A_329 = arith.constant 0 : i32
        %dma_wait3A_330 = arith.constant 0 : i32
        %dma_wait3A_331 = tpu.memref_slice %dma_wait3A_327[%add3A_300, %dma_wait3A_328, %dma_wait3A_329, %dma_wait3A_330] : memref<56x3x2x120xi32, #tpu.memory_space<hbm>> -> memref<1x3x2x120xi32, #tpu.memory_space<hbm>>
        %dma_wait3A_332 = tpu.memref_squeeze %dma_wait3A_331 : memref<1x3x2x120xi32, #tpu.memory_space<hbm>> -> memref<3x2x120xi32, #tpu.memory_space<hbm>>
        tpu.wait_dma2 semaphore(%arg15 : memref<!tpu.dma_semaphore, #tpu.memory_space<semaphore_mem>>) src(%dma_wait3A_332 : memref<3x2x120xi32, #tpu.memory_space<hbm>>) dst(%dma_wait3A_321 : memref<3x2x120xi32, #tpu.memory_space<vmem>>)
      } else {
      }
      %add3A_150 = arith.constant 2 : i32
      %add3A_151 = arith.addi %scan3A_96, %add3A_150 : i32
      %lt3A_152 = arith.constant 56 : i32
      %lt3A_153 = arith.cmpi slt, %add3A_151, %lt3A_152 : i32
      %convert_element_type3A_154 = arith.extui %lt3A_153 : i1 to i32
      %cond3A_155 = arith.constant 0 : i32
      %cond3A_156 = arith.cmpi ne, %convert_element_type3A_154, %cond3A_155 : i32
      scf.if %cond3A_156 {
        %add3A_299 = arith.constant 2 : i32
        %add3A_300 = arith.addi %scan3A_96, %add3A_299 : i32
        %add3A_301 = arith.constant 2 : i32
        %add3A_302 = arith.addi %scan3A_96, %add3A_301 : i32
        %jit3A_303 = arith.constant 3 : i32
        %eq3A_304 = arith.constant 0 : i32
        %eq3A_305 = arith.cmpi eq, %jit3A_303, %eq3A_304 : i32
        %jit3A_306 = arith.constant 1 : i32
        %select_n3A_307 = arith.select %eq3A_305, %jit3A_306, %jit3A_303 : i32
        %rem3A_308 = arith.remsi %add3A_302, %select_n3A_307 : i32
        %ne3A_309 = arith.constant 0 : i32
        %ne3A_310 = arith.cmpi ne, %rem3A_308, %ne3A_309 : i32
        %lt3A_311 = arith.constant 0 : i32
        %lt3A_312 = arith.cmpi slt, %rem3A_308, %lt3A_311 : i32
        %lt3A_313 = arith.constant 0 : i32
        %lt3A_314 = arith.cmpi slt, %select_n3A_307, %lt3A_313 : i32
        %ne3A_315 = arith.xori %lt3A_312, %lt3A_314 : i1
        %and3A_316 = arith.andi %ne3A_315, %ne3A_310 : i1
        %add3A_317 = arith.addi %rem3A_308, %select_n3A_307 : i32
        %select_n3A_318 = arith.select %and3A_316, %add3A_317, %rem3A_308 : i32
        %dma_start3A_319 = arith.constant 0 : i32
        %dma_start3A_320 = arith.constant 0 : i32
        %dma_start3A_321 = arith.constant 0 : i32
        %dma_start3A_322 = tpu.memref_slice %arg6[%select_n3A_318, %dma_start3A_319, %dma_start3A_320, %dma_start3A_321] : memref<3x3x2x120xi32, #tpu.memory_space<vmem>> -> memref<1x3x2x120xi32, #tpu.memory_space<vmem>>
        %dma_start3A_323 = tpu.memref_squeeze %dma_start3A_322 : memref<1x3x2x120xi32, #tpu.memory_space<vmem>> -> memref<3x2x120xi32, #tpu.memory_space<vmem>>
        %dma_start3A_324 = arith.constant 0 : i32
        %dma_start3A_325 = arith.constant 0 : i32
        %dma_start3A_326 = arith.constant 0 : i32
        %dma_start3A_327 = arith.constant 0 : i32
        %dma_start3A_328 = tpu.memref_slice %arg3[%add3A, %dma_start3A_324, %dma_start3A_325, %dma_start3A_326, %dma_start3A_327] : memref<32x56x3x2x120xi32, #tpu.memory_space<hbm>> -> memref<1x56x3x2x120xi32, #tpu.memory_space<hbm>>
        %dma_start3A_329 = tpu.memref_squeeze %dma_start3A_328 : memref<1x56x3x2x120xi32, #tpu.memory_space<hbm>> -> memref<56x3x2x120xi32, #tpu.memory_space<hbm>>
        %dma_start3A_330 = arith.constant 0 : i32
        %dma_start3A_331 = arith.constant 0 : i32
        %dma_start3A_332 = arith.constant 0 : i32
        %dma_start3A_333 = tpu.memref_slice %dma_start3A_329[%add3A_300, %dma_start3A_330, %dma_start3A_331, %dma_start3A_332] : memref<56x3x2x120xi32, #tpu.memory_space<hbm>> -> memref<1x3x2x120xi32, #tpu.memory_space<hbm>>
        %dma_start3A_334 = tpu.memref_squeeze %dma_start3A_333 : memref<1x3x2x120xi32, #tpu.memory_space<hbm>> -> memref<3x2x120xi32, #tpu.memory_space<hbm>>
        %dma_start3A_335 = arith.constant 0 : i32
        %dma_start3A_336 = arith.constant 0 : i32
        %dma_start3A_337 = arith.constant 0 : i32
        %dma_start3A_338 = tpu.memref_slice %arg6[%select_n3A_318, %dma_start3A_335, %dma_start3A_336, %dma_start3A_337] : memref<3x3x2x120xi32, #tpu.memory_space<vmem>> -> memref<1x3x2x120xi32, #tpu.memory_space<vmem>>
        %dma_start3A_339 = tpu.memref_squeeze %dma_start3A_338 : memref<1x3x2x120xi32, #tpu.memory_space<vmem>> -> memref<3x2x120xi32, #tpu.memory_space<vmem>>
        %dma_start3A_340 = arith.constant 0 : i32
        %dma_start3A_341 = arith.constant 0 : i32
        %dma_start3A_342 = arith.constant 0 : i32
        %dma_start3A_343 = arith.constant 0 : i32
        %dma_start3A_344 = tpu.memref_slice %arg3[%add3A, %dma_start3A_340, %dma_start3A_341, %dma_start3A_342, %dma_start3A_343] : memref<32x56x3x2x120xi32, #tpu.memory_space<hbm>> -> memref<1x56x3x2x120xi32, #tpu.memory_space<hbm>>
        %dma_start3A_345 = tpu.memref_squeeze %dma_start3A_344 : memref<1x56x3x2x120xi32, #tpu.memory_space<hbm>> -> memref<56x3x2x120xi32, #tpu.memory_space<hbm>>
        %dma_start3A_346 = arith.constant 0 : i32
        %dma_start3A_347 = arith.constant 0 : i32
        %dma_start3A_348 = arith.constant 0 : i32
        %dma_start3A_349 = tpu.memref_slice %dma_start3A_345[%add3A_300, %dma_start3A_346, %dma_start3A_347, %dma_start3A_348] : memref<56x3x2x120xi32, #tpu.memory_space<hbm>> -> memref<1x3x2x120xi32, #tpu.memory_space<hbm>>
        %dma_start3A_350 = tpu.memref_squeeze %dma_start3A_349 : memref<1x3x2x120xi32, #tpu.memory_space<hbm>> -> memref<3x2x120xi32, #tpu.memory_space<hbm>>
        tpu.enqueue_dma source(%dma_start3A_350 : memref<3x2x120xi32, #tpu.memory_space<hbm>>) target(%dma_start3A_339 : memref<3x2x120xi32, #tpu.memory_space<vmem>>) target_semaphore(%arg15 : memref<!tpu.dma_semaphore, #tpu.memory_space<semaphore_mem>>)
      } else {
      }
      %dma_start3A_157 = arith.constant 0 : i32
      %dma_start3A_158 = arith.constant 1 : i32
      %dma_start3A_159 = arith.constant 0 : i32
      %dma_start3A_160 = arith.constant 0 : i32
      %dma_start3A_161 = arith.constant 0 : i32
      %dma_start3A_162 = tpu.memref_slice %arg6[%select_n3A_105, %dma_start3A_159, %dma_start3A_160, %dma_start3A_161] : memref<3x3x2x120xi32, #tpu.memory_space<vmem>> -> memref<1x3x2x120xi32, #tpu.memory_space<vmem>>
      %dma_start3A_163 = tpu.memref_squeeze %dma_start3A_162 : memref<1x3x2x120xi32, #tpu.memory_space<vmem>> -> memref<3x2x120xi32, #tpu.memory_space<vmem>>
      %dma_start3A_164 = arith.constant 0 : i32
      %dma_start3A_165 = arith.constant 0 : i32
      %dma_start3A_166 = tpu.memref_slice %dma_start3A_163[%dma_start3A_157, %dma_start3A_164, %dma_start3A_165] : memref<3x2x120xi32, #tpu.memory_space<vmem>> -> memref<1x2x120xi32, #tpu.memory_space<vmem>>
      %dma_start3A_167 = tpu.memref_squeeze %dma_start3A_166 : memref<1x2x120xi32, #tpu.memory_space<vmem>> -> memref<2x120xi32, #tpu.memory_space<vmem>>
      %dma_start3A_168 = arith.constant 0 : i32
      %dma_start3A_169 = tpu.memref_slice %dma_start3A_167[%dma_start3A_158, %dma_start3A_168] : memref<2x120xi32, #tpu.memory_space<vmem>> -> memref<1x120xi32, #tpu.memory_space<vmem>>
      %dma_start3A_170 = tpu.memref_squeeze %dma_start3A_169 : memref<1x120xi32, #tpu.memory_space<vmem>> -> memref<120xi32, #tpu.memory_space<vmem>>
      %dma_start3A_171 = arith.constant 0 : i32
      %dma_start3A_172 = arith.constant 0 : i32
      %dma_start3A_173 = tpu.memref_slice %arg10[%dma_start3A_171, %dma_start3A_172] : memref<10240x128xf32, #tpu.memory_space<vmem_shared>> -> memref<10240x128xf32, #tpu.memory_space<vmem_shared>>
      tpu.enqueue_indirect_dma source(%arg7 : memref<120x128xf32, #tpu.memory_space<vmem>>) target(%dma_start3A_173 : memref<10240x128xf32, #tpu.memory_space<vmem_shared>>) offsets(%dma_start3A_170 : memref<120xi32, #tpu.memory_space<vmem>>) semaphore(%arg14 : memref<!tpu.dma_semaphore, #tpu.memory_space<semaphore_mem>>) {add = true}
      %dma_start3A_174 = arith.constant 2 : i32
      %dma_start3A_175 = arith.constant 0 : i32
      %dma_start3A_176 = arith.constant 0 : i32
      %dma_start3A_177 = arith.constant 0 : i32
      %dma_start3A_178 = arith.constant 0 : i32
      %dma_start3A_179 = tpu.memref_slice %arg6[%select_n3A_105, %dma_start3A_176, %dma_start3A_177, %dma_start3A_178] : memref<3x3x2x120xi32, #tpu.memory_space<vmem>> -> memref<1x3x2x120xi32, #tpu.memory_space<vmem>>
      %dma_start3A_180 = tpu.memref_squeeze %dma_start3A_179 : memref<1x3x2x120xi32, #tpu.memory_space<vmem>> -> memref<3x2x120xi32, #tpu.memory_space<vmem>>
      %dma_start3A_181 = arith.constant 0 : i32
      %dma_start3A_182 = arith.constant 0 : i32
      %dma_start3A_183 = tpu.memref_slice %dma_start3A_180[%dma_start3A_174, %dma_start3A_181, %dma_start3A_182] : memref<3x2x120xi32, #tpu.memory_space<vmem>> -> memref<1x2x120xi32, #tpu.memory_space<vmem>>
      %dma_start3A_184 = tpu.memref_squeeze %dma_start3A_183 : memref<1x2x120xi32, #tpu.memory_space<vmem>> -> memref<2x120xi32, #tpu.memory_space<vmem>>
      %dma_start3A_185 = arith.constant 0 : i32
      %dma_start3A_186 = tpu.memref_slice %dma_start3A_184[%dma_start3A_175, %dma_start3A_185] : memref<2x120xi32, #tpu.memory_space<vmem>> -> memref<1x120xi32, #tpu.memory_space<vmem>>
      %dma_start3A_187 = tpu.memref_squeeze %dma_start3A_186 : memref<1x120xi32, #tpu.memory_space<vmem>> -> memref<120xi32, #tpu.memory_space<vmem>>
      %dma_start3A_188 = arith.constant 0 : i32
      %dma_start3A_189 = arith.constant 0 : i32
      %dma_start3A_190 = tpu.memref_slice %arg2[%dma_start3A_188, %dma_start3A_189] : memref<10000x128xf32, #tpu.memory_space<hbm>> -> memref<10000x128xf32, #tpu.memory_space<hbm>>
      tpu.enqueue_indirect_dma source(%dma_start3A_190 : memref<10000x128xf32, #tpu.memory_space<hbm>>) target(%arg9 : memref<120x128xf32, #tpu.memory_space<vmem>>) offsets(%dma_start3A_187 : memref<120xi32, #tpu.memory_space<vmem>>) semaphore(%arg13 : memref<!tpu.dma_semaphore, #tpu.memory_space<semaphore_mem>>)
      %dma_wait3A_191 = arith.constant 1 : i32
      %dma_wait3A_192 = arith.constant 0 : i32
      %dma_wait3A_193 = arith.constant 0 : i32
      %dma_wait3A_194 = arith.constant 0 : i32
      %dma_wait3A_195 = arith.constant 0 : i32
      %dma_wait3A_196 = tpu.memref_slice %arg6[%select_n3A_105, %dma_wait3A_193, %dma_wait3A_194, %dma_wait3A_195] : memref<3x3x2x120xi32, #tpu.memory_space<vmem>> -> memref<1x3x2x120xi32, #tpu.memory_space<vmem>>
      %dma_wait3A_197 = tpu.memref_squeeze %dma_wait3A_196 : memref<1x3x2x120xi32, #tpu.memory_space<vmem>> -> memref<3x2x120xi32, #tpu.memory_space<vmem>>
      %dma_wait3A_198 = arith.constant 0 : i32
      %dma_wait3A_199 = arith.constant 0 : i32
      %dma_wait3A_200 = tpu.memref_slice %dma_wait3A_197[%dma_wait3A_191, %dma_wait3A_198, %dma_wait3A_199] : memref<3x2x120xi32, #tpu.memory_space<vmem>> -> memref<1x2x120xi32, #tpu.memory_space<vmem>>
      %dma_wait3A_201 = tpu.memref_squeeze %dma_wait3A_200 : memref<1x2x120xi32, #tpu.memory_space<vmem>> -> memref<2x120xi32, #tpu.memory_space<vmem>>
      %dma_wait3A_202 = arith.constant 0 : i32
      %dma_wait3A_203 = tpu.memref_slice %dma_wait3A_201[%dma_wait3A_192, %dma_wait3A_202] : memref<2x120xi32, #tpu.memory_space<vmem>> -> memref<1x120xi32, #tpu.memory_space<vmem>>
      %dma_wait3A_204 = tpu.memref_squeeze %dma_wait3A_203 : memref<1x120xi32, #tpu.memory_space<vmem>> -> memref<120xi32, #tpu.memory_space<vmem>>
      %dma_wait3A_205 = arith.constant 0 : i32
      %dma_wait3A_206 = arith.constant 0 : i32
      %dma_wait3A_207 = tpu.memref_slice %arg2[%dma_wait3A_205, %dma_wait3A_206] : memref<10000x128xf32, #tpu.memory_space<hbm>> -> memref<10000x128xf32, #tpu.memory_space<hbm>>
      tpu.wait_indirect_dma semaphore(%arg12 : memref<!tpu.dma_semaphore, #tpu.memory_space<semaphore_mem>>) src(%dma_wait3A_207 : memref<10000x128xf32, #tpu.memory_space<hbm>>) dst(%arg8 : memref<120x128xf32, #tpu.memory_space<vmem>>)
      %dma_wait3A_208 = arith.constant 1 : i32
      %dma_wait3A_209 = arith.constant 1 : i32
      %dma_wait3A_210 = arith.constant 0 : i32
      %dma_wait3A_211 = arith.constant 0 : i32
      %dma_wait3A_212 = arith.constant 0 : i32
      %dma_wait3A_213 = tpu.memref_slice %arg6[%select_n3A_105, %dma_wait3A_210, %dma_wait3A_211, %dma_wait3A_212] : memref<3x3x2x120xi32, #tpu.memory_space<vmem>> -> memref<1x3x2x120xi32, #tpu.memory_space<vmem>>
      %dma_wait3A_214 = tpu.memref_squeeze %dma_wait3A_213 : memref<1x3x2x120xi32, #tpu.memory_space<vmem>> -> memref<3x2x120xi32, #tpu.memory_space<vmem>>
      %dma_wait3A_215 = arith.constant 0 : i32
      %dma_wait3A_216 = arith.constant 0 : i32
      %dma_wait3A_217 = tpu.memref_slice %dma_wait3A_214[%dma_wait3A_208, %dma_wait3A_215, %dma_wait3A_216] : memref<3x2x120xi32, #tpu.memory_space<vmem>> -> memref<1x2x120xi32, #tpu.memory_space<vmem>>
      %dma_wait3A_218 = tpu.memref_squeeze %dma_wait3A_217 : memref<1x2x120xi32, #tpu.memory_space<vmem>> -> memref<2x120xi32, #tpu.memory_space<vmem>>
      %dma_wait3A_219 = arith.constant 0 : i32
      %dma_wait3A_220 = tpu.memref_slice %dma_wait3A_218[%dma_wait3A_209, %dma_wait3A_219] : memref<2x120xi32, #tpu.memory_space<vmem>> -> memref<1x120xi32, #tpu.memory_space<vmem>>
      %dma_wait3A_221 = tpu.memref_squeeze %dma_wait3A_220 : memref<1x120xi32, #tpu.memory_space<vmem>> -> memref<120xi32, #tpu.memory_space<vmem>>
      %dma_wait3A_222 = arith.constant 0 : i32
      %dma_wait3A_223 = arith.constant 0 : i32
      %dma_wait3A_224 = tpu.memref_slice %arg10[%dma_wait3A_222, %dma_wait3A_223] : memref<10240x128xf32, #tpu.memory_space<vmem_shared>> -> memref<10240x128xf32, #tpu.memory_space<vmem_shared>>
      tpu.wait_indirect_dma semaphore(%arg14 : memref<!tpu.dma_semaphore, #tpu.memory_space<semaphore_mem>>) src(%arg7 : memref<120x128xf32, #tpu.memory_space<vmem>>) dst(%dma_wait3A_224 : memref<10240x128xf32, #tpu.memory_space<vmem_shared>>)
      %dma_start3A_225 = arith.constant 1 : i32
      %dma_start3A_226 = arith.constant 1 : i32
      %dma_start3A_227 = arith.constant 0 : i32
      %dma_start3A_228 = arith.constant 0 : i32
      %dma_start3A_229 = arith.constant 0 : i32
      %dma_start3A_230 = tpu.memref_slice %arg6[%select_n3A_105, %dma_start3A_227, %dma_start3A_228, %dma_start3A_229] : memref<3x3x2x120xi32, #tpu.memory_space<vmem>> -> memref<1x3x2x120xi32, #tpu.memory_space<vmem>>
      %dma_start3A_231 = tpu.memref_squeeze %dma_start3A_230 : memref<1x3x2x120xi32, #tpu.memory_space<vmem>> -> memref<3x2x120xi32, #tpu.memory_space<vmem>>
      %dma_start3A_232 = arith.constant 0 : i32
      %dma_start3A_233 = arith.constant 0 : i32
      %dma_start3A_234 = tpu.memref_slice %dma_start3A_231[%dma_start3A_225, %dma_start3A_232, %dma_start3A_233] : memref<3x2x120xi32, #tpu.memory_space<vmem>> -> memref<1x2x120xi32, #tpu.memory_space<vmem>>
      %dma_start3A_235 = tpu.memref_squeeze %dma_start3A_234 : memref<1x2x120xi32, #tpu.memory_space<vmem>> -> memref<2x120xi32, #tpu.memory_space<vmem>>
      %dma_start3A_236 = arith.constant 0 : i32
      %dma_start3A_237 = tpu.memref_slice %dma_start3A_235[%dma_start3A_226, %dma_start3A_236] : memref<2x120xi32, #tpu.memory_space<vmem>> -> memref<1x120xi32, #tpu.memory_space<vmem>>
      %dma_start3A_238 = tpu.memref_squeeze %dma_start3A_237 : memref<1x120xi32, #tpu.memory_space<vmem>> -> memref<120xi32, #tpu.memory_space<vmem>>
      %dma_start3A_239 = arith.constant 0 : i32
      %dma_start3A_240 = arith.constant 0 : i32
      %dma_start3A_241 = tpu.memref_slice %arg10[%dma_start3A_239, %dma_start3A_240] : memref<10240x128xf32, #tpu.memory_space<vmem_shared>> -> memref<10240x128xf32, #tpu.memory_space<vmem_shared>>
      tpu.enqueue_indirect_dma source(%arg8 : memref<120x128xf32, #tpu.memory_space<vmem>>) target(%dma_start3A_241 : memref<10240x128xf32, #tpu.memory_space<vmem_shared>>) offsets(%dma_start3A_238 : memref<120xi32, #tpu.memory_space<vmem>>) semaphore(%arg14 : memref<!tpu.dma_semaphore, #tpu.memory_space<semaphore_mem>>) {add = true}
      %convert_element_type3A_242 = arith.extui %lt3A_127 : i1 to i32
      %cond3A_243 = arith.constant 0 : i32
      %cond3A_244 = arith.cmpi ne, %convert_element_type3A_242, %cond3A_243 : i32
      scf.if %cond3A_244 {
        %dma_start3A_299 = arith.constant 0 : i32
        %dma_start3A_300 = arith.constant 0 : i32
        %dma_start3A_301 = arith.constant 0 : i32
        %dma_start3A_302 = arith.constant 0 : i32
        %dma_start3A_303 = arith.constant 0 : i32
        %dma_start3A_304 = tpu.memref_slice %arg6[%select_n3A_123, %dma_start3A_301, %dma_start3A_302, %dma_start3A_303] : memref<3x3x2x120xi32, #tpu.memory_space<vmem>> -> memref<1x3x2x120xi32, #tpu.memory_space<vmem>>
        %dma_start3A_305 = tpu.memref_squeeze %dma_start3A_304 : memref<1x3x2x120xi32, #tpu.memory_space<vmem>> -> memref<3x2x120xi32, #tpu.memory_space<vmem>>
        %dma_start3A_306 = arith.constant 0 : i32
        %dma_start3A_307 = arith.constant 0 : i32
        %dma_start3A_308 = tpu.memref_slice %dma_start3A_305[%dma_start3A_299, %dma_start3A_306, %dma_start3A_307] : memref<3x2x120xi32, #tpu.memory_space<vmem>> -> memref<1x2x120xi32, #tpu.memory_space<vmem>>
        %dma_start3A_309 = tpu.memref_squeeze %dma_start3A_308 : memref<1x2x120xi32, #tpu.memory_space<vmem>> -> memref<2x120xi32, #tpu.memory_space<vmem>>
        %dma_start3A_310 = arith.constant 0 : i32
        %dma_start3A_311 = tpu.memref_slice %dma_start3A_309[%dma_start3A_300, %dma_start3A_310] : memref<2x120xi32, #tpu.memory_space<vmem>> -> memref<1x120xi32, #tpu.memory_space<vmem>>
        %dma_start3A_312 = tpu.memref_squeeze %dma_start3A_311 : memref<1x120xi32, #tpu.memory_space<vmem>> -> memref<120xi32, #tpu.memory_space<vmem>>
        %dma_start3A_313 = arith.constant 0 : i32
        %dma_start3A_314 = arith.constant 0 : i32
        %dma_start3A_315 = tpu.memref_slice %arg2[%dma_start3A_313, %dma_start3A_314] : memref<10000x128xf32, #tpu.memory_space<hbm>> -> memref<10000x128xf32, #tpu.memory_space<hbm>>
        tpu.enqueue_indirect_dma source(%dma_start3A_315 : memref<10000x128xf32, #tpu.memory_space<hbm>>) target(%arg7 : memref<120x128xf32, #tpu.memory_space<vmem>>) offsets(%dma_start3A_312 : memref<120xi32, #tpu.memory_space<vmem>>) semaphore(%arg11 : memref<!tpu.dma_semaphore, #tpu.memory_space<semaphore_mem>>)
      } else {
      }
      %dma_wait3A_245 = arith.constant 2 : i32
      %dma_wait3A_246 = arith.constant 0 : i32
      %dma_wait3A_247 = arith.constant 0 : i32
      %dma_wait3A_248 = arith.constant 0 : i32
      %dma_wait3A_249 = arith.constant 0 : i32
      %dma_wait3A_250 = tpu.memref_slice %arg6[%select_n3A_105, %dma_wait3A_247, %dma_wait3A_248, %dma_wait3A_249] : memref<3x3x2x120xi32, #tpu.memory_space<vmem>> -> memref<1x3x2x120xi32, #tpu.memory_space<vmem>>
      %dma_wait3A_251 = tpu.memref_squeeze %dma_wait3A_250 : memref<1x3x2x120xi32, #tpu.memory_space<vmem>> -> memref<3x2x120xi32, #tpu.memory_space<vmem>>
      %dma_wait3A_252 = arith.constant 0 : i32
      %dma_wait3A_253 = arith.constant 0 : i32
      %dma_wait3A_254 = tpu.memref_slice %dma_wait3A_251[%dma_wait3A_245, %dma_wait3A_252, %dma_wait3A_253] : memref<3x2x120xi32, #tpu.memory_space<vmem>> -> memref<1x2x120xi32, #tpu.memory_space<vmem>>
      %dma_wait3A_255 = tpu.memref_squeeze %dma_wait3A_254 : memref<1x2x120xi32, #tpu.memory_space<vmem>> -> memref<2x120xi32, #tpu.memory_space<vmem>>
      %dma_wait3A_256 = arith.constant 0 : i32
      %dma_wait3A_257 = tpu.memref_slice %dma_wait3A_255[%dma_wait3A_246, %dma_wait3A_256] : memref<2x120xi32, #tpu.memory_space<vmem>> -> memref<1x120xi32, #tpu.memory_space<vmem>>
      %dma_wait3A_258 = tpu.memref_squeeze %dma_wait3A_257 : memref<1x120xi32, #tpu.memory_space<vmem>> -> memref<120xi32, #tpu.memory_space<vmem>>
      %dma_wait3A_259 = arith.constant 0 : i32
      %dma_wait3A_260 = arith.constant 0 : i32
      %dma_wait3A_261 = tpu.memref_slice %arg2[%dma_wait3A_259, %dma_wait3A_260] : memref<10000x128xf32, #tpu.memory_space<hbm>> -> memref<10000x128xf32, #tpu.memory_space<hbm>>
      tpu.wait_indirect_dma semaphore(%arg13 : memref<!tpu.dma_semaphore, #tpu.memory_space<semaphore_mem>>) src(%dma_wait3A_261 : memref<10000x128xf32, #tpu.memory_space<hbm>>) dst(%arg9 : memref<120x128xf32, #tpu.memory_space<vmem>>)
      %dma_wait3A_262 = arith.constant 2 : i32
      %dma_wait3A_263 = arith.constant 1 : i32
      %dma_wait3A_264 = arith.constant 0 : i32
      %dma_wait3A_265 = arith.constant 0 : i32
      %dma_wait3A_266 = arith.constant 0 : i32
      %dma_wait3A_267 = tpu.memref_slice %arg6[%select_n3A_105, %dma_wait3A_264, %dma_wait3A_265, %dma_wait3A_266] : memref<3x3x2x120xi32, #tpu.memory_space<vmem>> -> memref<1x3x2x120xi32, #tpu.memory_space<vmem>>
      %dma_wait3A_268 = tpu.memref_squeeze %dma_wait3A_267 : memref<1x3x2x120xi32, #tpu.memory_space<vmem>> -> memref<3x2x120xi32, #tpu.memory_space<vmem>>
      %dma_wait3A_269 = arith.constant 0 : i32
      %dma_wait3A_270 = arith.constant 0 : i32
      %dma_wait3A_271 = tpu.memref_slice %dma_wait3A_268[%dma_wait3A_262, %dma_wait3A_269, %dma_wait3A_270] : memref<3x2x120xi32, #tpu.memory_space<vmem>> -> memref<1x2x120xi32, #tpu.memory_space<vmem>>
      %dma_wait3A_272 = tpu.memref_squeeze %dma_wait3A_271 : memref<1x2x120xi32, #tpu.memory_space<vmem>> -> memref<2x120xi32, #tpu.memory_space<vmem>>
      %dma_wait3A_273 = arith.constant 0 : i32
      %dma_wait3A_274 = tpu.memref_slice %dma_wait3A_272[%dma_wait3A_263, %dma_wait3A_273] : memref<2x120xi32, #tpu.memory_space<vmem>> -> memref<1x120xi32, #tpu.memory_space<vmem>>
      %dma_wait3A_275 = tpu.memref_squeeze %dma_wait3A_274 : memref<1x120xi32, #tpu.memory_space<vmem>> -> memref<120xi32, #tpu.memory_space<vmem>>
      %dma_wait3A_276 = arith.constant 0 : i32
      %dma_wait3A_277 = arith.constant 0 : i32
      %dma_wait3A_278 = tpu.memref_slice %arg10[%dma_wait3A_276, %dma_wait3A_277] : memref<10240x128xf32, #tpu.memory_space<vmem_shared>> -> memref<10240x128xf32, #tpu.memory_space<vmem_shared>>
      tpu.wait_indirect_dma semaphore(%arg14 : memref<!tpu.dma_semaphore, #tpu.memory_space<semaphore_mem>>) src(%arg8 : memref<120x128xf32, #tpu.memory_space<vmem>>) dst(%dma_wait3A_278 : memref<10240x128xf32, #tpu.memory_space<vmem_shared>>)
      %dma_start3A_279 = arith.constant 2 : i32
      %dma_start3A_280 = arith.constant 1 : i32
      %dma_start3A_281 = arith.constant 0 : i32
      %dma_start3A_282 = arith.constant 0 : i32
      %dma_start3A_283 = arith.constant 0 : i32
      %dma_start3A_284 = tpu.memref_slice %arg6[%select_n3A_105, %dma_start3A_281, %dma_start3A_282, %dma_start3A_283] : memref<3x3x2x120xi32, #tpu.memory_space<vmem>> -> memref<1x3x2x120xi32, #tpu.memory_space<vmem>>
      %dma_start3A_285 = tpu.memref_squeeze %dma_start3A_284 : memref<1x3x2x120xi32, #tpu.memory_space<vmem>> -> memref<3x2x120xi32, #tpu.memory_space<vmem>>
      %dma_start3A_286 = arith.constant 0 : i32
      %dma_start3A_287 = arith.constant 0 : i32
      %dma_start3A_288 = tpu.memref_slice %dma_start3A_285[%dma_start3A_279, %dma_start3A_286, %dma_start3A_287] : memref<3x2x120xi32, #tpu.memory_space<vmem>> -> memref<1x2x120xi32, #tpu.memory_space<vmem>>
      %dma_start3A_289 = tpu.memref_squeeze %dma_start3A_288 : memref<1x2x120xi32, #tpu.memory_space<vmem>> -> memref<2x120xi32, #tpu.memory_space<vmem>>
      %dma_start3A_290 = arith.constant 0 : i32
      %dma_start3A_291 = tpu.memref_slice %dma_start3A_289[%dma_start3A_280, %dma_start3A_290] : memref<2x120xi32, #tpu.memory_space<vmem>> -> memref<1x120xi32, #tpu.memory_space<vmem>>
      %dma_start3A_292 = tpu.memref_squeeze %dma_start3A_291 : memref<1x120xi32, #tpu.memory_space<vmem>> -> memref<120xi32, #tpu.memory_space<vmem>>
      %dma_start3A_293 = arith.constant 0 : i32
      %dma_start3A_294 = arith.constant 0 : i32
      %dma_start3A_295 = tpu.memref_slice %arg10[%dma_start3A_293, %dma_start3A_294] : memref<10240x128xf32, #tpu.memory_space<vmem_shared>> -> memref<10240x128xf32, #tpu.memory_space<vmem_shared>>
      tpu.enqueue_indirect_dma source(%arg9 : memref<120x128xf32, #tpu.memory_space<vmem>>) target(%dma_start3A_295 : memref<10240x128xf32, #tpu.memory_space<vmem_shared>>) offsets(%dma_start3A_292 : memref<120xi32, #tpu.memory_space<vmem>>) semaphore(%arg14 : memref<!tpu.dma_semaphore, #tpu.memory_space<semaphore_mem>>) {add = true}
      %convert_element_type3A_296 = arith.extui %lt3A_127 : i1 to i32
      %cond3A_297 = arith.constant 0 : i32
      %cond3A_298 = arith.cmpi ne, %convert_element_type3A_296, %cond3A_297 : i32
      scf.if %cond3A_298 {
        %dma_start3A_299 = arith.constant 1 : i32
        %dma_start3A_300 = arith.constant 0 : i32
        %dma_start3A_301 = arith.constant 0 : i32
        %dma_start3A_302 = arith.constant 0 : i32
        %dma_start3A_303 = arith.constant 0 : i32
        %dma_start3A_304 = tpu.memref_slice %arg6[%select_n3A_123, %dma_start3A_301, %dma_start3A_302, %dma_start3A_303] : memref<3x3x2x120xi32, #tpu.memory_space<vmem>> -> memref<1x3x2x120xi32, #tpu.memory_space<vmem>>
        %dma_start3A_305 = tpu.memref_squeeze %dma_start3A_304 : memref<1x3x2x120xi32, #tpu.memory_space<vmem>> -> memref<3x2x120xi32, #tpu.memory_space<vmem>>
        %dma_start3A_306 = arith.constant 0 : i32
        %dma_start3A_307 = arith.constant 0 : i32
        %dma_start3A_308 = tpu.memref_slice %dma_start3A_305[%dma_start3A_299, %dma_start3A_306, %dma_start3A_307] : memref<3x2x120xi32, #tpu.memory_space<vmem>> -> memref<1x2x120xi32, #tpu.memory_space<vmem>>
        %dma_start3A_309 = tpu.memref_squeeze %dma_start3A_308 : memref<1x2x120xi32, #tpu.memory_space<vmem>> -> memref<2x120xi32, #tpu.memory_space<vmem>>
        %dma_start3A_310 = arith.constant 0 : i32
        %dma_start3A_311 = tpu.memref_slice %dma_start3A_309[%dma_start3A_300, %dma_start3A_310] : memref<2x120xi32, #tpu.memory_space<vmem>> -> memref<1x120xi32, #tpu.memory_space<vmem>>
        %dma_start3A_312 = tpu.memref_squeeze %dma_start3A_311 : memref<1x120xi32, #tpu.memory_space<vmem>> -> memref<120xi32, #tpu.memory_space<vmem>>
        %dma_start3A_313 = arith.constant 0 : i32
        %dma_start3A_314 = arith.constant 0 : i32
        %dma_start3A_315 = tpu.memref_slice %arg2[%dma_start3A_313, %dma_start3A_314] : memref<10000x128xf32, #tpu.memory_space<hbm>> -> memref<10000x128xf32, #tpu.memory_space<hbm>>
        tpu.enqueue_indirect_dma source(%dma_start3A_315 : memref<10000x128xf32, #tpu.memory_space<hbm>>) target(%arg8 : memref<120x128xf32, #tpu.memory_space<vmem>>) offsets(%dma_start3A_312 : memref<120xi32, #tpu.memory_space<vmem>>) semaphore(%arg12 : memref<!tpu.dma_semaphore, #tpu.memory_space<semaphore_mem>>)
      } else {
      }
    }
    %scan3A_77 = arith.constant 56 : i32
    %dma_wait3A = arith.constant 1 : i32
    %dma_wait3A_78 = arith.constant 2 : i32
    %dma_wait3A_79 = arith.constant 1 : i32
    %dma_wait3A_80 = arith.constant 0 : i32
    %dma_wait3A_81 = arith.constant 0 : i32
    %dma_wait3A_82 = arith.constant 0 : i32
    %dma_wait3A_83 = tpu.memref_slice %arg6[%dma_wait3A, %dma_wait3A_80, %dma_wait3A_81, %dma_wait3A_82] : memref<3x3x2x120xi32, #tpu.memory_space<vmem>> -> memref<1x3x2x120xi32, #tpu.memory_space<vmem>>
    %dma_wait3A_84 = tpu.memref_squeeze %dma_wait3A_83 : memref<1x3x2x120xi32, #tpu.memory_space<vmem>> -> memref<3x2x120xi32, #tpu.memory_space<vmem>>
    %dma_wait3A_85 = arith.constant 0 : i32
    %dma_wait3A_86 = arith.constant 0 : i32
    %dma_wait3A_87 = tpu.memref_slice %dma_wait3A_84[%dma_wait3A_78, %dma_wait3A_85, %dma_wait3A_86] : memref<3x2x120xi32, #tpu.memory_space<vmem>> -> memref<1x2x120xi32, #tpu.memory_space<vmem>>
    %dma_wait3A_88 = tpu.memref_squeeze %dma_wait3A_87 : memref<1x2x120xi32, #tpu.memory_space<vmem>> -> memref<2x120xi32, #tpu.memory_space<vmem>>
    %dma_wait3A_89 = arith.constant 0 : i32
    %dma_wait3A_90 = tpu.memref_slice %dma_wait3A_88[%dma_wait3A_79, %dma_wait3A_89] : memref<2x120xi32, #tpu.memory_space<vmem>> -> memref<1x120xi32, #tpu.memory_space<vmem>>
    %dma_wait3A_91 = tpu.memref_squeeze %dma_wait3A_90 : memref<1x120xi32, #tpu.memory_space<vmem>> -> memref<120xi32, #tpu.memory_space<vmem>>
    %dma_wait3A_92 = arith.constant 0 : i32
    %dma_wait3A_93 = arith.constant 0 : i32
    %dma_wait3A_94 = tpu.memref_slice %arg10[%dma_wait3A_92, %dma_wait3A_93] : memref<10240x128xf32, #tpu.memory_space<vmem_shared>> -> memref<10240x128xf32, #tpu.memory_space<vmem_shared>>
    tpu.wait_indirect_dma semaphore(%arg14 : memref<!tpu.dma_semaphore, #tpu.memory_space<semaphore_mem>>) src(%arg9 : memref<120x128xf32, #tpu.memory_space<vmem>>) dst(%dma_wait3A_94 : memref<10240x128xf32, #tpu.memory_space<vmem_shared>>)
    %barrier3A_95 = arith.constant 0 : index
    tpu.barrier barrier_id(%barrier3A_95)
    "tpu.region"() ({
      %run_scoped3A_96 = tpu.sem_alloc : memref<!tpu.dma_semaphore, #tpu.memory_space<semaphore_mem>>
      %dma_start3A_97 = arith.constant 0 : i32
      %dma_start3A_98 = arith.constant 0 : i32
      %dma_start3A_99 = tpu.memref_slice %arg5[%arg0, %dma_start3A_97, %dma_start3A_98] : memref<2x10240x128xf32, #tpu.memory_space<hbm>> -> memref<1x10240x128xf32, #tpu.memory_space<hbm>>
      %dma_start3A_100 = tpu.memref_squeeze %dma_start3A_99 : memref<1x10240x128xf32, #tpu.memory_space<hbm>> -> memref<10240x128xf32, #tpu.memory_space<hbm>>
      %dma_start3A_101 = arith.constant 0 : i32
      %dma_start3A_102 = tpu.memref_slice %dma_start3A_100[%mul3A_2, %dma_start3A_101] : memref<10240x128xf32, #tpu.memory_space<hbm>> -> memref<640x128xf32, #tpu.memory_space<hbm>>
      %dma_start3A_103 = arith.constant 0 : i32
      %dma_start3A_104 = tpu.memref_slice %arg10[%mul3A_2, %dma_start3A_103] : memref<10240x128xf32, #tpu.memory_space<vmem_shared>> -> memref<640x128xf32, #tpu.memory_space<vmem_shared>>
      tpu.enqueue_dma source(%dma_start3A_104 : memref<640x128xf32, #tpu.memory_space<vmem_shared>>) target(%dma_start3A_102 : memref<640x128xf32, #tpu.memory_space<hbm>>) target_semaphore(%run_scoped3A_96 : memref<!tpu.dma_semaphore, #tpu.memory_space<semaphore_mem>>)
      %dma_wait3A_105 = arith.constant 0 : i32
      %dma_wait3A_106 = arith.constant 0 : i32
      %dma_wait3A_107 = tpu.memref_slice %arg5[%arg0, %dma_wait3A_105, %dma_wait3A_106] : memref<2x10240x128xf32, #tpu.memory_space<hbm>> -> memref<1x10240x128xf32, #tpu.memory_space<hbm>>
      %dma_wait3A_108 = tpu.memref_squeeze %dma_wait3A_107 : memref<1x10240x128xf32, #tpu.memory_space<hbm>> -> memref<10240x128xf32, #tpu.memory_space<hbm>>
      %dma_wait3A_109 = arith.constant 0 : i32
      %dma_wait3A_110 = tpu.memref_slice %dma_wait3A_108[%mul3A_2, %dma_wait3A_109] : memref<10240x128xf32, #tpu.memory_space<hbm>> -> memref<640x128xf32, #tpu.memory_space<hbm>>
      %dma_wait3A_111 = arith.constant 0 : i32
      %dma_wait3A_112 = tpu.memref_slice %arg10[%mul3A_2, %dma_wait3A_111] : memref<10240x128xf32, #tpu.memory_space<vmem_shared>> -> memref<640x128xf32, #tpu.memory_space<vmem_shared>>
      tpu.wait_dma2 semaphore(%run_scoped3A_96 : memref<!tpu.dma_semaphore, #tpu.memory_space<semaphore_mem>>) src(%dma_wait3A_112 : memref<640x128xf32, #tpu.memory_space<vmem_shared>>) dst(%dma_wait3A_110 : memref<640x128xf32, #tpu.memory_space<hbm>>)
      tpu.yield
    }) : () -> ()
    return
  }
}

module attributes {stable_mosaic.version = 14 : i64} {
  func.func @_mm_x_body(%arg0: i32, %arg1: memref<2000x128xf32, #tpu.memory_space<vmem>>, %arg2: memref<128x128xf32, #tpu.memory_space<vmem>>, %arg3: memref<1x128xf32, #tpu.memory_space<vmem>>, %arg4: memref<2000x128xf32, #tpu.memory_space<vmem>>) attributes {dimension_semantics = [#tpu.dimension_semantics<arbitrary>], iteration_bounds = array<i64: 5>, scalar_prefetch = 0 : i64, scratch_operands = 0 : i64, tpu.core_type = #tpu.core_type<tc>, window_params = [{transform_indices = @transform_0, window_bounds = array<i64: 2000, 128>}, {pipeline_mode = #tpu.pipeline_mode<synchronous>, transform_indices = @transform_1, window_bounds = array<i64: 128, 128>}, {pipeline_mode = #tpu.pipeline_mode<synchronous>, transform_indices = @transform_2, window_bounds = array<i64: 1, 128>}, {transform_indices = @transform_3, window_bounds = array<i64: 2000, 128>}]} {
    %get3A = arith.constant 0 : index
    %get3A_0 = arith.constant 0 : index
    %get3A_1 = vector.load %arg1[%get3A, %get3A_0] : memref<2000x128xf32, #tpu.memory_space<vmem>>, vector<2000x128xf32>
    %get3A_2 = arith.constant 0 : index
    %get3A_3 = arith.constant 0 : index
    %get3A_4 = vector.load %arg2[%get3A_2, %get3A_3] : memref<128x128xf32, #tpu.memory_space<vmem>>, vector<128x128xf32>
    %dot_general3A = arith.constant dense<0.000000e+00> : vector<2000x128xf32>
    %dot_general3A_5 = tpu.matmul %get3A_1, %get3A_4, %dot_general3A {dimension_numbers = #tpu.dot_dimension_numbers<[1], [1], [0], [0], [0, 0, 1, 0], [], []>, precision = #tpu.contract_precision<fp32>, transpose_lhs_hint = false} : vector<2000x128xf32>, vector<128x128xf32>, vector<2000x128xf32> -> vector<2000x128xf32>
    %get3A_6 = arith.constant 0 : index
    %get3A_7 = arith.constant 0 : index
    %get3A_8 = vector.load %arg3[%get3A_6, %get3A_7] : memref<1x128xf32, #tpu.memory_space<vmem>>, vector<1x128xf32>
    %add3A = vector.broadcast %get3A_8 : vector<1x128xf32> to vector<2000x128xf32>
    %add3A_9 = arith.addf %dot_general3A_5, %add3A : vector<2000x128xf32>
    %swap3A = arith.constant 0 : index
    %swap3A_10 = arith.constant 0 : index
    %swap3A_11 = vector.load %arg4[%swap3A, %swap3A_10] : memref<2000x128xf32, #tpu.memory_space<vmem>>, vector<2000x128xf32>
    tpu.vector_store %arg4[%swap3A, %swap3A_10], %add3A_9 {strides = array<i32>} : memref<2000x128xf32, #tpu.memory_space<vmem>>, vector<2000x128xf32>,
    return
  }
  func.func @transform_0(%arg0: i32) -> (i32, i32) {
    %c0_i32 = arith.constant 0 : i32
    %c0_i32_0 = arith.constant 0 : i32
    return %arg0, %c0_i32 : i32, i32
  }
  func.func @transform_1(%arg0: i32) -> (i32, i32) {
    %c0_i32 = arith.constant 0 : i32
    %c0_i32_0 = arith.constant 0 : i32
    %c0_i32_1 = arith.constant 0 : i32
    return %c0_i32, %c0_i32_0 : i32, i32
  }
  func.func @transform_2(%arg0: i32) -> (i32, i32) {
    %c0_i32 = arith.constant 0 : i32
    %c0_i32_0 = arith.constant 0 : i32
    %c0_i32_1 = arith.constant 0 : i32
    return %c0_i32, %c0_i32_0 : i32, i32
  }
  func.func @transform_3(%arg0: i32) -> (i32, i32) {
    %c0_i32 = arith.constant 0 : i32
    %c0_i32_0 = arith.constant 0 : i32
    return %arg0, %c0_i32 : i32, i32
  }
}

module attributes {stable_mosaic.version = 14 : i64} {
  func.func @_mm_h_body(%arg0: i32, %arg1: memref<2000x128xf32, #tpu.memory_space<vmem>>, %arg2: memref<2x2000x128xf32, #tpu.memory_space<vmem>>, %arg3: memref<128x128xf32, #tpu.memory_space<vmem>>, %arg4: memref<1x128xf32, #tpu.memory_space<vmem>>, %arg5: memref<2000x128xf32, #tpu.memory_space<vmem>>) attributes {dimension_semantics = [#tpu.dimension_semantics<arbitrary>], iteration_bounds = array<i64: 5>, scalar_prefetch = 0 : i64, scratch_operands = 0 : i64, tpu.core_type = #tpu.core_type<tc>, window_params = [{transform_indices = @transform_0, window_bounds = array<i64: 2000, 128>}, {transform_indices = @transform_1, window_bounds = array<i64: 2, 2000, 128>}, {pipeline_mode = #tpu.pipeline_mode<synchronous>, transform_indices = @transform_2, window_bounds = array<i64: 128, 128>}, {pipeline_mode = #tpu.pipeline_mode<synchronous>, transform_indices = @transform_3, window_bounds = array<i64: 1, 128>}, {transform_indices = @transform_4, window_bounds = array<i64: 2000, 128>}]} {
    %get3A = arith.constant 0 : index
    %get3A_0 = arith.constant 0 : index
    %get3A_1 = vector.load %arg1[%get3A, %get3A_0] : memref<2000x128xf32, #tpu.memory_space<vmem>>, vector<2000x128xf32>
    %get3A_2 = arith.constant 0 : index
    %get3A_3 = arith.constant 0 : index
    %get3A_4 = arith.constant 0 : index
    %get3A_5 = vector.load %arg2[%get3A_2, %get3A_3, %get3A_4] : memref<2x2000x128xf32, #tpu.memory_space<vmem>>, vector<1x2000x128xf32>
    %get3A_6 = vector.shape_cast %get3A_5 : vector<1x2000x128xf32> to vector<2000x128xf32>
    %add3A = arith.addf %get3A_1, %get3A_6 : vector<2000x128xf32>
    %get3A_7 = arith.constant 1 : index
    %get3A_8 = arith.constant 0 : index
    %get3A_9 = arith.constant 0 : index
    %get3A_10 = vector.load %arg2[%get3A_7, %get3A_8, %get3A_9] : memref<2x2000x128xf32, #tpu.memory_space<vmem>>, vector<1x2000x128xf32>
    %get3A_11 = vector.shape_cast %get3A_10 : vector<1x2000x128xf32> to vector<2000x128xf32>
    %add3A_12 = arith.addf %add3A, %get3A_11 : vector<2000x128xf32>
    %max3A = arith.constant 0.000000e+00 : f32
    %max3A_13 = vector.broadcast %max3A : f32 to vector<2000x128xf32>
    %max3A_14 = arith.maximumf %add3A_12, %max3A_13 : vector<2000x128xf32>
    %get3A_15 = arith.constant 0 : index
    %get3A_16 = arith.constant 0 : index
    %get3A_17 = vector.load %arg3[%get3A_15, %get3A_16] : memref<128x128xf32, #tpu.memory_space<vmem>>, vector<128x128xf32>
    %dot_general3A = arith.constant dense<0.000000e+00> : vector<2000x128xf32>
    %dot_general3A_18 = tpu.matmul %max3A_14, %get3A_17, %dot_general3A {dimension_numbers = #tpu.dot_dimension_numbers<[1], [1], [0], [0], [0, 0, 1, 0], [], []>, precision = #tpu.contract_precision<fp32>, transpose_lhs_hint = false} : vector<2000x128xf32>, vector<128x128xf32>, vector<2000x128xf32> -> vector<2000x128xf32>
    %get3A_19 = arith.constant 0 : index
    %get3A_20 = arith.constant 0 : index
    %get3A_21 = vector.load %arg4[%get3A_19, %get3A_20] : memref<1x128xf32, #tpu.memory_space<vmem>>, vector<1x128xf32>
    %add3A_22 = vector.broadcast %get3A_21 : vector<1x128xf32> to vector<2000x128xf32>
    %add3A_23 = arith.addf %dot_general3A_18, %add3A_22 : vector<2000x128xf32>
    %swap3A = arith.constant 0 : index
    %swap3A_24 = arith.constant 0 : index
    %swap3A_25 = vector.load %arg5[%swap3A, %swap3A_24] : memref<2000x128xf32, #tpu.memory_space<vmem>>, vector<2000x128xf32>
    tpu.vector_store %arg5[%swap3A, %swap3A_24], %add3A_23 {strides = array<i32>} : memref<2000x128xf32, #tpu.memory_space<vmem>>, vector<2000x128xf32>,
    return
  }
  func.func @transform_0(%arg0: i32) -> (i32, i32) {
    %c0_i32 = arith.constant 0 : i32
    %c0_i32_0 = arith.constant 0 : i32
    return %arg0, %c0_i32 : i32, i32
  }
  func.func @transform_1(%arg0: i32) -> (i32, i32, i32) {
    %c0_i32 = arith.constant 0 : i32
    %c0_i32_0 = arith.constant 0 : i32
    %c0_i32_1 = arith.constant 0 : i32
    return %c0_i32, %arg0, %c0_i32_0 : i32, i32, i32
  }
  func.func @transform_2(%arg0: i32) -> (i32, i32) {
    %c0_i32 = arith.constant 0 : i32
    %c0_i32_0 = arith.constant 0 : i32
    %c0_i32_1 = arith.constant 0 : i32
    return %c0_i32, %c0_i32_0 : i32, i32
  }
  func.func @transform_3(%arg0: i32) -> (i32, i32) {
    %c0_i32 = arith.constant 0 : i32
    %c0_i32_0 = arith.constant 0 : i32
    %c0_i32_1 = arith.constant 0 : i32
    return %c0_i32, %c0_i32_0 : i32, i32
  }
  func.func @transform_4(%arg0: i32) -> (i32, i32) {
    %c0_i32 = arith.constant 0 : i32
    %c0_i32_0 = arith.constant 0 : i32
    return %arg0, %c0_i32 : i32, i32
  }
}

module attributes {stable_mosaic.version = 14 : i64} {
  func.func @_fin_body(%arg0: i32, %arg1: memref<2000x128xf32, #tpu.memory_space<vmem>>, %arg2: memref<2x2000x128xf32, #tpu.memory_space<vmem>>, %arg3: memref<2000x128xf32, #tpu.memory_space<vmem>>) attributes {dimension_semantics = [#tpu.dimension_semantics<arbitrary>], iteration_bounds = array<i64: 5>, scalar_prefetch = 0 : i64, scratch_operands = 0 : i64, tpu.core_type = #tpu.core_type<tc>, window_params = [{transform_indices = @transform_0, window_bounds = array<i64: 2000, 128>}, {transform_indices = @transform_1, window_bounds = array<i64: 2, 2000, 128>}, {transform_indices = @transform_2, window_bounds = array<i64: 2000, 128>}]} {
    %get3A = arith.constant 0 : index
    %get3A_0 = arith.constant 0 : index
    %get3A_1 = vector.load %arg1[%get3A, %get3A_0] : memref<2000x128xf32, #tpu.memory_space<vmem>>, vector<2000x128xf32>
    %get3A_2 = arith.constant 0 : index
    %get3A_3 = arith.constant 0 : index
    %get3A_4 = arith.constant 0 : index
    %get3A_5 = vector.load %arg2[%get3A_2, %get3A_3, %get3A_4] : memref<2x2000x128xf32, #tpu.memory_space<vmem>>, vector<1x2000x128xf32>
    %get3A_6 = vector.shape_cast %get3A_5 : vector<1x2000x128xf32> to vector<2000x128xf32>
    %add3A = arith.addf %get3A_1, %get3A_6 : vector<2000x128xf32>
    %get3A_7 = arith.constant 1 : index
    %get3A_8 = arith.constant 0 : index
    %get3A_9 = arith.constant 0 : index
    %get3A_10 = vector.load %arg2[%get3A_7, %get3A_8, %get3A_9] : memref<2x2000x128xf32, #tpu.memory_space<vmem>>, vector<1x2000x128xf32>
    %get3A_11 = vector.shape_cast %get3A_10 : vector<1x2000x128xf32> to vector<2000x128xf32>
    %add3A_12 = arith.addf %add3A, %get3A_11 : vector<2000x128xf32>
    %swap3A = arith.constant 0 : index
    %swap3A_13 = arith.constant 0 : index
    %swap3A_14 = vector.load %arg3[%swap3A, %swap3A_13] : memref<2000x128xf32, #tpu.memory_space<vmem>>, vector<2000x128xf32>
    tpu.vector_store %arg3[%swap3A, %swap3A_13], %add3A_12 {strides = array<i32>} : memref<2000x128xf32, #tpu.memory_space<vmem>>, vector<2000x128xf32>,
    return
  }
  func.func @transform_0(%arg0: i32) -> (i32, i32) {
    %c0_i32 = arith.constant 0 : i32
    %c0_i32_0 = arith.constant 0 : i32
    return %arg0, %c0_i32 : i32, i32
  }
  func.func @transform_1(%arg0: i32) -> (i32, i32, i32) {
    %c0_i32 = arith.constant 0 : i32
    %c0_i32_0 = arith.constant 0 : i32
    %c0_i32_1 = arith.constant 0 : i32
    return %c0_i32, %arg0, %c0_i32_0 : i32, i32, i32
  }
  func.func @transform_2(%arg0: i32) -> (i32, i32) {
    %c0_i32 = arith.constant 0 : i32
    %c0_i32_0 = arith.constant 0 : i32
    return %arg0, %c0_i32 : i32, i32
  }
}

</mosaic_0001>

<sc_bundles>
// kernel: kernel.15.cloned.1.call-start
scs
__scs_entry_jumppad:
0x0: {  	(pc) =	sbr.rel $0x88, $3  }
0x1: {  	(tag) =	ssettag $0x0;
	lr =	simm.s32 $0x1  }
0x2: {  	[smem:$0x3F9B] =	sst lr;
	_ =	strace $0xD0000000  }
0x3: {  	_ = 	snop  }
0x4: {  	_ = 	snop  }
0x5: {  	_ = 	snop  }
0x6: {  	_ = 	snop  }
0x7: {  	_ = 	snop  }
__scs_overlays_trampoline_lowered:
0x8: {  	[smem:$0x3FAA] =	sst s0  }
0x9: {  	[smem:$0x3FAB] =	sst s1  }
0xa: {  	[smem:$0x3FAC] =	sst s2  }
0xb: {  	[smem:$0x3FAD] =	sst s3  }
0xc: {  	[smem:$0x3FAE] =	sst s4  }
0xd: {  	[smem:$0x3FAF] =	sst s5  }
0xe: {  	[smem:$0x3FB0] =	sst s6  }
0xf: {  	[smem:$0x3FB1] =	sst s7  }
0x10: {  	[smem:$0x3FB2] =	sst s8  }
0x11: {  	[smem:$0x3FB3] =	sst s9;
	s0 =	simm.s32 @!p0 $0x0  }
0x12: {  	s1 =	sld [smem:$0x3F99];
	s0 =	simm.s32 @p0 $0x1  }
0x13: {  	[smem:$0x3FB4] =	sst s0;
	s0 =	simm.s32 @!p1 $0x0  }
0x14: {  	s2 =	sld [smem:$0x3F98];
	s0 =	simm.s32 @p1 $0x1  }
0x15: {  	[smem:$0x3FB5] =	sst s0;
	s0 =	simm.s32 @!p2 $0x0  }
0x16: {  	s3 =	sld [smem:$0x3FDB];
	s0 =	simm.s32 @p2 $0x1  }
0x17: {  	s4 =	simm.s32 $0x1BF5;
	[smem:$0x3FB7] =	sst s0  }
0x18: {  	s0 =	sld [smem:$0x3F9A];
	_ =	swait.ge [sflag:s4], $0x0  }
0x19: {  	s7 =	sld [smem:$0x3F9B]  }
0x1a: {  	s8 =	sadd.s32 $0xFFFFE003, lr  }
0x1b: {  	s9 =	sadd.s32 $0xFFFFFEF7, lr;
	s5 =	simm.s32 $0xFFFFFFFF;
	p2 =	slt.u32 s8, $0xFFFFF086  }
0x1c: {  	p1 =	slt.u32 s9, $0xF7A;
	s5 =	simm.s32 @!p2 $0x0  }
0x1d: {  	s5 =	simm.s32 @p1 $0x1;
	p0 =	seq.s32 s7, s2  }
0x1e: {  	s7 =	smul.u32 @!p0 $0xF7A, s2;
	p2 =	seq.s32 @!p0 s5, $0x0  }
0x1f: {  	s9 =	smul.u32 $0xF7A, s1;
	s8 =	simm.s32 @!p0 $0x1BF5;
	p2 =	por !p2, p0  }
0x20: {  	[sflag:s8] =	ssyncset.s32 @!p0 $0xFFFFF086;
	s6 =	sadd.s32 @!p0 s3, s7;
	s7 =	simm.s32 @!p0 $0x108  }
0x21: {  	s3 =	sadd.s32 s3, s9;
	s6 =	sadd.s32 @!p0 $0x88, s6;
	s7 =	simm.s32 @p2 $0x1082  }
0x22: {  	[simem:s7], [sflag:s8] =	dma.local @!p0 [hbm:s6], $0xF7A  }
0x23: {  	s9 =	sor.u32 $0xD0000000, s2;
	s6 =	simm.s32 $0x108;
	_ =	swait.ge @!p0 [sflag:s8], $0x0  }
0x24: {  	s3 =	sadd.s32 $0x88, s3;
	s6 =	simm.s32 @!p1 $0x1082;
	[sflag:s4] =	ssyncset.s32 $0xFFFFF086  }
0x25: {  	[simem:s6], [sflag:s4] =	dma.local [hbm:s3], $0xF7A  }
0x26: {  	[smem:$0x3F9B] =	sst s1;
	(tag) =	ssettag s2;
	_ =	strace s9  }
0x27: {  	s1 =	sld [smem:$0x3FAB]  }
0x28: {  	s2 =	sld [smem:$0x3FAC]  }
0x29: {  	s4 =	sld [smem:$0x3FAE]  }
0x2a: {  	p0 =	seq.s32 s5, $0x0;
	s5 =	sld [smem:$0x3FAF]  }
0x2b: {  	s6 =	sld [smem:$0x3FB0]  }
0x2c: {  	s7 =	sld [smem:$0x3FB1]  }
0x2d: {  	s3 =	simm.s32 $0x108;
	s8 =	sld [smem:$0x3FB2]  }
0x2e: {  	s3 =	simm.s32 @!p0 $0x1082;
	s9 =	sld [smem:$0x3FB3]  }
0x2f: {  	lr =	sadd.s32 s0, s3;
	s0 =	sld [smem:$0x3FAA]  }
0x30: {  	s3 =	sld [smem:$0x3FAD]  }
0x31: {  	[smem:$0x3FB6] =	sst s10  }
0x32: {  	s10 =	sld [smem:$0x3FB4];
	_ =	sdelay $0x3  }
0x33: {  	p0 =	seq.s32 s10, $0x1;
	s10 =	sld [smem:$0x3FB6];
	_ =	sdelay $0x3  }
0x34: {  	[smem:$0x3FB6] =	sst s10  }
0x35: {  	s10 =	sld [smem:$0x3FB5];
	_ =	sdelay $0x3  }
0x36: {  	p1 =	seq.s32 s10, $0x1;
	s10 =	sld [smem:$0x3FB6];
	_ =	sdelay $0x3  }
0x37: {  	[smem:$0x3FB6] =	sst s10  }
0x38: {  	s10 =	sld [smem:$0x3FB7]  }
0x39: {  	_ = 	snop;
	(pc) =	sbr.ind lr, $3  }
0x3a: {  	_ = 	snop  }
0x3b: {  	_ = 	snop  }
0x3c: {  	p2 =	seq.s32 s10, $0x1;
	s10 =	sld [smem:$0x3FB6]  }
0x3d: {  	_ =	shalt  }
0x3e: {  	_ =	shalt  }
0x3f: {  	_ =	shalt  }
0x40: {  	_ =	shalt  }
0x41: {  	_ =	shalt  }
0x42: {  	_ =	shalt  }
0x43: {  	_ =	shalt  }
0x44: {  	_ =	shalt  }
0x45: {  	_ =	shalt  }
0x46: {  	_ =	shalt  }
0x47: {  	_ =	shalt  }
0x48: {  	_ =	shalt  }
0x49: {  	_ =	shalt  }
0x4a: {  	_ =	shalt  }
0x4b: {  	_ =	shalt  }
0x4c: {  	_ =	shalt  }
0x4d: {  	_ =	shalt  }
0x4e: {  	_ =	shalt  }
0x4f: {  	_ =	shalt  }
0x50: {  	_ =	shalt  }
0x51: {  	_ =	shalt  }
0x52: {  	_ =	shalt  }
0x53: {  	_ =	shalt  }
0x54: {  	_ =	shalt  }
0x55: {  	_ =	shalt  }
0x56: {  	_ =	shalt  }
0x57: {  	_ =	shalt  }
0x58: {  	_ =	shalt  }
0x59: {  	_ =	shalt  }
0x5a: {  	_ =	shalt  }
0x5b: {  	_ =	shalt  }
0x5c: {  	_ =	shalt  }
0x5d: {  	_ =	shalt  }
0x5e: {  	_ =	shalt  }
0x5f: {  	_ =	shalt  }
0x60: {  	_ =	shalt  }
0x61: {  	_ =	shalt  }
0x62: {  	_ =	shalt  }
0x63: {  	_ =	shalt  }
0x64: {  	_ =	shalt  }
0x65: {  	_ =	shalt  }
0x66: {  	_ =	shalt  }
0x67: {  	_ =	shalt  }
0x68: {  	_ =	shalt  }
0x69: {  	_ =	shalt  }
0x6a: {  	_ =	shalt  }
0x6b: {  	_ =	shalt  }
0x6c: {  	_ =	shalt  }
0x6d: {  	_ =	shalt  }
0x6e: {  	_ =	shalt  }
0x6f: {  	_ =	shalt  }
0x70: {  	_ =	shalt  }
0x71: {  	_ =	shalt  }
0x72: {  	_ =	shalt  }
0x73: {  	_ =	shalt  }
0x74: {  	_ =	shalt  }
0x75: {  	_ =	shalt  }
0x76: {  	_ =	shalt  }
0x77: {  	_ =	shalt  }
0x78: {  	_ =	shalt  }
0x79: {  	_ =	shalt  }
0x7a: {  	_ =	shalt  }
0x7b: {  	_ =	shalt  }
0x7c: {  	_ =	shalt  }
0x7d: {  	_ =	shalt  }
0x7e: {  	_ =	shalt  }
0x7f: {  	_ =	shalt  }
0x80: {  	_ =	shalt  }
0x81: {  	_ =	shalt  }
0x82: {  	_ =	shalt  }
0x83: {  	_ =	shalt  }
0x84: {  	_ =	shalt  }
0x85: {  	_ =	shalt  }
0x86: {  	_ =	shalt  }
0x87: {  	_ =	shalt  }
.Lfunc_end0:
.L_simem_size_0:
called_computation_lowered:
.L_overlay_start_0:
0x88: {  	s2 =	sld [smem:$0x3FD9]  }
0x89: {  	s3 =	sld [smem:$0x3FFE];
	_ =	sdelay $0x1  }
0x8a: {  	s1 =	srdreg.scid  }
0x8b: {  	s0 =	sand.u32 $0x1, s1  }
0x8c: {  	s17 =	sshll.u32 s0, $0xA;
	s2 =	sadd.s32 s3, s2  }
0x8d: {  	s2 =	sadd.s32 s2, s17  }
0x8e: {  	[smem:$0x3FC2] =	sst s2  }
0x8f: {  	_ = 	snop  }
0x90: {  	s2 =	sld [smem:$0x3FD0];
	(tm) =	ssettm $0x1  }
0x91: {  	s18 =	sld [smem:$0x3FFB];
	_ =	sdelay $0x3  }
0x92: {  	_ =	strace s18  }
0x93: {  	s3 =	sld [smem:$0x3FFC];
	_ =	sdelay $0x3  }
0x94: {  	_ =	strace s3  }
0x95: {  	s3 =	sld [smem:$0x3FFD];
	_ =	sdelay $0x3  }
0x96: {  	_ =	strace s3  }
0x97: {  	_ =	strace $0x8FFFFFFF  }
0x98: {  	s19 =	sld [smem:$0x3FDB];
	_ =	sdelay $0x1  }
0x99: {  	s4 =	simm.s32 $_scs_section_size  }
0x9a: {  	s5 =	simm.s32 $_size__tile_overlayer_lowered;
	s6 =	simm.s32 $_tile_overlayer_lowered  }
0x9b: {  	s22 =	simm.s32 $0x1BFF;
	s21 =	sshll.u32 s6, $0x1;
	s3 =	sadd.s32 s4, s19  }
0x9c: {  	s7 =	simm.s32 $0x0;
	s20 =	sshll.u32 s5, $0x1;
	s5 =	sadd.s32 s21, s3  }
0x9d: {  	[timem:s7], [sflag:s22] =	dma.local [hbm:s5], s20  }
0x9e: {  	_ =	swait.ge [sflag:s22], s20  }
0x9f: {  	s4 =	ssub.s32 $0x0, s20;
	[sflag:s22] =	ssyncset.done $0x0  }
0xa0: {  	[sflag:s22] =	ssyncadd.s32 s4;
	_ =	sdelay $0x1  }
0xa1: {  	s23 =	simm.s32 $0x1B8B  }
0xa2: {  	_ =	swait.ge [sflag:s23], $0x1  }
0xa3: {  	[sflag:s23] =	ssyncset.done $0x0  }
0xa4: {  	s25 =	simm.s32 $0x1B8E;
	s24 =	sld [smem:$0x3FFE];
	[sflag:s23] =	ssyncadd.s32 $0xFFFFFFFF  }
0xa5: {  	s26 =	simm.s32 $execute0_lowered;
	[smem:$0x3FD2] =	sst s25  }
0xa6: {  	s5 =	sshll.u32 s26, $0x1;
	_ =	strace $0x80000046;
	[dreg:$0x1] =	wrdreg $0xFFFFFFFF  }
0xa7: {  	s28 =	simm.s32 $_size_execute0_lowered;
	s3 =	sadd.s32 s3, s5;
	[dreg:$0x0] =	wrdreg $0x0  }
0xa8: {  	s5 =	sshll.u32 s28, $0x1;
	[dreg:$0x2] =	wrdreg s3  }
0xa9: {  	[dreg:$0x3] =	wrdreg s5  }
0xaa: {  	[dreg:$0x4] =	wrdreg $0xC0  }
0xab: {  	_ =	task [dreg:s7], $0x5FFFF  }
0xac: {  	[dreg:$0x1] =	wrdreg $0xFFFFFFFF  }
0xad: {  	[dreg:$0x0] =	wrdreg $0x60  }
0xae: {  	[dreg:$0x2] =	wrdreg s2  }
0xaf: {  	[dreg:$0x3] =	wrdreg s24  }
0xb0: {  	[dreg:$0x4] =	wrdreg $0xBD000  }
0xb1: {  	[dreg:$0x5] =	wrdreg $0x9  }
0xb2: {  	_ =	task.clear_ibuf [dreg:s7], $0x6FFFF;
	_ =	strace $0x90000046  }
0xb3: {  	s29 =	simm.s32 $0x9;
	_ =	strace $0x80000048  }
0xb4: {  	_ =	swait.ge [sflag:s29], $0x1  }
0xb5: {  	[sflag:s29] =	ssyncadd.s32 $0xFFFFFFFF  }
0xb6: {  	_ =	strace $0x90000048  }
0xb7: {  	_ =	sfence  }
0xb8: {  	s30 =	sld [smem:$0x0];
	_ =	sdelay $0x2  }
0xb9: {  	s31 =	sshll.u32 s1, $0xD;
	s1 =	sshrl.u32 s1, $0x2  }
0xba: {  	s3 =	sand.u32 $0x4000, s31;
	s1 =	sadd.s32 s1, s30  }
0xbb: {  	s0 =	sor.u32 s3, s0;
	s1 =	sshll.u32 s1, $0x11  }
0xbc: {  	s0 =	sor.u32 s1, s0  }
0xbd: {  	s0 =	sadd.s32 $0x8F2B, s0  }
0xbe: {  	[sflag:s0] =	ssyncadd.remote.s32 $0x1  }
0xbf: {  	_ =	sfence.sel $0xFFFF  }
0xc0: {  	[dreg:$0x0] =	wrdreg $0xFFFFFFFF;
	(pc) =	sbr.abs _section_cstart, $3  }
0xc1: {  	[dreg:$0x1] =	wrdreg $0xFFFFFFFF  }
0xc2: {  	_ =	task.clear_ibuf [dreg:s7], $0x2FFFF;
	_ =	strace $0x9FFFFFFF  }
0xc3: {  	(tm) =	ssettm $0x7FFFFFFF  }
tec
execute0_lowered:
.L_overlay_start_1:
0x0: {  	(tag) =	ssettag $0x1  }
0x1: {  	s1 =	rddreg [dreg:$0x0]  }
0x2: {  	s2 =	srdreg.scid;
	s6 =	rddreg [dreg:$0x1]  }
0x3: {  	s0 =	stileid.u32;
	s3 =	rddreg [dreg:$0x2];
	s4 =	simm.s32 $0x0  }
0x4: {  	s12 =	simm.s32 $0x900;
	s13 =	simm.s32 $0x100;
	s14 =	simm.s32 $0x4500  }
0x5: {  	s16 =	simm.s32 $0x300;
	s18 =	simm.s32 $0x1;
	s19 =	simm.s32 $0x8100  }
0x6: {  	s20 =	simm.s32 $0x2;
	s21 =	simm.s32 $0x4;
	s22 =	simm.s32 $0x3  }
0x7: {  	s25 =	simm.s32 $0x0;
	s5 =	sand.u32 $0x1, s2;
	s23 =	smul.u32 $0x2800, s0  }
0x8: {  	s29 =	sshll.u32 s0, $0x1;
	[smem:$0x7FF] =	sst s4;
	s9 =	smul.u32 $0x50000, s0  }
0x9: {  	s31 =	sshll.u32 s0, $0x6;
	s2 =	sor.u32 s5, s29;
	s8 =	smul.u32 $0x28000, s5  }
0xa: {  	s5 =	ssub.s32 $0x2, s5;
	s7 =	smul.u32 $0x1500, s2;
	s2 =	rddreg [dreg:$0x3]  }
0xb: {  	_ =	strace $0x80000047;
	s10 =	sadd.s32 s23, s6;
	s11 =	sshrl.u32 s5, $0x1  }
0xc: {  	s30 =	sshrl.u32 s9, $0x2;
	s8 =	sadd.s32 s8, s6;
	s11 =	ssub.s32 s5, s11  }
.Ltmp0:
0xd: {  	s9 =	sadd.s32 s30, s3;
	s5 =	sadd.s32 $0x2D000, s10;
	(pc) =	sbr.rel .LBB2_1-.Ltmp0, $4  }
0xe: {  	s10 =	simm.s32 $0x6;
	s7 =	sadd.s32 s7, s6;
	s6 =	sor.u32 $0x1C06, s31  }
0xf: {  	s24 =	sadd.s32 $0x55000, s8;
	s8 =	smax.u32 s11, $0x1;
	s9 =	sshrl.u32 s9, $0x3  }
0x10: {  	s11 =	simm.s32 $0x78;
	s7 =	sadd.s32 $0x3000, s7;
	s23 =	sadd.s32 s23, s24  }
0x11: {  	s24 =	simm.s32 $0x5;
	s15 =	sadd.s32 $0x60, s7;
	s17 =	sadd.s32 $0xC0, s7  }
.LBB2_5:
0x12: {  	_ =	swait.ge [sflag:s22], $0x3C00  }
0x13: {  	[sflag:s22] =	ssyncset.done $0x0  }
0x14: {  	[sflag:s22] =	ssyncadd.s32 $0xFFFFC400  }
0x15: {  	_ =	swait.ge [sflag:s21], $0x3C00  }
0x16: {  	[sflag:s21] =	ssyncset.done $0x0  }
0x17: {  	s26 =	sadd.s32 $0x280, s29;
	[sflag:s21] =	ssyncadd.s32 $0xFFFFC400  }
0x18: {  	[spmem:s3] =	stream.indirect.scatter.add.f32 [tilespmem:s19], [sflag:$0x4], $0x80, s26, s11, $0xb8;
	[tilespmem:$0x1FD00] =	vst v63  }
.LBB2_7:
0x19: {  	_ =	swait.ge [sflag:s21], $0x3C00  }
0x1a: {  	s25 =	sadd.s32 $0x1, s25;
	[sflag:s21] =	ssyncset.done $0x0  }
0x1b: {  	p0 =	sne.s32 s25, s8;
	[sflag:s21] =	ssyncadd.s32 $0xFFFFC400  }
.Ltmp1:
0x1c: {  	[bflag:$0x0] =	sbarrier.arrive $0xFFFF;
	(pc) =	sbr.rel @!p0 .LBB2_8-.Ltmp1, $4  }
0x1d: {  	[hbm:s23], [sflag:s6] =	dma.local [spmem:s9], $0x2800  }
0x1e: {  	_ =	swait.ge [sflag:s10], $0x2800  }
0x1f: {  	[sflag:s10] =	ssyncset.done $0x0  }
0x20: {  	[sflag:s10] =	ssyncadd.s32 $0xFFFFD800  }
.LBB2_1:
0x21: {  	[spmem:s9], [sflag:s6] =	dma.local [hbm:s5], $0x2800  }
0x22: {  	_ =	swait.ge [sflag:s10], $0x2800  }
0x23: {  	[sflag:s10] =	ssyncset.done $0x0  }
0x24: {  	[sflag:s10] =	ssyncadd.s32 $0xFFFFD800  }
0x25: {  	[bflag:$0x0] =	sbarrier.arrive $0xFFFF  }
0x26: {  	[tilespmem:s4], [sflag:$0x6] =	stream.linear.gather [hbm4b:s7+s4], $0x300, $0x38;
	[tilespmem:$0x1FD00] =	vst v63  }
0x27: {  	_ =	swait.ge [sflag:s10], $0x300  }
0x28: {  	[sflag:s10] =	ssyncset.done $0x0  }
0x29: {  	[sflag:s10] =	ssyncadd.s32 $0xFFFFFD00  }
0x2a: {  	[tilespmem:s12], [sflag:$0x1] =	stream.indirect.gather [hbm4b:s1+s11], $0x80, s4, s11, $0xb8;
	[tilespmem:$0x1FD00] =	vst v63  }
0x2b: {  	_ = 	snop  }
0x2c: {  	[tilespmem:s14], [sflag:$0x2] =	stream.indirect.gather [hbm4b:s1+s11], $0x80, s13, s11, $0xb8;
	[tilespmem:$0x1FD00] =	vst v63  }
0x2d: {  	s26 =	smov.u32 s17;
	s28 =	simm.s32 $0x2  }
0x2e: {  	[tilespmem:s16], [sflag:$0x5] =	stream.linear.gather [hbm4b:s15+s4], $0x300, $0x38;
	[tilespmem:$0x1FD00] =	vst v63  }
.LBB2_2:
0x2f: {  	p0 =	seq.s32 s28, $0x2  }
0x30: {  	p1 =	seq.s32 @!p0 s28, $0x39  }
0x31: {  	_ =	swait.ge [sflag:s18], $0x3C00;
	p1 =	por p0, !p1  }
.Ltmp2:
0x32: {  	[sflag:s18] =	ssyncset.done $0x0;
	(pc) =	sbr.rel @!p1 .LBB2_4-.Ltmp2, $4  }
0x33: {  	s30 =	simm.s32 @!p0 $0x4;
	[sflag:s18] =	ssyncadd.s32 $0xFFFFC400  }
0x34: {  	_ =	swait.ge @!p0 [sflag:s30], $0x3C00  }
0x35: {  	[sflag:s30] =	ssyncset.done @!p0 $0x0  }
0x36: {  	s29 =	sadd.s32 $0xFFFFFFFE, s28;
	[sflag:s30] =	ssyncadd.s32 @!p0 $0xFFFFC400  }
0x37: {  	p0 =	sgt.u32 s29, $0x35  }
0x38: {  	s30 =	smul.u32 @!p0 $0xAB, s28;
	_ =	sdelay $0x1  }
0x39: {  	s30 =	sshrl.u32 @!p0 s30, $0x9  }
0x3a: {  	s30 =	sand.u32 @!p0 $0x7F, s30  }
0x3b: {  	s30 =	smul.u32 @!p0 $0x3, s30;
	_ =	sdelay $0x1  }
0x3c: {  	s30 =	ssub.s32 @!p0 s28, s30  }
0x3d: {  	s30 =	sand.u32 @!p0 $0xFF, s30  }
0x3e: {  	_ =	swait.ge [sflag:s24], $0x300;
	s30 =	smul.u32 @!p0 $0xC00, s30  }
0x3f: {  	[sflag:s24] =	ssyncset.done $0x0  }
0x40: {  	s31 =	simm.s32 @!p0 $0x0;
	[sflag:s24] =	ssyncadd.s32 $0xFFFFFD00;
	s30 =	sshrl.u32 @!p0 s30, $0x2  }
0x41: {  	[tilespmem:s30], [sflag:$0x5] =	stream.linear.gather @!p0 [hbm4b:s26+s31], $0x300, $0x38;
	[tilespmem:$0x1FD00] =	vst v63  }
.LBB2_4:
0x42: {  	s30 =	smul.u32 $0xAB, s28;
	_ =	sdelay $0x1  }
0x43: {  	s31 =	sadd.s32 $0xFFFFFEAA, s30  }
0x44: {  	s31 =	sshrl.u32 s31, $0x9  }
0x45: {  	s31 =	sand.u32 $0x7F, s31  }
0x46: {  	s31 =	smul.u32 $0x3, s31;
	_ =	sdelay $0x1  }
0x47: {  	s29 =	ssub.s32 s29, s31  }
0x48: {  	s29 =	sand.u32 $0xFF, s29  }
0x49: {  	s29 =	smul.u32 $0xC00, s29;
	_ =	sdelay $0x1  }
0x4a: {  	s29 =	sshrl.u32 s29, $0x2  }
0x4b: {  	s31 =	sor.u32 $0x80, s29  }
0x4c: {  	[spmem:s3] =	stream.indirect.scatter.add.f32 [tilespmem:s12], [sflag:$0x4], $0x80, s31, s11, $0xb8;
	[tilespmem:$0x1FD00] =	vst v63  }
0x4d: {  	s31 =	sadd.s32 $0x200, s29  }
0x4e: {  	[tilespmem:s19], [sflag:$0x3] =	stream.indirect.gather [hbm4b:s1+s11], $0x80, s31, s11, $0xb8;
	[tilespmem:$0x1FD00] =	vst v63  }
0x4f: {  	_ =	swait.ge [sflag:s20], $0x3C00  }
0x50: {  	p0 =	sne.s32 s28, $0x39;
	[sflag:s20] =	ssyncset.done $0x0  }
.Ltmp3:
0x51: {  	[sflag:s20] =	ssyncadd.s32 $0xFFFFC400;
	(pc) =	sbr.rel @!p0 .LBB2_5-.Ltmp3, $4  }
0x52: {  	_ =	swait.ge [sflag:s21], $0x3C00  }
0x53: {  	[sflag:s21] =	ssyncset.done $0x0  }
0x54: {  	s31 =	sadd.s32 $0x180, s29;
	[sflag:s21] =	ssyncadd.s32 $0xFFFFC400  }
0x55: {  	[spmem:s3] =	stream.indirect.scatter.add.f32 [tilespmem:s14], [sflag:$0x4], $0x80, s31, s11, $0xb8;
	[tilespmem:$0x1FD00] =	vst v63  }
0x56: {  	s30 =	sadd.s32 $0xFFFFFF55, s30  }
0x57: {  	s30 =	sshrl.u32 s30, $0x9  }
0x58: {  	s30 =	sand.u32 $0x7F, s30  }
0x59: {  	s30 =	smul.u32 $0x3, s30;
	_ =	sdelay $0x1  }
0x5a: {  	s30 =	sxor.u32 $0xFFFFFFFF, s30  }
0x5b: {  	s30 =	sadd.s32 s28, s30  }
0x5c: {  	s30 =	sand.u32 $0xFF, s30  }
0x5d: {  	s30 =	smul.u32 $0xC00, s30;
	_ =	sdelay $0x1  }
0x5e: {  	s30 =	sshrl.u32 s30, $0x2  }
0x5f: {  	[tilespmem:s12], [sflag:$0x1] =	stream.indirect.gather [hbm4b:s1+s11], $0x80, s30, s11, $0xb8;
	[tilespmem:$0x1FD00] =	vst v63  }
0x60: {  	_ =	swait.ge [sflag:s22], $0x3C00  }
0x61: {  	[sflag:s22] =	ssyncset.done $0x0  }
0x62: {  	s28 =	sadd.s32 $0x1, s28;
	[sflag:s22] =	ssyncadd.s32 $0xFFFFC400  }
0x63: {  	p0 =	sne.s32 s28, $0x3A;
	_ =	swait.ge [sflag:s21], $0x3C00  }
.Ltmp4:
0x64: {  	[sflag:s21] =	ssyncset.done $0x0;
	(pc) =	sbr.rel @p0 .LBB2_2-.Ltmp4, $4  }
.Ltmp5:
0x65: {  	s29 =	sadd.s32 $0x280, s29;
	[sflag:s21] =	ssyncadd.s32 $0xFFFFC400;
	(pc) =	sbr.rel @!p0 .LBB2_7-.Ltmp5, $4  }
0x66: {  	[spmem:s3] =	stream.indirect.scatter.add.f32 [tilespmem:s19], [sflag:$0x4], $0x80, s29, s11, $0xb8;
	[tilespmem:$0x1FD00] =	vst v63  }
0x67: {  	s26 =	sadd.s32 $0x60, s26;
	s31 =	sadd.s32 $0x100, s30  }
0x68: {  	[tilespmem:s14], [sflag:$0x2] =	stream.indirect.gather [hbm4b:s1+s11], $0x80, s31, s11, $0xb8;
	[tilespmem:$0x1FD00] =	vst v63  }
0x69: {  	_ = 	snop  }
.LBB2_8:
0x6a: {  	_ =	sfence.sel $0x180000  }
0x6b: {  	[bflag:$0x0] =	sbarrier.arrive $0xFFFF  }
0x6c: {  	p0 =	sne.s32 s0, $0x0;
	_ =	strace $0x90000047  }
0x6d: {  	s0 =	sadd.s32 @!p0 $0x100000, s2;
	[bflag:$0x2] =	sbarrier.arrive $0xFFFF  }
0x6e: {  	[sflag:s0] =	ssyncadd.tile.s32 @!p0 $0x1;
	_ =	shalt  }
.Lfunc_end2:
_tile_overlayer_lowered:
.L_overlay_start_2:
0x6f: {  	(tag) =	ssettag $0x2  }
0x70: {  	s0 =	rddreg [dreg:$0x0];
	s2 =	stileid.u32  }
0x71: {  	s1 =	rddreg [dreg:$0x1];
	p0 =	sne.s32 s2, $0x0  }
0x72: {  	s3 =	rddreg [dreg:$0x2];
	[bflag:$0x3] =	sbarrier.arrive $0xFFFF;
	s2 =	simm.s32 @!p0 $0x1C06  }
0x73: {  	[timem:s3], [sflag:s2] =	dma.local @!p0 [hbm:s0], s1  }
0x74: {  	s0 =	simm.s32 @!p0 $0x6  }
0x75: {  	_ =	swait.ge @!p0 [sflag:s0], s1  }
0x76: {  	s1 =	ssub.s32 @!p0 $0x0, s1;
	[sflag:s0] =	ssyncset.done @!p0 $0x0  }
0x77: {  	[sflag:s0] =	ssyncadd.s32 @!p0 s1  }
0x78: {  	[bflag:$0x3] =	sbarrier.arrive $0xFFFF  }
0x79: {  	_ =	shalt  }

// kernel: kernel.18.cloned.1.call-start
scs
__scs_entry_jumppad:
0x0: {  	(pc) =	sbr.rel $0x88, $3  }
0x1: {  	(tag) =	ssettag $0x0;
	lr =	simm.s32 $0x1  }
0x2: {  	[smem:$0x3F9B] =	sst lr;
	_ =	strace $0xD0000000  }
0x3: {  	_ = 	snop  }
0x4: {  	_ = 	snop  }
0x5: {  	_ = 	snop  }
0x6: {  	_ = 	snop  }
0x7: {  	_ = 	snop  }
__scs_overlays_trampoline_lowered:
0x8: {  	[smem:$0x3FAA] =	sst s0  }
0x9: {  	[smem:$0x3FAB] =	sst s1  }
0xa: {  	[smem:$0x3FAC] =	sst s2  }
0xb: {  	[smem:$0x3FAD] =	sst s3  }
0xc: {  	[smem:$0x3FAE] =	sst s4  }
0xd: {  	[smem:$0x3FAF] =	sst s5  }
0xe: {  	[smem:$0x3FB0] =	sst s6  }
0xf: {  	[smem:$0x3FB1] =	sst s7  }
0x10: {  	[smem:$0x3FB2] =	sst s8  }
0x11: {  	[smem:$0x3FB3] =	sst s9;
	s0 =	simm.s32 @!p0 $0x0  }
0x12: {  	s1 =	sld [smem:$0x3F99];
	s0 =	simm.s32 @p0 $0x1  }
0x13: {  	[smem:$0x3FB4] =	sst s0;
	s0 =	simm.s32 @!p1 $0x0  }
0x14: {  	s2 =	sld [smem:$0x3F98];
	s0 =	simm.s32 @p1 $0x1  }
0x15: {  	[smem:$0x3FB5] =	sst s0;
	s0 =	simm.s32 @!p2 $0x0  }
0x16: {  	s3 =	sld [smem:$0x3FDB];
	s0 =	simm.s32 @p2 $0x1  }
0x17: {  	s4 =	simm.s32 $0x1BF5;
	[smem:$0x3FB7] =	sst s0  }
0x18: {  	s0 =	sld [smem:$0x3F9A];
	_ =	swait.ge [sflag:s4], $0x0  }
0x19: {  	s7 =	sld [smem:$0x3F9B]  }
0x1a: {  	s8 =	sadd.s32 $0xFFFFE003, lr  }
0x1b: {  	s9 =	sadd.s32 $0xFFFFFEF7, lr;
	s5 =	simm.s32 $0xFFFFFFFF;
	p2 =	slt.u32 s8, $0xFFFFF086  }
0x1c: {  	p1 =	slt.u32 s9, $0xF7A;
	s5 =	simm.s32 @!p2 $0x0  }
0x1d: {  	s5 =	simm.s32 @p1 $0x1;
	p0 =	seq.s32 s7, s2  }
0x1e: {  	s7 =	smul.u32 @!p0 $0xF7A, s2;
	p2 =	seq.s32 @!p0 s5, $0x0  }
0x1f: {  	s9 =	smul.u32 $0xF7A, s1;
	s8 =	simm.s32 @!p0 $0x1BF5;
	p2 =	por !p2, p0  }
0x20: {  	[sflag:s8] =	ssyncset.s32 @!p0 $0xFFFFF086;
	s6 =	sadd.s32 @!p0 s3, s7;
	s7 =	simm.s32 @!p0 $0x108  }
0x21: {  	s3 =	sadd.s32 s3, s9;
	s6 =	sadd.s32 @!p0 $0x88, s6;
	s7 =	simm.s32 @p2 $0x1082  }
0x22: {  	[simem:s7], [sflag:s8] =	dma.local @!p0 [hbm:s6], $0xF7A  }
0x23: {  	s9 =	sor.u32 $0xD0000000, s2;
	s6 =	simm.s32 $0x108;
	_ =	swait.ge @!p0 [sflag:s8], $0x0  }
0x24: {  	s3 =	sadd.s32 $0x88, s3;
	s6 =	simm.s32 @!p1 $0x1082;
	[sflag:s4] =	ssyncset.s32 $0xFFFFF086  }
0x25: {  	[simem:s6], [sflag:s4] =	dma.local [hbm:s3], $0xF7A  }
0x26: {  	[smem:$0x3F9B] =	sst s1;
	(tag) =	ssettag s2;
	_ =	strace s9  }
0x27: {  	s1 =	sld [smem:$0x3FAB]  }
0x28: {  	s2 =	sld [smem:$0x3FAC]  }
0x29: {  	s4 =	sld [smem:$0x3FAE]  }
0x2a: {  	p0 =	seq.s32 s5, $0x0;
	s5 =	sld [smem:$0x3FAF]  }
0x2b: {  	s6 =	sld [smem:$0x3FB0]  }
0x2c: {  	s7 =	sld [smem:$0x3FB1]  }
0x2d: {  	s3 =	simm.s32 $0x108;
	s8 =	sld [smem:$0x3FB2]  }
0x2e: {  	s3 =	simm.s32 @!p0 $0x1082;
	s9 =	sld [smem:$0x3FB3]  }
0x2f: {  	lr =	sadd.s32 s0, s3;
	s0 =	sld [smem:$0x3FAA]  }
0x30: {  	s3 =	sld [smem:$0x3FAD]  }
0x31: {  	[smem:$0x3FB6] =	sst s10  }
0x32: {  	s10 =	sld [smem:$0x3FB4];
	_ =	sdelay $0x3  }
0x33: {  	p0 =	seq.s32 s10, $0x1;
	s10 =	sld [smem:$0x3FB6];
	_ =	sdelay $0x3  }
0x34: {  	[smem:$0x3FB6] =	sst s10  }
0x35: {  	s10 =	sld [smem:$0x3FB5];
	_ =	sdelay $0x3  }
0x36: {  	p1 =	seq.s32 s10, $0x1;
	s10 =	sld [smem:$0x3FB6];
	_ =	sdelay $0x3  }
0x37: {  	[smem:$0x3FB6] =	sst s10  }
0x38: {  	s10 =	sld [smem:$0x3FB7]  }
0x39: {  	_ = 	snop;
	(pc) =	sbr.ind lr, $3  }
0x3a: {  	_ = 	snop  }
0x3b: {  	_ = 	snop  }
0x3c: {  	p2 =	seq.s32 s10, $0x1;
	s10 =	sld [smem:$0x3FB6]  }
0x3d: {  	_ =	shalt  }
0x3e: {  	_ =	shalt  }
0x3f: {  	_ =	shalt  }
0x40: {  	_ =	shalt  }
0x41: {  	_ =	shalt  }
0x42: {  	_ =	shalt  }
0x43: {  	_ =	shalt  }
0x44: {  	_ =	shalt  }
0x45: {  	_ =	shalt  }
0x46: {  	_ =	shalt  }
0x47: {  	_ =	shalt  }
0x48: {  	_ =	shalt  }
0x49: {  	_ =	shalt  }
0x4a: {  	_ =	shalt  }
0x4b: {  	_ =	shalt  }
0x4c: {  	_ =	shalt  }
0x4d: {  	_ =	shalt  }
0x4e: {  	_ =	shalt  }
0x4f: {  	_ =	shalt  }
0x50: {  	_ =	shalt  }
0x51: {  	_ =	shalt  }
0x52: {  	_ =	shalt  }
0x53: {  	_ =	shalt  }
0x54: {  	_ =	shalt  }
0x55: {  	_ =	shalt  }
0x56: {  	_ =	shalt  }
0x57: {  	_ =	shalt  }
0x58: {  	_ =	shalt  }
0x59: {  	_ =	shalt  }
0x5a: {  	_ =	shalt  }
0x5b: {  	_ =	shalt  }
0x5c: {  	_ =	shalt  }
0x5d: {  	_ =	shalt  }
0x5e: {  	_ =	shalt  }
0x5f: {  	_ =	shalt  }
0x60: {  	_ =	shalt  }
0x61: {  	_ =	shalt  }
0x62: {  	_ =	shalt  }
0x63: {  	_ =	shalt  }
0x64: {  	_ =	shalt  }
0x65: {  	_ =	shalt  }
0x66: {  	_ =	shalt  }
0x67: {  	_ =	shalt  }
0x68: {  	_ =	shalt  }
0x69: {  	_ =	shalt  }
0x6a: {  	_ =	shalt  }
0x6b: {  	_ =	shalt  }
0x6c: {  	_ =	shalt  }
0x6d: {  	_ =	shalt  }
0x6e: {  	_ =	shalt  }
0x6f: {  	_ =	shalt  }
0x70: {  	_ =	shalt  }
0x71: {  	_ =	shalt  }
0x72: {  	_ =	shalt  }
0x73: {  	_ =	shalt  }
0x74: {  	_ =	shalt  }
0x75: {  	_ =	shalt  }
0x76: {  	_ =	shalt  }
0x77: {  	_ =	shalt  }
0x78: {  	_ =	shalt  }
0x79: {  	_ =	shalt  }
0x7a: {  	_ =	shalt  }
0x7b: {  	_ =	shalt  }
0x7c: {  	_ =	shalt  }
0x7d: {  	_ =	shalt  }
0x7e: {  	_ =	shalt  }
0x7f: {  	_ =	shalt  }
0x80: {  	_ =	shalt  }
0x81: {  	_ =	shalt  }
0x82: {  	_ =	shalt  }
0x83: {  	_ =	shalt  }
0x84: {  	_ =	shalt  }
0x85: {  	_ =	shalt  }
0x86: {  	_ =	shalt  }
0x87: {  	_ =	shalt  }
.Lfunc_end0:
.L_simem_size_0:
called_computation.1_lowered:
.L_overlay_start_0:
0x88: {  	s2 =	sld [smem:$0x3FD9]  }
0x89: {  	s3 =	sld [smem:$0x3FFE];
	_ =	sdelay $0x1  }
0x8a: {  	s1 =	srdreg.scid  }
0x8b: {  	s0 =	sand.u32 $0x1, s1  }
0x8c: {  	s17 =	sshll.u32 s0, $0xA;
	s2 =	sadd.s32 s3, s2  }
0x8d: {  	s2 =	sadd.s32 s2, s17  }
0x8e: {  	[smem:$0x3FC2] =	sst s2  }
0x8f: {  	_ = 	snop  }
0x90: {  	s2 =	sld [smem:$0x3FD0];
	(tm) =	ssettm $0x1  }
0x91: {  	s18 =	sld [smem:$0x3FFB];
	_ =	sdelay $0x3  }
0x92: {  	_ =	strace s18  }
0x93: {  	s3 =	sld [smem:$0x3FFC];
	_ =	sdelay $0x3  }
0x94: {  	_ =	strace s3  }
0x95: {  	s3 =	sld [smem:$0x3FFD];
	_ =	sdelay $0x3  }
0x96: {  	_ =	strace s3  }
0x97: {  	_ =	strace $0x8FFFFFFF  }
0x98: {  	s19 =	sld [smem:$0x3FDB];
	_ =	sdelay $0x1  }
0x99: {  	s4 =	simm.s32 $_scs_section_size  }
0x9a: {  	s5 =	simm.s32 $_size__tile_overlayer_lowered;
	s6 =	simm.s32 $_tile_overlayer_lowered  }
0x9b: {  	s22 =	simm.s32 $0x1BFF;
	s21 =	sshll.u32 s6, $0x1;
	s3 =	sadd.s32 s4, s19  }
0x9c: {  	s7 =	simm.s32 $0x0;
	s20 =	sshll.u32 s5, $0x1;
	s5 =	sadd.s32 s21, s3  }
0x9d: {  	[timem:s7], [sflag:s22] =	dma.local [hbm:s5], s20  }
0x9e: {  	_ =	swait.ge [sflag:s22], s20  }
0x9f: {  	s4 =	ssub.s32 $0x0, s20;
	[sflag:s22] =	ssyncset.done $0x0  }
0xa0: {  	[sflag:s22] =	ssyncadd.s32 s4;
	_ =	sdelay $0x1  }
0xa1: {  	s23 =	simm.s32 $0x1B8B  }
0xa2: {  	_ =	swait.ge [sflag:s23], $0x1  }
0xa3: {  	[sflag:s23] =	ssyncset.done $0x0  }
0xa4: {  	s25 =	simm.s32 $0x1B8E;
	s24 =	sld [smem:$0x3FFE];
	[sflag:s23] =	ssyncadd.s32 $0xFFFFFFFF  }
0xa5: {  	s26 =	simm.s32 $execute0_lowered;
	[smem:$0x3FD2] =	sst s25  }
0xa6: {  	s5 =	sshll.u32 s26, $0x1;
	_ =	strace $0x80000049;
	[dreg:$0x1] =	wrdreg $0xFFFFFFFF  }
0xa7: {  	s28 =	simm.s32 $_size_execute0_lowered;
	s3 =	sadd.s32 s3, s5;
	[dreg:$0x0] =	wrdreg $0x0  }
0xa8: {  	s5 =	sshll.u32 s28, $0x1;
	[dreg:$0x2] =	wrdreg s3  }
0xa9: {  	[dreg:$0x3] =	wrdreg s5  }
0xaa: {  	[dreg:$0x4] =	wrdreg $0xC0  }
0xab: {  	_ =	task [dreg:s7], $0x5FFFF  }
0xac: {  	[dreg:$0x1] =	wrdreg $0xFFFFFFFF  }
0xad: {  	[dreg:$0x0] =	wrdreg $0x60  }
0xae: {  	[dreg:$0x2] =	wrdreg s2  }
0xaf: {  	[dreg:$0x3] =	wrdreg s24  }
0xb0: {  	[dreg:$0x4] =	wrdreg $0xBD000  }
0xb1: {  	[dreg:$0x5] =	wrdreg $0x9  }
0xb2: {  	_ =	task.clear_ibuf [dreg:s7], $0x6FFFF;
	_ =	strace $0x90000049  }
0xb3: {  	s29 =	simm.s32 $0x9;
	_ =	strace $0x8000004B  }
0xb4: {  	_ =	swait.ge [sflag:s29], $0x1  }
0xb5: {  	[sflag:s29] =	ssyncadd.s32 $0xFFFFFFFF  }
0xb6: {  	_ =	strace $0x9000004B  }
0xb7: {  	_ =	sfence  }
0xb8: {  	s30 =	sld [smem:$0x0];
	_ =	sdelay $0x2  }
0xb9: {  	s31 =	sshll.u32 s1, $0xD;
	s1 =	sshrl.u32 s1, $0x2  }
0xba: {  	s3 =	sand.u32 $0x4000, s31;
	s1 =	sadd.s32 s1, s30  }
0xbb: {  	s0 =	sor.u32 s3, s0;
	s1 =	sshll.u32 s1, $0x11  }
0xbc: {  	s0 =	sor.u32 s1, s0  }
0xbd: {  	s0 =	sadd.s32 $0x8F2B, s0  }
0xbe: {  	[sflag:s0] =	ssyncadd.remote.s32 $0x1  }
0xbf: {  	_ =	sfence.sel $0xFFFF  }
0xc0: {  	[dreg:$0x0] =	wrdreg $0xFFFFFFFF;
	(pc) =	sbr.abs _section_cstart, $3  }
0xc1: {  	[dreg:$0x1] =	wrdreg $0xFFFFFFFF  }
0xc2: {  	_ =	task.clear_ibuf [dreg:s7], $0x2FFFF;
	_ =	strace $0x9FFFFFFF  }
0xc3: {  	(tm) =	ssettm $0x7FFFFFFF  }
tec
execute0_lowered:
.L_overlay_start_1:
0x0: {  	(tag) =	ssettag $0x1  }
0x1: {  	s1 =	rddreg [dreg:$0x0]  }
0x2: {  	s2 =	srdreg.scid;
	s6 =	rddreg [dreg:$0x1]  }
0x3: {  	s0 =	stileid.u32;
	s3 =	rddreg [dreg:$0x2];
	s4 =	simm.s32 $0x0  }
0x4: {  	s12 =	simm.s32 $0x900;
	s13 =	simm.s32 $0x100;
	s14 =	simm.s32 $0x4500  }
0x5: {  	s16 =	simm.s32 $0x300;
	s18 =	simm.s32 $0x1;
	s19 =	simm.s32 $0x8100  }
0x6: {  	s20 =	simm.s32 $0x2;
	s21 =	simm.s32 $0x4;
	s22 =	simm.s32 $0x3  }
0x7: {  	s25 =	simm.s32 $0x0;
	s5 =	sand.u32 $0x1, s2;
	s23 =	smul.u32 $0x2800, s0  }
0x8: {  	s29 =	sshll.u32 s0, $0x1;
	[smem:$0x7FF] =	sst s4;
	s9 =	smul.u32 $0x50000, s0  }
0x9: {  	s31 =	sshll.u32 s0, $0x6;
	s2 =	sor.u32 s5, s29;
	s8 =	smul.u32 $0x28000, s5  }
0xa: {  	s5 =	ssub.s32 $0x2, s5;
	s7 =	smul.u32 $0x1500, s2;
	s2 =	rddreg [dreg:$0x3]  }
0xb: {  	_ =	strace $0x8000004A;
	s10 =	sadd.s32 s23, s6;
	s11 =	sshrl.u32 s5, $0x1  }
0xc: {  	s30 =	sshrl.u32 s9, $0x2;
	s8 =	sadd.s32 s8, s6;
	s11 =	ssub.s32 s5, s11  }
.Ltmp0:
0xd: {  	s9 =	sadd.s32 s30, s3;
	s5 =	sadd.s32 $0x2D000, s10;
	(pc) =	sbr.rel .LBB2_1-.Ltmp0, $4  }
0xe: {  	s10 =	simm.s32 $0x6;
	s7 =	sadd.s32 s7, s6;
	s6 =	sor.u32 $0x1C06, s31  }
0xf: {  	s24 =	sadd.s32 $0x55000, s8;
	s8 =	smax.u32 s11, $0x1;
	s9 =	sshrl.u32 s9, $0x3  }
0x10: {  	s11 =	simm.s32 $0x78;
	s7 =	sadd.s32 $0x3000, s7;
	s23 =	sadd.s32 s23, s24  }
0x11: {  	s24 =	simm.s32 $0x5;
	s15 =	sadd.s32 $0x60, s7;
	s17 =	sadd.s32 $0xC0, s7  }
.LBB2_5:
0x12: {  	_ =	swait.ge [sflag:s22], $0x3C00  }
0x13: {  	[sflag:s22] =	ssyncset.done $0x0  }
0x14: {  	[sflag:s22] =	ssyncadd.s32 $0xFFFFC400  }
0x15: {  	_ =	swait.ge [sflag:s21], $0x3C00  }
0x16: {  	[sflag:s21] =	ssyncset.done $0x0  }
0x17: {  	s26 =	sadd.s32 $0x280, s29;
	[sflag:s21] =	ssyncadd.s32 $0xFFFFC400  }
0x18: {  	[spmem:s3] =	stream.indirect.scatter.add.f32 [tilespmem:s19], [sflag:$0x4], $0x80, s26, s11, $0xb8;
	[tilespmem:$0x1FD00] =	vst v63  }
.LBB2_7:
0x19: {  	_ =	swait.ge [sflag:s21], $0x3C00  }
0x1a: {  	s25 =	sadd.s32 $0x1, s25;
	[sflag:s21] =	ssyncset.done $0x0  }
0x1b: {  	p0 =	sne.s32 s25, s8;
	[sflag:s21] =	ssyncadd.s32 $0xFFFFC400  }
.Ltmp1:
0x1c: {  	[bflag:$0x0] =	sbarrier.arrive $0xFFFF;
	(pc) =	sbr.rel @!p0 .LBB2_8-.Ltmp1, $4  }
0x1d: {  	[hbm:s23], [sflag:s6] =	dma.local [spmem:s9], $0x2800  }
0x1e: {  	_ =	swait.ge [sflag:s10], $0x2800  }
0x1f: {  	[sflag:s10] =	ssyncset.done $0x0  }
0x20: {  	[sflag:s10] =	ssyncadd.s32 $0xFFFFD800  }
.LBB2_1:
0x21: {  	[spmem:s9], [sflag:s6] =	dma.local [hbm:s5], $0x2800  }
0x22: {  	_ =	swait.ge [sflag:s10], $0x2800  }
0x23: {  	[sflag:s10] =	ssyncset.done $0x0  }
0x24: {  	[sflag:s10] =	ssyncadd.s32 $0xFFFFD800  }
0x25: {  	[bflag:$0x0] =	sbarrier.arrive $0xFFFF  }
0x26: {  	[tilespmem:s4], [sflag:$0x6] =	stream.linear.gather [hbm4b:s7+s4], $0x300, $0x38;
	[tilespmem:$0x1FD00] =	vst v63  }
0x27: {  	_ =	swait.ge [sflag:s10], $0x300  }
0x28: {  	[sflag:s10] =	ssyncset.done $0x0  }
0x29: {  	[sflag:s10] =	ssyncadd.s32 $0xFFFFFD00  }
0x2a: {  	[tilespmem:s12], [sflag:$0x1] =	stream.indirect.gather [hbm4b:s1+s11], $0x80, s4, s11, $0xb8;
	[tilespmem:$0x1FD00] =	vst v63  }
0x2b: {  	_ = 	snop  }
0x2c: {  	[tilespmem:s14], [sflag:$0x2] =	stream.indirect.gather [hbm4b:s1+s11], $0x80, s13, s11, $0xb8;
	[tilespmem:$0x1FD00] =	vst v63  }
0x2d: {  	s26 =	smov.u32 s17;
	s28 =	simm.s32 $0x2  }
0x2e: {  	[tilespmem:s16], [sflag:$0x5] =	stream.linear.gather [hbm4b:s15+s4], $0x300, $0x38;
	[tilespmem:$0x1FD00] =	vst v63  }
.LBB2_2:
0x2f: {  	p0 =	seq.s32 s28, $0x2  }
0x30: {  	p1 =	seq.s32 @!p0 s28, $0x39  }
0x31: {  	_ =	swait.ge [sflag:s18], $0x3C00;
	p1 =	por p0, !p1  }
.Ltmp2:
0x32: {  	[sflag:s18] =	ssyncset.done $0x0;
	(pc) =	sbr.rel @!p1 .LBB2_4-.Ltmp2, $4  }
0x33: {  	s30 =	simm.s32 @!p0 $0x4;
	[sflag:s18] =	ssyncadd.s32 $0xFFFFC400  }
0x34: {  	_ =	swait.ge @!p0 [sflag:s30], $0x3C00  }
0x35: {  	[sflag:s30] =	ssyncset.done @!p0 $0x0  }
0x36: {  	s29 =	sadd.s32 $0xFFFFFFFE, s28;
	[sflag:s30] =	ssyncadd.s32 @!p0 $0xFFFFC400  }
0x37: {  	p0 =	sgt.u32 s29, $0x35  }
0x38: {  	s30 =	smul.u32 @!p0 $0xAB, s28;
	_ =	sdelay $0x1  }
0x39: {  	s30 =	sshrl.u32 @!p0 s30, $0x9  }
0x3a: {  	s30 =	sand.u32 @!p0 $0x7F, s30  }
0x3b: {  	s30 =	smul.u32 @!p0 $0x3, s30;
	_ =	sdelay $0x1  }
0x3c: {  	s30 =	ssub.s32 @!p0 s28, s30  }
0x3d: {  	s30 =	sand.u32 @!p0 $0xFF, s30  }
0x3e: {  	_ =	swait.ge [sflag:s24], $0x300;
	s30 =	smul.u32 @!p0 $0xC00, s30  }
0x3f: {  	[sflag:s24] =	ssyncset.done $0x0  }
0x40: {  	s31 =	simm.s32 @!p0 $0x0;
	[sflag:s24] =	ssyncadd.s32 $0xFFFFFD00;
	s30 =	sshrl.u32 @!p0 s30, $0x2  }
0x41: {  	[tilespmem:s30], [sflag:$0x5] =	stream.linear.gather @!p0 [hbm4b:s26+s31], $0x300, $0x38;
	[tilespmem:$0x1FD00] =	vst v63  }
.LBB2_4:
0x42: {  	s30 =	smul.u32 $0xAB, s28;
	_ =	sdelay $0x1  }
0x43: {  	s31 =	sadd.s32 $0xFFFFFEAA, s30  }
0x44: {  	s31 =	sshrl.u32 s31, $0x9  }
0x45: {  	s31 =	sand.u32 $0x7F, s31  }
0x46: {  	s31 =	smul.u32 $0x3, s31;
	_ =	sdelay $0x1  }
0x47: {  	s29 =	ssub.s32 s29, s31  }
0x48: {  	s29 =	sand.u32 $0xFF, s29  }
0x49: {  	s29 =	smul.u32 $0xC00, s29;
	_ =	sdelay $0x1  }
0x4a: {  	s29 =	sshrl.u32 s29, $0x2  }
0x4b: {  	s31 =	sor.u32 $0x80, s29  }
0x4c: {  	[spmem:s3] =	stream.indirect.scatter.add.f32 [tilespmem:s12], [sflag:$0x4], $0x80, s31, s11, $0xb8;
	[tilespmem:$0x1FD00] =	vst v63  }
0x4d: {  	s31 =	sadd.s32 $0x200, s29  }
0x4e: {  	[tilespmem:s19], [sflag:$0x3] =	stream.indirect.gather [hbm4b:s1+s11], $0x80, s31, s11, $0xb8;
	[tilespmem:$0x1FD00] =	vst v63  }
0x4f: {  	_ =	swait.ge [sflag:s20], $0x3C00  }
0x50: {  	p0 =	sne.s32 s28, $0x39;
	[sflag:s20] =	ssyncset.done $0x0  }
.Ltmp3:
0x51: {  	[sflag:s20] =	ssyncadd.s32 $0xFFFFC400;
	(pc) =	sbr.rel @!p0 .LBB2_5-.Ltmp3, $4  }
0x52: {  	_ =	swait.ge [sflag:s21], $0x3C00  }
0x53: {  	[sflag:s21] =	ssyncset.done $0x0  }
0x54: {  	s31 =	sadd.s32 $0x180, s29;
	[sflag:s21] =	ssyncadd.s32 $0xFFFFC400  }
0x55: {  	[spmem:s3] =	stream.indirect.scatter.add.f32 [tilespmem:s14], [sflag:$0x4], $0x80, s31, s11, $0xb8;
	[tilespmem:$0x1FD00] =	vst v63  }
0x56: {  	s30 =	sadd.s32 $0xFFFFFF55, s30  }
0x57: {  	s30 =	sshrl.u32 s30, $0x9  }
0x58: {  	s30 =	sand.u32 $0x7F, s30  }
0x59: {  	s30 =	smul.u32 $0x3, s30;
	_ =	sdelay $0x1  }
0x5a: {  	s30 =	sxor.u32 $0xFFFFFFFF, s30  }
0x5b: {  	s30 =	sadd.s32 s28, s30  }
0x5c: {  	s30 =	sand.u32 $0xFF, s30  }
0x5d: {  	s30 =	smul.u32 $0xC00, s30;
	_ =	sdelay $0x1  }
0x5e: {  	s30 =	sshrl.u32 s30, $0x2  }
0x5f: {  	[tilespmem:s12], [sflag:$0x1] =	stream.indirect.gather [hbm4b:s1+s11], $0x80, s30, s11, $0xb8;
	[tilespmem:$0x1FD00] =	vst v63  }
0x60: {  	_ =	swait.ge [sflag:s22], $0x3C00  }
0x61: {  	[sflag:s22] =	ssyncset.done $0x0  }
0x62: {  	s28 =	sadd.s32 $0x1, s28;
	[sflag:s22] =	ssyncadd.s32 $0xFFFFC400  }
0x63: {  	p0 =	sne.s32 s28, $0x3A;
	_ =	swait.ge [sflag:s21], $0x3C00  }
.Ltmp4:
0x64: {  	[sflag:s21] =	ssyncset.done $0x0;
	(pc) =	sbr.rel @p0 .LBB2_2-.Ltmp4, $4  }
.Ltmp5:
0x65: {  	s29 =	sadd.s32 $0x280, s29;
	[sflag:s21] =	ssyncadd.s32 $0xFFFFC400;
	(pc) =	sbr.rel @!p0 .LBB2_7-.Ltmp5, $4  }
0x66: {  	[spmem:s3] =	stream.indirect.scatter.add.f32 [tilespmem:s19], [sflag:$0x4], $0x80, s29, s11, $0xb8;
	[tilespmem:$0x1FD00] =	vst v63  }
0x67: {  	s26 =	sadd.s32 $0x60, s26;
	s31 =	sadd.s32 $0x100, s30  }
0x68: {  	[tilespmem:s14], [sflag:$0x2] =	stream.indirect.gather [hbm4b:s1+s11], $0x80, s31, s11, $0xb8;
	[tilespmem:$0x1FD00] =	vst v63  }
0x69: {  	_ = 	snop  }
.LBB2_8:
0x6a: {  	_ =	sfence.sel $0x180000  }
0x6b: {  	[bflag:$0x0] =	sbarrier.arrive $0xFFFF  }
0x6c: {  	p0 =	sne.s32 s0, $0x0;
	_ =	strace $0x9000004A  }
0x6d: {  	s0 =	sadd.s32 @!p0 $0x100000, s2;
	[bflag:$0x2] =	sbarrier.arrive $0xFFFF  }
0x6e: {  	[sflag:s0] =	ssyncadd.tile.s32 @!p0 $0x1;
	_ =	shalt  }
.Lfunc_end2:
_tile_overlayer_lowered:
.L_overlay_start_2:
0x6f: {  	(tag) =	ssettag $0x2  }
0x70: {  	s0 =	rddreg [dreg:$0x0];
	s2 =	stileid.u32  }
0x71: {  	s1 =	rddreg [dreg:$0x1];
	p0 =	sne.s32 s2, $0x0  }
0x72: {  	s3 =	rddreg [dreg:$0x2];
	[bflag:$0x3] =	sbarrier.arrive $0xFFFF;
	s2 =	simm.s32 @!p0 $0x1C06  }
0x73: {  	[timem:s3], [sflag:s2] =	dma.local @!p0 [hbm:s0], s1  }
0x74: {  	s0 =	simm.s32 @!p0 $0x6  }
0x75: {  	_ =	swait.ge @!p0 [sflag:s0], s1  }
0x76: {  	s1 =	ssub.s32 @!p0 $0x0, s1;
	[sflag:s0] =	ssyncset.done @!p0 $0x0  }
0x77: {  	[sflag:s0] =	ssyncadd.s32 @!p0 s1  }
0x78: {  	[bflag:$0x3] =	sbarrier.arrive $0xFFFF  }
0x79: {  	_ =	shalt  }

// kernel: kernel.21.cloned.1.call-start
scs
__scs_entry_jumppad:
0x0: {  	(pc) =	sbr.rel $0x88, $3  }
0x1: {  	(tag) =	ssettag $0x0;
	lr =	simm.s32 $0x1  }
0x2: {  	[smem:$0x3F9B] =	sst lr;
	_ =	strace $0xD0000000  }
0x3: {  	_ = 	snop  }
0x4: {  	_ = 	snop  }
0x5: {  	_ = 	snop  }
0x6: {  	_ = 	snop  }
0x7: {  	_ = 	snop  }
__scs_overlays_trampoline_lowered:
0x8: {  	[smem:$0x3FAA] =	sst s0  }
0x9: {  	[smem:$0x3FAB] =	sst s1  }
0xa: {  	[smem:$0x3FAC] =	sst s2  }
0xb: {  	[smem:$0x3FAD] =	sst s3  }
0xc: {  	[smem:$0x3FAE] =	sst s4  }
0xd: {  	[smem:$0x3FAF] =	sst s5  }
0xe: {  	[smem:$0x3FB0] =	sst s6  }
0xf: {  	[smem:$0x3FB1] =	sst s7  }
0x10: {  	[smem:$0x3FB2] =	sst s8  }
0x11: {  	[smem:$0x3FB3] =	sst s9;
	s0 =	simm.s32 @!p0 $0x0  }
0x12: {  	s1 =	sld [smem:$0x3F99];
	s0 =	simm.s32 @p0 $0x1  }
0x13: {  	[smem:$0x3FB4] =	sst s0;
	s0 =	simm.s32 @!p1 $0x0  }
0x14: {  	s2 =	sld [smem:$0x3F98];
	s0 =	simm.s32 @p1 $0x1  }
0x15: {  	[smem:$0x3FB5] =	sst s0;
	s0 =	simm.s32 @!p2 $0x0  }
0x16: {  	s3 =	sld [smem:$0x3FDB];
	s0 =	simm.s32 @p2 $0x1  }
0x17: {  	s4 =	simm.s32 $0x1BF5;
	[smem:$0x3FB7] =	sst s0  }
0x18: {  	s0 =	sld [smem:$0x3F9A];
	_ =	swait.ge [sflag:s4], $0x0  }
0x19: {  	s7 =	sld [smem:$0x3F9B]  }
0x1a: {  	s8 =	sadd.s32 $0xFFFFE003, lr  }
0x1b: {  	s9 =	sadd.s32 $0xFFFFFEF7, lr;
	s5 =	simm.s32 $0xFFFFFFFF;
	p2 =	slt.u32 s8, $0xFFFFF086  }
0x1c: {  	p1 =	slt.u32 s9, $0xF7A;
	s5 =	simm.s32 @!p2 $0x0  }
0x1d: {  	s5 =	simm.s32 @p1 $0x1;
	p0 =	seq.s32 s7, s2  }
0x1e: {  	s7 =	smul.u32 @!p0 $0xF7A, s2;
	p2 =	seq.s32 @!p0 s5, $0x0  }
0x1f: {  	s9 =	smul.u32 $0xF7A, s1;
	s8 =	simm.s32 @!p0 $0x1BF5;
	p2 =	por !p2, p0  }
0x20: {  	[sflag:s8] =	ssyncset.s32 @!p0 $0xFFFFF086;
	s6 =	sadd.s32 @!p0 s3, s7;
	s7 =	simm.s32 @!p0 $0x108  }
0x21: {  	s3 =	sadd.s32 s3, s9;
	s6 =	sadd.s32 @!p0 $0x88, s6;
	s7 =	simm.s32 @p2 $0x1082  }
0x22: {  	[simem:s7], [sflag:s8] =	dma.local @!p0 [hbm:s6], $0xF7A  }
0x23: {  	s9 =	sor.u32 $0xD0000000, s2;
	s6 =	simm.s32 $0x108;
	_ =	swait.ge @!p0 [sflag:s8], $0x0  }
0x24: {  	s3 =	sadd.s32 $0x88, s3;
	s6 =	simm.s32 @!p1 $0x1082;
	[sflag:s4] =	ssyncset.s32 $0xFFFFF086  }
0x25: {  	[simem:s6], [sflag:s4] =	dma.local [hbm:s3], $0xF7A  }
0x26: {  	[smem:$0x3F9B] =	sst s1;
	(tag) =	ssettag s2;
	_ =	strace s9  }
0x27: {  	s1 =	sld [smem:$0x3FAB]  }
0x28: {  	s2 =	sld [smem:$0x3FAC]  }
0x29: {  	s4 =	sld [smem:$0x3FAE]  }
0x2a: {  	p0 =	seq.s32 s5, $0x0;
	s5 =	sld [smem:$0x3FAF]  }
0x2b: {  	s6 =	sld [smem:$0x3FB0]  }
0x2c: {  	s7 =	sld [smem:$0x3FB1]  }
0x2d: {  	s3 =	simm.s32 $0x108;
	s8 =	sld [smem:$0x3FB2]  }
0x2e: {  	s3 =	simm.s32 @!p0 $0x1082;
	s9 =	sld [smem:$0x3FB3]  }
0x2f: {  	lr =	sadd.s32 s0, s3;
	s0 =	sld [smem:$0x3FAA]  }
0x30: {  	s3 =	sld [smem:$0x3FAD]  }
0x31: {  	[smem:$0x3FB6] =	sst s10  }
0x32: {  	s10 =	sld [smem:$0x3FB4];
	_ =	sdelay $0x3  }
0x33: {  	p0 =	seq.s32 s10, $0x1;
	s10 =	sld [smem:$0x3FB6];
	_ =	sdelay $0x3  }
0x34: {  	[smem:$0x3FB6] =	sst s10  }
0x35: {  	s10 =	sld [smem:$0x3FB5];
	_ =	sdelay $0x3  }
0x36: {  	p1 =	seq.s32 s10, $0x1;
	s10 =	sld [smem:$0x3FB6];
	_ =	sdelay $0x3  }
0x37: {  	[smem:$0x3FB6] =	sst s10  }
0x38: {  	s10 =	sld [smem:$0x3FB7]  }
0x39: {  	_ = 	snop;
	(pc) =	sbr.ind lr, $3  }
0x3a: {  	_ = 	snop  }
0x3b: {  	_ = 	snop  }
0x3c: {  	p2 =	seq.s32 s10, $0x1;
	s10 =	sld [smem:$0x3FB6]  }
0x3d: {  	_ =	shalt  }
0x3e: {  	_ =	shalt  }
0x3f: {  	_ =	shalt  }
0x40: {  	_ =	shalt  }
0x41: {  	_ =	shalt  }
0x42: {  	_ =	shalt  }
0x43: {  	_ =	shalt  }
0x44: {  	_ =	shalt  }
0x45: {  	_ =	shalt  }
0x46: {  	_ =	shalt  }
0x47: {  	_ =	shalt  }
0x48: {  	_ =	shalt  }
0x49: {  	_ =	shalt  }
0x4a: {  	_ =	shalt  }
0x4b: {  	_ =	shalt  }
0x4c: {  	_ =	shalt  }
0x4d: {  	_ =	shalt  }
0x4e: {  	_ =	shalt  }
0x4f: {  	_ =	shalt  }
0x50: {  	_ =	shalt  }
0x51: {  	_ =	shalt  }
0x52: {  	_ =	shalt  }
0x53: {  	_ =	shalt  }
0x54: {  	_ =	shalt  }
0x55: {  	_ =	shalt  }
0x56: {  	_ =	shalt  }
0x57: {  	_ =	shalt  }
0x58: {  	_ =	shalt  }
0x59: {  	_ =	shalt  }
0x5a: {  	_ =	shalt  }
0x5b: {  	_ =	shalt  }
0x5c: {  	_ =	shalt  }
0x5d: {  	_ =	shalt  }
0x5e: {  	_ =	shalt  }
0x5f: {  	_ =	shalt  }
0x60: {  	_ =	shalt  }
0x61: {  	_ =	shalt  }
0x62: {  	_ =	shalt  }
0x63: {  	_ =	shalt  }
0x64: {  	_ =	shalt  }
0x65: {  	_ =	shalt  }
0x66: {  	_ =	shalt  }
0x67: {  	_ =	shalt  }
0x68: {  	_ =	shalt  }
0x69: {  	_ =	shalt  }
0x6a: {  	_ =	shalt  }
0x6b: {  	_ =	shalt  }
0x6c: {  	_ =	shalt  }
0x6d: {  	_ =	shalt  }
0x6e: {  	_ =	shalt  }
0x6f: {  	_ =	shalt  }
0x70: {  	_ =	shalt  }
0x71: {  	_ =	shalt  }
0x72: {  	_ =	shalt  }
0x73: {  	_ =	shalt  }
0x74: {  	_ =	shalt  }
0x75: {  	_ =	shalt  }
0x76: {  	_ =	shalt  }
0x77: {  	_ =	shalt  }
0x78: {  	_ =	shalt  }
0x79: {  	_ =	shalt  }
0x7a: {  	_ =	shalt  }
0x7b: {  	_ =	shalt  }
0x7c: {  	_ =	shalt  }
0x7d: {  	_ =	shalt  }
0x7e: {  	_ =	shalt  }
0x7f: {  	_ =	shalt  }
0x80: {  	_ =	shalt  }
0x81: {  	_ =	shalt  }
0x82: {  	_ =	shalt  }
0x83: {  	_ =	shalt  }
0x84: {  	_ =	shalt  }
0x85: {  	_ =	shalt  }
0x86: {  	_ =	shalt  }
0x87: {  	_ =	shalt  }
.Lfunc_end0:
.L_simem_size_0:
called_computation.2_lowered:
.L_overlay_start_0:
0x88: {  	s2 =	sld [smem:$0x3FD9]  }
0x89: {  	s3 =	sld [smem:$0x3FFE];
	_ =	sdelay $0x1  }
0x8a: {  	s1 =	srdreg.scid  }
0x8b: {  	s0 =	sand.u32 $0x1, s1  }
0x8c: {  	s17 =	sshll.u32 s0, $0xA;
	s2 =	sadd.s32 s3, s2  }
0x8d: {  	s2 =	sadd.s32 s2, s17  }
0x8e: {  	[smem:$0x3FC2] =	sst s2  }
0x8f: {  	_ = 	snop  }
0x90: {  	s2 =	sld [smem:$0x3FD0];
	(tm) =	ssettm $0x1  }
0x91: {  	s18 =	sld [smem:$0x3FFB];
	_ =	sdelay $0x3  }
0x92: {  	_ =	strace s18  }
0x93: {  	s3 =	sld [smem:$0x3FFC];
	_ =	sdelay $0x3  }
0x94: {  	_ =	strace s3  }
0x95: {  	s3 =	sld [smem:$0x3FFD];
	_ =	sdelay $0x3  }
0x96: {  	_ =	strace s3  }
0x97: {  	_ =	strace $0x8FFFFFFF  }
0x98: {  	s19 =	sld [smem:$0x3FDB];
	_ =	sdelay $0x1  }
0x99: {  	s4 =	simm.s32 $_scs_section_size  }
0x9a: {  	s5 =	simm.s32 $_size__tile_overlayer_lowered;
	s6 =	simm.s32 $_tile_overlayer_lowered  }
0x9b: {  	s22 =	simm.s32 $0x1BFF;
	s21 =	sshll.u32 s6, $0x1;
	s3 =	sadd.s32 s4, s19  }
0x9c: {  	s7 =	simm.s32 $0x0;
	s20 =	sshll.u32 s5, $0x1;
	s5 =	sadd.s32 s21, s3  }
0x9d: {  	[timem:s7], [sflag:s22] =	dma.local [hbm:s5], s20  }
0x9e: {  	_ =	swait.ge [sflag:s22], s20  }
0x9f: {  	s4 =	ssub.s32 $0x0, s20;
	[sflag:s22] =	ssyncset.done $0x0  }
0xa0: {  	[sflag:s22] =	ssyncadd.s32 s4;
	_ =	sdelay $0x1  }
0xa1: {  	s23 =	simm.s32 $0x1B8B  }
0xa2: {  	_ =	swait.ge [sflag:s23], $0x1  }
0xa3: {  	[sflag:s23] =	ssyncset.done $0x0  }
0xa4: {  	s25 =	simm.s32 $0x1B8E;
	s24 =	sld [smem:$0x3FFE];
	[sflag:s23] =	ssyncadd.s32 $0xFFFFFFFF  }
0xa5: {  	s26 =	simm.s32 $execute0_lowered;
	[smem:$0x3FD2] =	sst s25  }
0xa6: {  	s5 =	sshll.u32 s26, $0x1;
	_ =	strace $0x8000004C;
	[dreg:$0x1] =	wrdreg $0xFFFFFFFF  }
0xa7: {  	s28 =	simm.s32 $_size_execute0_lowered;
	s3 =	sadd.s32 s3, s5;
	[dreg:$0x0] =	wrdreg $0x0  }
0xa8: {  	s5 =	sshll.u32 s28, $0x1;
	[dreg:$0x2] =	wrdreg s3  }
0xa9: {  	[dreg:$0x3] =	wrdreg s5  }
0xaa: {  	[dreg:$0x4] =	wrdreg $0xC0  }
0xab: {  	_ =	task [dreg:s7], $0x5FFFF  }
0xac: {  	[dreg:$0x1] =	wrdreg $0xFFFFFFFF  }
0xad: {  	[dreg:$0x0] =	wrdreg $0x60  }
0xae: {  	[dreg:$0x2] =	wrdreg s2  }
0xaf: {  	[dreg:$0x3] =	wrdreg s24  }
0xb0: {  	[dreg:$0x4] =	wrdreg $0xBD000  }
0xb1: {  	[dreg:$0x5] =	wrdreg $0x9  }
0xb2: {  	_ =	task.clear_ibuf [dreg:s7], $0x6FFFF;
	_ =	strace $0x9000004C  }
0xb3: {  	s29 =	simm.s32 $0x9;
	_ =	strace $0x8000004E  }
0xb4: {  	_ =	swait.ge [sflag:s29], $0x1  }
0xb5: {  	[sflag:s29] =	ssyncadd.s32 $0xFFFFFFFF  }
0xb6: {  	_ =	strace $0x9000004E  }
0xb7: {  	_ =	sfence  }
0xb8: {  	s30 =	sld [smem:$0x0];
	_ =	sdelay $0x2  }
0xb9: {  	s31 =	sshll.u32 s1, $0xD;
	s1 =	sshrl.u32 s1, $0x2  }
0xba: {  	s3 =	sand.u32 $0x4000, s31;
	s1 =	sadd.s32 s1, s30  }
0xbb: {  	s0 =	sor.u32 s3, s0;
	s1 =	sshll.u32 s1, $0x11  }
0xbc: {  	s0 =	sor.u32 s1, s0  }
0xbd: {  	s0 =	sadd.s32 $0x8F2B, s0  }
0xbe: {  	[sflag:s0] =	ssyncadd.remote.s32 $0x1  }
0xbf: {  	_ =	sfence.sel $0xFFFF  }
0xc0: {  	[dreg:$0x0] =	wrdreg $0xFFFFFFFF;
	(pc) =	sbr.abs _section_cstart, $3  }
0xc1: {  	[dreg:$0x1] =	wrdreg $0xFFFFFFFF  }
0xc2: {  	_ =	task.clear_ibuf [dreg:s7], $0x2FFFF;
	_ =	strace $0x9FFFFFFF  }
0xc3: {  	(tm) =	ssettm $0x7FFFFFFF  }
tec
execute0_lowered:
.L_overlay_start_1:
0x0: {  	(tag) =	ssettag $0x1  }
0x1: {  	s1 =	rddreg [dreg:$0x0]  }
0x2: {  	s2 =	srdreg.scid;
	s6 =	rddreg [dreg:$0x1]  }
0x3: {  	s0 =	stileid.u32;
	s3 =	rddreg [dreg:$0x2];
	s4 =	simm.s32 $0x0  }
0x4: {  	s12 =	simm.s32 $0x900;
	s13 =	simm.s32 $0x100;
	s14 =	simm.s32 $0x4500  }
0x5: {  	s16 =	simm.s32 $0x300;
	s18 =	simm.s32 $0x1;
	s19 =	simm.s32 $0x8100  }
0x6: {  	s20 =	simm.s32 $0x2;
	s21 =	simm.s32 $0x4;
	s22 =	simm.s32 $0x3  }
0x7: {  	s25 =	simm.s32 $0x0;
	s5 =	sand.u32 $0x1, s2;
	s23 =	smul.u32 $0x2800, s0  }
0x8: {  	s29 =	sshll.u32 s0, $0x1;
	[smem:$0x7FF] =	sst s4;
	s9 =	smul.u32 $0x50000, s0  }
0x9: {  	s31 =	sshll.u32 s0, $0x6;
	s2 =	sor.u32 s5, s29;
	s8 =	smul.u32 $0x28000, s5  }
0xa: {  	s5 =	ssub.s32 $0x2, s5;
	s7 =	smul.u32 $0x1500, s2;
	s2 =	rddreg [dreg:$0x3]  }
0xb: {  	_ =	strace $0x8000004D;
	s10 =	sadd.s32 s23, s6;
	s11 =	sshrl.u32 s5, $0x1  }
0xc: {  	s30 =	sshrl.u32 s9, $0x2;
	s8 =	sadd.s32 s8, s6;
	s11 =	ssub.s32 s5, s11  }
.Ltmp0:
0xd: {  	s9 =	sadd.s32 s30, s3;
	s5 =	sadd.s32 $0x2D000, s10;
	(pc) =	sbr.rel .LBB2_1-.Ltmp0, $4  }
0xe: {  	s10 =	simm.s32 $0x6;
	s7 =	sadd.s32 s7, s6;
	s6 =	sor.u32 $0x1C06, s31  }
0xf: {  	s24 =	sadd.s32 $0x55000, s8;
	s8 =	smax.u32 s11, $0x1;
	s9 =	sshrl.u32 s9, $0x3  }
0x10: {  	s11 =	simm.s32 $0x78;
	s7 =	sadd.s32 $0x3000, s7;
	s23 =	sadd.s32 s23, s24  }
0x11: {  	s24 =	simm.s32 $0x5;
	s15 =	sadd.s32 $0x60, s7;
	s17 =	sadd.s32 $0xC0, s7  }
.LBB2_5:
0x12: {  	_ =	swait.ge [sflag:s22], $0x3C00  }
0x13: {  	[sflag:s22] =	ssyncset.done $0x0  }
0x14: {  	[sflag:s22] =	ssyncadd.s32 $0xFFFFC400  }
0x15: {  	_ =	swait.ge [sflag:s21], $0x3C00  }
0x16: {  	[sflag:s21] =	ssyncset.done $0x0  }
0x17: {  	s26 =	sadd.s32 $0x280, s29;
	[sflag:s21] =	ssyncadd.s32 $0xFFFFC400  }
0x18: {  	[spmem:s3] =	stream.indirect.scatter.add.f32 [tilespmem:s19], [sflag:$0x4], $0x80, s26, s11, $0xb8;
	[tilespmem:$0x1FD00] =	vst v63  }
.LBB2_7:
0x19: {  	_ =	swait.ge [sflag:s21], $0x3C00  }
0x1a: {  	s25 =	sadd.s32 $0x1, s25;
	[sflag:s21] =	ssyncset.done $0x0  }
0x1b: {  	p0 =	sne.s32 s25, s8;
	[sflag:s21] =	ssyncadd.s32 $0xFFFFC400  }
.Ltmp1:
0x1c: {  	[bflag:$0x0] =	sbarrier.arrive $0xFFFF;
	(pc) =	sbr.rel @!p0 .LBB2_8-.Ltmp1, $4  }
0x1d: {  	[hbm:s23], [sflag:s6] =	dma.local [spmem:s9], $0x2800  }
0x1e: {  	_ =	swait.ge [sflag:s10], $0x2800  }
0x1f: {  	[sflag:s10] =	ssyncset.done $0x0  }
0x20: {  	[sflag:s10] =	ssyncadd.s32 $0xFFFFD800  }
.LBB2_1:
0x21: {  	[spmem:s9], [sflag:s6] =	dma.local [hbm:s5], $0x2800  }
0x22: {  	_ =	swait.ge [sflag:s10], $0x2800  }
0x23: {  	[sflag:s10] =	ssyncset.done $0x0  }
0x24: {  	[sflag:s10] =	ssyncadd.s32 $0xFFFFD800  }
0x25: {  	[bflag:$0x0] =	sbarrier.arrive $0xFFFF  }
0x26: {  	[tilespmem:s4], [sflag:$0x6] =	stream.linear.gather [hbm4b:s7+s4], $0x300, $0x38;
	[tilespmem:$0x1FD00] =	vst v63  }
0x27: {  	_ =	swait.ge [sflag:s10], $0x300  }
0x28: {  	[sflag:s10] =	ssyncset.done $0x0  }
0x29: {  	[sflag:s10] =	ssyncadd.s32 $0xFFFFFD00  }
0x2a: {  	[tilespmem:s12], [sflag:$0x1] =	stream.indirect.gather [hbm4b:s1+s11], $0x80, s4, s11, $0xb8;
	[tilespmem:$0x1FD00] =	vst v63  }
0x2b: {  	_ = 	snop  }
0x2c: {  	[tilespmem:s14], [sflag:$0x2] =	stream.indirect.gather [hbm4b:s1+s11], $0x80, s13, s11, $0xb8;
	[tilespmem:$0x1FD00] =	vst v63  }
0x2d: {  	s26 =	smov.u32 s17;
	s28 =	simm.s32 $0x2  }
0x2e: {  	[tilespmem:s16], [sflag:$0x5] =	stream.linear.gather [hbm4b:s15+s4], $0x300, $0x38;
	[tilespmem:$0x1FD00] =	vst v63  }
.LBB2_2:
0x2f: {  	p0 =	seq.s32 s28, $0x2  }
0x30: {  	p1 =	seq.s32 @!p0 s28, $0x39  }
0x31: {  	_ =	swait.ge [sflag:s18], $0x3C00;
	p1 =	por p0, !p1  }
.Ltmp2:
0x32: {  	[sflag:s18] =	ssyncset.done $0x0;
	(pc) =	sbr.rel @!p1 .LBB2_4-.Ltmp2, $4  }
0x33: {  	s30 =	simm.s32 @!p0 $0x4;
	[sflag:s18] =	ssyncadd.s32 $0xFFFFC400  }
0x34: {  	_ =	swait.ge @!p0 [sflag:s30], $0x3C00  }
0x35: {  	[sflag:s30] =	ssyncset.done @!p0 $0x0  }
0x36: {  	s29 =	sadd.s32 $0xFFFFFFFE, s28;
	[sflag:s30] =	ssyncadd.s32 @!p0 $0xFFFFC400  }
0x37: {  	p0 =	sgt.u32 s29, $0x35  }
0x38: {  	s30 =	smul.u32 @!p0 $0xAB, s28;
	_ =	sdelay $0x1  }
0x39: {  	s30 =	sshrl.u32 @!p0 s30, $0x9  }
0x3a: {  	s30 =	sand.u32 @!p0 $0x7F, s30  }
0x3b: {  	s30 =	smul.u32 @!p0 $0x3, s30;
	_ =	sdelay $0x1  }
0x3c: {  	s30 =	ssub.s32 @!p0 s28, s30  }
0x3d: {  	s30 =	sand.u32 @!p0 $0xFF, s30  }
0x3e: {  	_ =	swait.ge [sflag:s24], $0x300;
	s30 =	smul.u32 @!p0 $0xC00, s30  }
0x3f: {  	[sflag:s24] =	ssyncset.done $0x0  }
0x40: {  	s31 =	simm.s32 @!p0 $0x0;
	[sflag:s24] =	ssyncadd.s32 $0xFFFFFD00;
	s30 =	sshrl.u32 @!p0 s30, $0x2  }
0x41: {  	[tilespmem:s30], [sflag:$0x5] =	stream.linear.gather @!p0 [hbm4b:s26+s31], $0x300, $0x38;
	[tilespmem:$0x1FD00] =	vst v63  }
.LBB2_4:
0x42: {  	s30 =	smul.u32 $0xAB, s28;
	_ =	sdelay $0x1  }
0x43: {  	s31 =	sadd.s32 $0xFFFFFEAA, s30  }
0x44: {  	s31 =	sshrl.u32 s31, $0x9  }
0x45: {  	s31 =	sand.u32 $0x7F, s31  }
0x46: {  	s31 =	smul.u32 $0x3, s31;
	_ =	sdelay $0x1  }
0x47: {  	s29 =	ssub.s32 s29, s31  }
0x48: {  	s29 =	sand.u32 $0xFF, s29  }
0x49: {  	s29 =	smul.u32 $0xC00, s29;
	_ =	sdelay $0x1  }
0x4a: {  	s29 =	sshrl.u32 s29, $0x2  }
0x4b: {  	s31 =	sor.u32 $0x80, s29  }
0x4c: {  	[spmem:s3] =	stream.indirect.scatter.add.f32 [tilespmem:s12], [sflag:$0x4], $0x80, s31, s11, $0xb8;
	[tilespmem:$0x1FD00] =	vst v63  }
0x4d: {  	s31 =	sadd.s32 $0x200, s29  }
0x4e: {  	[tilespmem:s19], [sflag:$0x3] =	stream.indirect.gather [hbm4b:s1+s11], $0x80, s31, s11, $0xb8;
	[tilespmem:$0x1FD00] =	vst v63  }
0x4f: {  	_ =	swait.ge [sflag:s20], $0x3C00  }
0x50: {  	p0 =	sne.s32 s28, $0x39;
	[sflag:s20] =	ssyncset.done $0x0  }
.Ltmp3:
0x51: {  	[sflag:s20] =	ssyncadd.s32 $0xFFFFC400;
	(pc) =	sbr.rel @!p0 .LBB2_5-.Ltmp3, $4  }
0x52: {  	_ =	swait.ge [sflag:s21], $0x3C00  }
0x53: {  	[sflag:s21] =	ssyncset.done $0x0  }
0x54: {  	s31 =	sadd.s32 $0x180, s29;
	[sflag:s21] =	ssyncadd.s32 $0xFFFFC400  }
0x55: {  	[spmem:s3] =	stream.indirect.scatter.add.f32 [tilespmem:s14], [sflag:$0x4], $0x80, s31, s11, $0xb8;
	[tilespmem:$0x1FD00] =	vst v63  }
0x56: {  	s30 =	sadd.s32 $0xFFFFFF55, s30  }
0x57: {  	s30 =	sshrl.u32 s30, $0x9  }
0x58: {  	s30 =	sand.u32 $0x7F, s30  }
0x59: {  	s30 =	smul.u32 $0x3, s30;
	_ =	sdelay $0x1  }
0x5a: {  	s30 =	sxor.u32 $0xFFFFFFFF, s30  }
0x5b: {  	s30 =	sadd.s32 s28, s30  }
0x5c: {  	s30 =	sand.u32 $0xFF, s30  }
0x5d: {  	s30 =	smul.u32 $0xC00, s30;
	_ =	sdelay $0x1  }
0x5e: {  	s30 =	sshrl.u32 s30, $0x2  }
0x5f: {  	[tilespmem:s12], [sflag:$0x1] =	stream.indirect.gather [hbm4b:s1+s11], $0x80, s30, s11, $0xb8;
	[tilespmem:$0x1FD00] =	vst v63  }
0x60: {  	_ =	swait.ge [sflag:s22], $0x3C00  }
0x61: {  	[sflag:s22] =	ssyncset.done $0x0  }
0x62: {  	s28 =	sadd.s32 $0x1, s28;
	[sflag:s22] =	ssyncadd.s32 $0xFFFFC400  }
0x63: {  	p0 =	sne.s32 s28, $0x3A;
	_ =	swait.ge [sflag:s21], $0x3C00  }
.Ltmp4:
0x64: {  	[sflag:s21] =	ssyncset.done $0x0;
	(pc) =	sbr.rel @p0 .LBB2_2-.Ltmp4, $4  }
.Ltmp5:
0x65: {  	s29 =	sadd.s32 $0x280, s29;
	[sflag:s21] =	ssyncadd.s32 $0xFFFFC400;
	(pc) =	sbr.rel @!p0 .LBB2_7-.Ltmp5, $4  }
0x66: {  	[spmem:s3] =	stream.indirect.scatter.add.f32 [tilespmem:s19], [sflag:$0x4], $0x80, s29, s11, $0xb8;
	[tilespmem:$0x1FD00] =	vst v63  }
0x67: {  	s26 =	sadd.s32 $0x60, s26;
	s31 =	sadd.s32 $0x100, s30  }
0x68: {  	[tilespmem:s14], [sflag:$0x2] =	stream.indirect.gather [hbm4b:s1+s11], $0x80, s31, s11, $0xb8;
	[tilespmem:$0x1FD00] =	vst v63  }
0x69: {  	_ = 	snop  }
.LBB2_8:
0x6a: {  	_ =	sfence.sel $0x180000  }
0x6b: {  	[bflag:$0x0] =	sbarrier.arrive $0xFFFF  }
0x6c: {  	p0 =	sne.s32 s0, $0x0;
	_ =	strace $0x9000004D  }
0x6d: {  	s0 =	sadd.s32 @!p0 $0x100000, s2;
	[bflag:$0x2] =	sbarrier.arrive $0xFFFF  }
0x6e: {  	[sflag:s0] =	ssyncadd.tile.s32 @!p0 $0x1;
	_ =	shalt  }
.Lfunc_end2:
_tile_overlayer_lowered:
.L_overlay_start_2:
0x6f: {  	(tag) =	ssettag $0x2  }
0x70: {  	s0 =	rddreg [dreg:$0x0];
	s2 =	stileid.u32  }
0x71: {  	s1 =	rddreg [dreg:$0x1];
	p0 =	sne.s32 s2, $0x0  }
0x72: {  	s3 =	rddreg [dreg:$0x2];
	[bflag:$0x3] =	sbarrier.arrive $0xFFFF;
	s2 =	simm.s32 @!p0 $0x1C06  }
0x73: {  	[timem:s3], [sflag:s2] =	dma.local @!p0 [hbm:s0], s1  }
0x74: {  	s0 =	simm.s32 @!p0 $0x6  }
0x75: {  	_ =	swait.ge @!p0 [sflag:s0], s1  }
0x76: {  	s1 =	ssub.s32 @!p0 $0x0, s1;
	[sflag:s0] =	ssyncset.done @!p0 $0x0  }
0x77: {  	[sflag:s0] =	ssyncadd.s32 @!p0 s1  }
0x78: {  	[bflag:$0x3] =	sbarrier.arrive $0xFFFF  }
0x79: {  	_ =	shalt  }

// kernel: kernel.24.cloned.1.call-start
scs
__scs_entry_jumppad:
0x0: {  	(pc) =	sbr.rel $0x88, $3  }
0x1: {  	(tag) =	ssettag $0x0;
	lr =	simm.s32 $0x1  }
0x2: {  	[smem:$0x3F9B] =	sst lr;
	_ =	strace $0xD0000000  }
0x3: {  	_ = 	snop  }
0x4: {  	_ = 	snop  }
0x5: {  	_ = 	snop  }
0x6: {  	_ = 	snop  }
0x7: {  	_ = 	snop  }
__scs_overlays_trampoline_lowered:
0x8: {  	[smem:$0x3FAA] =	sst s0  }
0x9: {  	[smem:$0x3FAB] =	sst s1  }
0xa: {  	[smem:$0x3FAC] =	sst s2  }
0xb: {  	[smem:$0x3FAD] =	sst s3  }
0xc: {  	[smem:$0x3FAE] =	sst s4  }
0xd: {  	[smem:$0x3FAF] =	sst s5  }
0xe: {  	[smem:$0x3FB0] =	sst s6  }
0xf: {  	[smem:$0x3FB1] =	sst s7  }
0x10: {  	[smem:$0x3FB2] =	sst s8  }
0x11: {  	[smem:$0x3FB3] =	sst s9;
	s0 =	simm.s32 @!p0 $0x0  }
0x12: {  	s1 =	sld [smem:$0x3F99];
	s0 =	simm.s32 @p0 $0x1  }
0x13: {  	[smem:$0x3FB4] =	sst s0;
	s0 =	simm.s32 @!p1 $0x0  }
0x14: {  	s2 =	sld [smem:$0x3F98];
	s0 =	simm.s32 @p1 $0x1  }
0x15: {  	[smem:$0x3FB5] =	sst s0;
	s0 =	simm.s32 @!p2 $0x0  }
0x16: {  	s3 =	sld [smem:$0x3FDB];
	s0 =	simm.s32 @p2 $0x1  }
0x17: {  	s4 =	simm.s32 $0x1BF5;
	[smem:$0x3FB7] =	sst s0  }
0x18: {  	s0 =	sld [smem:$0x3F9A];
	_ =	swait.ge [sflag:s4], $0x0  }
0x19: {  	s7 =	sld [smem:$0x3F9B]  }
0x1a: {  	s8 =	sadd.s32 $0xFFFFE003, lr  }
0x1b: {  	s9 =	sadd.s32 $0xFFFFFEF7, lr;
	s5 =	simm.s32 $0xFFFFFFFF;
	p2 =	slt.u32 s8, $0xFFFFF086  }
0x1c: {  	p1 =	slt.u32 s9, $0xF7A;
	s5 =	simm.s32 @!p2 $0x0  }
0x1d: {  	s5 =	simm.s32 @p1 $0x1;
	p0 =	seq.s32 s7, s2  }
0x1e: {  	s7 =	smul.u32 @!p0 $0xF7A, s2;
	p2 =	seq.s32 @!p0 s5, $0x0  }
0x1f: {  	s9 =	smul.u32 $0xF7A, s1;
	s8 =	simm.s32 @!p0 $0x1BF5;
	p2 =	por !p2, p0  }
0x20: {  	[sflag:s8] =	ssyncset.s32 @!p0 $0xFFFFF086;
	s6 =	sadd.s32 @!p0 s3, s7;
	s7 =	simm.s32 @!p0 $0x108  }
0x21: {  	s3 =	sadd.s32 s3, s9;
	s6 =	sadd.s32 @!p0 $0x88, s6;
	s7 =	simm.s32 @p2 $0x1082  }
0x22: {  	[simem:s7], [sflag:s8] =	dma.local @!p0 [hbm:s6], $0xF7A  }
0x23: {  	s9 =	sor.u32 $0xD0000000, s2;
	s6 =	simm.s32 $0x108;
	_ =	swait.ge @!p0 [sflag:s8], $0x0  }
0x24: {  	s3 =	sadd.s32 $0x88, s3;
	s6 =	simm.s32 @!p1 $0x1082;
	[sflag:s4] =	ssyncset.s32 $0xFFFFF086  }
0x25: {  	[simem:s6], [sflag:s4] =	dma.local [hbm:s3], $0xF7A  }
0x26: {  	[smem:$0x3F9B] =	sst s1;
	(tag) =	ssettag s2;
	_ =	strace s9  }
0x27: {  	s1 =	sld [smem:$0x3FAB]  }
0x28: {  	s2 =	sld [smem:$0x3FAC]  }
0x29: {  	s4 =	sld [smem:$0x3FAE]  }
0x2a: {  	p0 =	seq.s32 s5, $0x0;
	s5 =	sld [smem:$0x3FAF]  }
0x2b: {  	s6 =	sld [smem:$0x3FB0]  }
0x2c: {  	s7 =	sld [smem:$0x3FB1]  }
0x2d: {  	s3 =	simm.s32 $0x108;
	s8 =	sld [smem:$0x3FB2]  }
0x2e: {  	s3 =	simm.s32 @!p0 $0x1082;
	s9 =	sld [smem:$0x3FB3]  }
0x2f: {  	lr =	sadd.s32 s0, s3;
	s0 =	sld [smem:$0x3FAA]  }
0x30: {  	s3 =	sld [smem:$0x3FAD]  }
0x31: {  	[smem:$0x3FB6] =	sst s10  }
0x32: {  	s10 =	sld [smem:$0x3FB4];
	_ =	sdelay $0x3  }
0x33: {  	p0 =	seq.s32 s10, $0x1;
	s10 =	sld [smem:$0x3FB6];
	_ =	sdelay $0x3  }
0x34: {  	[smem:$0x3FB6] =	sst s10  }
0x35: {  	s10 =	sld [smem:$0x3FB5];
	_ =	sdelay $0x3  }
0x36: {  	p1 =	seq.s32 s10, $0x1;
	s10 =	sld [smem:$0x3FB6];
	_ =	sdelay $0x3  }
0x37: {  	[smem:$0x3FB6] =	sst s10  }
0x38: {  	s10 =	sld [smem:$0x3FB7]  }
0x39: {  	_ = 	snop;
	(pc) =	sbr.ind lr, $3  }
0x3a: {  	_ = 	snop  }
0x3b: {  	_ = 	snop  }
0x3c: {  	p2 =	seq.s32 s10, $0x1;
	s10 =	sld [smem:$0x3FB6]  }
0x3d: {  	_ =	shalt  }
0x3e: {  	_ =	shalt  }
0x3f: {  	_ =	shalt  }
0x40: {  	_ =	shalt  }
0x41: {  	_ =	shalt  }
0x42: {  	_ =	shalt  }
0x43: {  	_ =	shalt  }
0x44: {  	_ =	shalt  }
0x45: {  	_ =	shalt  }
0x46: {  	_ =	shalt  }
0x47: {  	_ =	shalt  }
0x48: {  	_ =	shalt  }
0x49: {  	_ =	shalt  }
0x4a: {  	_ =	shalt  }
0x4b: {  	_ =	shalt  }
0x4c: {  	_ =	shalt  }
0x4d: {  	_ =	shalt  }
0x4e: {  	_ =	shalt  }
0x4f: {  	_ =	shalt  }
0x50: {  	_ =	shalt  }
0x51: {  	_ =	shalt  }
0x52: {  	_ =	shalt  }
0x53: {  	_ =	shalt  }
0x54: {  	_ =	shalt  }
0x55: {  	_ =	shalt  }
0x56: {  	_ =	shalt  }
0x57: {  	_ =	shalt  }
0x58: {  	_ =	shalt  }
0x59: {  	_ =	shalt  }
0x5a: {  	_ =	shalt  }
0x5b: {  	_ =	shalt  }
0x5c: {  	_ =	shalt  }
0x5d: {  	_ =	shalt  }
0x5e: {  	_ =	shalt  }
0x5f: {  	_ =	shalt  }
0x60: {  	_ =	shalt  }
0x61: {  	_ =	shalt  }
0x62: {  	_ =	shalt  }
0x63: {  	_ =	shalt  }
0x64: {  	_ =	shalt  }
0x65: {  	_ =	shalt  }
0x66: {  	_ =	shalt  }
0x67: {  	_ =	shalt  }
0x68: {  	_ =	shalt  }
0x69: {  	_ =	shalt  }
0x6a: {  	_ =	shalt  }
0x6b: {  	_ =	shalt  }
0x6c: {  	_ =	shalt  }
0x6d: {  	_ =	shalt  }
0x6e: {  	_ =	shalt  }
0x6f: {  	_ =	shalt  }
0x70: {  	_ =	shalt  }
0x71: {  	_ =	shalt  }
0x72: {  	_ =	shalt  }
0x73: {  	_ =	shalt  }
0x74: {  	_ =	shalt  }
0x75: {  	_ =	shalt  }
0x76: {  	_ =	shalt  }
0x77: {  	_ =	shalt  }
0x78: {  	_ =	shalt  }
0x79: {  	_ =	shalt  }
0x7a: {  	_ =	shalt  }
0x7b: {  	_ =	shalt  }
0x7c: {  	_ =	shalt  }
0x7d: {  	_ =	shalt  }
0x7e: {  	_ =	shalt  }
0x7f: {  	_ =	shalt  }
0x80: {  	_ =	shalt  }
0x81: {  	_ =	shalt  }
0x82: {  	_ =	shalt  }
0x83: {  	_ =	shalt  }
0x84: {  	_ =	shalt  }
0x85: {  	_ =	shalt  }
0x86: {  	_ =	shalt  }
0x87: {  	_ =	shalt  }
.Lfunc_end0:
.L_simem_size_0:
called_computation.3_lowered:
.L_overlay_start_0:
0x88: {  	s2 =	sld [smem:$0x3FD9]  }
0x89: {  	s3 =	sld [smem:$0x3FFE];
	_ =	sdelay $0x1  }
0x8a: {  	s1 =	srdreg.scid  }
0x8b: {  	s0 =	sand.u32 $0x1, s1  }
0x8c: {  	s17 =	sshll.u32 s0, $0xA;
	s2 =	sadd.s32 s3, s2  }
0x8d: {  	s2 =	sadd.s32 s2, s17  }
0x8e: {  	[smem:$0x3FC2] =	sst s2  }
0x8f: {  	_ = 	snop  }
0x90: {  	s2 =	sld [smem:$0x3FD0];
	(tm) =	ssettm $0x1  }
0x91: {  	s18 =	sld [smem:$0x3FFB];
	_ =	sdelay $0x3  }
0x92: {  	_ =	strace s18  }
0x93: {  	s3 =	sld [smem:$0x3FFC];
	_ =	sdelay $0x3  }
0x94: {  	_ =	strace s3  }
0x95: {  	s3 =	sld [smem:$0x3FFD];
	_ =	sdelay $0x3  }
0x96: {  	_ =	strace s3  }
0x97: {  	_ =	strace $0x8FFFFFFF  }
0x98: {  	s19 =	sld [smem:$0x3FDB];
	_ =	sdelay $0x1  }
0x99: {  	s4 =	simm.s32 $_scs_section_size  }
0x9a: {  	s5 =	simm.s32 $_size__tile_overlayer_lowered;
	s6 =	simm.s32 $_tile_overlayer_lowered  }
0x9b: {  	s22 =	simm.s32 $0x1BFF;
	s21 =	sshll.u32 s6, $0x1;
	s3 =	sadd.s32 s4, s19  }
0x9c: {  	s7 =	simm.s32 $0x0;
	s20 =	sshll.u32 s5, $0x1;
	s5 =	sadd.s32 s21, s3  }
0x9d: {  	[timem:s7], [sflag:s22] =	dma.local [hbm:s5], s20  }
0x9e: {  	_ =	swait.ge [sflag:s22], s20  }
0x9f: {  	s4 =	ssub.s32 $0x0, s20;
	[sflag:s22] =	ssyncset.done $0x0  }
0xa0: {  	[sflag:s22] =	ssyncadd.s32 s4;
	_ =	sdelay $0x1  }
0xa1: {  	s23 =	simm.s32 $0x1B8B  }
0xa2: {  	_ =	swait.ge [sflag:s23], $0x1  }
0xa3: {  	[sflag:s23] =	ssyncset.done $0x0  }
0xa4: {  	s25 =	simm.s32 $0x1B8E;
	s24 =	sld [smem:$0x3FFE];
	[sflag:s23] =	ssyncadd.s32 $0xFFFFFFFF  }
0xa5: {  	s26 =	simm.s32 $execute0_lowered;
	[smem:$0x3FD2] =	sst s25  }
0xa6: {  	s5 =	sshll.u32 s26, $0x1;
	_ =	strace $0x8000004F;
	[dreg:$0x1] =	wrdreg $0xFFFFFFFF  }
0xa7: {  	s28 =	simm.s32 $_size_execute0_lowered;
	s3 =	sadd.s32 s3, s5;
	[dreg:$0x0] =	wrdreg $0x0  }
0xa8: {  	s5 =	sshll.u32 s28, $0x1;
	[dreg:$0x2] =	wrdreg s3  }
0xa9: {  	[dreg:$0x3] =	wrdreg s5  }
0xaa: {  	[dreg:$0x4] =	wrdreg $0xC0  }
0xab: {  	_ =	task [dreg:s7], $0x5FFFF  }
0xac: {  	[dreg:$0x1] =	wrdreg $0xFFFFFFFF  }
0xad: {  	[dreg:$0x0] =	wrdreg $0x60  }
0xae: {  	[dreg:$0x2] =	wrdreg s2  }
0xaf: {  	[dreg:$0x3] =	wrdreg s24  }
0xb0: {  	[dreg:$0x4] =	wrdreg $0xBD000  }
0xb1: {  	[dreg:$0x5] =	wrdreg $0x9  }
0xb2: {  	_ =	task.clear_ibuf [dreg:s7], $0x6FFFF;
	_ =	strace $0x9000004F  }
0xb3: {  	s29 =	simm.s32 $0x9;
	_ =	strace $0x80000051  }
0xb4: {  	_ =	swait.ge [sflag:s29], $0x1  }
0xb5: {  	[sflag:s29] =	ssyncadd.s32 $0xFFFFFFFF  }
0xb6: {  	_ =	strace $0x90000051  }
0xb7: {  	_ =	sfence  }
0xb8: {  	s30 =	sld [smem:$0x0];
	_ =	sdelay $0x2  }
0xb9: {  	s31 =	sshll.u32 s1, $0xD;
	s1 =	sshrl.u32 s1, $0x2  }
0xba: {  	s3 =	sand.u32 $0x4000, s31;
	s1 =	sadd.s32 s1, s30  }
0xbb: {  	s0 =	sor.u32 s3, s0;
	s1 =	sshll.u32 s1, $0x11  }
0xbc: {  	s0 =	sor.u32 s1, s0  }
0xbd: {  	s0 =	sadd.s32 $0x8F2B, s0  }
0xbe: {  	[sflag:s0] =	ssyncadd.remote.s32 $0x1  }
0xbf: {  	_ =	sfence.sel $0xFFFF  }
0xc0: {  	[dreg:$0x0] =	wrdreg $0xFFFFFFFF;
	(pc) =	sbr.abs _section_cstart, $3  }
0xc1: {  	[dreg:$0x1] =	wrdreg $0xFFFFFFFF  }
0xc2: {  	_ =	task.clear_ibuf [dreg:s7], $0x2FFFF;
	_ =	strace $0x9FFFFFFF  }
0xc3: {  	(tm) =	ssettm $0x7FFFFFFF  }
tec
execute0_lowered:
.L_overlay_start_1:
0x0: {  	(tag) =	ssettag $0x1  }
0x1: {  	s1 =	rddreg [dreg:$0x0]  }
0x2: {  	s2 =	srdreg.scid;
	s6 =	rddreg [dreg:$0x1]  }
0x3: {  	s0 =	stileid.u32;
	s3 =	rddreg [dreg:$0x2];
	s4 =	simm.s32 $0x0  }
0x4: {  	s12 =	simm.s32 $0x900;
	s13 =	simm.s32 $0x100;
	s14 =	simm.s32 $0x4500  }
0x5: {  	s16 =	simm.s32 $0x300;
	s18 =	simm.s32 $0x1;
	s19 =	simm.s32 $0x8100  }
0x6: {  	s20 =	simm.s32 $0x2;
	s21 =	simm.s32 $0x4;
	s22 =	simm.s32 $0x3  }
0x7: {  	s25 =	simm.s32 $0x0;
	s5 =	sand.u32 $0x1, s2;
	s23 =	smul.u32 $0x2800, s0  }
0x8: {  	s29 =	sshll.u32 s0, $0x1;
	[smem:$0x7FF] =	sst s4;
	s9 =	smul.u32 $0x50000, s0  }
0x9: {  	s31 =	sshll.u32 s0, $0x6;
	s2 =	sor.u32 s5, s29;
	s8 =	smul.u32 $0x28000, s5  }
0xa: {  	s5 =	ssub.s32 $0x2, s5;
	s7 =	smul.u32 $0x1500, s2;
	s2 =	rddreg [dreg:$0x3]  }
0xb: {  	_ =	strace $0x80000050;
	s10 =	sadd.s32 s23, s6;
	s11 =	sshrl.u32 s5, $0x1  }
0xc: {  	s30 =	sshrl.u32 s9, $0x2;
	s8 =	sadd.s32 s8, s6;
	s11 =	ssub.s32 s5, s11  }
.Ltmp0:
0xd: {  	s9 =	sadd.s32 s30, s3;
	s5 =	sadd.s32 $0x2D000, s10;
	(pc) =	sbr.rel .LBB2_1-.Ltmp0, $4  }
0xe: {  	s10 =	simm.s32 $0x6;
	s7 =	sadd.s32 s7, s6;
	s6 =	sor.u32 $0x1C06, s31  }
0xf: {  	s24 =	sadd.s32 $0x55000, s8;
	s8 =	smax.u32 s11, $0x1;
	s9 =	sshrl.u32 s9, $0x3  }
0x10: {  	s11 =	simm.s32 $0x78;
	s7 =	sadd.s32 $0x3000, s7;
	s23 =	sadd.s32 s23, s24  }
0x11: {  	s24 =	simm.s32 $0x5;
	s15 =	sadd.s32 $0x60, s7;
	s17 =	sadd.s32 $0xC0, s7  }
.LBB2_5:
0x12: {  	_ =	swait.ge [sflag:s22], $0x3C00  }
0x13: {  	[sflag:s22] =	ssyncset.done $0x0  }
0x14: {  	[sflag:s22] =	ssyncadd.s32 $0xFFFFC400  }
0x15: {  	_ =	swait.ge [sflag:s21], $0x3C00  }
0x16: {  	[sflag:s21] =	ssyncset.done $0x0  }
0x17: {  	s26 =	sadd.s32 $0x280, s29;
	[sflag:s21] =	ssyncadd.s32 $0xFFFFC400  }
0x18: {  	[spmem:s3] =	stream.indirect.scatter.add.f32 [tilespmem:s19], [sflag:$0x4], $0x80, s26, s11, $0xb8;
	[tilespmem:$0x1FD00] =	vst v63  }
.LBB2_7:
0x19: {  	_ =	swait.ge [sflag:s21], $0x3C00  }
0x1a: {  	s25 =	sadd.s32 $0x1, s25;
	[sflag:s21] =	ssyncset.done $0x0  }
0x1b: {  	p0 =	sne.s32 s25, s8;
	[sflag:s21] =	ssyncadd.s32 $0xFFFFC400  }
.Ltmp1:
0x1c: {  	[bflag:$0x0] =	sbarrier.arrive $0xFFFF;
	(pc) =	sbr.rel @!p0 .LBB2_8-.Ltmp1, $4  }
0x1d: {  	[hbm:s23], [sflag:s6] =	dma.local [spmem:s9], $0x2800  }
0x1e: {  	_ =	swait.ge [sflag:s10], $0x2800  }
0x1f: {  	[sflag:s10] =	ssyncset.done $0x0  }
0x20: {  	[sflag:s10] =	ssyncadd.s32 $0xFFFFD800  }
.LBB2_1:
0x21: {  	[spmem:s9], [sflag:s6] =	dma.local [hbm:s5], $0x2800  }
0x22: {  	_ =	swait.ge [sflag:s10], $0x2800  }
0x23: {  	[sflag:s10] =	ssyncset.done $0x0  }
0x24: {  	[sflag:s10] =	ssyncadd.s32 $0xFFFFD800  }
0x25: {  	[bflag:$0x0] =	sbarrier.arrive $0xFFFF  }
0x26: {  	[tilespmem:s4], [sflag:$0x6] =	stream.linear.gather [hbm4b:s7+s4], $0x300, $0x38;
	[tilespmem:$0x1FD00] =	vst v63  }
0x27: {  	_ =	swait.ge [sflag:s10], $0x300  }
0x28: {  	[sflag:s10] =	ssyncset.done $0x0  }
0x29: {  	[sflag:s10] =	ssyncadd.s32 $0xFFFFFD00  }
0x2a: {  	[tilespmem:s12], [sflag:$0x1] =	stream.indirect.gather [hbm4b:s1+s11], $0x80, s4, s11, $0xb8;
	[tilespmem:$0x1FD00] =	vst v63  }
0x2b: {  	_ = 	snop  }
0x2c: {  	[tilespmem:s14], [sflag:$0x2] =	stream.indirect.gather [hbm4b:s1+s11], $0x80, s13, s11, $0xb8;
	[tilespmem:$0x1FD00] =	vst v63  }
0x2d: {  	s26 =	smov.u32 s17;
	s28 =	simm.s32 $0x2  }
0x2e: {  	[tilespmem:s16], [sflag:$0x5] =	stream.linear.gather [hbm4b:s15+s4], $0x300, $0x38;
	[tilespmem:$0x1FD00] =	vst v63  }
.LBB2_2:
0x2f: {  	p0 =	seq.s32 s28, $0x2  }
0x30: {  	p1 =	seq.s32 @!p0 s28, $0x39  }
0x31: {  	_ =	swait.ge [sflag:s18], $0x3C00;
	p1 =	por p0, !p1  }
.Ltmp2:
0x32: {  	[sflag:s18] =	ssyncset.done $0x0;
	(pc) =	sbr.rel @!p1 .LBB2_4-.Ltmp2, $4  }
0x33: {  	s30 =	simm.s32 @!p0 $0x4;
	[sflag:s18] =	ssyncadd.s32 $0xFFFFC400  }
0x34: {  	_ =	swait.ge @!p0 [sflag:s30], $0x3C00  }
0x35: {  	[sflag:s30] =	ssyncset.done @!p0 $0x0  }
0x36: {  	s29 =	sadd.s32 $0xFFFFFFFE, s28;
	[sflag:s30] =	ssyncadd.s32 @!p0 $0xFFFFC400  }
0x37: {  	p0 =	sgt.u32 s29, $0x35  }
0x38: {  	s30 =	smul.u32 @!p0 $0xAB, s28;
	_ =	sdelay $0x1  }
0x39: {  	s30 =	sshrl.u32 @!p0 s30, $0x9  }
0x3a: {  	s30 =	sand.u32 @!p0 $0x7F, s30  }
0x3b: {  	s30 =	smul.u32 @!p0 $0x3, s30;
	_ =	sdelay $0x1  }
0x3c: {  	s30 =	ssub.s32 @!p0 s28, s30  }
0x3d: {  	s30 =	sand.u32 @!p0 $0xFF, s30  }
0x3e: {  	_ =	swait.ge [sflag:s24], $0x300;
	s30 =	smul.u32 @!p0 $0xC00, s30  }
0x3f: {  	[sflag:s24] =	ssyncset.done $0x0  }
0x40: {  	s31 =	simm.s32 @!p0 $0x0;
	[sflag:s24] =	ssyncadd.s32 $0xFFFFFD00;
	s30 =	sshrl.u32 @!p0 s30, $0x2  }
0x41: {  	[tilespmem:s30], [sflag:$0x5] =	stream.linear.gather @!p0 [hbm4b:s26+s31], $0x300, $0x38;
	[tilespmem:$0x1FD00] =	vst v63  }
.LBB2_4:
0x42: {  	s30 =	smul.u32 $0xAB, s28;
	_ =	sdelay $0x1  }
0x43: {  	s31 =	sadd.s32 $0xFFFFFEAA, s30  }
0x44: {  	s31 =	sshrl.u32 s31, $0x9  }
0x45: {  	s31 =	sand.u32 $0x7F, s31  }
0x46: {  	s31 =	smul.u32 $0x3, s31;
	_ =	sdelay $0x1  }
0x47: {  	s29 =	ssub.s32 s29, s31  }
0x48: {  	s29 =	sand.u32 $0xFF, s29  }
0x49: {  	s29 =	smul.u32 $0xC00, s29;
	_ =	sdelay $0x1  }
0x4a: {  	s29 =	sshrl.u32 s29, $0x2  }
0x4b: {  	s31 =	sor.u32 $0x80, s29  }
0x4c: {  	[spmem:s3] =	stream.indirect.scatter.add.f32 [tilespmem:s12], [sflag:$0x4], $0x80, s31, s11, $0xb8;
	[tilespmem:$0x1FD00] =	vst v63  }
0x4d: {  	s31 =	sadd.s32 $0x200, s29  }
0x4e: {  	[tilespmem:s19], [sflag:$0x3] =	stream.indirect.gather [hbm4b:s1+s11], $0x80, s31, s11, $0xb8;
	[tilespmem:$0x1FD00] =	vst v63  }
0x4f: {  	_ =	swait.ge [sflag:s20], $0x3C00  }
0x50: {  	p0 =	sne.s32 s28, $0x39;
	[sflag:s20] =	ssyncset.done $0x0  }
.Ltmp3:
0x51: {  	[sflag:s20] =	ssyncadd.s32 $0xFFFFC400;
	(pc) =	sbr.rel @!p0 .LBB2_5-.Ltmp3, $4  }
0x52: {  	_ =	swait.ge [sflag:s21], $0x3C00  }
0x53: {  	[sflag:s21] =	ssyncset.done $0x0  }
0x54: {  	s31 =	sadd.s32 $0x180, s29;
	[sflag:s21] =	ssyncadd.s32 $0xFFFFC400  }
0x55: {  	[spmem:s3] =	stream.indirect.scatter.add.f32 [tilespmem:s14], [sflag:$0x4], $0x80, s31, s11, $0xb8;
	[tilespmem:$0x1FD00] =	vst v63  }
0x56: {  	s30 =	sadd.s32 $0xFFFFFF55, s30  }
0x57: {  	s30 =	sshrl.u32 s30, $0x9  }
0x58: {  	s30 =	sand.u32 $0x7F, s30  }
0x59: {  	s30 =	smul.u32 $0x3, s30;
	_ =	sdelay $0x1  }
0x5a: {  	s30 =	sxor.u32 $0xFFFFFFFF, s30  }
0x5b: {  	s30 =	sadd.s32 s28, s30  }
0x5c: {  	s30 =	sand.u32 $0xFF, s30  }
0x5d: {  	s30 =	smul.u32 $0xC00, s30;
	_ =	sdelay $0x1  }
0x5e: {  	s30 =	sshrl.u32 s30, $0x2  }
0x5f: {  	[tilespmem:s12], [sflag:$0x1] =	stream.indirect.gather [hbm4b:s1+s11], $0x80, s30, s11, $0xb8;
	[tilespmem:$0x1FD00] =	vst v63  }
0x60: {  	_ =	swait.ge [sflag:s22], $0x3C00  }
0x61: {  	[sflag:s22] =	ssyncset.done $0x0  }
0x62: {  	s28 =	sadd.s32 $0x1, s28;
	[sflag:s22] =	ssyncadd.s32 $0xFFFFC400  }
0x63: {  	p0 =	sne.s32 s28, $0x3A;
	_ =	swait.ge [sflag:s21], $0x3C00  }
.Ltmp4:
0x64: {  	[sflag:s21] =	ssyncset.done $0x0;
	(pc) =	sbr.rel @p0 .LBB2_2-.Ltmp4, $4  }
.Ltmp5:
0x65: {  	s29 =	sadd.s32 $0x280, s29;
	[sflag:s21] =	ssyncadd.s32 $0xFFFFC400;
	(pc) =	sbr.rel @!p0 .LBB2_7-.Ltmp5, $4  }
0x66: {  	[spmem:s3] =	stream.indirect.scatter.add.f32 [tilespmem:s19], [sflag:$0x4], $0x80, s29, s11, $0xb8;
	[tilespmem:$0x1FD00] =	vst v63  }
0x67: {  	s26 =	sadd.s32 $0x60, s26;
	s31 =	sadd.s32 $0x100, s30  }
0x68: {  	[tilespmem:s14], [sflag:$0x2] =	stream.indirect.gather [hbm4b:s1+s11], $0x80, s31, s11, $0xb8;
	[tilespmem:$0x1FD00] =	vst v63  }
0x69: {  	_ = 	snop  }
.LBB2_8:
0x6a: {  	_ =	sfence.sel $0x180000  }
0x6b: {  	[bflag:$0x0] =	sbarrier.arrive $0xFFFF  }
0x6c: {  	p0 =	sne.s32 s0, $0x0;
	_ =	strace $0x90000050  }
0x6d: {  	s0 =	sadd.s32 @!p0 $0x100000, s2;
	[bflag:$0x2] =	sbarrier.arrive $0xFFFF  }
0x6e: {  	[sflag:s0] =	ssyncadd.tile.s32 @!p0 $0x1;
	_ =	shalt  }
.Lfunc_end2:
_tile_overlayer_lowered:
.L_overlay_start_2:
0x6f: {  	(tag) =	ssettag $0x2  }
0x70: {  	s0 =	rddreg [dreg:$0x0];
	s2 =	stileid.u32  }
0x71: {  	s1 =	rddreg [dreg:$0x1];
	p0 =	sne.s32 s2, $0x0  }
0x72: {  	s3 =	rddreg [dreg:$0x2];
	[bflag:$0x3] =	sbarrier.arrive $0xFFFF;
	s2 =	simm.s32 @!p0 $0x1C06  }
0x73: {  	[timem:s3], [sflag:s2] =	dma.local @!p0 [hbm:s0], s1  }
0x74: {  	s0 =	simm.s32 @!p0 $0x6  }
0x75: {  	_ =	swait.ge @!p0 [sflag:s0], s1  }
0x76: {  	s1 =	ssub.s32 @!p0 $0x0, s1;
	[sflag:s0] =	ssyncset.done @!p0 $0x0  }
0x77: {  	[sflag:s0] =	ssyncadd.s32 @!p0 s1  }
0x78: {  	[bflag:$0x3] =	sbarrier.arrive $0xFFFF  }
0x79: {  	_ =	shalt  }

</sc_bundles>
